<compile_context>
chip_gen: v7x
topology: tpu7x:2x2x1
jax: 0.10.2.dev20260603
libtpu: 0.0.44.dev20260713+nightly
codegen_flags: <defaults>
</compile_context>

<pallas_src>
import functools

import jax
import jax.numpy as jnp
from jax import lax
from jax.experimental import pallas as pl
from jax.experimental.pallas import tpu as pltpu
from jax.experimental.pallas import tpu_sc as plsc

N_NODES = 100000
N_EDGES = 1600000
F_HID = 16
F_OUT = 7
F_OUT_PAD = 8

ROW = 128
NROWS = N_EDGES // ROW
SB = 5
NBLK = NROWS // SB
NC = 2
NS = 16
NW = NC * NS
ZR = 1000
NZC = N_NODES // ZR
N_PAD = 100352
ZD = 1024
NZD = N_PAD // ZD

_mesh = plsc.VectorSubcoreMesh(core_axis_name="c", subcore_axis_name="s")
_sc_params = pltpu.CompilerParams(use_tc_tiling_on_sc=False)


@functools.partial(
    pl.kernel,
    out_type=(jax.ShapeDtypeStruct((N_PAD,), jnp.float32),
              jax.ShapeDtypeStruct((N_PAD,), jnp.float32)),
    mesh=_mesh,
    compiler_params=_sc_params,
    scratch_types=[
        pltpu.VMEM((SB, 2, ROW), jnp.int32),
        pltpu.VMEM((SB, 2, ROW), jnp.int32),
        pltpu.VMEM((ROW,), jnp.float32),
        pltpu.VMEM_SHARED((N_PAD,), jnp.float32),
        pltpu.SemaphoreType.DMA,
        pltpu.SemaphoreType.DMA,
    ],
)
def _deg_kernel(idx_hbm, zeros_hbm, dego_hbm, degi_hbm, ibufa, ibufb, ones_v,
                acc, ssema, ssemb):
    cid = lax.axis_index("c")
    sid = lax.axis_index("s")

    def _zero(k, carry):
        c = sid + k * NS

        @pl.when(c < NZD)
        def _():
            pltpu.sync_copy(zeros_hbm, acc.at[pl.ds(c * ZD, ZD)])

        return carry

    lax.fori_loop(0, (NZD + NS - 1) // NS, _zero, None)
    for k in range(ROW // 16):
        ones_v[pl.ds(k * 16, 16)] = jnp.ones((16,), jnp.float32)
    plsc.subcore_barrier()

    def _body(k, carry):
        for half, (ibuf, ssem) in enumerate(((ibufa, ssema), (ibufb, ssemb))):
            b = sid + (2 * k + half) * NS

            @pl.when(b < NBLK)
            def _():
                @pl.when(k > 0)
                def _():
                    for t in range(SB):
                        pltpu.make_async_copy(
                            ones_v, acc.at[ibuf.at[t, cid]], ssem).wait()

                pltpu.sync_copy(idx_hbm.at[pl.ds(b * SB, SB)], ibuf)
                for t in range(SB):
                    pltpu.async_copy(ones_v, acc.at[ibuf.at[t, cid]], ssem,
                                     add=True)

        return carry

    lax.fori_loop(0, (NBLK + 2 * NS - 1) // (2 * NS), _body, None)
    for ibuf, ssem in ((ibufa, ssema), (ibufb, ssemb)):
        for t in range(SB):
            pltpu.make_async_copy(ones_v, acc.at[ibuf.at[t, cid]],
                                  ssem).wait()
    plsc.subcore_barrier()

    def _write(k, carry):
        c = sid + k * NS

        @pl.when(c < NZD)
        def _():
            @pl.when(cid == 0)
            def _():
                pltpu.sync_copy(acc.at[pl.ds(c * ZD, ZD)],
                                dego_hbm.at[pl.ds(c * ZD, ZD)])

            @pl.when(cid == 1)
            def _():
                pltpu.sync_copy(acc.at[pl.ds(c * ZD, ZD)],
                                degi_hbm.at[pl.ds(c * ZD, ZD)])

        return carry

    lax.fori_loop(0, (NZD + NS - 1) // NS, _write, None)


def _make_agg(feat):

    @functools.partial(
        pl.kernel,
        out_type=jax.ShapeDtypeStruct((NC, N_NODES, feat), jnp.float32),
        mesh=_mesh,
        compiler_params=_sc_params,
        scratch_types=[
            pltpu.VMEM((SB, 2, ROW), jnp.int32),
            pltpu.VMEM((SB, 2, ROW), jnp.int32),
            pltpu.VMEM((SB, ROW, feat), jnp.float32),
            pltpu.VMEM((SB, ROW, feat), jnp.float32),
            pltpu.VMEM_SHARED((N_NODES, feat), jnp.float32),
            pltpu.SemaphoreType.DMA,
            pltpu.SemaphoreType.DMA,
            pltpu.SemaphoreType.DMA,
            pltpu.SemaphoreType.DMA,
        ],
    )
    def _agg(idx_hbm, h_hbm, zeros_hbm, out_hbm,
             ibufa, ibufb, msga, msgb, acc,
             gsema, gsemb, ssema, ssemb):
        cid = lax.axis_index("c")
        sid = lax.axis_index("s")
        wid = sid * NC + cid

        def _zero(k, carry):
            c = sid + k * NS

            @pl.when(c < NZC)
            def _():
                pltpu.sync_copy(zeros_hbm, acc.at[pl.ds(c * ZR, ZR)])

            return carry

        lax.fori_loop(0, (NZC + NS - 1) // NS, _zero, None)
        plsc.subcore_barrier()

        sets = ((ibufa, msga, gsema, ssema),
                (ibufb, msgb, gsemb, ssemb))

        def _body(k, carry):
            for half, (ibuf, msg, gsem, ssem) in enumerate(sets):
                b = wid + (2 * k + half) * NW

                @pl.when(b < NBLK)
                def _():
                    @pl.when(k > 0)
                    def _():
                        for t in range(SB):
                            pltpu.make_async_copy(
                                msg.at[t], acc.at[ibuf.at[t, 1]], ssem).wait()

                    pltpu.sync_copy(idx_hbm.at[pl.ds(b * SB, SB)], ibuf)
                    for t in range(SB):
                        pltpu.async_copy(h_hbm.at[ibuf.at[t, 0]], msg.at[t],
                                         gsem)

            for half, (ibuf, msg, gsem, ssem) in enumerate(sets):
                b = wid + (2 * k + half) * NW

                @pl.when(b < NBLK)
                def _():
                    for t in range(SB):
                        pltpu.make_async_copy(
                            h_hbm.at[ibuf.at[t, 0]], msg.at[t], gsem).wait()
                    for t in range(SB):
                        pltpu.async_copy(msg.at[t], acc.at[ibuf.at[t, 1]],
                                         ssem, add=True)

            return carry

        lax.fori_loop(0, (NBLK + 2 * NW - 1) // (2 * NW), _body, None)
        for ibuf, msg, gsem, ssem in sets:
            for t in range(SB):
                pltpu.make_async_copy(
                    msg.at[t], acc.at[ibuf.at[t, 1]], ssem).wait()
        plsc.subcore_barrier()

        def _write(k, carry):
            c = sid + k * NS

            @pl.when(c < NZC)
            def _():
                pltpu.sync_copy(acc.at[pl.ds(c * ZR, ZR)],
                                out_hbm.at[cid, pl.ds(c * ZR, ZR)])

            return carry

        lax.fori_loop(0, (NZC + NS - 1) // NS, _write, None)

    return _agg


_agg16 = _make_agg(F_HID)
NP = N_NODES // 8


def _mm_body(xt_ref, w_ref, d_ref, o_ref):
    h = lax.dot_general(xt_ref[...], w_ref[...], (((0,), (0,)), ((), ())),
                        preferred_element_type=jnp.float32)
    n = lax.rsqrt(jnp.maximum(d_ref[...], 1.0)).reshape(-1, 1)
    o_ref[...] = h * n


def _matmul1(xt, w, dego_pad):
    k, m = xt.shape
    f = w.shape[1]
    bm = 2048
    nb = (m + bm - 1) // bm
    return pl.pallas_call(
        _mm_body,
        grid=(nb,),
        in_specs=[pl.BlockSpec((k, bm), lambda i: (0, i)),
                  pl.BlockSpec((k, f), lambda i: (0, 0)),
                  pl.BlockSpec((bm,), lambda i: (i,))],
        out_specs=pl.BlockSpec((bm, f), lambda i: (i, 0)),
        out_shape=jax.ShapeDtypeStruct((m, f), jnp.float32),
    )(xt, w, dego_pad)


def _packed_norm(d8, e):
    return jnp.dot(lax.rsqrt(jnp.maximum(d8, 1.0)), e,
                   preferred_element_type=jnp.float32)


def _mid_body(a_ref, di_ref, do_ref, e_ref, b1t_ref, bd_ref, o_ref):
    ni = _packed_norm(di_ref[...], e_ref[...])
    x1 = jnp.maximum((a_ref[0] + a_ref[1]) * ni + b1t_ref[...], 0.0)
    no = _packed_norm(do_ref[...], e_ref[...])
    o_ref[...] = jnp.dot(x1, bd_ref[...],
                         preferred_element_type=jnp.float32) * no


def _mid(agg1p, degi8, dego8, e, b1t, bd):
    bp = 512
    return pl.pallas_call(
        _mid_body,
        grid=((NP + bp - 1) // bp,),
        in_specs=[pl.BlockSpec((NC, bp, 128), lambda i: (0, i, 0)),
                  pl.BlockSpec((bp, 8), lambda i: (i, 0)),
                  pl.BlockSpec((bp, 8), lambda i: (i, 0)),
                  pl.BlockSpec((8, 128), lambda i: (0, 0)),
                  pl.BlockSpec((128,), lambda i: (0,)),
                  pl.BlockSpec((128, 128), lambda i: (0, 0))],
        out_specs=pl.BlockSpec((bp, 128), lambda i: (i, 0)),
        out_shape=jax.ShapeDtypeStruct((NP, 128), jnp.float32),
    )(agg1p, degi8, dego8, e, b1t, bd)


def _out_body(a_ref, di_ref, e_ref, b2t_ref, o_ref):
    ni = _packed_norm(di_ref[...], e_ref[...])
    o_ref[...] = (a_ref[0] + a_ref[1]) * ni + b2t_ref[...]


def _outk(agg2p, degi8, e, b2t):
    bp = 512
    return pl.pallas_call(
        _out_body,
        grid=((NP + bp - 1) // bp,),
        in_specs=[pl.BlockSpec((NC, bp, 128), lambda i: (0, i, 0)),
                  pl.BlockSpec((bp, 8), lambda i: (i, 0)),
                  pl.BlockSpec((8, 128), lambda i: (0, 0)),
                  pl.BlockSpec((128,), lambda i: (0,))],
        out_specs=pl.BlockSpec((bp, 128), lambda i: (i, 0)),
        out_shape=jax.ShapeDtypeStruct((NP, 128), jnp.float32),
    )(agg2p, degi8, e, b2t)


def kernel(features, edge_index, W1, b1, W2, b2):
    idx = edge_index.reshape(2, NROWS, ROW).transpose(1, 0, 2)
    dego, degi = _deg_kernel(idx, jnp.zeros((ZD,), jnp.float32))
    zeros16 = jnp.zeros((ZR, F_HID), jnp.float32)
    h1s = _matmul1(features.T, W1, dego)
    agg1 = _agg16(idx, h1s, zeros16)
    degi8 = degi.reshape(N_PAD // 8, 8)
    dego8 = dego.reshape(N_PAD // 8, 8)
    e = jnp.kron(jnp.eye(8, dtype=jnp.float32),
                 jnp.ones((1, 16), jnp.float32))
    w2p = jnp.zeros((F_HID, 16), jnp.float32).at[:, :F_OUT].set(W2)
    bd = jnp.kron(jnp.eye(8, dtype=jnp.float32), w2p)
    b1t = jnp.tile(b1, 8)
    b2t = jnp.tile(jnp.zeros((16,), jnp.float32).at[:F_OUT].set(b2), 8)
    h2p = _mid(agg1.reshape(NC, NP, 128), degi8, dego8, e, b1t, bd)
    agg2 = _agg16(idx, h2p.reshape(N_NODES, F_HID), zeros16)
    outp = _outk(agg2.reshape(NC, NP, 128), degi8, e, b2t)
    return outp.reshape(N_NODES, F_HID)[:, :F_OUT]

# --- scband reference (transcript-rebuilt; emitter-appended) ---
"""Pipeline reference for scband-gcn-net-17858474016867 (READ-ONLY COPY).

The authoritative reference and input builder live on the scoring server;
editing this copy changes nothing except your own understanding.
"""

import jax, jax.numpy as jnp
import numpy as np

N_NODES = 100000
N_EDGES = 1600000
F_IN = 1433
F_HID = 16
F_OUT = 7


def gcn_conv(x, src, dst, W, b, n_nodes):
    # DGL GraphConv with norm='both': scale src feats by out-degree^-0.5,
    # apply weight (weight-first since in_feats > out_feats), sum-aggregate,
    # scale by in-degree^-0.5, add bias.
    ones = jnp.ones((src.shape[0],), dtype=x.dtype)
    deg_out = jnp.zeros((n_nodes,), dtype=x.dtype).at[src].add(ones)
    deg_out = jnp.clip(deg_out, 1.0, None)
    norm_src = jnp.power(deg_out, -0.5)
    deg_in = jnp.zeros((n_nodes,), dtype=x.dtype).at[dst].add(ones)
    deg_in = jnp.clip(deg_in, 1.0, None)
    norm_dst = jnp.power(deg_in, -0.5)
    h = x * norm_src[:, None]
    h = h @ W
    msg = jnp.take(h, src, axis=0)
    agg = jnp.zeros((n_nodes, h.shape[1]), dtype=x.dtype).at[dst].add(msg)
    out = agg * norm_dst[:, None] + b
    return out


def setup_inputs(seed: int = 0) -> dict:
    key = jax.random.key(seed)
    k1, k2, k3, k4, k5, k6 = jax.random.split(key, 6)
    features = jax.random.normal(k1, (N_NODES, F_IN), dtype=jnp.float32)
    edge_index = jax.random.randint(k2, (2, N_EDGES), 0, N_NODES, dtype=jnp.int32)
    s1 = float(np.sqrt(6.0 / (F_IN + F_HID)))
    s2 = float(np.sqrt(6.0 / (F_HID + F_OUT)))
    W1 = jax.random.uniform(k3, (F_IN, F_HID), dtype=jnp.float32, minval=-s1, maxval=s1)
    b1 = jnp.zeros((F_HID,), dtype=jnp.float32)
    W2 = jax.random.uniform(k4, (F_HID, F_OUT), dtype=jnp.float32, minval=-s2, maxval=s2)
    b2 = jnp.zeros((F_OUT,), dtype=jnp.float32)
    return {"features": features, "edge_index": edge_index, "W1": W1, "b1": b1, "W2": W2, "b2": b2}


def reference(features, edge_index, W1, b1, W2, b2):
    src = edge_index[0]
    dst = edge_index[1]
    # layer 1 has activation=relu inside GraphConv; forward applies F.relu again (idempotent)
    x = jax.nn.relu(gcn_conv(features, src, dst, W1, b1, N_NODES))
    x = jax.nn.relu(x)
    x = gcn_conv(x, src, dst, W2, b2, N_NODES)
    return x

if __name__ == "__main__":
    import jax
    _d = setup_inputs()
    print(jax.jit(kernel)(*tuple(_d.values())))

</pallas_src>

<mosaic_0001>
#map = affine_map<(d0, d1) -> (0, 0, 0)>
#map1 = affine_map<(d0, d1) -> (0)>
module attributes {stable_mosaic.version = 14 : i64} {
  func.func @_deg_kernel(%arg0: i32, %arg1: i32, %arg2: memref<12500x2x128xi32, #tpu.memory_space<hbm>>, %arg3: memref<1024xf32, #tpu.memory_space<hbm>>, %arg4: memref<100352xf32, #tpu.memory_space<hbm>>, %arg5: memref<100352xf32, #tpu.memory_space<hbm>>, %arg6: memref<5x2x128xi32, #tpu.memory_space<vmem>>, %arg7: memref<5x2x128xi32, #tpu.memory_space<vmem>>, %arg8: memref<128xf32, #tpu.memory_space<vmem>>, %arg9: memref<100352xf32, #tpu.memory_space<vmem_shared>>, %arg10: memref<!tpu.dma_semaphore, #tpu.memory_space<semaphore_mem>>, %arg11: memref<!tpu.dma_semaphore, #tpu.memory_space<semaphore_mem>>) attributes {dimension_semantics = [#tpu.dimension_semantics<core_parallel>, #tpu.dimension_semantics<subcore_parallel>], iteration_bounds = array<i64: 2, 16>, scalar_prefetch = 0 : i64, scratch_operands = 6 : i64, tpu.core_type = #tpu.core_type<sc_vector_subcore>, window_params = [{transform_indices = #map}, {transform_indices = #map1}, {transform_indices = #map1}, {transform_indices = #map1}]} {
    %scan3A = arith.constant 0 : i32
    %scan3A_0 = arith.constant 7 : i32
    %scan3A_1 = arith.addi %scan3A, %scan3A_0 : i32
    %scan3A_2 = arith.constant 1 : i32
    scf.for %scan3A_120 = %scan3A to %scan3A_1 step %scan3A_2  : i32 {
      %mul3A = arith.constant 16 : i32
      %mul3A_121 = arith.muli %scan3A_120, %mul3A : i32
      %add3A = arith.addi %arg1, %mul3A_121 : i32
      %lt3A = arith.constant 98 : i32
      %lt3A_122 = arith.cmpi slt, %add3A, %lt3A : i32
      %convert_element_type3A = arith.extui %lt3A_122 : i1 to i32
      %cond3A = arith.constant 0 : i32
      %cond3A_123 = arith.cmpi ne, %convert_element_type3A, %cond3A : i32
      scf.if %cond3A_123 {
        %mul3A_124 = arith.constant 1024 : i32
        %mul3A_125 = arith.muli %add3A, %mul3A_124 : i32
        "tpu.region"() ({
          %run_scoped3A = tpu.sem_alloc : memref<!tpu.dma_semaphore, #tpu.memory_space<semaphore_mem>>
          %dma_start3A = tpu.memref_slice %arg9[%mul3A_125] : memref<100352xf32, #tpu.memory_space<vmem_shared>> -> memref<1024xf32, #tpu.memory_space<vmem_shared>>
          tpu.enqueue_dma source(%arg3 : memref<1024xf32, #tpu.memory_space<hbm>>) target(%dma_start3A : memref<1024xf32, #tpu.memory_space<vmem_shared>>) target_semaphore(%run_scoped3A : memref<!tpu.dma_semaphore, #tpu.memory_space<semaphore_mem>>)
          %dma_wait3A_126 = tpu.memref_slice %arg9[%mul3A_125] : memref<100352xf32, #tpu.memory_space<vmem_shared>> -> memref<1024xf32, #tpu.memory_space<vmem_shared>>
          tpu.wait_dma2 semaphore(%run_scoped3A : memref<!tpu.dma_semaphore, #tpu.memory_space<semaphore_mem>>) src(%arg3 : memref<1024xf32, #tpu.memory_space<hbm>>) dst(%dma_wait3A_126 : memref<1024xf32, #tpu.memory_space<vmem_shared>>)
          tpu.yield
        }) : () -> ()
      } else {
      }
    }
    %scan3A_3 = arith.constant 7 : i32
    %broadcast_in_dim3A = arith.constant 1.000000e+00 : f32
    %broadcast_in_dim3A_4 = vector.broadcast %broadcast_in_dim3A : f32 to vector<16xf32>
    %swap3A = arith.constant 0 : index
    %swap3A_5 = tpu.vector_load %arg8[%swap3A] {strides = array<i32>} : memref<128xf32, #tpu.memory_space<vmem>>, vector<16xf32>,
    %swap3A_6 = vector.shape_cast %swap3A_5 : vector<16xf32> to vector<16xf32>
    %swap3A_7 = vector.shape_cast %broadcast_in_dim3A_4 : vector<16xf32> to vector<16xf32>
    tpu.vector_store %arg8[%swap3A], %swap3A_7 {strides = array<i32>} : memref<128xf32, #tpu.memory_space<vmem>>, vector<16xf32>,
    %broadcast_in_dim3A_8 = arith.constant 1.000000e+00 : f32
    %broadcast_in_dim3A_9 = vector.broadcast %broadcast_in_dim3A_8 : f32 to vector<16xf32>
    %swap3A_10 = arith.constant 16 : index
    %swap3A_11 = tpu.vector_load %arg8[%swap3A_10] {strides = array<i32>} : memref<128xf32, #tpu.memory_space<vmem>>, vector<16xf32>,
    %swap3A_12 = vector.shape_cast %swap3A_11 : vector<16xf32> to vector<16xf32>
    %swap3A_13 = vector.shape_cast %broadcast_in_dim3A_9 : vector<16xf32> to vector<16xf32>
    tpu.vector_store %arg8[%swap3A_10], %swap3A_13 {strides = array<i32>} : memref<128xf32, #tpu.memory_space<vmem>>, vector<16xf32>,
    %broadcast_in_dim3A_14 = arith.constant 1.000000e+00 : f32
    %broadcast_in_dim3A_15 = vector.broadcast %broadcast_in_dim3A_14 : f32 to vector<16xf32>
    %swap3A_16 = arith.constant 32 : index
    %swap3A_17 = tpu.vector_load %arg8[%swap3A_16] {strides = array<i32>} : memref<128xf32, #tpu.memory_space<vmem>>, vector<16xf32>,
    %swap3A_18 = vector.shape_cast %swap3A_17 : vector<16xf32> to vector<16xf32>
    %swap3A_19 = vector.shape_cast %broadcast_in_dim3A_15 : vector<16xf32> to vector<16xf32>
    tpu.vector_store %arg8[%swap3A_16], %swap3A_19 {strides = array<i32>} : memref<128xf32, #tpu.memory_space<vmem>>, vector<16xf32>,
    %broadcast_in_dim3A_20 = arith.constant 1.000000e+00 : f32
    %broadcast_in_dim3A_21 = vector.broadcast %broadcast_in_dim3A_20 : f32 to vector<16xf32>
    %swap3A_22 = arith.constant 48 : index
    %swap3A_23 = tpu.vector_load %arg8[%swap3A_22] {strides = array<i32>} : memref<128xf32, #tpu.memory_space<vmem>>, vector<16xf32>,
    %swap3A_24 = vector.shape_cast %swap3A_23 : vector<16xf32> to vector<16xf32>
    %swap3A_25 = vector.shape_cast %broadcast_in_dim3A_21 : vector<16xf32> to vector<16xf32>
    tpu.vector_store %arg8[%swap3A_22], %swap3A_25 {strides = array<i32>} : memref<128xf32, #tpu.memory_space<vmem>>, vector<16xf32>,
    %broadcast_in_dim3A_26 = arith.constant 1.000000e+00 : f32
    %broadcast_in_dim3A_27 = vector.broadcast %broadcast_in_dim3A_26 : f32 to vector<16xf32>
    %swap3A_28 = arith.constant 64 : index
    %swap3A_29 = tpu.vector_load %arg8[%swap3A_28] {strides = array<i32>} : memref<128xf32, #tpu.memory_space<vmem>>, vector<16xf32>,
    %swap3A_30 = vector.shape_cast %swap3A_29 : vector<16xf32> to vector<16xf32>
    %swap3A_31 = vector.shape_cast %broadcast_in_dim3A_27 : vector<16xf32> to vector<16xf32>
    tpu.vector_store %arg8[%swap3A_28], %swap3A_31 {strides = array<i32>} : memref<128xf32, #tpu.memory_space<vmem>>, vector<16xf32>,
    %broadcast_in_dim3A_32 = arith.constant 1.000000e+00 : f32
    %broadcast_in_dim3A_33 = vector.broadcast %broadcast_in_dim3A_32 : f32 to vector<16xf32>
    %swap3A_34 = arith.constant 80 : index
    %swap3A_35 = tpu.vector_load %arg8[%swap3A_34] {strides = array<i32>} : memref<128xf32, #tpu.memory_space<vmem>>, vector<16xf32>,
    %swap3A_36 = vector.shape_cast %swap3A_35 : vector<16xf32> to vector<16xf32>
    %swap3A_37 = vector.shape_cast %broadcast_in_dim3A_33 : vector<16xf32> to vector<16xf32>
    tpu.vector_store %arg8[%swap3A_34], %swap3A_37 {strides = array<i32>} : memref<128xf32, #tpu.memory_space<vmem>>, vector<16xf32>,
    %broadcast_in_dim3A_38 = arith.constant 1.000000e+00 : f32
    %broadcast_in_dim3A_39 = vector.broadcast %broadcast_in_dim3A_38 : f32 to vector<16xf32>
    %swap3A_40 = arith.constant 96 : index
    %swap3A_41 = tpu.vector_load %arg8[%swap3A_40] {strides = array<i32>} : memref<128xf32, #tpu.memory_space<vmem>>, vector<16xf32>,
    %swap3A_42 = vector.shape_cast %swap3A_41 : vector<16xf32> to vector<16xf32>
    %swap3A_43 = vector.shape_cast %broadcast_in_dim3A_39 : vector<16xf32> to vector<16xf32>
    tpu.vector_store %arg8[%swap3A_40], %swap3A_43 {strides = array<i32>} : memref<128xf32, #tpu.memory_space<vmem>>, vector<16xf32>,
    %broadcast_in_dim3A_44 = arith.constant 1.000000e+00 : f32
    %broadcast_in_dim3A_45 = vector.broadcast %broadcast_in_dim3A_44 : f32 to vector<16xf32>
    %swap3A_46 = arith.constant 112 : index
    %swap3A_47 = tpu.vector_load %arg8[%swap3A_46] {strides = array<i32>} : memref<128xf32, #tpu.memory_space<vmem>>, vector<16xf32>,
    %swap3A_48 = vector.shape_cast %swap3A_47 : vector<16xf32> to vector<16xf32>
    %swap3A_49 = vector.shape_cast %broadcast_in_dim3A_45 : vector<16xf32> to vector<16xf32>
    tpu.vector_store %arg8[%swap3A_46], %swap3A_49 {strides = array<i32>} : memref<128xf32, #tpu.memory_space<vmem>>, vector<16xf32>,
    %barrier3A = arith.constant 0 : index
    tpu.barrier barrier_id(%barrier3A)
    %scan3A_50 = arith.constant 0 : i32
    %scan3A_51 = arith.constant 79 : i32
    %scan3A_52 = arith.addi %scan3A_50, %scan3A_51 : i32
    %scan3A_53 = arith.constant 1 : i32
    scf.for %scan3A_120 = %scan3A_50 to %scan3A_52 step %scan3A_53  : i32 {
      %mul3A = arith.constant 2 : i32
      %mul3A_121 = arith.muli %mul3A, %scan3A_120 : i32
      %add3A = arith.constant 0 : i32
      %add3A_122 = arith.addi %mul3A_121, %add3A : i32
      %mul3A_123 = arith.constant 16 : i32
      %mul3A_124 = arith.muli %add3A_122, %mul3A_123 : i32
      %add3A_125 = arith.addi %arg1, %mul3A_124 : i32
      %lt3A = arith.constant 2500 : i32
      %lt3A_126 = arith.cmpi slt, %add3A_125, %lt3A : i32
      %convert_element_type3A = arith.extui %lt3A_126 : i1 to i32
      %cond3A = arith.constant 0 : i32
      %cond3A_127 = arith.cmpi ne, %convert_element_type3A, %cond3A : i32
      scf.if %cond3A_127 {
        %gt3A = arith.constant 0 : i32
        %gt3A_140 = arith.cmpi sgt, %scan3A_120, %gt3A : i32
        %convert_element_type3A_141 = arith.extui %gt3A_140 : i1 to i32
        %cond3A_142 = arith.constant 0 : i32
        %cond3A_143 = arith.cmpi ne, %convert_element_type3A_141, %cond3A_142 : i32
        scf.if %cond3A_143 {
          %dma_wait3A_175 = arith.constant 0 : i32
          %dma_wait3A_176 = arith.constant 0 : i32
          %dma_wait3A_177 = tpu.memref_slice %arg6[%dma_wait3A_175, %arg0, %dma_wait3A_176] : memref<5x2x128xi32, #tpu.memory_space<vmem>> -> memref<1x1x128xi32, #tpu.memory_space<vmem>>
          %dma_wait3A_178 = tpu.memref_squeeze %dma_wait3A_177 : memref<1x1x128xi32, #tpu.memory_space<vmem>> -> memref<128xi32, #tpu.memory_space<vmem>>
          %dma_wait3A_179 = arith.constant 0 : i32
          %dma_wait3A_180 = tpu.memref_slice %arg9[%dma_wait3A_179] : memref<100352xf32, #tpu.memory_space<vmem_shared>> -> memref<100352xf32, #tpu.memory_space<vmem_shared>>
          tpu.wait_indirect_dma semaphore(%arg10 : memref<!tpu.dma_semaphore, #tpu.memory_space<semaphore_mem>>) src(%arg8 : memref<128xf32, #tpu.memory_space<vmem>>) dst(%dma_wait3A_180 : memref<100352xf32, #tpu.memory_space<vmem_shared>>)
          %dma_wait3A_181 = arith.constant 1 : i32
          %dma_wait3A_182 = arith.constant 0 : i32
          %dma_wait3A_183 = tpu.memref_slice %arg6[%dma_wait3A_181, %arg0, %dma_wait3A_182] : memref<5x2x128xi32, #tpu.memory_space<vmem>> -> memref<1x1x128xi32, #tpu.memory_space<vmem>>
          %dma_wait3A_184 = tpu.memref_squeeze %dma_wait3A_183 : memref<1x1x128xi32, #tpu.memory_space<vmem>> -> memref<128xi32, #tpu.memory_space<vmem>>
          %dma_wait3A_185 = arith.constant 0 : i32
          %dma_wait3A_186 = tpu.memref_slice %arg9[%dma_wait3A_185] : memref<100352xf32, #tpu.memory_space<vmem_shared>> -> memref<100352xf32, #tpu.memory_space<vmem_shared>>
          tpu.wait_indirect_dma semaphore(%arg10 : memref<!tpu.dma_semaphore, #tpu.memory_space<semaphore_mem>>) src(%arg8 : memref<128xf32, #tpu.memory_space<vmem>>) dst(%dma_wait3A_186 : memref<100352xf32, #tpu.memory_space<vmem_shared>>)
          %dma_wait3A_187 = arith.constant 2 : i32
          %dma_wait3A_188 = arith.constant 0 : i32
          %dma_wait3A_189 = tpu.memref_slice %arg6[%dma_wait3A_187, %arg0, %dma_wait3A_188] : memref<5x2x128xi32, #tpu.memory_space<vmem>> -> memref<1x1x128xi32, #tpu.memory_space<vmem>>
          %dma_wait3A_190 = tpu.memref_squeeze %dma_wait3A_189 : memref<1x1x128xi32, #tpu.memory_space<vmem>> -> memref<128xi32, #tpu.memory_space<vmem>>
          %dma_wait3A_191 = arith.constant 0 : i32
          %dma_wait3A_192 = tpu.memref_slice %arg9[%dma_wait3A_191] : memref<100352xf32, #tpu.memory_space<vmem_shared>> -> memref<100352xf32, #tpu.memory_space<vmem_shared>>
          tpu.wait_indirect_dma semaphore(%arg10 : memref<!tpu.dma_semaphore, #tpu.memory_space<semaphore_mem>>) src(%arg8 : memref<128xf32, #tpu.memory_space<vmem>>) dst(%dma_wait3A_192 : memref<100352xf32, #tpu.memory_space<vmem_shared>>)
          %dma_wait3A_193 = arith.constant 3 : i32
          %dma_wait3A_194 = arith.constant 0 : i32
          %dma_wait3A_195 = tpu.memref_slice %arg6[%dma_wait3A_193, %arg0, %dma_wait3A_194] : memref<5x2x128xi32, #tpu.memory_space<vmem>> -> memref<1x1x128xi32, #tpu.memory_space<vmem>>
          %dma_wait3A_196 = tpu.memref_squeeze %dma_wait3A_195 : memref<1x1x128xi32, #tpu.memory_space<vmem>> -> memref<128xi32, #tpu.memory_space<vmem>>
          %dma_wait3A_197 = arith.constant 0 : i32
          %dma_wait3A_198 = tpu.memref_slice %arg9[%dma_wait3A_197] : memref<100352xf32, #tpu.memory_space<vmem_shared>> -> memref<100352xf32, #tpu.memory_space<vmem_shared>>
          tpu.wait_indirect_dma semaphore(%arg10 : memref<!tpu.dma_semaphore, #tpu.memory_space<semaphore_mem>>) src(%arg8 : memref<128xf32, #tpu.memory_space<vmem>>) dst(%dma_wait3A_198 : memref<100352xf32, #tpu.memory_space<vmem_shared>>)
          %dma_wait3A_199 = arith.constant 4 : i32
          %dma_wait3A_200 = arith.constant 0 : i32
          %dma_wait3A_201 = tpu.memref_slice %arg6[%dma_wait3A_199, %arg0, %dma_wait3A_200] : memref<5x2x128xi32, #tpu.memory_space<vmem>> -> memref<1x1x128xi32, #tpu.memory_space<vmem>>
          %dma_wait3A_202 = tpu.memref_squeeze %dma_wait3A_201 : memref<1x1x128xi32, #tpu.memory_space<vmem>> -> memref<128xi32, #tpu.memory_space<vmem>>
          %dma_wait3A_203 = arith.constant 0 : i32
          %dma_wait3A_204 = tpu.memref_slice %arg9[%dma_wait3A_203] : memref<100352xf32, #tpu.memory_space<vmem_shared>> -> memref<100352xf32, #tpu.memory_space<vmem_shared>>
          tpu.wait_indirect_dma semaphore(%arg10 : memref<!tpu.dma_semaphore, #tpu.memory_space<semaphore_mem>>) src(%arg8 : memref<128xf32, #tpu.memory_space<vmem>>) dst(%dma_wait3A_204 : memref<100352xf32, #tpu.memory_space<vmem_shared>>)
        } else {
        }
        %mul3A_144 = arith.constant 5 : i32
        %mul3A_145 = arith.muli %add3A_125, %mul3A_144 : i32
        "tpu.region"() ({
          %run_scoped3A = tpu.sem_alloc : memref<!tpu.dma_semaphore, #tpu.memory_space<semaphore_mem>>
          %dma_start3A_175 = arith.constant 0 : i32
          %dma_start3A_176 = arith.constant 0 : i32
          %dma_start3A_177 = tpu.memref_slice %arg2[%mul3A_145, %dma_start3A_175, %dma_start3A_176] : memref<12500x2x128xi32, #tpu.memory_space<hbm>> -> memref<5x2x128xi32, #tpu.memory_space<hbm>>
          %dma_start3A_178 = arith.constant 0 : i32
          %dma_start3A_179 = arith.constant 0 : i32
          %dma_start3A_180 = tpu.memref_slice %arg2[%mul3A_145, %dma_start3A_178, %dma_start3A_179] : memref<12500x2x128xi32, #tpu.memory_space<hbm>> -> memref<5x2x128xi32, #tpu.memory_space<hbm>>
          tpu.enqueue_dma source(%dma_start3A_180 : memref<5x2x128xi32, #tpu.memory_space<hbm>>) target(%arg6 : memref<5x2x128xi32, #tpu.memory_space<vmem>>) target_semaphore(%run_scoped3A : memref<!tpu.dma_semaphore, #tpu.memory_space<semaphore_mem>>)
          %dma_wait3A_181 = arith.constant 0 : i32
          %dma_wait3A_182 = arith.constant 0 : i32
          %dma_wait3A_183 = tpu.memref_slice %arg2[%mul3A_145, %dma_wait3A_181, %dma_wait3A_182] : memref<12500x2x128xi32, #tpu.memory_space<hbm>> -> memref<5x2x128xi32, #tpu.memory_space<hbm>>
          %dma_wait3A_184 = arith.constant 0 : i32
          %dma_wait3A_185 = arith.constant 0 : i32
          %dma_wait3A_186 = tpu.memref_slice %arg2[%mul3A_145, %dma_wait3A_184, %dma_wait3A_185] : memref<12500x2x128xi32, #tpu.memory_space<hbm>> -> memref<5x2x128xi32, #tpu.memory_space<hbm>>
          tpu.wait_dma2 semaphore(%run_scoped3A : memref<!tpu.dma_semaphore, #tpu.memory_space<semaphore_mem>>) src(%dma_wait3A_186 : memref<5x2x128xi32, #tpu.memory_space<hbm>>) dst(%arg6 : memref<5x2x128xi32, #tpu.memory_space<vmem>>)
          tpu.yield
        }) : () -> ()
        %dma_start3A = arith.constant 0 : i32
        %dma_start3A_146 = arith.constant 0 : i32
        %dma_start3A_147 = tpu.memref_slice %arg6[%dma_start3A, %arg0, %dma_start3A_146] : memref<5x2x128xi32, #tpu.memory_space<vmem>> -> memref<1x1x128xi32, #tpu.memory_space<vmem>>
        %dma_start3A_148 = tpu.memref_squeeze %dma_start3A_147 : memref<1x1x128xi32, #tpu.memory_space<vmem>> -> memref<128xi32, #tpu.memory_space<vmem>>
        %dma_start3A_149 = arith.constant 0 : i32
        %dma_start3A_150 = tpu.memref_slice %arg9[%dma_start3A_149] : memref<100352xf32, #tpu.memory_space<vmem_shared>> -> memref<100352xf32, #tpu.memory_space<vmem_shared>>
        tpu.enqueue_indirect_dma source(%arg8 : memref<128xf32, #tpu.memory_space<vmem>>) target(%dma_start3A_150 : memref<100352xf32, #tpu.memory_space<vmem_shared>>) offsets(%dma_start3A_148 : memref<128xi32, #tpu.memory_space<vmem>>) semaphore(%arg10 : memref<!tpu.dma_semaphore, #tpu.memory_space<semaphore_mem>>) {add = true}
        %dma_start3A_151 = arith.constant 1 : i32
        %dma_start3A_152 = arith.constant 0 : i32
        %dma_start3A_153 = tpu.memref_slice %arg6[%dma_start3A_151, %arg0, %dma_start3A_152] : memref<5x2x128xi32, #tpu.memory_space<vmem>> -> memref<1x1x128xi32, #tpu.memory_space<vmem>>
        %dma_start3A_154 = tpu.memref_squeeze %dma_start3A_153 : memref<1x1x128xi32, #tpu.memory_space<vmem>> -> memref<128xi32, #tpu.memory_space<vmem>>
        %dma_start3A_155 = arith.constant 0 : i32
        %dma_start3A_156 = tpu.memref_slice %arg9[%dma_start3A_155] : memref<100352xf32, #tpu.memory_space<vmem_shared>> -> memref<100352xf32, #tpu.memory_space<vmem_shared>>
        tpu.enqueue_indirect_dma source(%arg8 : memref<128xf32, #tpu.memory_space<vmem>>) target(%dma_start3A_156 : memref<100352xf32, #tpu.memory_space<vmem_shared>>) offsets(%dma_start3A_154 : memref<128xi32, #tpu.memory_space<vmem>>) semaphore(%arg10 : memref<!tpu.dma_semaphore, #tpu.memory_space<semaphore_mem>>) {add = true}
        %dma_start3A_157 = arith.constant 2 : i32
        %dma_start3A_158 = arith.constant 0 : i32
        %dma_start3A_159 = tpu.memref_slice %arg6[%dma_start3A_157, %arg0, %dma_start3A_158] : memref<5x2x128xi32, #tpu.memory_space<vmem>> -> memref<1x1x128xi32, #tpu.memory_space<vmem>>
        %dma_start3A_160 = tpu.memref_squeeze %dma_start3A_159 : memref<1x1x128xi32, #tpu.memory_space<vmem>> -> memref<128xi32, #tpu.memory_space<vmem>>
        %dma_start3A_161 = arith.constant 0 : i32
        %dma_start3A_162 = tpu.memref_slice %arg9[%dma_start3A_161] : memref<100352xf32, #tpu.memory_space<vmem_shared>> -> memref<100352xf32, #tpu.memory_space<vmem_shared>>
        tpu.enqueue_indirect_dma source(%arg8 : memref<128xf32, #tpu.memory_space<vmem>>) target(%dma_start3A_162 : memref<100352xf32, #tpu.memory_space<vmem_shared>>) offsets(%dma_start3A_160 : memref<128xi32, #tpu.memory_space<vmem>>) semaphore(%arg10 : memref<!tpu.dma_semaphore, #tpu.memory_space<semaphore_mem>>) {add = true}
        %dma_start3A_163 = arith.constant 3 : i32
        %dma_start3A_164 = arith.constant 0 : i32
        %dma_start3A_165 = tpu.memref_slice %arg6[%dma_start3A_163, %arg0, %dma_start3A_164] : memref<5x2x128xi32, #tpu.memory_space<vmem>> -> memref<1x1x128xi32, #tpu.memory_space<vmem>>
        %dma_start3A_166 = tpu.memref_squeeze %dma_start3A_165 : memref<1x1x128xi32, #tpu.memory_space<vmem>> -> memref<128xi32, #tpu.memory_space<vmem>>
        %dma_start3A_167 = arith.constant 0 : i32
        %dma_start3A_168 = tpu.memref_slice %arg9[%dma_start3A_167] : memref<100352xf32, #tpu.memory_space<vmem_shared>> -> memref<100352xf32, #tpu.memory_space<vmem_shared>>
        tpu.enqueue_indirect_dma source(%arg8 : memref<128xf32, #tpu.memory_space<vmem>>) target(%dma_start3A_168 : memref<100352xf32, #tpu.memory_space<vmem_shared>>) offsets(%dma_start3A_166 : memref<128xi32, #tpu.memory_space<vmem>>) semaphore(%arg10 : memref<!tpu.dma_semaphore, #tpu.memory_space<semaphore_mem>>) {add = true}
        %dma_start3A_169 = arith.constant 4 : i32
        %dma_start3A_170 = arith.constant 0 : i32
        %dma_start3A_171 = tpu.memref_slice %arg6[%dma_start3A_169, %arg0, %dma_start3A_170] : memref<5x2x128xi32, #tpu.memory_space<vmem>> -> memref<1x1x128xi32, #tpu.memory_space<vmem>>
        %dma_start3A_172 = tpu.memref_squeeze %dma_start3A_171 : memref<1x1x128xi32, #tpu.memory_space<vmem>> -> memref<128xi32, #tpu.memory_space<vmem>>
        %dma_start3A_173 = arith.constant 0 : i32
        %dma_start3A_174 = tpu.memref_slice %arg9[%dma_start3A_173] : memref<100352xf32, #tpu.memory_space<vmem_shared>> -> memref<100352xf32, #tpu.memory_space<vmem_shared>>
        tpu.enqueue_indirect_dma source(%arg8 : memref<128xf32, #tpu.memory_space<vmem>>) target(%dma_start3A_174 : memref<100352xf32, #tpu.memory_space<vmem_shared>>) offsets(%dma_start3A_172 : memref<128xi32, #tpu.memory_space<vmem>>) semaphore(%arg10 : memref<!tpu.dma_semaphore, #tpu.memory_space<semaphore_mem>>) {add = true}
      } else {
      }
      %mul3A_128 = arith.constant 2 : i32
      %mul3A_129 = arith.muli %mul3A_128, %scan3A_120 : i32
      %add3A_130 = arith.constant 1 : i32
      %add3A_131 = arith.addi %mul3A_129, %add3A_130 : i32
      %mul3A_132 = arith.constant 16 : i32
      %mul3A_133 = arith.muli %add3A_131, %mul3A_132 : i32
      %add3A_134 = arith.addi %arg1, %mul3A_133 : i32
      %lt3A_135 = arith.constant 2500 : i32
      %lt3A_136 = arith.cmpi slt, %add3A_134, %lt3A_135 : i32
      %convert_element_type3A_137 = arith.extui %lt3A_136 : i1 to i32
      %cond3A_138 = arith.constant 0 : i32
      %cond3A_139 = arith.cmpi ne, %convert_element_type3A_137, %cond3A_138 : i32
      scf.if %cond3A_139 {
        %gt3A = arith.constant 0 : i32
        %gt3A_140 = arith.cmpi sgt, %scan3A_120, %gt3A : i32
        %convert_element_type3A_141 = arith.extui %gt3A_140 : i1 to i32
        %cond3A_142 = arith.constant 0 : i32
        %cond3A_143 = arith.cmpi ne, %convert_element_type3A_141, %cond3A_142 : i32
        scf.if %cond3A_143 {
          %dma_wait3A_175 = arith.constant 0 : i32
          %dma_wait3A_176 = arith.constant 0 : i32
          %dma_wait3A_177 = tpu.memref_slice %arg7[%dma_wait3A_175, %arg0, %dma_wait3A_176] : memref<5x2x128xi32, #tpu.memory_space<vmem>> -> memref<1x1x128xi32, #tpu.memory_space<vmem>>
          %dma_wait3A_178 = tpu.memref_squeeze %dma_wait3A_177 : memref<1x1x128xi32, #tpu.memory_space<vmem>> -> memref<128xi32, #tpu.memory_space<vmem>>
          %dma_wait3A_179 = arith.constant 0 : i32
          %dma_wait3A_180 = tpu.memref_slice %arg9[%dma_wait3A_179] : memref<100352xf32, #tpu.memory_space<vmem_shared>> -> memref<100352xf32, #tpu.memory_space<vmem_shared>>
          tpu.wait_indirect_dma semaphore(%arg11 : memref<!tpu.dma_semaphore, #tpu.memory_space<semaphore_mem>>) src(%arg8 : memref<128xf32, #tpu.memory_space<vmem>>) dst(%dma_wait3A_180 : memref<100352xf32, #tpu.memory_space<vmem_shared>>)
          %dma_wait3A_181 = arith.constant 1 : i32
          %dma_wait3A_182 = arith.constant 0 : i32
          %dma_wait3A_183 = tpu.memref_slice %arg7[%dma_wait3A_181, %arg0, %dma_wait3A_182] : memref<5x2x128xi32, #tpu.memory_space<vmem>> -> memref<1x1x128xi32, #tpu.memory_space<vmem>>
          %dma_wait3A_184 = tpu.memref_squeeze %dma_wait3A_183 : memref<1x1x128xi32, #tpu.memory_space<vmem>> -> memref<128xi32, #tpu.memory_space<vmem>>
          %dma_wait3A_185 = arith.constant 0 : i32
          %dma_wait3A_186 = tpu.memref_slice %arg9[%dma_wait3A_185] : memref<100352xf32, #tpu.memory_space<vmem_shared>> -> memref<100352xf32, #tpu.memory_space<vmem_shared>>
          tpu.wait_indirect_dma semaphore(%arg11 : memref<!tpu.dma_semaphore, #tpu.memory_space<semaphore_mem>>) src(%arg8 : memref<128xf32, #tpu.memory_space<vmem>>) dst(%dma_wait3A_186 : memref<100352xf32, #tpu.memory_space<vmem_shared>>)
          %dma_wait3A_187 = arith.constant 2 : i32
          %dma_wait3A_188 = arith.constant 0 : i32
          %dma_wait3A_189 = tpu.memref_slice %arg7[%dma_wait3A_187, %arg0, %dma_wait3A_188] : memref<5x2x128xi32, #tpu.memory_space<vmem>> -> memref<1x1x128xi32, #tpu.memory_space<vmem>>
          %dma_wait3A_190 = tpu.memref_squeeze %dma_wait3A_189 : memref<1x1x128xi32, #tpu.memory_space<vmem>> -> memref<128xi32, #tpu.memory_space<vmem>>
          %dma_wait3A_191 = arith.constant 0 : i32
          %dma_wait3A_192 = tpu.memref_slice %arg9[%dma_wait3A_191] : memref<100352xf32, #tpu.memory_space<vmem_shared>> -> memref<100352xf32, #tpu.memory_space<vmem_shared>>
          tpu.wait_indirect_dma semaphore(%arg11 : memref<!tpu.dma_semaphore, #tpu.memory_space<semaphore_mem>>) src(%arg8 : memref<128xf32, #tpu.memory_space<vmem>>) dst(%dma_wait3A_192 : memref<100352xf32, #tpu.memory_space<vmem_shared>>)
          %dma_wait3A_193 = arith.constant 3 : i32
          %dma_wait3A_194 = arith.constant 0 : i32
          %dma_wait3A_195 = tpu.memref_slice %arg7[%dma_wait3A_193, %arg0, %dma_wait3A_194] : memref<5x2x128xi32, #tpu.memory_space<vmem>> -> memref<1x1x128xi32, #tpu.memory_space<vmem>>
          %dma_wait3A_196 = tpu.memref_squeeze %dma_wait3A_195 : memref<1x1x128xi32, #tpu.memory_space<vmem>> -> memref<128xi32, #tpu.memory_space<vmem>>
          %dma_wait3A_197 = arith.constant 0 : i32
          %dma_wait3A_198 = tpu.memref_slice %arg9[%dma_wait3A_197] : memref<100352xf32, #tpu.memory_space<vmem_shared>> -> memref<100352xf32, #tpu.memory_space<vmem_shared>>
          tpu.wait_indirect_dma semaphore(%arg11 : memref<!tpu.dma_semaphore, #tpu.memory_space<semaphore_mem>>) src(%arg8 : memref<128xf32, #tpu.memory_space<vmem>>) dst(%dma_wait3A_198 : memref<100352xf32, #tpu.memory_space<vmem_shared>>)
          %dma_wait3A_199 = arith.constant 4 : i32
          %dma_wait3A_200 = arith.constant 0 : i32
          %dma_wait3A_201 = tpu.memref_slice %arg7[%dma_wait3A_199, %arg0, %dma_wait3A_200] : memref<5x2x128xi32, #tpu.memory_space<vmem>> -> memref<1x1x128xi32, #tpu.memory_space<vmem>>
          %dma_wait3A_202 = tpu.memref_squeeze %dma_wait3A_201 : memref<1x1x128xi32, #tpu.memory_space<vmem>> -> memref<128xi32, #tpu.memory_space<vmem>>
          %dma_wait3A_203 = arith.constant 0 : i32
          %dma_wait3A_204 = tpu.memref_slice %arg9[%dma_wait3A_203] : memref<100352xf32, #tpu.memory_space<vmem_shared>> -> memref<100352xf32, #tpu.memory_space<vmem_shared>>
          tpu.wait_indirect_dma semaphore(%arg11 : memref<!tpu.dma_semaphore, #tpu.memory_space<semaphore_mem>>) src(%arg8 : memref<128xf32, #tpu.memory_space<vmem>>) dst(%dma_wait3A_204 : memref<100352xf32, #tpu.memory_space<vmem_shared>>)
        } else {
        }
        %mul3A_144 = arith.constant 5 : i32
        %mul3A_145 = arith.muli %add3A_134, %mul3A_144 : i32
        "tpu.region"() ({
          %run_scoped3A = tpu.sem_alloc : memref<!tpu.dma_semaphore, #tpu.memory_space<semaphore_mem>>
          %dma_start3A_175 = arith.constant 0 : i32
          %dma_start3A_176 = arith.constant 0 : i32
          %dma_start3A_177 = tpu.memref_slice %arg2[%mul3A_145, %dma_start3A_175, %dma_start3A_176] : memref<12500x2x128xi32, #tpu.memory_space<hbm>> -> memref<5x2x128xi32, #tpu.memory_space<hbm>>
          %dma_start3A_178 = arith.constant 0 : i32
          %dma_start3A_179 = arith.constant 0 : i32
          %dma_start3A_180 = tpu.memref_slice %arg2[%mul3A_145, %dma_start3A_178, %dma_start3A_179] : memref<12500x2x128xi32, #tpu.memory_space<hbm>> -> memref<5x2x128xi32, #tpu.memory_space<hbm>>
          tpu.enqueue_dma source(%dma_start3A_180 : memref<5x2x128xi32, #tpu.memory_space<hbm>>) target(%arg7 : memref<5x2x128xi32, #tpu.memory_space<vmem>>) target_semaphore(%run_scoped3A : memref<!tpu.dma_semaphore, #tpu.memory_space<semaphore_mem>>)
          %dma_wait3A_181 = arith.constant 0 : i32
          %dma_wait3A_182 = arith.constant 0 : i32
          %dma_wait3A_183 = tpu.memref_slice %arg2[%mul3A_145, %dma_wait3A_181, %dma_wait3A_182] : memref<12500x2x128xi32, #tpu.memory_space<hbm>> -> memref<5x2x128xi32, #tpu.memory_space<hbm>>
          %dma_wait3A_184 = arith.constant 0 : i32
          %dma_wait3A_185 = arith.constant 0 : i32
          %dma_wait3A_186 = tpu.memref_slice %arg2[%mul3A_145, %dma_wait3A_184, %dma_wait3A_185] : memref<12500x2x128xi32, #tpu.memory_space<hbm>> -> memref<5x2x128xi32, #tpu.memory_space<hbm>>
          tpu.wait_dma2 semaphore(%run_scoped3A : memref<!tpu.dma_semaphore, #tpu.memory_space<semaphore_mem>>) src(%dma_wait3A_186 : memref<5x2x128xi32, #tpu.memory_space<hbm>>) dst(%arg7 : memref<5x2x128xi32, #tpu.memory_space<vmem>>)
          tpu.yield
        }) : () -> ()
        %dma_start3A = arith.constant 0 : i32
        %dma_start3A_146 = arith.constant 0 : i32
        %dma_start3A_147 = tpu.memref_slice %arg7[%dma_start3A, %arg0, %dma_start3A_146] : memref<5x2x128xi32, #tpu.memory_space<vmem>> -> memref<1x1x128xi32, #tpu.memory_space<vmem>>
        %dma_start3A_148 = tpu.memref_squeeze %dma_start3A_147 : memref<1x1x128xi32, #tpu.memory_space<vmem>> -> memref<128xi32, #tpu.memory_space<vmem>>
        %dma_start3A_149 = arith.constant 0 : i32
        %dma_start3A_150 = tpu.memref_slice %arg9[%dma_start3A_149] : memref<100352xf32, #tpu.memory_space<vmem_shared>> -> memref<100352xf32, #tpu.memory_space<vmem_shared>>
        tpu.enqueue_indirect_dma source(%arg8 : memref<128xf32, #tpu.memory_space<vmem>>) target(%dma_start3A_150 : memref<100352xf32, #tpu.memory_space<vmem_shared>>) offsets(%dma_start3A_148 : memref<128xi32, #tpu.memory_space<vmem>>) semaphore(%arg11 : memref<!tpu.dma_semaphore, #tpu.memory_space<semaphore_mem>>) {add = true}
        %dma_start3A_151 = arith.constant 1 : i32
        %dma_start3A_152 = arith.constant 0 : i32
        %dma_start3A_153 = tpu.memref_slice %arg7[%dma_start3A_151, %arg0, %dma_start3A_152] : memref<5x2x128xi32, #tpu.memory_space<vmem>> -> memref<1x1x128xi32, #tpu.memory_space<vmem>>
        %dma_start3A_154 = tpu.memref_squeeze %dma_start3A_153 : memref<1x1x128xi32, #tpu.memory_space<vmem>> -> memref<128xi32, #tpu.memory_space<vmem>>
        %dma_start3A_155 = arith.constant 0 : i32
        %dma_start3A_156 = tpu.memref_slice %arg9[%dma_start3A_155] : memref<100352xf32, #tpu.memory_space<vmem_shared>> -> memref<100352xf32, #tpu.memory_space<vmem_shared>>
        tpu.enqueue_indirect_dma source(%arg8 : memref<128xf32, #tpu.memory_space<vmem>>) target(%dma_start3A_156 : memref<100352xf32, #tpu.memory_space<vmem_shared>>) offsets(%dma_start3A_154 : memref<128xi32, #tpu.memory_space<vmem>>) semaphore(%arg11 : memref<!tpu.dma_semaphore, #tpu.memory_space<semaphore_mem>>) {add = true}
        %dma_start3A_157 = arith.constant 2 : i32
        %dma_start3A_158 = arith.constant 0 : i32
        %dma_start3A_159 = tpu.memref_slice %arg7[%dma_start3A_157, %arg0, %dma_start3A_158] : memref<5x2x128xi32, #tpu.memory_space<vmem>> -> memref<1x1x128xi32, #tpu.memory_space<vmem>>
        %dma_start3A_160 = tpu.memref_squeeze %dma_start3A_159 : memref<1x1x128xi32, #tpu.memory_space<vmem>> -> memref<128xi32, #tpu.memory_space<vmem>>
        %dma_start3A_161 = arith.constant 0 : i32
        %dma_start3A_162 = tpu.memref_slice %arg9[%dma_start3A_161] : memref<100352xf32, #tpu.memory_space<vmem_shared>> -> memref<100352xf32, #tpu.memory_space<vmem_shared>>
        tpu.enqueue_indirect_dma source(%arg8 : memref<128xf32, #tpu.memory_space<vmem>>) target(%dma_start3A_162 : memref<100352xf32, #tpu.memory_space<vmem_shared>>) offsets(%dma_start3A_160 : memref<128xi32, #tpu.memory_space<vmem>>) semaphore(%arg11 : memref<!tpu.dma_semaphore, #tpu.memory_space<semaphore_mem>>) {add = true}
        %dma_start3A_163 = arith.constant 3 : i32
        %dma_start3A_164 = arith.constant 0 : i32
        %dma_start3A_165 = tpu.memref_slice %arg7[%dma_start3A_163, %arg0, %dma_start3A_164] : memref<5x2x128xi32, #tpu.memory_space<vmem>> -> memref<1x1x128xi32, #tpu.memory_space<vmem>>
        %dma_start3A_166 = tpu.memref_squeeze %dma_start3A_165 : memref<1x1x128xi32, #tpu.memory_space<vmem>> -> memref<128xi32, #tpu.memory_space<vmem>>
        %dma_start3A_167 = arith.constant 0 : i32
        %dma_start3A_168 = tpu.memref_slice %arg9[%dma_start3A_167] : memref<100352xf32, #tpu.memory_space<vmem_shared>> -> memref<100352xf32, #tpu.memory_space<vmem_shared>>
        tpu.enqueue_indirect_dma source(%arg8 : memref<128xf32, #tpu.memory_space<vmem>>) target(%dma_start3A_168 : memref<100352xf32, #tpu.memory_space<vmem_shared>>) offsets(%dma_start3A_166 : memref<128xi32, #tpu.memory_space<vmem>>) semaphore(%arg11 : memref<!tpu.dma_semaphore, #tpu.memory_space<semaphore_mem>>) {add = true}
        %dma_start3A_169 = arith.constant 4 : i32
        %dma_start3A_170 = arith.constant 0 : i32
        %dma_start3A_171 = tpu.memref_slice %arg7[%dma_start3A_169, %arg0, %dma_start3A_170] : memref<5x2x128xi32, #tpu.memory_space<vmem>> -> memref<1x1x128xi32, #tpu.memory_space<vmem>>
        %dma_start3A_172 = tpu.memref_squeeze %dma_start3A_171 : memref<1x1x128xi32, #tpu.memory_space<vmem>> -> memref<128xi32, #tpu.memory_space<vmem>>
        %dma_start3A_173 = arith.constant 0 : i32
        %dma_start3A_174 = tpu.memref_slice %arg9[%dma_start3A_173] : memref<100352xf32, #tpu.memory_space<vmem_shared>> -> memref<100352xf32, #tpu.memory_space<vmem_shared>>
        tpu.enqueue_indirect_dma source(%arg8 : memref<128xf32, #tpu.memory_space<vmem>>) target(%dma_start3A_174 : memref<100352xf32, #tpu.memory_space<vmem_shared>>) offsets(%dma_start3A_172 : memref<128xi32, #tpu.memory_space<vmem>>) semaphore(%arg11 : memref<!tpu.dma_semaphore, #tpu.memory_space<semaphore_mem>>) {add = true}
      } else {
      }
    }
    %scan3A_54 = arith.constant 79 : i32
    %dma_wait3A = arith.constant 0 : i32
    %dma_wait3A_55 = arith.constant 0 : i32
    %dma_wait3A_56 = tpu.memref_slice %arg6[%dma_wait3A, %arg0, %dma_wait3A_55] : memref<5x2x128xi32, #tpu.memory_space<vmem>> -> memref<1x1x128xi32, #tpu.memory_space<vmem>>
    %dma_wait3A_57 = tpu.memref_squeeze %dma_wait3A_56 : memref<1x1x128xi32, #tpu.memory_space<vmem>> -> memref<128xi32, #tpu.memory_space<vmem>>
    %dma_wait3A_58 = arith.constant 0 : i32
    %dma_wait3A_59 = tpu.memref_slice %arg9[%dma_wait3A_58] : memref<100352xf32, #tpu.memory_space<vmem_shared>> -> memref<100352xf32, #tpu.memory_space<vmem_shared>>
    tpu.wait_indirect_dma semaphore(%arg10 : memref<!tpu.dma_semaphore, #tpu.memory_space<semaphore_mem>>) src(%arg8 : memref<128xf32, #tpu.memory_space<vmem>>) dst(%dma_wait3A_59 : memref<100352xf32, #tpu.memory_space<vmem_shared>>)
    %dma_wait3A_60 = arith.constant 1 : i32
    %dma_wait3A_61 = arith.constant 0 : i32
    %dma_wait3A_62 = tpu.memref_slice %arg6[%dma_wait3A_60, %arg0, %dma_wait3A_61] : memref<5x2x128xi32, #tpu.memory_space<vmem>> -> memref<1x1x128xi32, #tpu.memory_space<vmem>>
    %dma_wait3A_63 = tpu.memref_squeeze %dma_wait3A_62 : memref<1x1x128xi32, #tpu.memory_space<vmem>> -> memref<128xi32, #tpu.memory_space<vmem>>
    %dma_wait3A_64 = arith.constant 0 : i32
    %dma_wait3A_65 = tpu.memref_slice %arg9[%dma_wait3A_64] : memref<100352xf32, #tpu.memory_space<vmem_shared>> -> memref<100352xf32, #tpu.memory_space<vmem_shared>>
    tpu.wait_indirect_dma semaphore(%arg10 : memref<!tpu.dma_semaphore, #tpu.memory_space<semaphore_mem>>) src(%arg8 : memref<128xf32, #tpu.memory_space<vmem>>) dst(%dma_wait3A_65 : memref<100352xf32, #tpu.memory_space<vmem_shared>>)
    %dma_wait3A_66 = arith.constant 2 : i32
    %dma_wait3A_67 = arith.constant 0 : i32
    %dma_wait3A_68 = tpu.memref_slice %arg6[%dma_wait3A_66, %arg0, %dma_wait3A_67] : memref<5x2x128xi32, #tpu.memory_space<vmem>> -> memref<1x1x128xi32, #tpu.memory_space<vmem>>
    %dma_wait3A_69 = tpu.memref_squeeze %dma_wait3A_68 : memref<1x1x128xi32, #tpu.memory_space<vmem>> -> memref<128xi32, #tpu.memory_space<vmem>>
    %dma_wait3A_70 = arith.constant 0 : i32
    %dma_wait3A_71 = tpu.memref_slice %arg9[%dma_wait3A_70] : memref<100352xf32, #tpu.memory_space<vmem_shared>> -> memref<100352xf32, #tpu.memory_space<vmem_shared>>
    tpu.wait_indirect_dma semaphore(%arg10 : memref<!tpu.dma_semaphore, #tpu.memory_space<semaphore_mem>>) src(%arg8 : memref<128xf32, #tpu.memory_space<vmem>>) dst(%dma_wait3A_71 : memref<100352xf32, #tpu.memory_space<vmem_shared>>)
    %dma_wait3A_72 = arith.constant 3 : i32
    %dma_wait3A_73 = arith.constant 0 : i32
    %dma_wait3A_74 = tpu.memref_slice %arg6[%dma_wait3A_72, %arg0, %dma_wait3A_73] : memref<5x2x128xi32, #tpu.memory_space<vmem>> -> memref<1x1x128xi32, #tpu.memory_space<vmem>>
    %dma_wait3A_75 = tpu.memref_squeeze %dma_wait3A_74 : memref<1x1x128xi32, #tpu.memory_space<vmem>> -> memref<128xi32, #tpu.memory_space<vmem>>
    %dma_wait3A_76 = arith.constant 0 : i32
    %dma_wait3A_77 = tpu.memref_slice %arg9[%dma_wait3A_76] : memref<100352xf32, #tpu.memory_space<vmem_shared>> -> memref<100352xf32, #tpu.memory_space<vmem_shared>>
    tpu.wait_indirect_dma semaphore(%arg10 : memref<!tpu.dma_semaphore, #tpu.memory_space<semaphore_mem>>) src(%arg8 : memref<128xf32, #tpu.memory_space<vmem>>) dst(%dma_wait3A_77 : memref<100352xf32, #tpu.memory_space<vmem_shared>>)
    %dma_wait3A_78 = arith.constant 4 : i32
    %dma_wait3A_79 = arith.constant 0 : i32
    %dma_wait3A_80 = tpu.memref_slice %arg6[%dma_wait3A_78, %arg0, %dma_wait3A_79] : memref<5x2x128xi32, #tpu.memory_space<vmem>> -> memref<1x1x128xi32, #tpu.memory_space<vmem>>
    %dma_wait3A_81 = tpu.memref_squeeze %dma_wait3A_80 : memref<1x1x128xi32, #tpu.memory_space<vmem>> -> memref<128xi32, #tpu.memory_space<vmem>>
    %dma_wait3A_82 = arith.constant 0 : i32
    %dma_wait3A_83 = tpu.memref_slice %arg9[%dma_wait3A_82] : memref<100352xf32, #tpu.memory_space<vmem_shared>> -> memref<100352xf32, #tpu.memory_space<vmem_shared>>
    tpu.wait_indirect_dma semaphore(%arg10 : memref<!tpu.dma_semaphore, #tpu.memory_space<semaphore_mem>>) src(%arg8 : memref<128xf32, #tpu.memory_space<vmem>>) dst(%dma_wait3A_83 : memref<100352xf32, #tpu.memory_space<vmem_shared>>)
    %dma_wait3A_84 = arith.constant 0 : i32
    %dma_wait3A_85 = arith.constant 0 : i32
    %dma_wait3A_86 = tpu.memref_slice %arg7[%dma_wait3A_84, %arg0, %dma_wait3A_85] : memref<5x2x128xi32, #tpu.memory_space<vmem>> -> memref<1x1x128xi32, #tpu.memory_space<vmem>>
    %dma_wait3A_87 = tpu.memref_squeeze %dma_wait3A_86 : memref<1x1x128xi32, #tpu.memory_space<vmem>> -> memref<128xi32, #tpu.memory_space<vmem>>
    %dma_wait3A_88 = arith.constant 0 : i32
    %dma_wait3A_89 = tpu.memref_slice %arg9[%dma_wait3A_88] : memref<100352xf32, #tpu.memory_space<vmem_shared>> -> memref<100352xf32, #tpu.memory_space<vmem_shared>>
    tpu.wait_indirect_dma semaphore(%arg11 : memref<!tpu.dma_semaphore, #tpu.memory_space<semaphore_mem>>) src(%arg8 : memref<128xf32, #tpu.memory_space<vmem>>) dst(%dma_wait3A_89 : memref<100352xf32, #tpu.memory_space<vmem_shared>>)
    %dma_wait3A_90 = arith.constant 1 : i32
    %dma_wait3A_91 = arith.constant 0 : i32
    %dma_wait3A_92 = tpu.memref_slice %arg7[%dma_wait3A_90, %arg0, %dma_wait3A_91] : memref<5x2x128xi32, #tpu.memory_space<vmem>> -> memref<1x1x128xi32, #tpu.memory_space<vmem>>
    %dma_wait3A_93 = tpu.memref_squeeze %dma_wait3A_92 : memref<1x1x128xi32, #tpu.memory_space<vmem>> -> memref<128xi32, #tpu.memory_space<vmem>>
    %dma_wait3A_94 = arith.constant 0 : i32
    %dma_wait3A_95 = tpu.memref_slice %arg9[%dma_wait3A_94] : memref<100352xf32, #tpu.memory_space<vmem_shared>> -> memref<100352xf32, #tpu.memory_space<vmem_shared>>
    tpu.wait_indirect_dma semaphore(%arg11 : memref<!tpu.dma_semaphore, #tpu.memory_space<semaphore_mem>>) src(%arg8 : memref<128xf32, #tpu.memory_space<vmem>>) dst(%dma_wait3A_95 : memref<100352xf32, #tpu.memory_space<vmem_shared>>)
    %dma_wait3A_96 = arith.constant 2 : i32
    %dma_wait3A_97 = arith.constant 0 : i32
    %dma_wait3A_98 = tpu.memref_slice %arg7[%dma_wait3A_96, %arg0, %dma_wait3A_97] : memref<5x2x128xi32, #tpu.memory_space<vmem>> -> memref<1x1x128xi32, #tpu.memory_space<vmem>>
    %dma_wait3A_99 = tpu.memref_squeeze %dma_wait3A_98 : memref<1x1x128xi32, #tpu.memory_space<vmem>> -> memref<128xi32, #tpu.memory_space<vmem>>
    %dma_wait3A_100 = arith.constant 0 : i32
    %dma_wait3A_101 = tpu.memref_slice %arg9[%dma_wait3A_100] : memref<100352xf32, #tpu.memory_space<vmem_shared>> -> memref<100352xf32, #tpu.memory_space<vmem_shared>>
    tpu.wait_indirect_dma semaphore(%arg11 : memref<!tpu.dma_semaphore, #tpu.memory_space<semaphore_mem>>) src(%arg8 : memref<128xf32, #tpu.memory_space<vmem>>) dst(%dma_wait3A_101 : memref<100352xf32, #tpu.memory_space<vmem_shared>>)
    %dma_wait3A_102 = arith.constant 3 : i32
    %dma_wait3A_103 = arith.constant 0 : i32
    %dma_wait3A_104 = tpu.memref_slice %arg7[%dma_wait3A_102, %arg0, %dma_wait3A_103] : memref<5x2x128xi32, #tpu.memory_space<vmem>> -> memref<1x1x128xi32, #tpu.memory_space<vmem>>
    %dma_wait3A_105 = tpu.memref_squeeze %dma_wait3A_104 : memref<1x1x128xi32, #tpu.memory_space<vmem>> -> memref<128xi32, #tpu.memory_space<vmem>>
    %dma_wait3A_106 = arith.constant 0 : i32
    %dma_wait3A_107 = tpu.memref_slice %arg9[%dma_wait3A_106] : memref<100352xf32, #tpu.memory_space<vmem_shared>> -> memref<100352xf32, #tpu.memory_space<vmem_shared>>
    tpu.wait_indirect_dma semaphore(%arg11 : memref<!tpu.dma_semaphore, #tpu.memory_space<semaphore_mem>>) src(%arg8 : memref<128xf32, #tpu.memory_space<vmem>>) dst(%dma_wait3A_107 : memref<100352xf32, #tpu.memory_space<vmem_shared>>)
    %dma_wait3A_108 = arith.constant 4 : i32
    %dma_wait3A_109 = arith.constant 0 : i32
    %dma_wait3A_110 = tpu.memref_slice %arg7[%dma_wait3A_108, %arg0, %dma_wait3A_109] : memref<5x2x128xi32, #tpu.memory_space<vmem>> -> memref<1x1x128xi32, #tpu.memory_space<vmem>>
    %dma_wait3A_111 = tpu.memref_squeeze %dma_wait3A_110 : memref<1x1x128xi32, #tpu.memory_space<vmem>> -> memref<128xi32, #tpu.memory_space<vmem>>
    %dma_wait3A_112 = arith.constant 0 : i32
    %dma_wait3A_113 = tpu.memref_slice %arg9[%dma_wait3A_112] : memref<100352xf32, #tpu.memory_space<vmem_shared>> -> memref<100352xf32, #tpu.memory_space<vmem_shared>>
    tpu.wait_indirect_dma semaphore(%arg11 : memref<!tpu.dma_semaphore, #tpu.memory_space<semaphore_mem>>) src(%arg8 : memref<128xf32, #tpu.memory_space<vmem>>) dst(%dma_wait3A_113 : memref<100352xf32, #tpu.memory_space<vmem_shared>>)
    %barrier3A_114 = arith.constant 0 : index
    tpu.barrier barrier_id(%barrier3A_114)
    %scan3A_115 = arith.constant 0 : i32
    %scan3A_116 = arith.constant 7 : i32
    %scan3A_117 = arith.addi %scan3A_115, %scan3A_116 : i32
    %scan3A_118 = arith.constant 1 : i32
    scf.for %scan3A_120 = %scan3A_115 to %scan3A_117 step %scan3A_118  : i32 {
      %mul3A = arith.constant 16 : i32
      %mul3A_121 = arith.muli %scan3A_120, %mul3A : i32
      %add3A = arith.addi %arg1, %mul3A_121 : i32
      %lt3A = arith.constant 98 : i32
      %lt3A_122 = arith.cmpi slt, %add3A, %lt3A : i32
      %convert_element_type3A = arith.extui %lt3A_122 : i1 to i32
      %cond3A = arith.constant 0 : i32
      %cond3A_123 = arith.cmpi ne, %convert_element_type3A, %cond3A : i32
      scf.if %cond3A_123 {
        %eq3A = arith.constant 0 : i32
        %eq3A_124 = arith.cmpi eq, %arg0, %eq3A : i32
        %convert_element_type3A_125 = arith.extui %eq3A_124 : i1 to i32
        %cond3A_126 = arith.constant 0 : i32
        %cond3A_127 = arith.cmpi ne, %convert_element_type3A_125, %cond3A_126 : i32
        scf.if %cond3A_127 {
          %mul3A_133 = arith.constant 1024 : i32
          %mul3A_134 = arith.muli %add3A, %mul3A_133 : i32
          %mul3A_135 = arith.constant 1024 : i32
          %mul3A_136 = arith.muli %add3A, %mul3A_135 : i32
          "tpu.region"() ({
            %run_scoped3A = tpu.sem_alloc : memref<!tpu.dma_semaphore, #tpu.memory_space<semaphore_mem>>
            %dma_start3A = tpu.memref_slice %arg4[%mul3A_136] : memref<100352xf32, #tpu.memory_space<hbm>> -> memref<1024xf32, #tpu.memory_space<hbm>>
            %dma_start3A_137 = tpu.memref_slice %arg9[%mul3A_134] : memref<100352xf32, #tpu.memory_space<vmem_shared>> -> memref<1024xf32, #tpu.memory_space<vmem_shared>>
            tpu.enqueue_dma source(%dma_start3A_137 : memref<1024xf32, #tpu.memory_space<vmem_shared>>) target(%dma_start3A : memref<1024xf32, #tpu.memory_space<hbm>>) target_semaphore(%run_scoped3A : memref<!tpu.dma_semaphore, #tpu.memory_space<semaphore_mem>>)
            %dma_wait3A_138 = tpu.memref_slice %arg4[%mul3A_136] : memref<100352xf32, #tpu.memory_space<hbm>> -> memref<1024xf32, #tpu.memory_space<hbm>>
            %dma_wait3A_139 = tpu.memref_slice %arg9[%mul3A_134] : memref<100352xf32, #tpu.memory_space<vmem_shared>> -> memref<1024xf32, #tpu.memory_space<vmem_shared>>
            tpu.wait_dma2 semaphore(%run_scoped3A : memref<!tpu.dma_semaphore, #tpu.memory_space<semaphore_mem>>) src(%dma_wait3A_139 : memref<1024xf32, #tpu.memory_space<vmem_shared>>) dst(%dma_wait3A_138 : memref<1024xf32, #tpu.memory_space<hbm>>)
            tpu.yield
          }) : () -> ()
        } else {
        }
        %eq3A_128 = arith.constant 1 : i32
        %eq3A_129 = arith.cmpi eq, %arg0, %eq3A_128 : i32
        %convert_element_type3A_130 = arith.extui %eq3A_129 : i1 to i32
        %cond3A_131 = arith.constant 0 : i32
        %cond3A_132 = arith.cmpi ne, %convert_element_type3A_130, %cond3A_131 : i32
        scf.if %cond3A_132 {
          %mul3A_133 = arith.constant 1024 : i32
          %mul3A_134 = arith.muli %add3A, %mul3A_133 : i32
          %mul3A_135 = arith.constant 1024 : i32
          %mul3A_136 = arith.muli %add3A, %mul3A_135 : i32
          "tpu.region"() ({
            %run_scoped3A = tpu.sem_alloc : memref<!tpu.dma_semaphore, #tpu.memory_space<semaphore_mem>>
            %dma_start3A = tpu.memref_slice %arg5[%mul3A_136] : memref<100352xf32, #tpu.memory_space<hbm>> -> memref<1024xf32, #tpu.memory_space<hbm>>
            %dma_start3A_137 = tpu.memref_slice %arg9[%mul3A_134] : memref<100352xf32, #tpu.memory_space<vmem_shared>> -> memref<1024xf32, #tpu.memory_space<vmem_shared>>
            tpu.enqueue_dma source(%dma_start3A_137 : memref<1024xf32, #tpu.memory_space<vmem_shared>>) target(%dma_start3A : memref<1024xf32, #tpu.memory_space<hbm>>) target_semaphore(%run_scoped3A : memref<!tpu.dma_semaphore, #tpu.memory_space<semaphore_mem>>)
            %dma_wait3A_138 = tpu.memref_slice %arg5[%mul3A_136] : memref<100352xf32, #tpu.memory_space<hbm>> -> memref<1024xf32, #tpu.memory_space<hbm>>
            %dma_wait3A_139 = tpu.memref_slice %arg9[%mul3A_134] : memref<100352xf32, #tpu.memory_space<vmem_shared>> -> memref<1024xf32, #tpu.memory_space<vmem_shared>>
            tpu.wait_dma2 semaphore(%run_scoped3A : memref<!tpu.dma_semaphore, #tpu.memory_space<semaphore_mem>>) src(%dma_wait3A_139 : memref<1024xf32, #tpu.memory_space<vmem_shared>>) dst(%dma_wait3A_138 : memref<1024xf32, #tpu.memory_space<hbm>>)
            tpu.yield
          }) : () -> ()
        } else {
        }
      } else {
      }
    }
    %scan3A_119 = arith.constant 7 : i32
    return
  }
}

#map = affine_map<(d0, d1) -> (0, 0, 0)>
#map1 = affine_map<(d0, d1) -> (0, 0)>
module attributes {stable_mosaic.version = 14 : i64} {
  func.func @_agg(%arg0: i32, %arg1: i32, %arg2: memref<12500x2x128xi32, #tpu.memory_space<hbm>>, %arg3: memref<100000x16xf32, #tpu.memory_space<hbm>>, %arg4: memref<1000x16xf32, #tpu.memory_space<hbm>>, %arg5: memref<2x100000x16xf32, #tpu.memory_space<hbm>>, %arg6: memref<5x2x128xi32, #tpu.memory_space<vmem>>, %arg7: memref<5x2x128xi32, #tpu.memory_space<vmem>>, %arg8: memref<5x128x16xf32, #tpu.memory_space<vmem>>, %arg9: memref<5x128x16xf32, #tpu.memory_space<vmem>>, %arg10: memref<100000x16xf32, #tpu.memory_space<vmem_shared>>, %arg11: memref<!tpu.dma_semaphore, #tpu.memory_space<semaphore_mem>>, %arg12: memref<!tpu.dma_semaphore, #tpu.memory_space<semaphore_mem>>, %arg13: memref<!tpu.dma_semaphore, #tpu.memory_space<semaphore_mem>>, %arg14: memref<!tpu.dma_semaphore, #tpu.memory_space<semaphore_mem>>) attributes {dimension_semantics = [#tpu.dimension_semantics<core_parallel>, #tpu.dimension_semantics<subcore_parallel>], iteration_bounds = array<i64: 2, 16>, scalar_prefetch = 0 : i64, scratch_operands = 9 : i64, tpu.core_type = #tpu.core_type<sc_vector_subcore>, window_params = [{transform_indices = #map}, {transform_indices = #map1}, {transform_indices = #map1}, {transform_indices = #map}]} {
    %mul3A = arith.constant 2 : i32
    %mul3A_0 = arith.muli %arg1, %mul3A : i32
    %add3A = arith.addi %mul3A_0, %arg0 : i32
    %scan3A = arith.constant 0 : i32
    %scan3A_1 = arith.constant 7 : i32
    %scan3A_2 = arith.addi %scan3A, %scan3A_1 : i32
    %scan3A_3 = arith.constant 1 : i32
    scf.for %scan3A_145 = %scan3A to %scan3A_2 step %scan3A_3  : i32 {
      %mul3A_146 = arith.constant 16 : i32
      %mul3A_147 = arith.muli %scan3A_145, %mul3A_146 : i32
      %add3A_148 = arith.addi %arg1, %mul3A_147 : i32
      %lt3A = arith.constant 100 : i32
      %lt3A_149 = arith.cmpi slt, %add3A_148, %lt3A : i32
      %convert_element_type3A = arith.extui %lt3A_149 : i1 to i32
      %cond3A = arith.constant 0 : i32
      %cond3A_150 = arith.cmpi ne, %convert_element_type3A, %cond3A : i32
      scf.if %cond3A_150 {
        %mul3A_151 = arith.constant 1000 : i32
        %mul3A_152 = arith.muli %add3A_148, %mul3A_151 : i32
        "tpu.region"() ({
          %run_scoped3A = tpu.sem_alloc : memref<!tpu.dma_semaphore, #tpu.memory_space<semaphore_mem>>
          %dma_start3A = arith.constant 0 : i32
          %dma_start3A_153 = tpu.memref_slice %arg10[%mul3A_152, %dma_start3A] : memref<100000x16xf32, #tpu.memory_space<vmem_shared>> -> memref<1000x16xf32, #tpu.memory_space<vmem_shared>>
          tpu.enqueue_dma source(%arg4 : memref<1000x16xf32, #tpu.memory_space<hbm>>) target(%dma_start3A_153 : memref<1000x16xf32, #tpu.memory_space<vmem_shared>>) target_semaphore(%run_scoped3A : memref<!tpu.dma_semaphore, #tpu.memory_space<semaphore_mem>>)
          %dma_wait3A_154 = arith.constant 0 : i32
          %dma_wait3A_155 = tpu.memref_slice %arg10[%mul3A_152, %dma_wait3A_154] : memref<100000x16xf32, #tpu.memory_space<vmem_shared>> -> memref<1000x16xf32, #tpu.memory_space<vmem_shared>>
          tpu.wait_dma2 semaphore(%run_scoped3A : memref<!tpu.dma_semaphore, #tpu.memory_space<semaphore_mem>>) src(%arg4 : memref<1000x16xf32, #tpu.memory_space<hbm>>) dst(%dma_wait3A_155 : memref<1000x16xf32, #tpu.memory_space<vmem_shared>>)
          tpu.yield
        }) : () -> ()
      } else {
      }
    }
    %scan3A_4 = arith.constant 7 : i32
    %barrier3A = arith.constant 0 : index
    tpu.barrier barrier_id(%barrier3A)
    %scan3A_5 = arith.constant 0 : i32
    %scan3A_6 = arith.constant 40 : i32
    %scan3A_7 = arith.addi %scan3A_5, %scan3A_6 : i32
    %scan3A_8 = arith.constant 1 : i32
    scf.for %scan3A_145 = %scan3A_5 to %scan3A_7 step %scan3A_8  : i32 {
      %mul3A_146 = arith.constant 2 : i32
      %mul3A_147 = arith.muli %mul3A_146, %scan3A_145 : i32
      %add3A_148 = arith.constant 0 : i32
      %add3A_149 = arith.addi %mul3A_147, %add3A_148 : i32
      %mul3A_150 = arith.constant 32 : i32
      %mul3A_151 = arith.muli %add3A_149, %mul3A_150 : i32
      %add3A_152 = arith.addi %add3A, %mul3A_151 : i32
      %lt3A = arith.constant 2500 : i32
      %lt3A_153 = arith.cmpi slt, %add3A_152, %lt3A : i32
      %convert_element_type3A = arith.extui %lt3A_153 : i1 to i32
      %cond3A = arith.constant 0 : i32
      %cond3A_154 = arith.cmpi ne, %convert_element_type3A, %cond3A : i32
      scf.if %cond3A_154 {
        %gt3A = arith.constant 0 : i32
        %gt3A_191 = arith.cmpi sgt, %scan3A_145, %gt3A : i32
        %convert_element_type3A_192 = arith.extui %gt3A_191 : i1 to i32
        %cond3A_193 = arith.constant 0 : i32
        %cond3A_194 = arith.cmpi ne, %convert_element_type3A_192, %cond3A_193 : i32
        scf.if %cond3A_194 {
          %dma_wait3A_261 = arith.constant 0 : i32
          %dma_wait3A_262 = arith.constant 0 : i32
          %dma_wait3A_263 = arith.constant 1 : i32
          %dma_wait3A_264 = arith.constant 0 : i32
          %dma_wait3A_265 = arith.constant 0 : i32
          %dma_wait3A_266 = tpu.memref_slice %arg8[%dma_wait3A_261, %dma_wait3A_264, %dma_wait3A_265] : memref<5x128x16xf32, #tpu.memory_space<vmem>> -> memref<1x128x16xf32, #tpu.memory_space<vmem>>
          %dma_wait3A_267 = tpu.memref_squeeze %dma_wait3A_266 : memref<1x128x16xf32, #tpu.memory_space<vmem>> -> memref<128x16xf32, #tpu.memory_space<vmem>>
          %dma_wait3A_268 = arith.constant 0 : i32
          %dma_wait3A_269 = tpu.memref_slice %arg6[%dma_wait3A_262, %dma_wait3A_263, %dma_wait3A_268] : memref<5x2x128xi32, #tpu.memory_space<vmem>> -> memref<1x1x128xi32, #tpu.memory_space<vmem>>
          %dma_wait3A_270 = tpu.memref_squeeze %dma_wait3A_269 : memref<1x1x128xi32, #tpu.memory_space<vmem>> -> memref<128xi32, #tpu.memory_space<vmem>>
          %dma_wait3A_271 = arith.constant 0 : i32
          %dma_wait3A_272 = arith.constant 0 : i32
          %dma_wait3A_273 = tpu.memref_slice %arg10[%dma_wait3A_271, %dma_wait3A_272] : memref<100000x16xf32, #tpu.memory_space<vmem_shared>> -> memref<100000x16xf32, #tpu.memory_space<vmem_shared>>
          tpu.wait_indirect_dma semaphore(%arg13 : memref<!tpu.dma_semaphore, #tpu.memory_space<semaphore_mem>>) src(%dma_wait3A_267 : memref<128x16xf32, #tpu.memory_space<vmem>>) dst(%dma_wait3A_273 : memref<100000x16xf32, #tpu.memory_space<vmem_shared>>)
          %dma_wait3A_274 = arith.constant 1 : i32
          %dma_wait3A_275 = arith.constant 1 : i32
          %dma_wait3A_276 = arith.constant 1 : i32
          %dma_wait3A_277 = arith.constant 0 : i32
          %dma_wait3A_278 = arith.constant 0 : i32
          %dma_wait3A_279 = tpu.memref_slice %arg8[%dma_wait3A_274, %dma_wait3A_277, %dma_wait3A_278] : memref<5x128x16xf32, #tpu.memory_space<vmem>> -> memref<1x128x16xf32, #tpu.memory_space<vmem>>
          %dma_wait3A_280 = tpu.memref_squeeze %dma_wait3A_279 : memref<1x128x16xf32, #tpu.memory_space<vmem>> -> memref<128x16xf32, #tpu.memory_space<vmem>>
          %dma_wait3A_281 = arith.constant 0 : i32
          %dma_wait3A_282 = tpu.memref_slice %arg6[%dma_wait3A_275, %dma_wait3A_276, %dma_wait3A_281] : memref<5x2x128xi32, #tpu.memory_space<vmem>> -> memref<1x1x128xi32, #tpu.memory_space<vmem>>
          %dma_wait3A_283 = tpu.memref_squeeze %dma_wait3A_282 : memref<1x1x128xi32, #tpu.memory_space<vmem>> -> memref<128xi32, #tpu.memory_space<vmem>>
          %dma_wait3A_284 = arith.constant 0 : i32
          %dma_wait3A_285 = arith.constant 0 : i32
          %dma_wait3A_286 = tpu.memref_slice %arg10[%dma_wait3A_284, %dma_wait3A_285] : memref<100000x16xf32, #tpu.memory_space<vmem_shared>> -> memref<100000x16xf32, #tpu.memory_space<vmem_shared>>
          tpu.wait_indirect_dma semaphore(%arg13 : memref<!tpu.dma_semaphore, #tpu.memory_space<semaphore_mem>>) src(%dma_wait3A_280 : memref<128x16xf32, #tpu.memory_space<vmem>>) dst(%dma_wait3A_286 : memref<100000x16xf32, #tpu.memory_space<vmem_shared>>)
          %dma_wait3A_287 = arith.constant 2 : i32
          %dma_wait3A_288 = arith.constant 2 : i32
          %dma_wait3A_289 = arith.constant 1 : i32
          %dma_wait3A_290 = arith.constant 0 : i32
          %dma_wait3A_291 = arith.constant 0 : i32
          %dma_wait3A_292 = tpu.memref_slice %arg8[%dma_wait3A_287, %dma_wait3A_290, %dma_wait3A_291] : memref<5x128x16xf32, #tpu.memory_space<vmem>> -> memref<1x128x16xf32, #tpu.memory_space<vmem>>
          %dma_wait3A_293 = tpu.memref_squeeze %dma_wait3A_292 : memref<1x128x16xf32, #tpu.memory_space<vmem>> -> memref<128x16xf32, #tpu.memory_space<vmem>>
          %dma_wait3A_294 = arith.constant 0 : i32
          %dma_wait3A_295 = tpu.memref_slice %arg6[%dma_wait3A_288, %dma_wait3A_289, %dma_wait3A_294] : memref<5x2x128xi32, #tpu.memory_space<vmem>> -> memref<1x1x128xi32, #tpu.memory_space<vmem>>
          %dma_wait3A_296 = tpu.memref_squeeze %dma_wait3A_295 : memref<1x1x128xi32, #tpu.memory_space<vmem>> -> memref<128xi32, #tpu.memory_space<vmem>>
          %dma_wait3A_297 = arith.constant 0 : i32
          %dma_wait3A_298 = arith.constant 0 : i32
          %dma_wait3A_299 = tpu.memref_slice %arg10[%dma_wait3A_297, %dma_wait3A_298] : memref<100000x16xf32, #tpu.memory_space<vmem_shared>> -> memref<100000x16xf32, #tpu.memory_space<vmem_shared>>
          tpu.wait_indirect_dma semaphore(%arg13 : memref<!tpu.dma_semaphore, #tpu.memory_space<semaphore_mem>>) src(%dma_wait3A_293 : memref<128x16xf32, #tpu.memory_space<vmem>>) dst(%dma_wait3A_299 : memref<100000x16xf32, #tpu.memory_space<vmem_shared>>)
          %dma_wait3A_300 = arith.constant 3 : i32
          %dma_wait3A_301 = arith.constant 3 : i32
          %dma_wait3A_302 = arith.constant 1 : i32
          %dma_wait3A_303 = arith.constant 0 : i32
          %dma_wait3A_304 = arith.constant 0 : i32
          %dma_wait3A_305 = tpu.memref_slice %arg8[%dma_wait3A_300, %dma_wait3A_303, %dma_wait3A_304] : memref<5x128x16xf32, #tpu.memory_space<vmem>> -> memref<1x128x16xf32, #tpu.memory_space<vmem>>
          %dma_wait3A_306 = tpu.memref_squeeze %dma_wait3A_305 : memref<1x128x16xf32, #tpu.memory_space<vmem>> -> memref<128x16xf32, #tpu.memory_space<vmem>>
          %dma_wait3A_307 = arith.constant 0 : i32
          %dma_wait3A_308 = tpu.memref_slice %arg6[%dma_wait3A_301, %dma_wait3A_302, %dma_wait3A_307] : memref<5x2x128xi32, #tpu.memory_space<vmem>> -> memref<1x1x128xi32, #tpu.memory_space<vmem>>
          %dma_wait3A_309 = tpu.memref_squeeze %dma_wait3A_308 : memref<1x1x128xi32, #tpu.memory_space<vmem>> -> memref<128xi32, #tpu.memory_space<vmem>>
          %dma_wait3A_310 = arith.constant 0 : i32
          %dma_wait3A_311 = arith.constant 0 : i32
          %dma_wait3A_312 = tpu.memref_slice %arg10[%dma_wait3A_310, %dma_wait3A_311] : memref<100000x16xf32, #tpu.memory_space<vmem_shared>> -> memref<100000x16xf32, #tpu.memory_space<vmem_shared>>
          tpu.wait_indirect_dma semaphore(%arg13 : memref<!tpu.dma_semaphore, #tpu.memory_space<semaphore_mem>>) src(%dma_wait3A_306 : memref<128x16xf32, #tpu.memory_space<vmem>>) dst(%dma_wait3A_312 : memref<100000x16xf32, #tpu.memory_space<vmem_shared>>)
          %dma_wait3A_313 = arith.constant 4 : i32
          %dma_wait3A_314 = arith.constant 4 : i32
          %dma_wait3A_315 = arith.constant 1 : i32
          %dma_wait3A_316 = arith.constant 0 : i32
          %dma_wait3A_317 = arith.constant 0 : i32
          %dma_wait3A_318 = tpu.memref_slice %arg8[%dma_wait3A_313, %dma_wait3A_316, %dma_wait3A_317] : memref<5x128x16xf32, #tpu.memory_space<vmem>> -> memref<1x128x16xf32, #tpu.memory_space<vmem>>
          %dma_wait3A_319 = tpu.memref_squeeze %dma_wait3A_318 : memref<1x128x16xf32, #tpu.memory_space<vmem>> -> memref<128x16xf32, #tpu.memory_space<vmem>>
          %dma_wait3A_320 = arith.constant 0 : i32
          %dma_wait3A_321 = tpu.memref_slice %arg6[%dma_wait3A_314, %dma_wait3A_315, %dma_wait3A_320] : memref<5x2x128xi32, #tpu.memory_space<vmem>> -> memref<1x1x128xi32, #tpu.memory_space<vmem>>
          %dma_wait3A_322 = tpu.memref_squeeze %dma_wait3A_321 : memref<1x1x128xi32, #tpu.memory_space<vmem>> -> memref<128xi32, #tpu.memory_space<vmem>>
          %dma_wait3A_323 = arith.constant 0 : i32
          %dma_wait3A_324 = arith.constant 0 : i32
          %dma_wait3A_325 = tpu.memref_slice %arg10[%dma_wait3A_323, %dma_wait3A_324] : memref<100000x16xf32, #tpu.memory_space<vmem_shared>> -> memref<100000x16xf32, #tpu.memory_space<vmem_shared>>
          tpu.wait_indirect_dma semaphore(%arg13 : memref<!tpu.dma_semaphore, #tpu.memory_space<semaphore_mem>>) src(%dma_wait3A_319 : memref<128x16xf32, #tpu.memory_space<vmem>>) dst(%dma_wait3A_325 : memref<100000x16xf32, #tpu.memory_space<vmem_shared>>)
        } else {
        }
        %mul3A_195 = arith.constant 5 : i32
        %mul3A_196 = arith.muli %add3A_152, %mul3A_195 : i32
        "tpu.region"() ({
          %run_scoped3A = tpu.sem_alloc : memref<!tpu.dma_semaphore, #tpu.memory_space<semaphore_mem>>
          %dma_start3A_261 = arith.constant 0 : i32
          %dma_start3A_262 = arith.constant 0 : i32
          %dma_start3A_263 = tpu.memref_slice %arg2[%mul3A_196, %dma_start3A_261, %dma_start3A_262] : memref<12500x2x128xi32, #tpu.memory_space<hbm>> -> memref<5x2x128xi32, #tpu.memory_space<hbm>>
          %dma_start3A_264 = arith.constant 0 : i32
          %dma_start3A_265 = arith.constant 0 : i32
          %dma_start3A_266 = tpu.memref_slice %arg2[%mul3A_196, %dma_start3A_264, %dma_start3A_265] : memref<12500x2x128xi32, #tpu.memory_space<hbm>> -> memref<5x2x128xi32, #tpu.memory_space<hbm>>
          tpu.enqueue_dma source(%dma_start3A_266 : memref<5x2x128xi32, #tpu.memory_space<hbm>>) target(%arg6 : memref<5x2x128xi32, #tpu.memory_space<vmem>>) target_semaphore(%run_scoped3A : memref<!tpu.dma_semaphore, #tpu.memory_space<semaphore_mem>>)
          %dma_wait3A_267 = arith.constant 0 : i32
          %dma_wait3A_268 = arith.constant 0 : i32
          %dma_wait3A_269 = tpu.memref_slice %arg2[%mul3A_196, %dma_wait3A_267, %dma_wait3A_268] : memref<12500x2x128xi32, #tpu.memory_space<hbm>> -> memref<5x2x128xi32, #tpu.memory_space<hbm>>
          %dma_wait3A_270 = arith.constant 0 : i32
          %dma_wait3A_271 = arith.constant 0 : i32
          %dma_wait3A_272 = tpu.memref_slice %arg2[%mul3A_196, %dma_wait3A_270, %dma_wait3A_271] : memref<12500x2x128xi32, #tpu.memory_space<hbm>> -> memref<5x2x128xi32, #tpu.memory_space<hbm>>
          tpu.wait_dma2 semaphore(%run_scoped3A : memref<!tpu.dma_semaphore, #tpu.memory_space<semaphore_mem>>) src(%dma_wait3A_272 : memref<5x2x128xi32, #tpu.memory_space<hbm>>) dst(%arg6 : memref<5x2x128xi32, #tpu.memory_space<vmem>>)
          tpu.yield
        }) : () -> ()
        %dma_start3A = arith.constant 0 : i32
        %dma_start3A_197 = arith.constant 0 : i32
        %dma_start3A_198 = arith.constant 0 : i32
        %dma_start3A_199 = arith.constant 0 : i32
        %dma_start3A_200 = arith.constant 0 : i32
        %dma_start3A_201 = tpu.memref_slice %arg8[%dma_start3A_198, %dma_start3A_199, %dma_start3A_200] : memref<5x128x16xf32, #tpu.memory_space<vmem>> -> memref<1x128x16xf32, #tpu.memory_space<vmem>>
        %dma_start3A_202 = tpu.memref_squeeze %dma_start3A_201 : memref<1x128x16xf32, #tpu.memory_space<vmem>> -> memref<128x16xf32, #tpu.memory_space<vmem>>
        %dma_start3A_203 = arith.constant 0 : i32
        %dma_start3A_204 = tpu.memref_slice %arg6[%dma_start3A, %dma_start3A_197, %dma_start3A_203] : memref<5x2x128xi32, #tpu.memory_space<vmem>> -> memref<1x1x128xi32, #tpu.memory_space<vmem>>
        %dma_start3A_205 = tpu.memref_squeeze %dma_start3A_204 : memref<1x1x128xi32, #tpu.memory_space<vmem>> -> memref<128xi32, #tpu.memory_space<vmem>>
        %dma_start3A_206 = arith.constant 0 : i32
        %dma_start3A_207 = arith.constant 0 : i32
        %dma_start3A_208 = tpu.memref_slice %arg3[%dma_start3A_206, %dma_start3A_207] : memref<100000x16xf32, #tpu.memory_space<hbm>> -> memref<100000x16xf32, #tpu.memory_space<hbm>>
        tpu.enqueue_indirect_dma source(%dma_start3A_208 : memref<100000x16xf32, #tpu.memory_space<hbm>>) target(%dma_start3A_202 : memref<128x16xf32, #tpu.memory_space<vmem>>) offsets(%dma_start3A_205 : memref<128xi32, #tpu.memory_space<vmem>>) semaphore(%arg11 : memref<!tpu.dma_semaphore, #tpu.memory_space<semaphore_mem>>)
        %dma_start3A_209 = arith.constant 1 : i32
        %dma_start3A_210 = arith.constant 0 : i32
        %dma_start3A_211 = arith.constant 1 : i32
        %dma_start3A_212 = arith.constant 0 : i32
        %dma_start3A_213 = arith.constant 0 : i32
        %dma_start3A_214 = tpu.memref_slice %arg8[%dma_start3A_211, %dma_start3A_212, %dma_start3A_213] : memref<5x128x16xf32, #tpu.memory_space<vmem>> -> memref<1x128x16xf32, #tpu.memory_space<vmem>>
        %dma_start3A_215 = tpu.memref_squeeze %dma_start3A_214 : memref<1x128x16xf32, #tpu.memory_space<vmem>> -> memref<128x16xf32, #tpu.memory_space<vmem>>
        %dma_start3A_216 = arith.constant 0 : i32
        %dma_start3A_217 = tpu.memref_slice %arg6[%dma_start3A_209, %dma_start3A_210, %dma_start3A_216] : memref<5x2x128xi32, #tpu.memory_space<vmem>> -> memref<1x1x128xi32, #tpu.memory_space<vmem>>
        %dma_start3A_218 = tpu.memref_squeeze %dma_start3A_217 : memref<1x1x128xi32, #tpu.memory_space<vmem>> -> memref<128xi32, #tpu.memory_space<vmem>>
        %dma_start3A_219 = arith.constant 0 : i32
        %dma_start3A_220 = arith.constant 0 : i32
        %dma_start3A_221 = tpu.memref_slice %arg3[%dma_start3A_219, %dma_start3A_220] : memref<100000x16xf32, #tpu.memory_space<hbm>> -> memref<100000x16xf32, #tpu.memory_space<hbm>>
        tpu.enqueue_indirect_dma source(%dma_start3A_221 : memref<100000x16xf32, #tpu.memory_space<hbm>>) target(%dma_start3A_215 : memref<128x16xf32, #tpu.memory_space<vmem>>) offsets(%dma_start3A_218 : memref<128xi32, #tpu.memory_space<vmem>>) semaphore(%arg11 : memref<!tpu.dma_semaphore, #tpu.memory_space<semaphore_mem>>)
        %dma_start3A_222 = arith.constant 2 : i32
        %dma_start3A_223 = arith.constant 0 : i32
        %dma_start3A_224 = arith.constant 2 : i32
        %dma_start3A_225 = arith.constant 0 : i32
        %dma_start3A_226 = arith.constant 0 : i32
        %dma_start3A_227 = tpu.memref_slice %arg8[%dma_start3A_224, %dma_start3A_225, %dma_start3A_226] : memref<5x128x16xf32, #tpu.memory_space<vmem>> -> memref<1x128x16xf32, #tpu.memory_space<vmem>>
        %dma_start3A_228 = tpu.memref_squeeze %dma_start3A_227 : memref<1x128x16xf32, #tpu.memory_space<vmem>> -> memref<128x16xf32, #tpu.memory_space<vmem>>
        %dma_start3A_229 = arith.constant 0 : i32
        %dma_start3A_230 = tpu.memref_slice %arg6[%dma_start3A_222, %dma_start3A_223, %dma_start3A_229] : memref<5x2x128xi32, #tpu.memory_space<vmem>> -> memref<1x1x128xi32, #tpu.memory_space<vmem>>
        %dma_start3A_231 = tpu.memref_squeeze %dma_start3A_230 : memref<1x1x128xi32, #tpu.memory_space<vmem>> -> memref<128xi32, #tpu.memory_space<vmem>>
        %dma_start3A_232 = arith.constant 0 : i32
        %dma_start3A_233 = arith.constant 0 : i32
        %dma_start3A_234 = tpu.memref_slice %arg3[%dma_start3A_232, %dma_start3A_233] : memref<100000x16xf32, #tpu.memory_space<hbm>> -> memref<100000x16xf32, #tpu.memory_space<hbm>>
        tpu.enqueue_indirect_dma source(%dma_start3A_234 : memref<100000x16xf32, #tpu.memory_space<hbm>>) target(%dma_start3A_228 : memref<128x16xf32, #tpu.memory_space<vmem>>) offsets(%dma_start3A_231 : memref<128xi32, #tpu.memory_space<vmem>>) semaphore(%arg11 : memref<!tpu.dma_semaphore, #tpu.memory_space<semaphore_mem>>)
        %dma_start3A_235 = arith.constant 3 : i32
        %dma_start3A_236 = arith.constant 0 : i32
        %dma_start3A_237 = arith.constant 3 : i32
        %dma_start3A_238 = arith.constant 0 : i32
        %dma_start3A_239 = arith.constant 0 : i32
        %dma_start3A_240 = tpu.memref_slice %arg8[%dma_start3A_237, %dma_start3A_238, %dma_start3A_239] : memref<5x128x16xf32, #tpu.memory_space<vmem>> -> memref<1x128x16xf32, #tpu.memory_space<vmem>>
        %dma_start3A_241 = tpu.memref_squeeze %dma_start3A_240 : memref<1x128x16xf32, #tpu.memory_space<vmem>> -> memref<128x16xf32, #tpu.memory_space<vmem>>
        %dma_start3A_242 = arith.constant 0 : i32
        %dma_start3A_243 = tpu.memref_slice %arg6[%dma_start3A_235, %dma_start3A_236, %dma_start3A_242] : memref<5x2x128xi32, #tpu.memory_space<vmem>> -> memref<1x1x128xi32, #tpu.memory_space<vmem>>
        %dma_start3A_244 = tpu.memref_squeeze %dma_start3A_243 : memref<1x1x128xi32, #tpu.memory_space<vmem>> -> memref<128xi32, #tpu.memory_space<vmem>>
        %dma_start3A_245 = arith.constant 0 : i32
        %dma_start3A_246 = arith.constant 0 : i32
        %dma_start3A_247 = tpu.memref_slice %arg3[%dma_start3A_245, %dma_start3A_246] : memref<100000x16xf32, #tpu.memory_space<hbm>> -> memref<100000x16xf32, #tpu.memory_space<hbm>>
        tpu.enqueue_indirect_dma source(%dma_start3A_247 : memref<100000x16xf32, #tpu.memory_space<hbm>>) target(%dma_start3A_241 : memref<128x16xf32, #tpu.memory_space<vmem>>) offsets(%dma_start3A_244 : memref<128xi32, #tpu.memory_space<vmem>>) semaphore(%arg11 : memref<!tpu.dma_semaphore, #tpu.memory_space<semaphore_mem>>)
        %dma_start3A_248 = arith.constant 4 : i32
        %dma_start3A_249 = arith.constant 0 : i32
        %dma_start3A_250 = arith.constant 4 : i32
        %dma_start3A_251 = arith.constant 0 : i32
        %dma_start3A_252 = arith.constant 0 : i32
        %dma_start3A_253 = tpu.memref_slice %arg8[%dma_start3A_250, %dma_start3A_251, %dma_start3A_252] : memref<5x128x16xf32, #tpu.memory_space<vmem>> -> memref<1x128x16xf32, #tpu.memory_space<vmem>>
        %dma_start3A_254 = tpu.memref_squeeze %dma_start3A_253 : memref<1x128x16xf32, #tpu.memory_space<vmem>> -> memref<128x16xf32, #tpu.memory_space<vmem>>
        %dma_start3A_255 = arith.constant 0 : i32
        %dma_start3A_256 = tpu.memref_slice %arg6[%dma_start3A_248, %dma_start3A_249, %dma_start3A_255] : memref<5x2x128xi32, #tpu.memory_space<vmem>> -> memref<1x1x128xi32, #tpu.memory_space<vmem>>
        %dma_start3A_257 = tpu.memref_squeeze %dma_start3A_256 : memref<1x1x128xi32, #tpu.memory_space<vmem>> -> memref<128xi32, #tpu.memory_space<vmem>>
        %dma_start3A_258 = arith.constant 0 : i32
        %dma_start3A_259 = arith.constant 0 : i32
        %dma_start3A_260 = tpu.memref_slice %arg3[%dma_start3A_258, %dma_start3A_259] : memref<100000x16xf32, #tpu.memory_space<hbm>> -> memref<100000x16xf32, #tpu.memory_space<hbm>>
        tpu.enqueue_indirect_dma source(%dma_start3A_260 : memref<100000x16xf32, #tpu.memory_space<hbm>>) target(%dma_start3A_254 : memref<128x16xf32, #tpu.memory_space<vmem>>) offsets(%dma_start3A_257 : memref<128xi32, #tpu.memory_space<vmem>>) semaphore(%arg11 : memref<!tpu.dma_semaphore, #tpu.memory_space<semaphore_mem>>)
      } else {
      }
      %mul3A_155 = arith.constant 2 : i32
      %mul3A_156 = arith.muli %mul3A_155, %scan3A_145 : i32
      %add3A_157 = arith.constant 1 : i32
      %add3A_158 = arith.addi %mul3A_156, %add3A_157 : i32
      %mul3A_159 = arith.constant 32 : i32
      %mul3A_160 = arith.muli %add3A_158, %mul3A_159 : i32
      %add3A_161 = arith.addi %add3A, %mul3A_160 : i32
      %lt3A_162 = arith.constant 2500 : i32
      %lt3A_163 = arith.cmpi slt, %add3A_161, %lt3A_162 : i32
      %convert_element_type3A_164 = arith.extui %lt3A_163 : i1 to i32
      %cond3A_165 = arith.constant 0 : i32
      %cond3A_166 = arith.cmpi ne, %convert_element_type3A_164, %cond3A_165 : i32
      scf.if %cond3A_166 {
        %gt3A = arith.constant 0 : i32
        %gt3A_191 = arith.cmpi sgt, %scan3A_145, %gt3A : i32
        %convert_element_type3A_192 = arith.extui %gt3A_191 : i1 to i32
        %cond3A_193 = arith.constant 0 : i32
        %cond3A_194 = arith.cmpi ne, %convert_element_type3A_192, %cond3A_193 : i32
        scf.if %cond3A_194 {
          %dma_wait3A_261 = arith.constant 0 : i32
          %dma_wait3A_262 = arith.constant 0 : i32
          %dma_wait3A_263 = arith.constant 1 : i32
          %dma_wait3A_264 = arith.constant 0 : i32
          %dma_wait3A_265 = arith.constant 0 : i32
          %dma_wait3A_266 = tpu.memref_slice %arg9[%dma_wait3A_261, %dma_wait3A_264, %dma_wait3A_265] : memref<5x128x16xf32, #tpu.memory_space<vmem>> -> memref<1x128x16xf32, #tpu.memory_space<vmem>>
          %dma_wait3A_267 = tpu.memref_squeeze %dma_wait3A_266 : memref<1x128x16xf32, #tpu.memory_space<vmem>> -> memref<128x16xf32, #tpu.memory_space<vmem>>
          %dma_wait3A_268 = arith.constant 0 : i32
          %dma_wait3A_269 = tpu.memref_slice %arg7[%dma_wait3A_262, %dma_wait3A_263, %dma_wait3A_268] : memref<5x2x128xi32, #tpu.memory_space<vmem>> -> memref<1x1x128xi32, #tpu.memory_space<vmem>>
          %dma_wait3A_270 = tpu.memref_squeeze %dma_wait3A_269 : memref<1x1x128xi32, #tpu.memory_space<vmem>> -> memref<128xi32, #tpu.memory_space<vmem>>
          %dma_wait3A_271 = arith.constant 0 : i32
          %dma_wait3A_272 = arith.constant 0 : i32
          %dma_wait3A_273 = tpu.memref_slice %arg10[%dma_wait3A_271, %dma_wait3A_272] : memref<100000x16xf32, #tpu.memory_space<vmem_shared>> -> memref<100000x16xf32, #tpu.memory_space<vmem_shared>>
          tpu.wait_indirect_dma semaphore(%arg14 : memref<!tpu.dma_semaphore, #tpu.memory_space<semaphore_mem>>) src(%dma_wait3A_267 : memref<128x16xf32, #tpu.memory_space<vmem>>) dst(%dma_wait3A_273 : memref<100000x16xf32, #tpu.memory_space<vmem_shared>>)
          %dma_wait3A_274 = arith.constant 1 : i32
          %dma_wait3A_275 = arith.constant 1 : i32
          %dma_wait3A_276 = arith.constant 1 : i32
          %dma_wait3A_277 = arith.constant 0 : i32
          %dma_wait3A_278 = arith.constant 0 : i32
          %dma_wait3A_279 = tpu.memref_slice %arg9[%dma_wait3A_274, %dma_wait3A_277, %dma_wait3A_278] : memref<5x128x16xf32, #tpu.memory_space<vmem>> -> memref<1x128x16xf32, #tpu.memory_space<vmem>>
          %dma_wait3A_280 = tpu.memref_squeeze %dma_wait3A_279 : memref<1x128x16xf32, #tpu.memory_space<vmem>> -> memref<128x16xf32, #tpu.memory_space<vmem>>
          %dma_wait3A_281 = arith.constant 0 : i32
          %dma_wait3A_282 = tpu.memref_slice %arg7[%dma_wait3A_275, %dma_wait3A_276, %dma_wait3A_281] : memref<5x2x128xi32, #tpu.memory_space<vmem>> -> memref<1x1x128xi32, #tpu.memory_space<vmem>>
          %dma_wait3A_283 = tpu.memref_squeeze %dma_wait3A_282 : memref<1x1x128xi32, #tpu.memory_space<vmem>> -> memref<128xi32, #tpu.memory_space<vmem>>
          %dma_wait3A_284 = arith.constant 0 : i32
          %dma_wait3A_285 = arith.constant 0 : i32
          %dma_wait3A_286 = tpu.memref_slice %arg10[%dma_wait3A_284, %dma_wait3A_285] : memref<100000x16xf32, #tpu.memory_space<vmem_shared>> -> memref<100000x16xf32, #tpu.memory_space<vmem_shared>>
          tpu.wait_indirect_dma semaphore(%arg14 : memref<!tpu.dma_semaphore, #tpu.memory_space<semaphore_mem>>) src(%dma_wait3A_280 : memref<128x16xf32, #tpu.memory_space<vmem>>) dst(%dma_wait3A_286 : memref<100000x16xf32, #tpu.memory_space<vmem_shared>>)
          %dma_wait3A_287 = arith.constant 2 : i32
          %dma_wait3A_288 = arith.constant 2 : i32
          %dma_wait3A_289 = arith.constant 1 : i32
          %dma_wait3A_290 = arith.constant 0 : i32
          %dma_wait3A_291 = arith.constant 0 : i32
          %dma_wait3A_292 = tpu.memref_slice %arg9[%dma_wait3A_287, %dma_wait3A_290, %dma_wait3A_291] : memref<5x128x16xf32, #tpu.memory_space<vmem>> -> memref<1x128x16xf32, #tpu.memory_space<vmem>>
          %dma_wait3A_293 = tpu.memref_squeeze %dma_wait3A_292 : memref<1x128x16xf32, #tpu.memory_space<vmem>> -> memref<128x16xf32, #tpu.memory_space<vmem>>
          %dma_wait3A_294 = arith.constant 0 : i32
          %dma_wait3A_295 = tpu.memref_slice %arg7[%dma_wait3A_288, %dma_wait3A_289, %dma_wait3A_294] : memref<5x2x128xi32, #tpu.memory_space<vmem>> -> memref<1x1x128xi32, #tpu.memory_space<vmem>>
          %dma_wait3A_296 = tpu.memref_squeeze %dma_wait3A_295 : memref<1x1x128xi32, #tpu.memory_space<vmem>> -> memref<128xi32, #tpu.memory_space<vmem>>
          %dma_wait3A_297 = arith.constant 0 : i32
          %dma_wait3A_298 = arith.constant 0 : i32
          %dma_wait3A_299 = tpu.memref_slice %arg10[%dma_wait3A_297, %dma_wait3A_298] : memref<100000x16xf32, #tpu.memory_space<vmem_shared>> -> memref<100000x16xf32, #tpu.memory_space<vmem_shared>>
          tpu.wait_indirect_dma semaphore(%arg14 : memref<!tpu.dma_semaphore, #tpu.memory_space<semaphore_mem>>) src(%dma_wait3A_293 : memref<128x16xf32, #tpu.memory_space<vmem>>) dst(%dma_wait3A_299 : memref<100000x16xf32, #tpu.memory_space<vmem_shared>>)
          %dma_wait3A_300 = arith.constant 3 : i32
          %dma_wait3A_301 = arith.constant 3 : i32
          %dma_wait3A_302 = arith.constant 1 : i32
          %dma_wait3A_303 = arith.constant 0 : i32
          %dma_wait3A_304 = arith.constant 0 : i32
          %dma_wait3A_305 = tpu.memref_slice %arg9[%dma_wait3A_300, %dma_wait3A_303, %dma_wait3A_304] : memref<5x128x16xf32, #tpu.memory_space<vmem>> -> memref<1x128x16xf32, #tpu.memory_space<vmem>>
          %dma_wait3A_306 = tpu.memref_squeeze %dma_wait3A_305 : memref<1x128x16xf32, #tpu.memory_space<vmem>> -> memref<128x16xf32, #tpu.memory_space<vmem>>
          %dma_wait3A_307 = arith.constant 0 : i32
          %dma_wait3A_308 = tpu.memref_slice %arg7[%dma_wait3A_301, %dma_wait3A_302, %dma_wait3A_307] : memref<5x2x128xi32, #tpu.memory_space<vmem>> -> memref<1x1x128xi32, #tpu.memory_space<vmem>>
          %dma_wait3A_309 = tpu.memref_squeeze %dma_wait3A_308 : memref<1x1x128xi32, #tpu.memory_space<vmem>> -> memref<128xi32, #tpu.memory_space<vmem>>
          %dma_wait3A_310 = arith.constant 0 : i32
          %dma_wait3A_311 = arith.constant 0 : i32
          %dma_wait3A_312 = tpu.memref_slice %arg10[%dma_wait3A_310, %dma_wait3A_311] : memref<100000x16xf32, #tpu.memory_space<vmem_shared>> -> memref<100000x16xf32, #tpu.memory_space<vmem_shared>>
          tpu.wait_indirect_dma semaphore(%arg14 : memref<!tpu.dma_semaphore, #tpu.memory_space<semaphore_mem>>) src(%dma_wait3A_306 : memref<128x16xf32, #tpu.memory_space<vmem>>) dst(%dma_wait3A_312 : memref<100000x16xf32, #tpu.memory_space<vmem_shared>>)
          %dma_wait3A_313 = arith.constant 4 : i32
          %dma_wait3A_314 = arith.constant 4 : i32
          %dma_wait3A_315 = arith.constant 1 : i32
          %dma_wait3A_316 = arith.constant 0 : i32
          %dma_wait3A_317 = arith.constant 0 : i32
          %dma_wait3A_318 = tpu.memref_slice %arg9[%dma_wait3A_313, %dma_wait3A_316, %dma_wait3A_317] : memref<5x128x16xf32, #tpu.memory_space<vmem>> -> memref<1x128x16xf32, #tpu.memory_space<vmem>>
          %dma_wait3A_319 = tpu.memref_squeeze %dma_wait3A_318 : memref<1x128x16xf32, #tpu.memory_space<vmem>> -> memref<128x16xf32, #tpu.memory_space<vmem>>
          %dma_wait3A_320 = arith.constant 0 : i32
          %dma_wait3A_321 = tpu.memref_slice %arg7[%dma_wait3A_314, %dma_wait3A_315, %dma_wait3A_320] : memref<5x2x128xi32, #tpu.memory_space<vmem>> -> memref<1x1x128xi32, #tpu.memory_space<vmem>>
          %dma_wait3A_322 = tpu.memref_squeeze %dma_wait3A_321 : memref<1x1x128xi32, #tpu.memory_space<vmem>> -> memref<128xi32, #tpu.memory_space<vmem>>
          %dma_wait3A_323 = arith.constant 0 : i32
          %dma_wait3A_324 = arith.constant 0 : i32
          %dma_wait3A_325 = tpu.memref_slice %arg10[%dma_wait3A_323, %dma_wait3A_324] : memref<100000x16xf32, #tpu.memory_space<vmem_shared>> -> memref<100000x16xf32, #tpu.memory_space<vmem_shared>>
          tpu.wait_indirect_dma semaphore(%arg14 : memref<!tpu.dma_semaphore, #tpu.memory_space<semaphore_mem>>) src(%dma_wait3A_319 : memref<128x16xf32, #tpu.memory_space<vmem>>) dst(%dma_wait3A_325 : memref<100000x16xf32, #tpu.memory_space<vmem_shared>>)
        } else {
        }
        %mul3A_195 = arith.constant 5 : i32
        %mul3A_196 = arith.muli %add3A_161, %mul3A_195 : i32
        "tpu.region"() ({
          %run_scoped3A = tpu.sem_alloc : memref<!tpu.dma_semaphore, #tpu.memory_space<semaphore_mem>>
          %dma_start3A_261 = arith.constant 0 : i32
          %dma_start3A_262 = arith.constant 0 : i32
          %dma_start3A_263 = tpu.memref_slice %arg2[%mul3A_196, %dma_start3A_261, %dma_start3A_262] : memref<12500x2x128xi32, #tpu.memory_space<hbm>> -> memref<5x2x128xi32, #tpu.memory_space<hbm>>
          %dma_start3A_264 = arith.constant 0 : i32
          %dma_start3A_265 = arith.constant 0 : i32
          %dma_start3A_266 = tpu.memref_slice %arg2[%mul3A_196, %dma_start3A_264, %dma_start3A_265] : memref<12500x2x128xi32, #tpu.memory_space<hbm>> -> memref<5x2x128xi32, #tpu.memory_space<hbm>>
          tpu.enqueue_dma source(%dma_start3A_266 : memref<5x2x128xi32, #tpu.memory_space<hbm>>) target(%arg7 : memref<5x2x128xi32, #tpu.memory_space<vmem>>) target_semaphore(%run_scoped3A : memref<!tpu.dma_semaphore, #tpu.memory_space<semaphore_mem>>)
          %dma_wait3A_267 = arith.constant 0 : i32
          %dma_wait3A_268 = arith.constant 0 : i32
          %dma_wait3A_269 = tpu.memref_slice %arg2[%mul3A_196, %dma_wait3A_267, %dma_wait3A_268] : memref<12500x2x128xi32, #tpu.memory_space<hbm>> -> memref<5x2x128xi32, #tpu.memory_space<hbm>>
          %dma_wait3A_270 = arith.constant 0 : i32
          %dma_wait3A_271 = arith.constant 0 : i32
          %dma_wait3A_272 = tpu.memref_slice %arg2[%mul3A_196, %dma_wait3A_270, %dma_wait3A_271] : memref<12500x2x128xi32, #tpu.memory_space<hbm>> -> memref<5x2x128xi32, #tpu.memory_space<hbm>>
          tpu.wait_dma2 semaphore(%run_scoped3A : memref<!tpu.dma_semaphore, #tpu.memory_space<semaphore_mem>>) src(%dma_wait3A_272 : memref<5x2x128xi32, #tpu.memory_space<hbm>>) dst(%arg7 : memref<5x2x128xi32, #tpu.memory_space<vmem>>)
          tpu.yield
        }) : () -> ()
        %dma_start3A = arith.constant 0 : i32
        %dma_start3A_197 = arith.constant 0 : i32
        %dma_start3A_198 = arith.constant 0 : i32
        %dma_start3A_199 = arith.constant 0 : i32
        %dma_start3A_200 = arith.constant 0 : i32
        %dma_start3A_201 = tpu.memref_slice %arg9[%dma_start3A_198, %dma_start3A_199, %dma_start3A_200] : memref<5x128x16xf32, #tpu.memory_space<vmem>> -> memref<1x128x16xf32, #tpu.memory_space<vmem>>
        %dma_start3A_202 = tpu.memref_squeeze %dma_start3A_201 : memref<1x128x16xf32, #tpu.memory_space<vmem>> -> memref<128x16xf32, #tpu.memory_space<vmem>>
        %dma_start3A_203 = arith.constant 0 : i32
        %dma_start3A_204 = tpu.memref_slice %arg7[%dma_start3A, %dma_start3A_197, %dma_start3A_203] : memref<5x2x128xi32, #tpu.memory_space<vmem>> -> memref<1x1x128xi32, #tpu.memory_space<vmem>>
        %dma_start3A_205 = tpu.memref_squeeze %dma_start3A_204 : memref<1x1x128xi32, #tpu.memory_space<vmem>> -> memref<128xi32, #tpu.memory_space<vmem>>
        %dma_start3A_206 = arith.constant 0 : i32
        %dma_start3A_207 = arith.constant 0 : i32
        %dma_start3A_208 = tpu.memref_slice %arg3[%dma_start3A_206, %dma_start3A_207] : memref<100000x16xf32, #tpu.memory_space<hbm>> -> memref<100000x16xf32, #tpu.memory_space<hbm>>
        tpu.enqueue_indirect_dma source(%dma_start3A_208 : memref<100000x16xf32, #tpu.memory_space<hbm>>) target(%dma_start3A_202 : memref<128x16xf32, #tpu.memory_space<vmem>>) offsets(%dma_start3A_205 : memref<128xi32, #tpu.memory_space<vmem>>) semaphore(%arg12 : memref<!tpu.dma_semaphore, #tpu.memory_space<semaphore_mem>>)
        %dma_start3A_209 = arith.constant 1 : i32
        %dma_start3A_210 = arith.constant 0 : i32
        %dma_start3A_211 = arith.constant 1 : i32
        %dma_start3A_212 = arith.constant 0 : i32
        %dma_start3A_213 = arith.constant 0 : i32
        %dma_start3A_214 = tpu.memref_slice %arg9[%dma_start3A_211, %dma_start3A_212, %dma_start3A_213] : memref<5x128x16xf32, #tpu.memory_space<vmem>> -> memref<1x128x16xf32, #tpu.memory_space<vmem>>
        %dma_start3A_215 = tpu.memref_squeeze %dma_start3A_214 : memref<1x128x16xf32, #tpu.memory_space<vmem>> -> memref<128x16xf32, #tpu.memory_space<vmem>>
        %dma_start3A_216 = arith.constant 0 : i32
        %dma_start3A_217 = tpu.memref_slice %arg7[%dma_start3A_209, %dma_start3A_210, %dma_start3A_216] : memref<5x2x128xi32, #tpu.memory_space<vmem>> -> memref<1x1x128xi32, #tpu.memory_space<vmem>>
        %dma_start3A_218 = tpu.memref_squeeze %dma_start3A_217 : memref<1x1x128xi32, #tpu.memory_space<vmem>> -> memref<128xi32, #tpu.memory_space<vmem>>
        %dma_start3A_219 = arith.constant 0 : i32
        %dma_start3A_220 = arith.constant 0 : i32
        %dma_start3A_221 = tpu.memref_slice %arg3[%dma_start3A_219, %dma_start3A_220] : memref<100000x16xf32, #tpu.memory_space<hbm>> -> memref<100000x16xf32, #tpu.memory_space<hbm>>
        tpu.enqueue_indirect_dma source(%dma_start3A_221 : memref<100000x16xf32, #tpu.memory_space<hbm>>) target(%dma_start3A_215 : memref<128x16xf32, #tpu.memory_space<vmem>>) offsets(%dma_start3A_218 : memref<128xi32, #tpu.memory_space<vmem>>) semaphore(%arg12 : memref<!tpu.dma_semaphore, #tpu.memory_space<semaphore_mem>>)
        %dma_start3A_222 = arith.constant 2 : i32
        %dma_start3A_223 = arith.constant 0 : i32
        %dma_start3A_224 = arith.constant 2 : i32
        %dma_start3A_225 = arith.constant 0 : i32
        %dma_start3A_226 = arith.constant 0 : i32
        %dma_start3A_227 = tpu.memref_slice %arg9[%dma_start3A_224, %dma_start3A_225, %dma_start3A_226] : memref<5x128x16xf32, #tpu.memory_space<vmem>> -> memref<1x128x16xf32, #tpu.memory_space<vmem>>
        %dma_start3A_228 = tpu.memref_squeeze %dma_start3A_227 : memref<1x128x16xf32, #tpu.memory_space<vmem>> -> memref<128x16xf32, #tpu.memory_space<vmem>>
        %dma_start3A_229 = arith.constant 0 : i32
        %dma_start3A_230 = tpu.memref_slice %arg7[%dma_start3A_222, %dma_start3A_223, %dma_start3A_229] : memref<5x2x128xi32, #tpu.memory_space<vmem>> -> memref<1x1x128xi32, #tpu.memory_space<vmem>>
        %dma_start3A_231 = tpu.memref_squeeze %dma_start3A_230 : memref<1x1x128xi32, #tpu.memory_space<vmem>> -> memref<128xi32, #tpu.memory_space<vmem>>
        %dma_start3A_232 = arith.constant 0 : i32
        %dma_start3A_233 = arith.constant 0 : i32
        %dma_start3A_234 = tpu.memref_slice %arg3[%dma_start3A_232, %dma_start3A_233] : memref<100000x16xf32, #tpu.memory_space<hbm>> -> memref<100000x16xf32, #tpu.memory_space<hbm>>
        tpu.enqueue_indirect_dma source(%dma_start3A_234 : memref<100000x16xf32, #tpu.memory_space<hbm>>) target(%dma_start3A_228 : memref<128x16xf32, #tpu.memory_space<vmem>>) offsets(%dma_start3A_231 : memref<128xi32, #tpu.memory_space<vmem>>) semaphore(%arg12 : memref<!tpu.dma_semaphore, #tpu.memory_space<semaphore_mem>>)
        %dma_start3A_235 = arith.constant 3 : i32
        %dma_start3A_236 = arith.constant 0 : i32
        %dma_start3A_237 = arith.constant 3 : i32
        %dma_start3A_238 = arith.constant 0 : i32
        %dma_start3A_239 = arith.constant 0 : i32
        %dma_start3A_240 = tpu.memref_slice %arg9[%dma_start3A_237, %dma_start3A_238, %dma_start3A_239] : memref<5x128x16xf32, #tpu.memory_space<vmem>> -> memref<1x128x16xf32, #tpu.memory_space<vmem>>
        %dma_start3A_241 = tpu.memref_squeeze %dma_start3A_240 : memref<1x128x16xf32, #tpu.memory_space<vmem>> -> memref<128x16xf32, #tpu.memory_space<vmem>>
        %dma_start3A_242 = arith.constant 0 : i32
        %dma_start3A_243 = tpu.memref_slice %arg7[%dma_start3A_235, %dma_start3A_236, %dma_start3A_242] : memref<5x2x128xi32, #tpu.memory_space<vmem>> -> memref<1x1x128xi32, #tpu.memory_space<vmem>>
        %dma_start3A_244 = tpu.memref_squeeze %dma_start3A_243 : memref<1x1x128xi32, #tpu.memory_space<vmem>> -> memref<128xi32, #tpu.memory_space<vmem>>
        %dma_start3A_245 = arith.constant 0 : i32
        %dma_start3A_246 = arith.constant 0 : i32
        %dma_start3A_247 = tpu.memref_slice %arg3[%dma_start3A_245, %dma_start3A_246] : memref<100000x16xf32, #tpu.memory_space<hbm>> -> memref<100000x16xf32, #tpu.memory_space<hbm>>
        tpu.enqueue_indirect_dma source(%dma_start3A_247 : memref<100000x16xf32, #tpu.memory_space<hbm>>) target(%dma_start3A_241 : memref<128x16xf32, #tpu.memory_space<vmem>>) offsets(%dma_start3A_244 : memref<128xi32, #tpu.memory_space<vmem>>) semaphore(%arg12 : memref<!tpu.dma_semaphore, #tpu.memory_space<semaphore_mem>>)
        %dma_start3A_248 = arith.constant 4 : i32
        %dma_start3A_249 = arith.constant 0 : i32
        %dma_start3A_250 = arith.constant 4 : i32
        %dma_start3A_251 = arith.constant 0 : i32
        %dma_start3A_252 = arith.constant 0 : i32
        %dma_start3A_253 = tpu.memref_slice %arg9[%dma_start3A_250, %dma_start3A_251, %dma_start3A_252] : memref<5x128x16xf32, #tpu.memory_space<vmem>> -> memref<1x128x16xf32, #tpu.memory_space<vmem>>
        %dma_start3A_254 = tpu.memref_squeeze %dma_start3A_253 : memref<1x128x16xf32, #tpu.memory_space<vmem>> -> memref<128x16xf32, #tpu.memory_space<vmem>>
        %dma_start3A_255 = arith.constant 0 : i32
        %dma_start3A_256 = tpu.memref_slice %arg7[%dma_start3A_248, %dma_start3A_249, %dma_start3A_255] : memref<5x2x128xi32, #tpu.memory_space<vmem>> -> memref<1x1x128xi32, #tpu.memory_space<vmem>>
        %dma_start3A_257 = tpu.memref_squeeze %dma_start3A_256 : memref<1x1x128xi32, #tpu.memory_space<vmem>> -> memref<128xi32, #tpu.memory_space<vmem>>
        %dma_start3A_258 = arith.constant 0 : i32
        %dma_start3A_259 = arith.constant 0 : i32
        %dma_start3A_260 = tpu.memref_slice %arg3[%dma_start3A_258, %dma_start3A_259] : memref<100000x16xf32, #tpu.memory_space<hbm>> -> memref<100000x16xf32, #tpu.memory_space<hbm>>
        tpu.enqueue_indirect_dma source(%dma_start3A_260 : memref<100000x16xf32, #tpu.memory_space<hbm>>) target(%dma_start3A_254 : memref<128x16xf32, #tpu.memory_space<vmem>>) offsets(%dma_start3A_257 : memref<128xi32, #tpu.memory_space<vmem>>) semaphore(%arg12 : memref<!tpu.dma_semaphore, #tpu.memory_space<semaphore_mem>>)
      } else {
      }
      %mul3A_167 = arith.constant 2 : i32
      %mul3A_168 = arith.muli %mul3A_167, %scan3A_145 : i32
      %add3A_169 = arith.constant 0 : i32
      %add3A_170 = arith.addi %mul3A_168, %add3A_169 : i32
      %mul3A_171 = arith.constant 32 : i32
      %mul3A_172 = arith.muli %add3A_170, %mul3A_171 : i32
      %add3A_173 = arith.addi %add3A, %mul3A_172 : i32
      %lt3A_174 = arith.constant 2500 : i32
      %lt3A_175 = arith.cmpi slt, %add3A_173, %lt3A_174 : i32
      %convert_element_type3A_176 = arith.extui %lt3A_175 : i1 to i32
      %cond3A_177 = arith.constant 0 : i32
      %cond3A_178 = arith.cmpi ne, %convert_element_type3A_176, %cond3A_177 : i32
      scf.if %cond3A_178 {
        %dma_wait3A_191 = arith.constant 0 : i32
        %dma_wait3A_192 = arith.constant 0 : i32
        %dma_wait3A_193 = arith.constant 0 : i32
        %dma_wait3A_194 = arith.constant 0 : i32
        %dma_wait3A_195 = arith.constant 0 : i32
        %dma_wait3A_196 = tpu.memref_slice %arg8[%dma_wait3A_193, %dma_wait3A_194, %dma_wait3A_195] : memref<5x128x16xf32, #tpu.memory_space<vmem>> -> memref<1x128x16xf32, #tpu.memory_space<vmem>>
        %dma_wait3A_197 = tpu.memref_squeeze %dma_wait3A_196 : memref<1x128x16xf32, #tpu.memory_space<vmem>> -> memref<128x16xf32, #tpu.memory_space<vmem>>
        %dma_wait3A_198 = arith.constant 0 : i32
        %dma_wait3A_199 = tpu.memref_slice %arg6[%dma_wait3A_191, %dma_wait3A_192, %dma_wait3A_198] : memref<5x2x128xi32, #tpu.memory_space<vmem>> -> memref<1x1x128xi32, #tpu.memory_space<vmem>>
        %dma_wait3A_200 = tpu.memref_squeeze %dma_wait3A_199 : memref<1x1x128xi32, #tpu.memory_space<vmem>> -> memref<128xi32, #tpu.memory_space<vmem>>
        %dma_wait3A_201 = arith.constant 0 : i32
        %dma_wait3A_202 = arith.constant 0 : i32
        %dma_wait3A_203 = tpu.memref_slice %arg3[%dma_wait3A_201, %dma_wait3A_202] : memref<100000x16xf32, #tpu.memory_space<hbm>> -> memref<100000x16xf32, #tpu.memory_space<hbm>>
        tpu.wait_indirect_dma semaphore(%arg11 : memref<!tpu.dma_semaphore, #tpu.memory_space<semaphore_mem>>) src(%dma_wait3A_203 : memref<100000x16xf32, #tpu.memory_space<hbm>>) dst(%dma_wait3A_197 : memref<128x16xf32, #tpu.memory_space<vmem>>)
        %dma_wait3A_204 = arith.constant 1 : i32
        %dma_wait3A_205 = arith.constant 0 : i32
        %dma_wait3A_206 = arith.constant 1 : i32
        %dma_wait3A_207 = arith.constant 0 : i32
        %dma_wait3A_208 = arith.constant 0 : i32
        %dma_wait3A_209 = tpu.memref_slice %arg8[%dma_wait3A_206, %dma_wait3A_207, %dma_wait3A_208] : memref<5x128x16xf32, #tpu.memory_space<vmem>> -> memref<1x128x16xf32, #tpu.memory_space<vmem>>
        %dma_wait3A_210 = tpu.memref_squeeze %dma_wait3A_209 : memref<1x128x16xf32, #tpu.memory_space<vmem>> -> memref<128x16xf32, #tpu.memory_space<vmem>>
        %dma_wait3A_211 = arith.constant 0 : i32
        %dma_wait3A_212 = tpu.memref_slice %arg6[%dma_wait3A_204, %dma_wait3A_205, %dma_wait3A_211] : memref<5x2x128xi32, #tpu.memory_space<vmem>> -> memref<1x1x128xi32, #tpu.memory_space<vmem>>
        %dma_wait3A_213 = tpu.memref_squeeze %dma_wait3A_212 : memref<1x1x128xi32, #tpu.memory_space<vmem>> -> memref<128xi32, #tpu.memory_space<vmem>>
        %dma_wait3A_214 = arith.constant 0 : i32
        %dma_wait3A_215 = arith.constant 0 : i32
        %dma_wait3A_216 = tpu.memref_slice %arg3[%dma_wait3A_214, %dma_wait3A_215] : memref<100000x16xf32, #tpu.memory_space<hbm>> -> memref<100000x16xf32, #tpu.memory_space<hbm>>
        tpu.wait_indirect_dma semaphore(%arg11 : memref<!tpu.dma_semaphore, #tpu.memory_space<semaphore_mem>>) src(%dma_wait3A_216 : memref<100000x16xf32, #tpu.memory_space<hbm>>) dst(%dma_wait3A_210 : memref<128x16xf32, #tpu.memory_space<vmem>>)
        %dma_wait3A_217 = arith.constant 2 : i32
        %dma_wait3A_218 = arith.constant 0 : i32
        %dma_wait3A_219 = arith.constant 2 : i32
        %dma_wait3A_220 = arith.constant 0 : i32
        %dma_wait3A_221 = arith.constant 0 : i32
        %dma_wait3A_222 = tpu.memref_slice %arg8[%dma_wait3A_219, %dma_wait3A_220, %dma_wait3A_221] : memref<5x128x16xf32, #tpu.memory_space<vmem>> -> memref<1x128x16xf32, #tpu.memory_space<vmem>>
        %dma_wait3A_223 = tpu.memref_squeeze %dma_wait3A_222 : memref<1x128x16xf32, #tpu.memory_space<vmem>> -> memref<128x16xf32, #tpu.memory_space<vmem>>
        %dma_wait3A_224 = arith.constant 0 : i32
        %dma_wait3A_225 = tpu.memref_slice %arg6[%dma_wait3A_217, %dma_wait3A_218, %dma_wait3A_224] : memref<5x2x128xi32, #tpu.memory_space<vmem>> -> memref<1x1x128xi32, #tpu.memory_space<vmem>>
        %dma_wait3A_226 = tpu.memref_squeeze %dma_wait3A_225 : memref<1x1x128xi32, #tpu.memory_space<vmem>> -> memref<128xi32, #tpu.memory_space<vmem>>
        %dma_wait3A_227 = arith.constant 0 : i32
        %dma_wait3A_228 = arith.constant 0 : i32
        %dma_wait3A_229 = tpu.memref_slice %arg3[%dma_wait3A_227, %dma_wait3A_228] : memref<100000x16xf32, #tpu.memory_space<hbm>> -> memref<100000x16xf32, #tpu.memory_space<hbm>>
        tpu.wait_indirect_dma semaphore(%arg11 : memref<!tpu.dma_semaphore, #tpu.memory_space<semaphore_mem>>) src(%dma_wait3A_229 : memref<100000x16xf32, #tpu.memory_space<hbm>>) dst(%dma_wait3A_223 : memref<128x16xf32, #tpu.memory_space<vmem>>)
        %dma_wait3A_230 = arith.constant 3 : i32
        %dma_wait3A_231 = arith.constant 0 : i32
        %dma_wait3A_232 = arith.constant 3 : i32
        %dma_wait3A_233 = arith.constant 0 : i32
        %dma_wait3A_234 = arith.constant 0 : i32
        %dma_wait3A_235 = tpu.memref_slice %arg8[%dma_wait3A_232, %dma_wait3A_233, %dma_wait3A_234] : memref<5x128x16xf32, #tpu.memory_space<vmem>> -> memref<1x128x16xf32, #tpu.memory_space<vmem>>
        %dma_wait3A_236 = tpu.memref_squeeze %dma_wait3A_235 : memref<1x128x16xf32, #tpu.memory_space<vmem>> -> memref<128x16xf32, #tpu.memory_space<vmem>>
        %dma_wait3A_237 = arith.constant 0 : i32
        %dma_wait3A_238 = tpu.memref_slice %arg6[%dma_wait3A_230, %dma_wait3A_231, %dma_wait3A_237] : memref<5x2x128xi32, #tpu.memory_space<vmem>> -> memref<1x1x128xi32, #tpu.memory_space<vmem>>
        %dma_wait3A_239 = tpu.memref_squeeze %dma_wait3A_238 : memref<1x1x128xi32, #tpu.memory_space<vmem>> -> memref<128xi32, #tpu.memory_space<vmem>>
        %dma_wait3A_240 = arith.constant 0 : i32
        %dma_wait3A_241 = arith.constant 0 : i32
        %dma_wait3A_242 = tpu.memref_slice %arg3[%dma_wait3A_240, %dma_wait3A_241] : memref<100000x16xf32, #tpu.memory_space<hbm>> -> memref<100000x16xf32, #tpu.memory_space<hbm>>
        tpu.wait_indirect_dma semaphore(%arg11 : memref<!tpu.dma_semaphore, #tpu.memory_space<semaphore_mem>>) src(%dma_wait3A_242 : memref<100000x16xf32, #tpu.memory_space<hbm>>) dst(%dma_wait3A_236 : memref<128x16xf32, #tpu.memory_space<vmem>>)
        %dma_wait3A_243 = arith.constant 4 : i32
        %dma_wait3A_244 = arith.constant 0 : i32
        %dma_wait3A_245 = arith.constant 4 : i32
        %dma_wait3A_246 = arith.constant 0 : i32
        %dma_wait3A_247 = arith.constant 0 : i32
        %dma_wait3A_248 = tpu.memref_slice %arg8[%dma_wait3A_245, %dma_wait3A_246, %dma_wait3A_247] : memref<5x128x16xf32, #tpu.memory_space<vmem>> -> memref<1x128x16xf32, #tpu.memory_space<vmem>>
        %dma_wait3A_249 = tpu.memref_squeeze %dma_wait3A_248 : memref<1x128x16xf32, #tpu.memory_space<vmem>> -> memref<128x16xf32, #tpu.memory_space<vmem>>
        %dma_wait3A_250 = arith.constant 0 : i32
        %dma_wait3A_251 = tpu.memref_slice %arg6[%dma_wait3A_243, %dma_wait3A_244, %dma_wait3A_250] : memref<5x2x128xi32, #tpu.memory_space<vmem>> -> memref<1x1x128xi32, #tpu.memory_space<vmem>>
        %dma_wait3A_252 = tpu.memref_squeeze %dma_wait3A_251 : memref<1x1x128xi32, #tpu.memory_space<vmem>> -> memref<128xi32, #tpu.memory_space<vmem>>
        %dma_wait3A_253 = arith.constant 0 : i32
        %dma_wait3A_254 = arith.constant 0 : i32
        %dma_wait3A_255 = tpu.memref_slice %arg3[%dma_wait3A_253, %dma_wait3A_254] : memref<100000x16xf32, #tpu.memory_space<hbm>> -> memref<100000x16xf32, #tpu.memory_space<hbm>>
        tpu.wait_indirect_dma semaphore(%arg11 : memref<!tpu.dma_semaphore, #tpu.memory_space<semaphore_mem>>) src(%dma_wait3A_255 : memref<100000x16xf32, #tpu.memory_space<hbm>>) dst(%dma_wait3A_249 : memref<128x16xf32, #tpu.memory_space<vmem>>)
        %dma_start3A = arith.constant 0 : i32
        %dma_start3A_256 = arith.constant 0 : i32
        %dma_start3A_257 = arith.constant 1 : i32
        %dma_start3A_258 = arith.constant 0 : i32
        %dma_start3A_259 = arith.constant 0 : i32
        %dma_start3A_260 = tpu.memref_slice %arg8[%dma_start3A, %dma_start3A_258, %dma_start3A_259] : memref<5x128x16xf32, #tpu.memory_space<vmem>> -> memref<1x128x16xf32, #tpu.memory_space<vmem>>
        %dma_start3A_261 = tpu.memref_squeeze %dma_start3A_260 : memref<1x128x16xf32, #tpu.memory_space<vmem>> -> memref<128x16xf32, #tpu.memory_space<vmem>>
        %dma_start3A_262 = arith.constant 0 : i32
        %dma_start3A_263 = tpu.memref_slice %arg6[%dma_start3A_256, %dma_start3A_257, %dma_start3A_262] : memref<5x2x128xi32, #tpu.memory_space<vmem>> -> memref<1x1x128xi32, #tpu.memory_space<vmem>>
        %dma_start3A_264 = tpu.memref_squeeze %dma_start3A_263 : memref<1x1x128xi32, #tpu.memory_space<vmem>> -> memref<128xi32, #tpu.memory_space<vmem>>
        %dma_start3A_265 = arith.constant 0 : i32
        %dma_start3A_266 = arith.constant 0 : i32
        %dma_start3A_267 = tpu.memref_slice %arg10[%dma_start3A_265, %dma_start3A_266] : memref<100000x16xf32, #tpu.memory_space<vmem_shared>> -> memref<100000x16xf32, #tpu.memory_space<vmem_shared>>
        tpu.enqueue_indirect_dma source(%dma_start3A_261 : memref<128x16xf32, #tpu.memory_space<vmem>>) target(%dma_start3A_267 : memref<100000x16xf32, #tpu.memory_space<vmem_shared>>) offsets(%dma_start3A_264 : memref<128xi32, #tpu.memory_space<vmem>>) semaphore(%arg13 : memref<!tpu.dma_semaphore, #tpu.memory_space<semaphore_mem>>) {add = true}
        %dma_start3A_268 = arith.constant 1 : i32
        %dma_start3A_269 = arith.constant 1 : i32
        %dma_start3A_270 = arith.constant 1 : i32
        %dma_start3A_271 = arith.constant 0 : i32
        %dma_start3A_272 = arith.constant 0 : i32
        %dma_start3A_273 = tpu.memref_slice %arg8[%dma_start3A_268, %dma_start3A_271, %dma_start3A_272] : memref<5x128x16xf32, #tpu.memory_space<vmem>> -> memref<1x128x16xf32, #tpu.memory_space<vmem>>
        %dma_start3A_274 = tpu.memref_squeeze %dma_start3A_273 : memref<1x128x16xf32, #tpu.memory_space<vmem>> -> memref<128x16xf32, #tpu.memory_space<vmem>>
        %dma_start3A_275 = arith.constant 0 : i32
        %dma_start3A_276 = tpu.memref_slice %arg6[%dma_start3A_269, %dma_start3A_270, %dma_start3A_275] : memref<5x2x128xi32, #tpu.memory_space<vmem>> -> memref<1x1x128xi32, #tpu.memory_space<vmem>>
        %dma_start3A_277 = tpu.memref_squeeze %dma_start3A_276 : memref<1x1x128xi32, #tpu.memory_space<vmem>> -> memref<128xi32, #tpu.memory_space<vmem>>
        %dma_start3A_278 = arith.constant 0 : i32
        %dma_start3A_279 = arith.constant 0 : i32
        %dma_start3A_280 = tpu.memref_slice %arg10[%dma_start3A_278, %dma_start3A_279] : memref<100000x16xf32, #tpu.memory_space<vmem_shared>> -> memref<100000x16xf32, #tpu.memory_space<vmem_shared>>
        tpu.enqueue_indirect_dma source(%dma_start3A_274 : memref<128x16xf32, #tpu.memory_space<vmem>>) target(%dma_start3A_280 : memref<100000x16xf32, #tpu.memory_space<vmem_shared>>) offsets(%dma_start3A_277 : memref<128xi32, #tpu.memory_space<vmem>>) semaphore(%arg13 : memref<!tpu.dma_semaphore, #tpu.memory_space<semaphore_mem>>) {add = true}
        %dma_start3A_281 = arith.constant 2 : i32
        %dma_start3A_282 = arith.constant 2 : i32
        %dma_start3A_283 = arith.constant 1 : i32
        %dma_start3A_284 = arith.constant 0 : i32
        %dma_start3A_285 = arith.constant 0 : i32
        %dma_start3A_286 = tpu.memref_slice %arg8[%dma_start3A_281, %dma_start3A_284, %dma_start3A_285] : memref<5x128x16xf32, #tpu.memory_space<vmem>> -> memref<1x128x16xf32, #tpu.memory_space<vmem>>
        %dma_start3A_287 = tpu.memref_squeeze %dma_start3A_286 : memref<1x128x16xf32, #tpu.memory_space<vmem>> -> memref<128x16xf32, #tpu.memory_space<vmem>>
        %dma_start3A_288 = arith.constant 0 : i32
        %dma_start3A_289 = tpu.memref_slice %arg6[%dma_start3A_282, %dma_start3A_283, %dma_start3A_288] : memref<5x2x128xi32, #tpu.memory_space<vmem>> -> memref<1x1x128xi32, #tpu.memory_space<vmem>>
        %dma_start3A_290 = tpu.memref_squeeze %dma_start3A_289 : memref<1x1x128xi32, #tpu.memory_space<vmem>> -> memref<128xi32, #tpu.memory_space<vmem>>
        %dma_start3A_291 = arith.constant 0 : i32
        %dma_start3A_292 = arith.constant 0 : i32
        %dma_start3A_293 = tpu.memref_slice %arg10[%dma_start3A_291, %dma_start3A_292] : memref<100000x16xf32, #tpu.memory_space<vmem_shared>> -> memref<100000x16xf32, #tpu.memory_space<vmem_shared>>
        tpu.enqueue_indirect_dma source(%dma_start3A_287 : memref<128x16xf32, #tpu.memory_space<vmem>>) target(%dma_start3A_293 : memref<100000x16xf32, #tpu.memory_space<vmem_shared>>) offsets(%dma_start3A_290 : memref<128xi32, #tpu.memory_space<vmem>>) semaphore(%arg13 : memref<!tpu.dma_semaphore, #tpu.memory_space<semaphore_mem>>) {add = true}
        %dma_start3A_294 = arith.constant 3 : i32
        %dma_start3A_295 = arith.constant 3 : i32
        %dma_start3A_296 = arith.constant 1 : i32
        %dma_start3A_297 = arith.constant 0 : i32
        %dma_start3A_298 = arith.constant 0 : i32
        %dma_start3A_299 = tpu.memref_slice %arg8[%dma_start3A_294, %dma_start3A_297, %dma_start3A_298] : memref<5x128x16xf32, #tpu.memory_space<vmem>> -> memref<1x128x16xf32, #tpu.memory_space<vmem>>
        %dma_start3A_300 = tpu.memref_squeeze %dma_start3A_299 : memref<1x128x16xf32, #tpu.memory_space<vmem>> -> memref<128x16xf32, #tpu.memory_space<vmem>>
        %dma_start3A_301 = arith.constant 0 : i32
        %dma_start3A_302 = tpu.memref_slice %arg6[%dma_start3A_295, %dma_start3A_296, %dma_start3A_301] : memref<5x2x128xi32, #tpu.memory_space<vmem>> -> memref<1x1x128xi32, #tpu.memory_space<vmem>>
        %dma_start3A_303 = tpu.memref_squeeze %dma_start3A_302 : memref<1x1x128xi32, #tpu.memory_space<vmem>> -> memref<128xi32, #tpu.memory_space<vmem>>
        %dma_start3A_304 = arith.constant 0 : i32
        %dma_start3A_305 = arith.constant 0 : i32
        %dma_start3A_306 = tpu.memref_slice %arg10[%dma_start3A_304, %dma_start3A_305] : memref<100000x16xf32, #tpu.memory_space<vmem_shared>> -> memref<100000x16xf32, #tpu.memory_space<vmem_shared>>
        tpu.enqueue_indirect_dma source(%dma_start3A_300 : memref<128x16xf32, #tpu.memory_space<vmem>>) target(%dma_start3A_306 : memref<100000x16xf32, #tpu.memory_space<vmem_shared>>) offsets(%dma_start3A_303 : memref<128xi32, #tpu.memory_space<vmem>>) semaphore(%arg13 : memref<!tpu.dma_semaphore, #tpu.memory_space<semaphore_mem>>) {add = true}
        %dma_start3A_307 = arith.constant 4 : i32
        %dma_start3A_308 = arith.constant 4 : i32
        %dma_start3A_309 = arith.constant 1 : i32
        %dma_start3A_310 = arith.constant 0 : i32
        %dma_start3A_311 = arith.constant 0 : i32
        %dma_start3A_312 = tpu.memref_slice %arg8[%dma_start3A_307, %dma_start3A_310, %dma_start3A_311] : memref<5x128x16xf32, #tpu.memory_space<vmem>> -> memref<1x128x16xf32, #tpu.memory_space<vmem>>
        %dma_start3A_313 = tpu.memref_squeeze %dma_start3A_312 : memref<1x128x16xf32, #tpu.memory_space<vmem>> -> memref<128x16xf32, #tpu.memory_space<vmem>>
        %dma_start3A_314 = arith.constant 0 : i32
        %dma_start3A_315 = tpu.memref_slice %arg6[%dma_start3A_308, %dma_start3A_309, %dma_start3A_314] : memref<5x2x128xi32, #tpu.memory_space<vmem>> -> memref<1x1x128xi32, #tpu.memory_space<vmem>>
        %dma_start3A_316 = tpu.memref_squeeze %dma_start3A_315 : memref<1x1x128xi32, #tpu.memory_space<vmem>> -> memref<128xi32, #tpu.memory_space<vmem>>
        %dma_start3A_317 = arith.constant 0 : i32
        %dma_start3A_318 = arith.constant 0 : i32
        %dma_start3A_319 = tpu.memref_slice %arg10[%dma_start3A_317, %dma_start3A_318] : memref<100000x16xf32, #tpu.memory_space<vmem_shared>> -> memref<100000x16xf32, #tpu.memory_space<vmem_shared>>
        tpu.enqueue_indirect_dma source(%dma_start3A_313 : memref<128x16xf32, #tpu.memory_space<vmem>>) target(%dma_start3A_319 : memref<100000x16xf32, #tpu.memory_space<vmem_shared>>) offsets(%dma_start3A_316 : memref<128xi32, #tpu.memory_space<vmem>>) semaphore(%arg13 : memref<!tpu.dma_semaphore, #tpu.memory_space<semaphore_mem>>) {add = true}
      } else {
      }
      %mul3A_179 = arith.constant 2 : i32
      %mul3A_180 = arith.muli %mul3A_179, %scan3A_145 : i32
      %add3A_181 = arith.constant 1 : i32
      %add3A_182 = arith.addi %mul3A_180, %add3A_181 : i32
      %mul3A_183 = arith.constant 32 : i32
      %mul3A_184 = arith.muli %add3A_182, %mul3A_183 : i32
      %add3A_185 = arith.addi %add3A, %mul3A_184 : i32
      %lt3A_186 = arith.constant 2500 : i32
      %lt3A_187 = arith.cmpi slt, %add3A_185, %lt3A_186 : i32
      %convert_element_type3A_188 = arith.extui %lt3A_187 : i1 to i32
      %cond3A_189 = arith.constant 0 : i32
      %cond3A_190 = arith.cmpi ne, %convert_element_type3A_188, %cond3A_189 : i32
      scf.if %cond3A_190 {
        %dma_wait3A_191 = arith.constant 0 : i32
        %dma_wait3A_192 = arith.constant 0 : i32
        %dma_wait3A_193 = arith.constant 0 : i32
        %dma_wait3A_194 = arith.constant 0 : i32
        %dma_wait3A_195 = arith.constant 0 : i32
        %dma_wait3A_196 = tpu.memref_slice %arg9[%dma_wait3A_193, %dma_wait3A_194, %dma_wait3A_195] : memref<5x128x16xf32, #tpu.memory_space<vmem>> -> memref<1x128x16xf32, #tpu.memory_space<vmem>>
        %dma_wait3A_197 = tpu.memref_squeeze %dma_wait3A_196 : memref<1x128x16xf32, #tpu.memory_space<vmem>> -> memref<128x16xf32, #tpu.memory_space<vmem>>
        %dma_wait3A_198 = arith.constant 0 : i32
        %dma_wait3A_199 = tpu.memref_slice %arg7[%dma_wait3A_191, %dma_wait3A_192, %dma_wait3A_198] : memref<5x2x128xi32, #tpu.memory_space<vmem>> -> memref<1x1x128xi32, #tpu.memory_space<vmem>>
        %dma_wait3A_200 = tpu.memref_squeeze %dma_wait3A_199 : memref<1x1x128xi32, #tpu.memory_space<vmem>> -> memref<128xi32, #tpu.memory_space<vmem>>
        %dma_wait3A_201 = arith.constant 0 : i32
        %dma_wait3A_202 = arith.constant 0 : i32
        %dma_wait3A_203 = tpu.memref_slice %arg3[%dma_wait3A_201, %dma_wait3A_202] : memref<100000x16xf32, #tpu.memory_space<hbm>> -> memref<100000x16xf32, #tpu.memory_space<hbm>>
        tpu.wait_indirect_dma semaphore(%arg12 : memref<!tpu.dma_semaphore, #tpu.memory_space<semaphore_mem>>) src(%dma_wait3A_203 : memref<100000x16xf32, #tpu.memory_space<hbm>>) dst(%dma_wait3A_197 : memref<128x16xf32, #tpu.memory_space<vmem>>)
        %dma_wait3A_204 = arith.constant 1 : i32
        %dma_wait3A_205 = arith.constant 0 : i32
        %dma_wait3A_206 = arith.constant 1 : i32
        %dma_wait3A_207 = arith.constant 0 : i32
        %dma_wait3A_208 = arith.constant 0 : i32
        %dma_wait3A_209 = tpu.memref_slice %arg9[%dma_wait3A_206, %dma_wait3A_207, %dma_wait3A_208] : memref<5x128x16xf32, #tpu.memory_space<vmem>> -> memref<1x128x16xf32, #tpu.memory_space<vmem>>
        %dma_wait3A_210 = tpu.memref_squeeze %dma_wait3A_209 : memref<1x128x16xf32, #tpu.memory_space<vmem>> -> memref<128x16xf32, #tpu.memory_space<vmem>>
        %dma_wait3A_211 = arith.constant 0 : i32
        %dma_wait3A_212 = tpu.memref_slice %arg7[%dma_wait3A_204, %dma_wait3A_205, %dma_wait3A_211] : memref<5x2x128xi32, #tpu.memory_space<vmem>> -> memref<1x1x128xi32, #tpu.memory_space<vmem>>
        %dma_wait3A_213 = tpu.memref_squeeze %dma_wait3A_212 : memref<1x1x128xi32, #tpu.memory_space<vmem>> -> memref<128xi32, #tpu.memory_space<vmem>>
        %dma_wait3A_214 = arith.constant 0 : i32
        %dma_wait3A_215 = arith.constant 0 : i32
        %dma_wait3A_216 = tpu.memref_slice %arg3[%dma_wait3A_214, %dma_wait3A_215] : memref<100000x16xf32, #tpu.memory_space<hbm>> -> memref<100000x16xf32, #tpu.memory_space<hbm>>
        tpu.wait_indirect_dma semaphore(%arg12 : memref<!tpu.dma_semaphore, #tpu.memory_space<semaphore_mem>>) src(%dma_wait3A_216 : memref<100000x16xf32, #tpu.memory_space<hbm>>) dst(%dma_wait3A_210 : memref<128x16xf32, #tpu.memory_space<vmem>>)
        %dma_wait3A_217 = arith.constant 2 : i32
        %dma_wait3A_218 = arith.constant 0 : i32
        %dma_wait3A_219 = arith.constant 2 : i32
        %dma_wait3A_220 = arith.constant 0 : i32
        %dma_wait3A_221 = arith.constant 0 : i32
        %dma_wait3A_222 = tpu.memref_slice %arg9[%dma_wait3A_219, %dma_wait3A_220, %dma_wait3A_221] : memref<5x128x16xf32, #tpu.memory_space<vmem>> -> memref<1x128x16xf32, #tpu.memory_space<vmem>>
        %dma_wait3A_223 = tpu.memref_squeeze %dma_wait3A_222 : memref<1x128x16xf32, #tpu.memory_space<vmem>> -> memref<128x16xf32, #tpu.memory_space<vmem>>
        %dma_wait3A_224 = arith.constant 0 : i32
        %dma_wait3A_225 = tpu.memref_slice %arg7[%dma_wait3A_217, %dma_wait3A_218, %dma_wait3A_224] : memref<5x2x128xi32, #tpu.memory_space<vmem>> -> memref<1x1x128xi32, #tpu.memory_space<vmem>>
        %dma_wait3A_226 = tpu.memref_squeeze %dma_wait3A_225 : memref<1x1x128xi32, #tpu.memory_space<vmem>> -> memref<128xi32, #tpu.memory_space<vmem>>
        %dma_wait3A_227 = arith.constant 0 : i32
        %dma_wait3A_228 = arith.constant 0 : i32
        %dma_wait3A_229 = tpu.memref_slice %arg3[%dma_wait3A_227, %dma_wait3A_228] : memref<100000x16xf32, #tpu.memory_space<hbm>> -> memref<100000x16xf32, #tpu.memory_space<hbm>>
        tpu.wait_indirect_dma semaphore(%arg12 : memref<!tpu.dma_semaphore, #tpu.memory_space<semaphore_mem>>) src(%dma_wait3A_229 : memref<100000x16xf32, #tpu.memory_space<hbm>>) dst(%dma_wait3A_223 : memref<128x16xf32, #tpu.memory_space<vmem>>)
        %dma_wait3A_230 = arith.constant 3 : i32
        %dma_wait3A_231 = arith.constant 0 : i32
        %dma_wait3A_232 = arith.constant 3 : i32
        %dma_wait3A_233 = arith.constant 0 : i32
        %dma_wait3A_234 = arith.constant 0 : i32
        %dma_wait3A_235 = tpu.memref_slice %arg9[%dma_wait3A_232, %dma_wait3A_233, %dma_wait3A_234] : memref<5x128x16xf32, #tpu.memory_space<vmem>> -> memref<1x128x16xf32, #tpu.memory_space<vmem>>
        %dma_wait3A_236 = tpu.memref_squeeze %dma_wait3A_235 : memref<1x128x16xf32, #tpu.memory_space<vmem>> -> memref<128x16xf32, #tpu.memory_space<vmem>>
        %dma_wait3A_237 = arith.constant 0 : i32
        %dma_wait3A_238 = tpu.memref_slice %arg7[%dma_wait3A_230, %dma_wait3A_231, %dma_wait3A_237] : memref<5x2x128xi32, #tpu.memory_space<vmem>> -> memref<1x1x128xi32, #tpu.memory_space<vmem>>
        %dma_wait3A_239 = tpu.memref_squeeze %dma_wait3A_238 : memref<1x1x128xi32, #tpu.memory_space<vmem>> -> memref<128xi32, #tpu.memory_space<vmem>>
        %dma_wait3A_240 = arith.constant 0 : i32
        %dma_wait3A_241 = arith.constant 0 : i32
        %dma_wait3A_242 = tpu.memref_slice %arg3[%dma_wait3A_240, %dma_wait3A_241] : memref<100000x16xf32, #tpu.memory_space<hbm>> -> memref<100000x16xf32, #tpu.memory_space<hbm>>
        tpu.wait_indirect_dma semaphore(%arg12 : memref<!tpu.dma_semaphore, #tpu.memory_space<semaphore_mem>>) src(%dma_wait3A_242 : memref<100000x16xf32, #tpu.memory_space<hbm>>) dst(%dma_wait3A_236 : memref<128x16xf32, #tpu.memory_space<vmem>>)
        %dma_wait3A_243 = arith.constant 4 : i32
        %dma_wait3A_244 = arith.constant 0 : i32
        %dma_wait3A_245 = arith.constant 4 : i32
        %dma_wait3A_246 = arith.constant 0 : i32
        %dma_wait3A_247 = arith.constant 0 : i32
        %dma_wait3A_248 = tpu.memref_slice %arg9[%dma_wait3A_245, %dma_wait3A_246, %dma_wait3A_247] : memref<5x128x16xf32, #tpu.memory_space<vmem>> -> memref<1x128x16xf32, #tpu.memory_space<vmem>>
        %dma_wait3A_249 = tpu.memref_squeeze %dma_wait3A_248 : memref<1x128x16xf32, #tpu.memory_space<vmem>> -> memref<128x16xf32, #tpu.memory_space<vmem>>
        %dma_wait3A_250 = arith.constant 0 : i32
        %dma_wait3A_251 = tpu.memref_slice %arg7[%dma_wait3A_243, %dma_wait3A_244, %dma_wait3A_250] : memref<5x2x128xi32, #tpu.memory_space<vmem>> -> memref<1x1x128xi32, #tpu.memory_space<vmem>>
        %dma_wait3A_252 = tpu.memref_squeeze %dma_wait3A_251 : memref<1x1x128xi32, #tpu.memory_space<vmem>> -> memref<128xi32, #tpu.memory_space<vmem>>
        %dma_wait3A_253 = arith.constant 0 : i32
        %dma_wait3A_254 = arith.constant 0 : i32
        %dma_wait3A_255 = tpu.memref_slice %arg3[%dma_wait3A_253, %dma_wait3A_254] : memref<100000x16xf32, #tpu.memory_space<hbm>> -> memref<100000x16xf32, #tpu.memory_space<hbm>>
        tpu.wait_indirect_dma semaphore(%arg12 : memref<!tpu.dma_semaphore, #tpu.memory_space<semaphore_mem>>) src(%dma_wait3A_255 : memref<100000x16xf32, #tpu.memory_space<hbm>>) dst(%dma_wait3A_249 : memref<128x16xf32, #tpu.memory_space<vmem>>)
        %dma_start3A = arith.constant 0 : i32
        %dma_start3A_256 = arith.constant 0 : i32
        %dma_start3A_257 = arith.constant 1 : i32
        %dma_start3A_258 = arith.constant 0 : i32
        %dma_start3A_259 = arith.constant 0 : i32
        %dma_start3A_260 = tpu.memref_slice %arg9[%dma_start3A, %dma_start3A_258, %dma_start3A_259] : memref<5x128x16xf32, #tpu.memory_space<vmem>> -> memref<1x128x16xf32, #tpu.memory_space<vmem>>
        %dma_start3A_261 = tpu.memref_squeeze %dma_start3A_260 : memref<1x128x16xf32, #tpu.memory_space<vmem>> -> memref<128x16xf32, #tpu.memory_space<vmem>>
        %dma_start3A_262 = arith.constant 0 : i32
        %dma_start3A_263 = tpu.memref_slice %arg7[%dma_start3A_256, %dma_start3A_257, %dma_start3A_262] : memref<5x2x128xi32, #tpu.memory_space<vmem>> -> memref<1x1x128xi32, #tpu.memory_space<vmem>>
        %dma_start3A_264 = tpu.memref_squeeze %dma_start3A_263 : memref<1x1x128xi32, #tpu.memory_space<vmem>> -> memref<128xi32, #tpu.memory_space<vmem>>
        %dma_start3A_265 = arith.constant 0 : i32
        %dma_start3A_266 = arith.constant 0 : i32
        %dma_start3A_267 = tpu.memref_slice %arg10[%dma_start3A_265, %dma_start3A_266] : memref<100000x16xf32, #tpu.memory_space<vmem_shared>> -> memref<100000x16xf32, #tpu.memory_space<vmem_shared>>
        tpu.enqueue_indirect_dma source(%dma_start3A_261 : memref<128x16xf32, #tpu.memory_space<vmem>>) target(%dma_start3A_267 : memref<100000x16xf32, #tpu.memory_space<vmem_shared>>) offsets(%dma_start3A_264 : memref<128xi32, #tpu.memory_space<vmem>>) semaphore(%arg14 : memref<!tpu.dma_semaphore, #tpu.memory_space<semaphore_mem>>) {add = true}
        %dma_start3A_268 = arith.constant 1 : i32
        %dma_start3A_269 = arith.constant 1 : i32
        %dma_start3A_270 = arith.constant 1 : i32
        %dma_start3A_271 = arith.constant 0 : i32
        %dma_start3A_272 = arith.constant 0 : i32
        %dma_start3A_273 = tpu.memref_slice %arg9[%dma_start3A_268, %dma_start3A_271, %dma_start3A_272] : memref<5x128x16xf32, #tpu.memory_space<vmem>> -> memref<1x128x16xf32, #tpu.memory_space<vmem>>
        %dma_start3A_274 = tpu.memref_squeeze %dma_start3A_273 : memref<1x128x16xf32, #tpu.memory_space<vmem>> -> memref<128x16xf32, #tpu.memory_space<vmem>>
        %dma_start3A_275 = arith.constant 0 : i32
        %dma_start3A_276 = tpu.memref_slice %arg7[%dma_start3A_269, %dma_start3A_270, %dma_start3A_275] : memref<5x2x128xi32, #tpu.memory_space<vmem>> -> memref<1x1x128xi32, #tpu.memory_space<vmem>>
        %dma_start3A_277 = tpu.memref_squeeze %dma_start3A_276 : memref<1x1x128xi32, #tpu.memory_space<vmem>> -> memref<128xi32, #tpu.memory_space<vmem>>
        %dma_start3A_278 = arith.constant 0 : i32
        %dma_start3A_279 = arith.constant 0 : i32
        %dma_start3A_280 = tpu.memref_slice %arg10[%dma_start3A_278, %dma_start3A_279] : memref<100000x16xf32, #tpu.memory_space<vmem_shared>> -> memref<100000x16xf32, #tpu.memory_space<vmem_shared>>
        tpu.enqueue_indirect_dma source(%dma_start3A_274 : memref<128x16xf32, #tpu.memory_space<vmem>>) target(%dma_start3A_280 : memref<100000x16xf32, #tpu.memory_space<vmem_shared>>) offsets(%dma_start3A_277 : memref<128xi32, #tpu.memory_space<vmem>>) semaphore(%arg14 : memref<!tpu.dma_semaphore, #tpu.memory_space<semaphore_mem>>) {add = true}
        %dma_start3A_281 = arith.constant 2 : i32
        %dma_start3A_282 = arith.constant 2 : i32
        %dma_start3A_283 = arith.constant 1 : i32
        %dma_start3A_284 = arith.constant 0 : i32
        %dma_start3A_285 = arith.constant 0 : i32
        %dma_start3A_286 = tpu.memref_slice %arg9[%dma_start3A_281, %dma_start3A_284, %dma_start3A_285] : memref<5x128x16xf32, #tpu.memory_space<vmem>> -> memref<1x128x16xf32, #tpu.memory_space<vmem>>
        %dma_start3A_287 = tpu.memref_squeeze %dma_start3A_286 : memref<1x128x16xf32, #tpu.memory_space<vmem>> -> memref<128x16xf32, #tpu.memory_space<vmem>>
        %dma_start3A_288 = arith.constant 0 : i32
        %dma_start3A_289 = tpu.memref_slice %arg7[%dma_start3A_282, %dma_start3A_283, %dma_start3A_288] : memref<5x2x128xi32, #tpu.memory_space<vmem>> -> memref<1x1x128xi32, #tpu.memory_space<vmem>>
        %dma_start3A_290 = tpu.memref_squeeze %dma_start3A_289 : memref<1x1x128xi32, #tpu.memory_space<vmem>> -> memref<128xi32, #tpu.memory_space<vmem>>
        %dma_start3A_291 = arith.constant 0 : i32
        %dma_start3A_292 = arith.constant 0 : i32
        %dma_start3A_293 = tpu.memref_slice %arg10[%dma_start3A_291, %dma_start3A_292] : memref<100000x16xf32, #tpu.memory_space<vmem_shared>> -> memref<100000x16xf32, #tpu.memory_space<vmem_shared>>
        tpu.enqueue_indirect_dma source(%dma_start3A_287 : memref<128x16xf32, #tpu.memory_space<vmem>>) target(%dma_start3A_293 : memref<100000x16xf32, #tpu.memory_space<vmem_shared>>) offsets(%dma_start3A_290 : memref<128xi32, #tpu.memory_space<vmem>>) semaphore(%arg14 : memref<!tpu.dma_semaphore, #tpu.memory_space<semaphore_mem>>) {add = true}
        %dma_start3A_294 = arith.constant 3 : i32
        %dma_start3A_295 = arith.constant 3 : i32
        %dma_start3A_296 = arith.constant 1 : i32
        %dma_start3A_297 = arith.constant 0 : i32
        %dma_start3A_298 = arith.constant 0 : i32
        %dma_start3A_299 = tpu.memref_slice %arg9[%dma_start3A_294, %dma_start3A_297, %dma_start3A_298] : memref<5x128x16xf32, #tpu.memory_space<vmem>> -> memref<1x128x16xf32, #tpu.memory_space<vmem>>
        %dma_start3A_300 = tpu.memref_squeeze %dma_start3A_299 : memref<1x128x16xf32, #tpu.memory_space<vmem>> -> memref<128x16xf32, #tpu.memory_space<vmem>>
        %dma_start3A_301 = arith.constant 0 : i32
        %dma_start3A_302 = tpu.memref_slice %arg7[%dma_start3A_295, %dma_start3A_296, %dma_start3A_301] : memref<5x2x128xi32, #tpu.memory_space<vmem>> -> memref<1x1x128xi32, #tpu.memory_space<vmem>>
        %dma_start3A_303 = tpu.memref_squeeze %dma_start3A_302 : memref<1x1x128xi32, #tpu.memory_space<vmem>> -> memref<128xi32, #tpu.memory_space<vmem>>
        %dma_start3A_304 = arith.constant 0 : i32
        %dma_start3A_305 = arith.constant 0 : i32
        %dma_start3A_306 = tpu.memref_slice %arg10[%dma_start3A_304, %dma_start3A_305] : memref<100000x16xf32, #tpu.memory_space<vmem_shared>> -> memref<100000x16xf32, #tpu.memory_space<vmem_shared>>
        tpu.enqueue_indirect_dma source(%dma_start3A_300 : memref<128x16xf32, #tpu.memory_space<vmem>>) target(%dma_start3A_306 : memref<100000x16xf32, #tpu.memory_space<vmem_shared>>) offsets(%dma_start3A_303 : memref<128xi32, #tpu.memory_space<vmem>>) semaphore(%arg14 : memref<!tpu.dma_semaphore, #tpu.memory_space<semaphore_mem>>) {add = true}
        %dma_start3A_307 = arith.constant 4 : i32
        %dma_start3A_308 = arith.constant 4 : i32
        %dma_start3A_309 = arith.constant 1 : i32
        %dma_start3A_310 = arith.constant 0 : i32
        %dma_start3A_311 = arith.constant 0 : i32
        %dma_start3A_312 = tpu.memref_slice %arg9[%dma_start3A_307, %dma_start3A_310, %dma_start3A_311] : memref<5x128x16xf32, #tpu.memory_space<vmem>> -> memref<1x128x16xf32, #tpu.memory_space<vmem>>
        %dma_start3A_313 = tpu.memref_squeeze %dma_start3A_312 : memref<1x128x16xf32, #tpu.memory_space<vmem>> -> memref<128x16xf32, #tpu.memory_space<vmem>>
        %dma_start3A_314 = arith.constant 0 : i32
        %dma_start3A_315 = tpu.memref_slice %arg7[%dma_start3A_308, %dma_start3A_309, %dma_start3A_314] : memref<5x2x128xi32, #tpu.memory_space<vmem>> -> memref<1x1x128xi32, #tpu.memory_space<vmem>>
        %dma_start3A_316 = tpu.memref_squeeze %dma_start3A_315 : memref<1x1x128xi32, #tpu.memory_space<vmem>> -> memref<128xi32, #tpu.memory_space<vmem>>
        %dma_start3A_317 = arith.constant 0 : i32
        %dma_start3A_318 = arith.constant 0 : i32
        %dma_start3A_319 = tpu.memref_slice %arg10[%dma_start3A_317, %dma_start3A_318] : memref<100000x16xf32, #tpu.memory_space<vmem_shared>> -> memref<100000x16xf32, #tpu.memory_space<vmem_shared>>
        tpu.enqueue_indirect_dma source(%dma_start3A_313 : memref<128x16xf32, #tpu.memory_space<vmem>>) target(%dma_start3A_319 : memref<100000x16xf32, #tpu.memory_space<vmem_shared>>) offsets(%dma_start3A_316 : memref<128xi32, #tpu.memory_space<vmem>>) semaphore(%arg14 : memref<!tpu.dma_semaphore, #tpu.memory_space<semaphore_mem>>) {add = true}
      } else {
      }
    }
    %scan3A_9 = arith.constant 40 : i32
    %dma_wait3A = arith.constant 0 : i32
    %dma_wait3A_10 = arith.constant 0 : i32
    %dma_wait3A_11 = arith.constant 1 : i32
    %dma_wait3A_12 = arith.constant 0 : i32
    %dma_wait3A_13 = arith.constant 0 : i32
    %dma_wait3A_14 = tpu.memref_slice %arg8[%dma_wait3A, %dma_wait3A_12, %dma_wait3A_13] : memref<5x128x16xf32, #tpu.memory_space<vmem>> -> memref<1x128x16xf32, #tpu.memory_space<vmem>>
    %dma_wait3A_15 = tpu.memref_squeeze %dma_wait3A_14 : memref<1x128x16xf32, #tpu.memory_space<vmem>> -> memref<128x16xf32, #tpu.memory_space<vmem>>
    %dma_wait3A_16 = arith.constant 0 : i32
    %dma_wait3A_17 = tpu.memref_slice %arg6[%dma_wait3A_10, %dma_wait3A_11, %dma_wait3A_16] : memref<5x2x128xi32, #tpu.memory_space<vmem>> -> memref<1x1x128xi32, #tpu.memory_space<vmem>>
    %dma_wait3A_18 = tpu.memref_squeeze %dma_wait3A_17 : memref<1x1x128xi32, #tpu.memory_space<vmem>> -> memref<128xi32, #tpu.memory_space<vmem>>
    %dma_wait3A_19 = arith.constant 0 : i32
    %dma_wait3A_20 = arith.constant 0 : i32
    %dma_wait3A_21 = tpu.memref_slice %arg10[%dma_wait3A_19, %dma_wait3A_20] : memref<100000x16xf32, #tpu.memory_space<vmem_shared>> -> memref<100000x16xf32, #tpu.memory_space<vmem_shared>>
    tpu.wait_indirect_dma semaphore(%arg13 : memref<!tpu.dma_semaphore, #tpu.memory_space<semaphore_mem>>) src(%dma_wait3A_15 : memref<128x16xf32, #tpu.memory_space<vmem>>) dst(%dma_wait3A_21 : memref<100000x16xf32, #tpu.memory_space<vmem_shared>>)
    %dma_wait3A_22 = arith.constant 1 : i32
    %dma_wait3A_23 = arith.constant 1 : i32
    %dma_wait3A_24 = arith.constant 1 : i32
    %dma_wait3A_25 = arith.constant 0 : i32
    %dma_wait3A_26 = arith.constant 0 : i32
    %dma_wait3A_27 = tpu.memref_slice %arg8[%dma_wait3A_22, %dma_wait3A_25, %dma_wait3A_26] : memref<5x128x16xf32, #tpu.memory_space<vmem>> -> memref<1x128x16xf32, #tpu.memory_space<vmem>>
    %dma_wait3A_28 = tpu.memref_squeeze %dma_wait3A_27 : memref<1x128x16xf32, #tpu.memory_space<vmem>> -> memref<128x16xf32, #tpu.memory_space<vmem>>
    %dma_wait3A_29 = arith.constant 0 : i32
    %dma_wait3A_30 = tpu.memref_slice %arg6[%dma_wait3A_23, %dma_wait3A_24, %dma_wait3A_29] : memref<5x2x128xi32, #tpu.memory_space<vmem>> -> memref<1x1x128xi32, #tpu.memory_space<vmem>>
    %dma_wait3A_31 = tpu.memref_squeeze %dma_wait3A_30 : memref<1x1x128xi32, #tpu.memory_space<vmem>> -> memref<128xi32, #tpu.memory_space<vmem>>
    %dma_wait3A_32 = arith.constant 0 : i32
    %dma_wait3A_33 = arith.constant 0 : i32
    %dma_wait3A_34 = tpu.memref_slice %arg10[%dma_wait3A_32, %dma_wait3A_33] : memref<100000x16xf32, #tpu.memory_space<vmem_shared>> -> memref<100000x16xf32, #tpu.memory_space<vmem_shared>>
    tpu.wait_indirect_dma semaphore(%arg13 : memref<!tpu.dma_semaphore, #tpu.memory_space<semaphore_mem>>) src(%dma_wait3A_28 : memref<128x16xf32, #tpu.memory_space<vmem>>) dst(%dma_wait3A_34 : memref<100000x16xf32, #tpu.memory_space<vmem_shared>>)
    %dma_wait3A_35 = arith.constant 2 : i32
    %dma_wait3A_36 = arith.constant 2 : i32
    %dma_wait3A_37 = arith.constant 1 : i32
    %dma_wait3A_38 = arith.constant 0 : i32
    %dma_wait3A_39 = arith.constant 0 : i32
    %dma_wait3A_40 = tpu.memref_slice %arg8[%dma_wait3A_35, %dma_wait3A_38, %dma_wait3A_39] : memref<5x128x16xf32, #tpu.memory_space<vmem>> -> memref<1x128x16xf32, #tpu.memory_space<vmem>>
    %dma_wait3A_41 = tpu.memref_squeeze %dma_wait3A_40 : memref<1x128x16xf32, #tpu.memory_space<vmem>> -> memref<128x16xf32, #tpu.memory_space<vmem>>
    %dma_wait3A_42 = arith.constant 0 : i32
    %dma_wait3A_43 = tpu.memref_slice %arg6[%dma_wait3A_36, %dma_wait3A_37, %dma_wait3A_42] : memref<5x2x128xi32, #tpu.memory_space<vmem>> -> memref<1x1x128xi32, #tpu.memory_space<vmem>>
    %dma_wait3A_44 = tpu.memref_squeeze %dma_wait3A_43 : memref<1x1x128xi32, #tpu.memory_space<vmem>> -> memref<128xi32, #tpu.memory_space<vmem>>
    %dma_wait3A_45 = arith.constant 0 : i32
    %dma_wait3A_46 = arith.constant 0 : i32
    %dma_wait3A_47 = tpu.memref_slice %arg10[%dma_wait3A_45, %dma_wait3A_46] : memref<100000x16xf32, #tpu.memory_space<vmem_shared>> -> memref<100000x16xf32, #tpu.memory_space<vmem_shared>>
    tpu.wait_indirect_dma semaphore(%arg13 : memref<!tpu.dma_semaphore, #tpu.memory_space<semaphore_mem>>) src(%dma_wait3A_41 : memref<128x16xf32, #tpu.memory_space<vmem>>) dst(%dma_wait3A_47 : memref<100000x16xf32, #tpu.memory_space<vmem_shared>>)
    %dma_wait3A_48 = arith.constant 3 : i32
    %dma_wait3A_49 = arith.constant 3 : i32
    %dma_wait3A_50 = arith.constant 1 : i32
    %dma_wait3A_51 = arith.constant 0 : i32
    %dma_wait3A_52 = arith.constant 0 : i32
    %dma_wait3A_53 = tpu.memref_slice %arg8[%dma_wait3A_48, %dma_wait3A_51, %dma_wait3A_52] : memref<5x128x16xf32, #tpu.memory_space<vmem>> -> memref<1x128x16xf32, #tpu.memory_space<vmem>>
    %dma_wait3A_54 = tpu.memref_squeeze %dma_wait3A_53 : memref<1x128x16xf32, #tpu.memory_space<vmem>> -> memref<128x16xf32, #tpu.memory_space<vmem>>
    %dma_wait3A_55 = arith.constant 0 : i32
    %dma_wait3A_56 = tpu.memref_slice %arg6[%dma_wait3A_49, %dma_wait3A_50, %dma_wait3A_55] : memref<5x2x128xi32, #tpu.memory_space<vmem>> -> memref<1x1x128xi32, #tpu.memory_space<vmem>>
    %dma_wait3A_57 = tpu.memref_squeeze %dma_wait3A_56 : memref<1x1x128xi32, #tpu.memory_space<vmem>> -> memref<128xi32, #tpu.memory_space<vmem>>
    %dma_wait3A_58 = arith.constant 0 : i32
    %dma_wait3A_59 = arith.constant 0 : i32
    %dma_wait3A_60 = tpu.memref_slice %arg10[%dma_wait3A_58, %dma_wait3A_59] : memref<100000x16xf32, #tpu.memory_space<vmem_shared>> -> memref<100000x16xf32, #tpu.memory_space<vmem_shared>>
    tpu.wait_indirect_dma semaphore(%arg13 : memref<!tpu.dma_semaphore, #tpu.memory_space<semaphore_mem>>) src(%dma_wait3A_54 : memref<128x16xf32, #tpu.memory_space<vmem>>) dst(%dma_wait3A_60 : memref<100000x16xf32, #tpu.memory_space<vmem_shared>>)
    %dma_wait3A_61 = arith.constant 4 : i32
    %dma_wait3A_62 = arith.constant 4 : i32
    %dma_wait3A_63 = arith.constant 1 : i32
    %dma_wait3A_64 = arith.constant 0 : i32
    %dma_wait3A_65 = arith.constant 0 : i32
    %dma_wait3A_66 = tpu.memref_slice %arg8[%dma_wait3A_61, %dma_wait3A_64, %dma_wait3A_65] : memref<5x128x16xf32, #tpu.memory_space<vmem>> -> memref<1x128x16xf32, #tpu.memory_space<vmem>>
    %dma_wait3A_67 = tpu.memref_squeeze %dma_wait3A_66 : memref<1x128x16xf32, #tpu.memory_space<vmem>> -> memref<128x16xf32, #tpu.memory_space<vmem>>
    %dma_wait3A_68 = arith.constant 0 : i32
    %dma_wait3A_69 = tpu.memref_slice %arg6[%dma_wait3A_62, %dma_wait3A_63, %dma_wait3A_68] : memref<5x2x128xi32, #tpu.memory_space<vmem>> -> memref<1x1x128xi32, #tpu.memory_space<vmem>>
    %dma_wait3A_70 = tpu.memref_squeeze %dma_wait3A_69 : memref<1x1x128xi32, #tpu.memory_space<vmem>> -> memref<128xi32, #tpu.memory_space<vmem>>
    %dma_wait3A_71 = arith.constant 0 : i32
    %dma_wait3A_72 = arith.constant 0 : i32
    %dma_wait3A_73 = tpu.memref_slice %arg10[%dma_wait3A_71, %dma_wait3A_72] : memref<100000x16xf32, #tpu.memory_space<vmem_shared>> -> memref<100000x16xf32, #tpu.memory_space<vmem_shared>>
    tpu.wait_indirect_dma semaphore(%arg13 : memref<!tpu.dma_semaphore, #tpu.memory_space<semaphore_mem>>) src(%dma_wait3A_67 : memref<128x16xf32, #tpu.memory_space<vmem>>) dst(%dma_wait3A_73 : memref<100000x16xf32, #tpu.memory_space<vmem_shared>>)
    %dma_wait3A_74 = arith.constant 0 : i32
    %dma_wait3A_75 = arith.constant 0 : i32
    %dma_wait3A_76 = arith.constant 1 : i32
    %dma_wait3A_77 = arith.constant 0 : i32
    %dma_wait3A_78 = arith.constant 0 : i32
    %dma_wait3A_79 = tpu.memref_slice %arg9[%dma_wait3A_74, %dma_wait3A_77, %dma_wait3A_78] : memref<5x128x16xf32, #tpu.memory_space<vmem>> -> memref<1x128x16xf32, #tpu.memory_space<vmem>>
    %dma_wait3A_80 = tpu.memref_squeeze %dma_wait3A_79 : memref<1x128x16xf32, #tpu.memory_space<vmem>> -> memref<128x16xf32, #tpu.memory_space<vmem>>
    %dma_wait3A_81 = arith.constant 0 : i32
    %dma_wait3A_82 = tpu.memref_slice %arg7[%dma_wait3A_75, %dma_wait3A_76, %dma_wait3A_81] : memref<5x2x128xi32, #tpu.memory_space<vmem>> -> memref<1x1x128xi32, #tpu.memory_space<vmem>>
    %dma_wait3A_83 = tpu.memref_squeeze %dma_wait3A_82 : memref<1x1x128xi32, #tpu.memory_space<vmem>> -> memref<128xi32, #tpu.memory_space<vmem>>
    %dma_wait3A_84 = arith.constant 0 : i32
    %dma_wait3A_85 = arith.constant 0 : i32
    %dma_wait3A_86 = tpu.memref_slice %arg10[%dma_wait3A_84, %dma_wait3A_85] : memref<100000x16xf32, #tpu.memory_space<vmem_shared>> -> memref<100000x16xf32, #tpu.memory_space<vmem_shared>>
    tpu.wait_indirect_dma semaphore(%arg14 : memref<!tpu.dma_semaphore, #tpu.memory_space<semaphore_mem>>) src(%dma_wait3A_80 : memref<128x16xf32, #tpu.memory_space<vmem>>) dst(%dma_wait3A_86 : memref<100000x16xf32, #tpu.memory_space<vmem_shared>>)
    %dma_wait3A_87 = arith.constant 1 : i32
    %dma_wait3A_88 = arith.constant 1 : i32
    %dma_wait3A_89 = arith.constant 1 : i32
    %dma_wait3A_90 = arith.constant 0 : i32
    %dma_wait3A_91 = arith.constant 0 : i32
    %dma_wait3A_92 = tpu.memref_slice %arg9[%dma_wait3A_87, %dma_wait3A_90, %dma_wait3A_91] : memref<5x128x16xf32, #tpu.memory_space<vmem>> -> memref<1x128x16xf32, #tpu.memory_space<vmem>>
    %dma_wait3A_93 = tpu.memref_squeeze %dma_wait3A_92 : memref<1x128x16xf32, #tpu.memory_space<vmem>> -> memref<128x16xf32, #tpu.memory_space<vmem>>
    %dma_wait3A_94 = arith.constant 0 : i32
    %dma_wait3A_95 = tpu.memref_slice %arg7[%dma_wait3A_88, %dma_wait3A_89, %dma_wait3A_94] : memref<5x2x128xi32, #tpu.memory_space<vmem>> -> memref<1x1x128xi32, #tpu.memory_space<vmem>>
    %dma_wait3A_96 = tpu.memref_squeeze %dma_wait3A_95 : memref<1x1x128xi32, #tpu.memory_space<vmem>> -> memref<128xi32, #tpu.memory_space<vmem>>
    %dma_wait3A_97 = arith.constant 0 : i32
    %dma_wait3A_98 = arith.constant 0 : i32
    %dma_wait3A_99 = tpu.memref_slice %arg10[%dma_wait3A_97, %dma_wait3A_98] : memref<100000x16xf32, #tpu.memory_space<vmem_shared>> -> memref<100000x16xf32, #tpu.memory_space<vmem_shared>>
    tpu.wait_indirect_dma semaphore(%arg14 : memref<!tpu.dma_semaphore, #tpu.memory_space<semaphore_mem>>) src(%dma_wait3A_93 : memref<128x16xf32, #tpu.memory_space<vmem>>) dst(%dma_wait3A_99 : memref<100000x16xf32, #tpu.memory_space<vmem_shared>>)
    %dma_wait3A_100 = arith.constant 2 : i32
    %dma_wait3A_101 = arith.constant 2 : i32
    %dma_wait3A_102 = arith.constant 1 : i32
    %dma_wait3A_103 = arith.constant 0 : i32
    %dma_wait3A_104 = arith.constant 0 : i32
    %dma_wait3A_105 = tpu.memref_slice %arg9[%dma_wait3A_100, %dma_wait3A_103, %dma_wait3A_104] : memref<5x128x16xf32, #tpu.memory_space<vmem>> -> memref<1x128x16xf32, #tpu.memory_space<vmem>>
    %dma_wait3A_106 = tpu.memref_squeeze %dma_wait3A_105 : memref<1x128x16xf32, #tpu.memory_space<vmem>> -> memref<128x16xf32, #tpu.memory_space<vmem>>
    %dma_wait3A_107 = arith.constant 0 : i32
    %dma_wait3A_108 = tpu.memref_slice %arg7[%dma_wait3A_101, %dma_wait3A_102, %dma_wait3A_107] : memref<5x2x128xi32, #tpu.memory_space<vmem>> -> memref<1x1x128xi32, #tpu.memory_space<vmem>>
    %dma_wait3A_109 = tpu.memref_squeeze %dma_wait3A_108 : memref<1x1x128xi32, #tpu.memory_space<vmem>> -> memref<128xi32, #tpu.memory_space<vmem>>
    %dma_wait3A_110 = arith.constant 0 : i32
    %dma_wait3A_111 = arith.constant 0 : i32
    %dma_wait3A_112 = tpu.memref_slice %arg10[%dma_wait3A_110, %dma_wait3A_111] : memref<100000x16xf32, #tpu.memory_space<vmem_shared>> -> memref<100000x16xf32, #tpu.memory_space<vmem_shared>>
    tpu.wait_indirect_dma semaphore(%arg14 : memref<!tpu.dma_semaphore, #tpu.memory_space<semaphore_mem>>) src(%dma_wait3A_106 : memref<128x16xf32, #tpu.memory_space<vmem>>) dst(%dma_wait3A_112 : memref<100000x16xf32, #tpu.memory_space<vmem_shared>>)
    %dma_wait3A_113 = arith.constant 3 : i32
    %dma_wait3A_114 = arith.constant 3 : i32
    %dma_wait3A_115 = arith.constant 1 : i32
    %dma_wait3A_116 = arith.constant 0 : i32
    %dma_wait3A_117 = arith.constant 0 : i32
    %dma_wait3A_118 = tpu.memref_slice %arg9[%dma_wait3A_113, %dma_wait3A_116, %dma_wait3A_117] : memref<5x128x16xf32, #tpu.memory_space<vmem>> -> memref<1x128x16xf32, #tpu.memory_space<vmem>>
    %dma_wait3A_119 = tpu.memref_squeeze %dma_wait3A_118 : memref<1x128x16xf32, #tpu.memory_space<vmem>> -> memref<128x16xf32, #tpu.memory_space<vmem>>
    %dma_wait3A_120 = arith.constant 0 : i32
    %dma_wait3A_121 = tpu.memref_slice %arg7[%dma_wait3A_114, %dma_wait3A_115, %dma_wait3A_120] : memref<5x2x128xi32, #tpu.memory_space<vmem>> -> memref<1x1x128xi32, #tpu.memory_space<vmem>>
    %dma_wait3A_122 = tpu.memref_squeeze %dma_wait3A_121 : memref<1x1x128xi32, #tpu.memory_space<vmem>> -> memref<128xi32, #tpu.memory_space<vmem>>
    %dma_wait3A_123 = arith.constant 0 : i32
    %dma_wait3A_124 = arith.constant 0 : i32
    %dma_wait3A_125 = tpu.memref_slice %arg10[%dma_wait3A_123, %dma_wait3A_124] : memref<100000x16xf32, #tpu.memory_space<vmem_shared>> -> memref<100000x16xf32, #tpu.memory_space<vmem_shared>>
    tpu.wait_indirect_dma semaphore(%arg14 : memref<!tpu.dma_semaphore, #tpu.memory_space<semaphore_mem>>) src(%dma_wait3A_119 : memref<128x16xf32, #tpu.memory_space<vmem>>) dst(%dma_wait3A_125 : memref<100000x16xf32, #tpu.memory_space<vmem_shared>>)
    %dma_wait3A_126 = arith.constant 4 : i32
    %dma_wait3A_127 = arith.constant 4 : i32
    %dma_wait3A_128 = arith.constant 1 : i32
    %dma_wait3A_129 = arith.constant 0 : i32
    %dma_wait3A_130 = arith.constant 0 : i32
    %dma_wait3A_131 = tpu.memref_slice %arg9[%dma_wait3A_126, %dma_wait3A_129, %dma_wait3A_130] : memref<5x128x16xf32, #tpu.memory_space<vmem>> -> memref<1x128x16xf32, #tpu.memory_space<vmem>>
    %dma_wait3A_132 = tpu.memref_squeeze %dma_wait3A_131 : memref<1x128x16xf32, #tpu.memory_space<vmem>> -> memref<128x16xf32, #tpu.memory_space<vmem>>
    %dma_wait3A_133 = arith.constant 0 : i32
    %dma_wait3A_134 = tpu.memref_slice %arg7[%dma_wait3A_127, %dma_wait3A_128, %dma_wait3A_133] : memref<5x2x128xi32, #tpu.memory_space<vmem>> -> memref<1x1x128xi32, #tpu.memory_space<vmem>>
    %dma_wait3A_135 = tpu.memref_squeeze %dma_wait3A_134 : memref<1x1x128xi32, #tpu.memory_space<vmem>> -> memref<128xi32, #tpu.memory_space<vmem>>
    %dma_wait3A_136 = arith.constant 0 : i32
    %dma_wait3A_137 = arith.constant 0 : i32
    %dma_wait3A_138 = tpu.memref_slice %arg10[%dma_wait3A_136, %dma_wait3A_137] : memref<100000x16xf32, #tpu.memory_space<vmem_shared>> -> memref<100000x16xf32, #tpu.memory_space<vmem_shared>>
    tpu.wait_indirect_dma semaphore(%arg14 : memref<!tpu.dma_semaphore, #tpu.memory_space<semaphore_mem>>) src(%dma_wait3A_132 : memref<128x16xf32, #tpu.memory_space<vmem>>) dst(%dma_wait3A_138 : memref<100000x16xf32, #tpu.memory_space<vmem_shared>>)
    %barrier3A_139 = arith.constant 0 : index
    tpu.barrier barrier_id(%barrier3A_139)
    %scan3A_140 = arith.constant 0 : i32
    %scan3A_141 = arith.constant 7 : i32
    %scan3A_142 = arith.addi %scan3A_140, %scan3A_141 : i32
    %scan3A_143 = arith.constant 1 : i32
    scf.for %scan3A_145 = %scan3A_140 to %scan3A_142 step %scan3A_143  : i32 {
      %mul3A_146 = arith.constant 16 : i32
      %mul3A_147 = arith.muli %scan3A_145, %mul3A_146 : i32
      %add3A_148 = arith.addi %arg1, %mul3A_147 : i32
      %lt3A = arith.constant 100 : i32
      %lt3A_149 = arith.cmpi slt, %add3A_148, %lt3A : i32
      %convert_element_type3A = arith.extui %lt3A_149 : i1 to i32
      %cond3A = arith.constant 0 : i32
      %cond3A_150 = arith.cmpi ne, %convert_element_type3A, %cond3A : i32
      scf.if %cond3A_150 {
        %mul3A_151 = arith.constant 1000 : i32
        %mul3A_152 = arith.muli %add3A_148, %mul3A_151 : i32
        %mul3A_153 = arith.constant 1000 : i32
        %mul3A_154 = arith.muli %add3A_148, %mul3A_153 : i32
        "tpu.region"() ({
          %run_scoped3A = tpu.sem_alloc : memref<!tpu.dma_semaphore, #tpu.memory_space<semaphore_mem>>
          %dma_start3A = arith.constant 0 : i32
          %dma_start3A_155 = tpu.memref_slice %arg5[%arg0, %mul3A_154, %dma_start3A] : memref<2x100000x16xf32, #tpu.memory_space<hbm>> -> memref<1x1000x16xf32, #tpu.memory_space<hbm>>
          %dma_start3A_156 = tpu.memref_squeeze %dma_start3A_155 : memref<1x1000x16xf32, #tpu.memory_space<hbm>> -> memref<1000x16xf32, #tpu.memory_space<hbm>>
          %dma_start3A_157 = arith.constant 0 : i32
          %dma_start3A_158 = tpu.memref_slice %arg10[%mul3A_152, %dma_start3A_157] : memref<100000x16xf32, #tpu.memory_space<vmem_shared>> -> memref<1000x16xf32, #tpu.memory_space<vmem_shared>>
          tpu.enqueue_dma source(%dma_start3A_158 : memref<1000x16xf32, #tpu.memory_space<vmem_shared>>) target(%dma_start3A_156 : memref<1000x16xf32, #tpu.memory_space<hbm>>) target_semaphore(%run_scoped3A : memref<!tpu.dma_semaphore, #tpu.memory_space<semaphore_mem>>)
          %dma_wait3A_159 = arith.constant 0 : i32
          %dma_wait3A_160 = tpu.memref_slice %arg5[%arg0, %mul3A_154, %dma_wait3A_159] : memref<2x100000x16xf32, #tpu.memory_space<hbm>> -> memref<1x1000x16xf32, #tpu.memory_space<hbm>>
          %dma_wait3A_161 = tpu.memref_squeeze %dma_wait3A_160 : memref<1x1000x16xf32, #tpu.memory_space<hbm>> -> memref<1000x16xf32, #tpu.memory_space<hbm>>
          %dma_wait3A_162 = arith.constant 0 : i32
          %dma_wait3A_163 = tpu.memref_slice %arg10[%mul3A_152, %dma_wait3A_162] : memref<100000x16xf32, #tpu.memory_space<vmem_shared>> -> memref<1000x16xf32, #tpu.memory_space<vmem_shared>>
          tpu.wait_dma2 semaphore(%run_scoped3A : memref<!tpu.dma_semaphore, #tpu.memory_space<semaphore_mem>>) src(%dma_wait3A_163 : memref<1000x16xf32, #tpu.memory_space<vmem_shared>>) dst(%dma_wait3A_161 : memref<1000x16xf32, #tpu.memory_space<hbm>>)
          tpu.yield
        }) : () -> ()
      } else {
      }
    }
    %scan3A_144 = arith.constant 7 : i32
    return
  }
}

#map = affine_map<(d0, d1) -> (0, 0, 0)>
#map1 = affine_map<(d0, d1) -> (0, 0)>
module attributes {stable_mosaic.version = 14 : i64} {
  func.func @_agg(%arg0: i32, %arg1: i32, %arg2: memref<12500x2x128xi32, #tpu.memory_space<hbm>>, %arg3: memref<100000x16xf32, #tpu.memory_space<hbm>>, %arg4: memref<1000x16xf32, #tpu.memory_space<hbm>>, %arg5: memref<2x100000x16xf32, #tpu.memory_space<hbm>>, %arg6: memref<5x2x128xi32, #tpu.memory_space<vmem>>, %arg7: memref<5x2x128xi32, #tpu.memory_space<vmem>>, %arg8: memref<5x128x16xf32, #tpu.memory_space<vmem>>, %arg9: memref<5x128x16xf32, #tpu.memory_space<vmem>>, %arg10: memref<100000x16xf32, #tpu.memory_space<vmem_shared>>, %arg11: memref<!tpu.dma_semaphore, #tpu.memory_space<semaphore_mem>>, %arg12: memref<!tpu.dma_semaphore, #tpu.memory_space<semaphore_mem>>, %arg13: memref<!tpu.dma_semaphore, #tpu.memory_space<semaphore_mem>>, %arg14: memref<!tpu.dma_semaphore, #tpu.memory_space<semaphore_mem>>) attributes {dimension_semantics = [#tpu.dimension_semantics<core_parallel>, #tpu.dimension_semantics<subcore_parallel>], iteration_bounds = array<i64: 2, 16>, scalar_prefetch = 0 : i64, scratch_operands = 9 : i64, tpu.core_type = #tpu.core_type<sc_vector_subcore>, window_params = [{transform_indices = #map}, {transform_indices = #map1}, {transform_indices = #map1}, {transform_indices = #map}]} {
    %mul3A = arith.constant 2 : i32
    %mul3A_0 = arith.muli %arg1, %mul3A : i32
    %add3A = arith.addi %mul3A_0, %arg0 : i32
    %scan3A = arith.constant 0 : i32
    %scan3A_1 = arith.constant 7 : i32
    %scan3A_2 = arith.addi %scan3A, %scan3A_1 : i32
    %scan3A_3 = arith.constant 1 : i32
    scf.for %scan3A_145 = %scan3A to %scan3A_2 step %scan3A_3  : i32 {
      %mul3A_146 = arith.constant 16 : i32
      %mul3A_147 = arith.muli %scan3A_145, %mul3A_146 : i32
      %add3A_148 = arith.addi %arg1, %mul3A_147 : i32
      %lt3A = arith.constant 100 : i32
      %lt3A_149 = arith.cmpi slt, %add3A_148, %lt3A : i32
      %convert_element_type3A = arith.extui %lt3A_149 : i1 to i32
      %cond3A = arith.constant 0 : i32
      %cond3A_150 = arith.cmpi ne, %convert_element_type3A, %cond3A : i32
      scf.if %cond3A_150 {
        %mul3A_151 = arith.constant 1000 : i32
        %mul3A_152 = arith.muli %add3A_148, %mul3A_151 : i32
        "tpu.region"() ({
          %run_scoped3A = tpu.sem_alloc : memref<!tpu.dma_semaphore, #tpu.memory_space<semaphore_mem>>
          %dma_start3A = arith.constant 0 : i32
          %dma_start3A_153 = tpu.memref_slice %arg10[%mul3A_152, %dma_start3A] : memref<100000x16xf32, #tpu.memory_space<vmem_shared>> -> memref<1000x16xf32, #tpu.memory_space<vmem_shared>>
          tpu.enqueue_dma source(%arg4 : memref<1000x16xf32, #tpu.memory_space<hbm>>) target(%dma_start3A_153 : memref<1000x16xf32, #tpu.memory_space<vmem_shared>>) target_semaphore(%run_scoped3A : memref<!tpu.dma_semaphore, #tpu.memory_space<semaphore_mem>>)
          %dma_wait3A_154 = arith.constant 0 : i32
          %dma_wait3A_155 = tpu.memref_slice %arg10[%mul3A_152, %dma_wait3A_154] : memref<100000x16xf32, #tpu.memory_space<vmem_shared>> -> memref<1000x16xf32, #tpu.memory_space<vmem_shared>>
          tpu.wait_dma2 semaphore(%run_scoped3A : memref<!tpu.dma_semaphore, #tpu.memory_space<semaphore_mem>>) src(%arg4 : memref<1000x16xf32, #tpu.memory_space<hbm>>) dst(%dma_wait3A_155 : memref<1000x16xf32, #tpu.memory_space<vmem_shared>>)
          tpu.yield
        }) : () -> ()
      } else {
      }
    }
    %scan3A_4 = arith.constant 7 : i32
    %barrier3A = arith.constant 0 : index
    tpu.barrier barrier_id(%barrier3A)
    %scan3A_5 = arith.constant 0 : i32
    %scan3A_6 = arith.constant 40 : i32
    %scan3A_7 = arith.addi %scan3A_5, %scan3A_6 : i32
    %scan3A_8 = arith.constant 1 : i32
    scf.for %scan3A_145 = %scan3A_5 to %scan3A_7 step %scan3A_8  : i32 {
      %mul3A_146 = arith.constant 2 : i32
      %mul3A_147 = arith.muli %mul3A_146, %scan3A_145 : i32
      %add3A_148 = arith.constant 0 : i32
      %add3A_149 = arith.addi %mul3A_147, %add3A_148 : i32
      %mul3A_150 = arith.constant 32 : i32
      %mul3A_151 = arith.muli %add3A_149, %mul3A_150 : i32
      %add3A_152 = arith.addi %add3A, %mul3A_151 : i32
      %lt3A = arith.constant 2500 : i32
      %lt3A_153 = arith.cmpi slt, %add3A_152, %lt3A : i32
      %convert_element_type3A = arith.extui %lt3A_153 : i1 to i32
      %cond3A = arith.constant 0 : i32
      %cond3A_154 = arith.cmpi ne, %convert_element_type3A, %cond3A : i32
      scf.if %cond3A_154 {
        %gt3A = arith.constant 0 : i32
        %gt3A_191 = arith.cmpi sgt, %scan3A_145, %gt3A : i32
        %convert_element_type3A_192 = arith.extui %gt3A_191 : i1 to i32
        %cond3A_193 = arith.constant 0 : i32
        %cond3A_194 = arith.cmpi ne, %convert_element_type3A_192, %cond3A_193 : i32
        scf.if %cond3A_194 {
          %dma_wait3A_261 = arith.constant 0 : i32
          %dma_wait3A_262 = arith.constant 0 : i32
          %dma_wait3A_263 = arith.constant 1 : i32
          %dma_wait3A_264 = arith.constant 0 : i32
          %dma_wait3A_265 = arith.constant 0 : i32
          %dma_wait3A_266 = tpu.memref_slice %arg8[%dma_wait3A_261, %dma_wait3A_264, %dma_wait3A_265] : memref<5x128x16xf32, #tpu.memory_space<vmem>> -> memref<1x128x16xf32, #tpu.memory_space<vmem>>
          %dma_wait3A_267 = tpu.memref_squeeze %dma_wait3A_266 : memref<1x128x16xf32, #tpu.memory_space<vmem>> -> memref<128x16xf32, #tpu.memory_space<vmem>>
          %dma_wait3A_268 = arith.constant 0 : i32
          %dma_wait3A_269 = tpu.memref_slice %arg6[%dma_wait3A_262, %dma_wait3A_263, %dma_wait3A_268] : memref<5x2x128xi32, #tpu.memory_space<vmem>> -> memref<1x1x128xi32, #tpu.memory_space<vmem>>
          %dma_wait3A_270 = tpu.memref_squeeze %dma_wait3A_269 : memref<1x1x128xi32, #tpu.memory_space<vmem>> -> memref<128xi32, #tpu.memory_space<vmem>>
          %dma_wait3A_271 = arith.constant 0 : i32
          %dma_wait3A_272 = arith.constant 0 : i32
          %dma_wait3A_273 = tpu.memref_slice %arg10[%dma_wait3A_271, %dma_wait3A_272] : memref<100000x16xf32, #tpu.memory_space<vmem_shared>> -> memref<100000x16xf32, #tpu.memory_space<vmem_shared>>
          tpu.wait_indirect_dma semaphore(%arg13 : memref<!tpu.dma_semaphore, #tpu.memory_space<semaphore_mem>>) src(%dma_wait3A_267 : memref<128x16xf32, #tpu.memory_space<vmem>>) dst(%dma_wait3A_273 : memref<100000x16xf32, #tpu.memory_space<vmem_shared>>)
          %dma_wait3A_274 = arith.constant 1 : i32
          %dma_wait3A_275 = arith.constant 1 : i32
          %dma_wait3A_276 = arith.constant 1 : i32
          %dma_wait3A_277 = arith.constant 0 : i32
          %dma_wait3A_278 = arith.constant 0 : i32
          %dma_wait3A_279 = tpu.memref_slice %arg8[%dma_wait3A_274, %dma_wait3A_277, %dma_wait3A_278] : memref<5x128x16xf32, #tpu.memory_space<vmem>> -> memref<1x128x16xf32, #tpu.memory_space<vmem>>
          %dma_wait3A_280 = tpu.memref_squeeze %dma_wait3A_279 : memref<1x128x16xf32, #tpu.memory_space<vmem>> -> memref<128x16xf32, #tpu.memory_space<vmem>>
          %dma_wait3A_281 = arith.constant 0 : i32
          %dma_wait3A_282 = tpu.memref_slice %arg6[%dma_wait3A_275, %dma_wait3A_276, %dma_wait3A_281] : memref<5x2x128xi32, #tpu.memory_space<vmem>> -> memref<1x1x128xi32, #tpu.memory_space<vmem>>
          %dma_wait3A_283 = tpu.memref_squeeze %dma_wait3A_282 : memref<1x1x128xi32, #tpu.memory_space<vmem>> -> memref<128xi32, #tpu.memory_space<vmem>>
          %dma_wait3A_284 = arith.constant 0 : i32
          %dma_wait3A_285 = arith.constant 0 : i32
          %dma_wait3A_286 = tpu.memref_slice %arg10[%dma_wait3A_284, %dma_wait3A_285] : memref<100000x16xf32, #tpu.memory_space<vmem_shared>> -> memref<100000x16xf32, #tpu.memory_space<vmem_shared>>
          tpu.wait_indirect_dma semaphore(%arg13 : memref<!tpu.dma_semaphore, #tpu.memory_space<semaphore_mem>>) src(%dma_wait3A_280 : memref<128x16xf32, #tpu.memory_space<vmem>>) dst(%dma_wait3A_286 : memref<100000x16xf32, #tpu.memory_space<vmem_shared>>)
          %dma_wait3A_287 = arith.constant 2 : i32
          %dma_wait3A_288 = arith.constant 2 : i32
          %dma_wait3A_289 = arith.constant 1 : i32
          %dma_wait3A_290 = arith.constant 0 : i32
          %dma_wait3A_291 = arith.constant 0 : i32
          %dma_wait3A_292 = tpu.memref_slice %arg8[%dma_wait3A_287, %dma_wait3A_290, %dma_wait3A_291] : memref<5x128x16xf32, #tpu.memory_space<vmem>> -> memref<1x128x16xf32, #tpu.memory_space<vmem>>
          %dma_wait3A_293 = tpu.memref_squeeze %dma_wait3A_292 : memref<1x128x16xf32, #tpu.memory_space<vmem>> -> memref<128x16xf32, #tpu.memory_space<vmem>>
          %dma_wait3A_294 = arith.constant 0 : i32
          %dma_wait3A_295 = tpu.memref_slice %arg6[%dma_wait3A_288, %dma_wait3A_289, %dma_wait3A_294] : memref<5x2x128xi32, #tpu.memory_space<vmem>> -> memref<1x1x128xi32, #tpu.memory_space<vmem>>
          %dma_wait3A_296 = tpu.memref_squeeze %dma_wait3A_295 : memref<1x1x128xi32, #tpu.memory_space<vmem>> -> memref<128xi32, #tpu.memory_space<vmem>>
          %dma_wait3A_297 = arith.constant 0 : i32
          %dma_wait3A_298 = arith.constant 0 : i32
          %dma_wait3A_299 = tpu.memref_slice %arg10[%dma_wait3A_297, %dma_wait3A_298] : memref<100000x16xf32, #tpu.memory_space<vmem_shared>> -> memref<100000x16xf32, #tpu.memory_space<vmem_shared>>
          tpu.wait_indirect_dma semaphore(%arg13 : memref<!tpu.dma_semaphore, #tpu.memory_space<semaphore_mem>>) src(%dma_wait3A_293 : memref<128x16xf32, #tpu.memory_space<vmem>>) dst(%dma_wait3A_299 : memref<100000x16xf32, #tpu.memory_space<vmem_shared>>)
          %dma_wait3A_300 = arith.constant 3 : i32
          %dma_wait3A_301 = arith.constant 3 : i32
          %dma_wait3A_302 = arith.constant 1 : i32
          %dma_wait3A_303 = arith.constant 0 : i32
          %dma_wait3A_304 = arith.constant 0 : i32
          %dma_wait3A_305 = tpu.memref_slice %arg8[%dma_wait3A_300, %dma_wait3A_303, %dma_wait3A_304] : memref<5x128x16xf32, #tpu.memory_space<vmem>> -> memref<1x128x16xf32, #tpu.memory_space<vmem>>
          %dma_wait3A_306 = tpu.memref_squeeze %dma_wait3A_305 : memref<1x128x16xf32, #tpu.memory_space<vmem>> -> memref<128x16xf32, #tpu.memory_space<vmem>>
          %dma_wait3A_307 = arith.constant 0 : i32
          %dma_wait3A_308 = tpu.memref_slice %arg6[%dma_wait3A_301, %dma_wait3A_302, %dma_wait3A_307] : memref<5x2x128xi32, #tpu.memory_space<vmem>> -> memref<1x1x128xi32, #tpu.memory_space<vmem>>
          %dma_wait3A_309 = tpu.memref_squeeze %dma_wait3A_308 : memref<1x1x128xi32, #tpu.memory_space<vmem>> -> memref<128xi32, #tpu.memory_space<vmem>>
          %dma_wait3A_310 = arith.constant 0 : i32
          %dma_wait3A_311 = arith.constant 0 : i32
          %dma_wait3A_312 = tpu.memref_slice %arg10[%dma_wait3A_310, %dma_wait3A_311] : memref<100000x16xf32, #tpu.memory_space<vmem_shared>> -> memref<100000x16xf32, #tpu.memory_space<vmem_shared>>
          tpu.wait_indirect_dma semaphore(%arg13 : memref<!tpu.dma_semaphore, #tpu.memory_space<semaphore_mem>>) src(%dma_wait3A_306 : memref<128x16xf32, #tpu.memory_space<vmem>>) dst(%dma_wait3A_312 : memref<100000x16xf32, #tpu.memory_space<vmem_shared>>)
          %dma_wait3A_313 = arith.constant 4 : i32
          %dma_wait3A_314 = arith.constant 4 : i32
          %dma_wait3A_315 = arith.constant 1 : i32
          %dma_wait3A_316 = arith.constant 0 : i32
          %dma_wait3A_317 = arith.constant 0 : i32
          %dma_wait3A_318 = tpu.memref_slice %arg8[%dma_wait3A_313, %dma_wait3A_316, %dma_wait3A_317] : memref<5x128x16xf32, #tpu.memory_space<vmem>> -> memref<1x128x16xf32, #tpu.memory_space<vmem>>
          %dma_wait3A_319 = tpu.memref_squeeze %dma_wait3A_318 : memref<1x128x16xf32, #tpu.memory_space<vmem>> -> memref<128x16xf32, #tpu.memory_space<vmem>>
          %dma_wait3A_320 = arith.constant 0 : i32
          %dma_wait3A_321 = tpu.memref_slice %arg6[%dma_wait3A_314, %dma_wait3A_315, %dma_wait3A_320] : memref<5x2x128xi32, #tpu.memory_space<vmem>> -> memref<1x1x128xi32, #tpu.memory_space<vmem>>
          %dma_wait3A_322 = tpu.memref_squeeze %dma_wait3A_321 : memref<1x1x128xi32, #tpu.memory_space<vmem>> -> memref<128xi32, #tpu.memory_space<vmem>>
          %dma_wait3A_323 = arith.constant 0 : i32
          %dma_wait3A_324 = arith.constant 0 : i32
          %dma_wait3A_325 = tpu.memref_slice %arg10[%dma_wait3A_323, %dma_wait3A_324] : memref<100000x16xf32, #tpu.memory_space<vmem_shared>> -> memref<100000x16xf32, #tpu.memory_space<vmem_shared>>
          tpu.wait_indirect_dma semaphore(%arg13 : memref<!tpu.dma_semaphore, #tpu.memory_space<semaphore_mem>>) src(%dma_wait3A_319 : memref<128x16xf32, #tpu.memory_space<vmem>>) dst(%dma_wait3A_325 : memref<100000x16xf32, #tpu.memory_space<vmem_shared>>)
        } else {
        }
        %mul3A_195 = arith.constant 5 : i32
        %mul3A_196 = arith.muli %add3A_152, %mul3A_195 : i32
        "tpu.region"() ({
          %run_scoped3A = tpu.sem_alloc : memref<!tpu.dma_semaphore, #tpu.memory_space<semaphore_mem>>
          %dma_start3A_261 = arith.constant 0 : i32
          %dma_start3A_262 = arith.constant 0 : i32
          %dma_start3A_263 = tpu.memref_slice %arg2[%mul3A_196, %dma_start3A_261, %dma_start3A_262] : memref<12500x2x128xi32, #tpu.memory_space<hbm>> -> memref<5x2x128xi32, #tpu.memory_space<hbm>>
          %dma_start3A_264 = arith.constant 0 : i32
          %dma_start3A_265 = arith.constant 0 : i32
          %dma_start3A_266 = tpu.memref_slice %arg2[%mul3A_196, %dma_start3A_264, %dma_start3A_265] : memref<12500x2x128xi32, #tpu.memory_space<hbm>> -> memref<5x2x128xi32, #tpu.memory_space<hbm>>
          tpu.enqueue_dma source(%dma_start3A_266 : memref<5x2x128xi32, #tpu.memory_space<hbm>>) target(%arg6 : memref<5x2x128xi32, #tpu.memory_space<vmem>>) target_semaphore(%run_scoped3A : memref<!tpu.dma_semaphore, #tpu.memory_space<semaphore_mem>>)
          %dma_wait3A_267 = arith.constant 0 : i32
          %dma_wait3A_268 = arith.constant 0 : i32
          %dma_wait3A_269 = tpu.memref_slice %arg2[%mul3A_196, %dma_wait3A_267, %dma_wait3A_268] : memref<12500x2x128xi32, #tpu.memory_space<hbm>> -> memref<5x2x128xi32, #tpu.memory_space<hbm>>
          %dma_wait3A_270 = arith.constant 0 : i32
          %dma_wait3A_271 = arith.constant 0 : i32
          %dma_wait3A_272 = tpu.memref_slice %arg2[%mul3A_196, %dma_wait3A_270, %dma_wait3A_271] : memref<12500x2x128xi32, #tpu.memory_space<hbm>> -> memref<5x2x128xi32, #tpu.memory_space<hbm>>
          tpu.wait_dma2 semaphore(%run_scoped3A : memref<!tpu.dma_semaphore, #tpu.memory_space<semaphore_mem>>) src(%dma_wait3A_272 : memref<5x2x128xi32, #tpu.memory_space<hbm>>) dst(%arg6 : memref<5x2x128xi32, #tpu.memory_space<vmem>>)
          tpu.yield
        }) : () -> ()
        %dma_start3A = arith.constant 0 : i32
        %dma_start3A_197 = arith.constant 0 : i32
        %dma_start3A_198 = arith.constant 0 : i32
        %dma_start3A_199 = arith.constant 0 : i32
        %dma_start3A_200 = arith.constant 0 : i32
        %dma_start3A_201 = tpu.memref_slice %arg8[%dma_start3A_198, %dma_start3A_199, %dma_start3A_200] : memref<5x128x16xf32, #tpu.memory_space<vmem>> -> memref<1x128x16xf32, #tpu.memory_space<vmem>>
        %dma_start3A_202 = tpu.memref_squeeze %dma_start3A_201 : memref<1x128x16xf32, #tpu.memory_space<vmem>> -> memref<128x16xf32, #tpu.memory_space<vmem>>
        %dma_start3A_203 = arith.constant 0 : i32
        %dma_start3A_204 = tpu.memref_slice %arg6[%dma_start3A, %dma_start3A_197, %dma_start3A_203] : memref<5x2x128xi32, #tpu.memory_space<vmem>> -> memref<1x1x128xi32, #tpu.memory_space<vmem>>
        %dma_start3A_205 = tpu.memref_squeeze %dma_start3A_204 : memref<1x1x128xi32, #tpu.memory_space<vmem>> -> memref<128xi32, #tpu.memory_space<vmem>>
        %dma_start3A_206 = arith.constant 0 : i32
        %dma_start3A_207 = arith.constant 0 : i32
        %dma_start3A_208 = tpu.memref_slice %arg3[%dma_start3A_206, %dma_start3A_207] : memref<100000x16xf32, #tpu.memory_space<hbm>> -> memref<100000x16xf32, #tpu.memory_space<hbm>>
        tpu.enqueue_indirect_dma source(%dma_start3A_208 : memref<100000x16xf32, #tpu.memory_space<hbm>>) target(%dma_start3A_202 : memref<128x16xf32, #tpu.memory_space<vmem>>) offsets(%dma_start3A_205 : memref<128xi32, #tpu.memory_space<vmem>>) semaphore(%arg11 : memref<!tpu.dma_semaphore, #tpu.memory_space<semaphore_mem>>)
        %dma_start3A_209 = arith.constant 1 : i32
        %dma_start3A_210 = arith.constant 0 : i32
        %dma_start3A_211 = arith.constant 1 : i32
        %dma_start3A_212 = arith.constant 0 : i32
        %dma_start3A_213 = arith.constant 0 : i32
        %dma_start3A_214 = tpu.memref_slice %arg8[%dma_start3A_211, %dma_start3A_212, %dma_start3A_213] : memref<5x128x16xf32, #tpu.memory_space<vmem>> -> memref<1x128x16xf32, #tpu.memory_space<vmem>>
        %dma_start3A_215 = tpu.memref_squeeze %dma_start3A_214 : memref<1x128x16xf32, #tpu.memory_space<vmem>> -> memref<128x16xf32, #tpu.memory_space<vmem>>
        %dma_start3A_216 = arith.constant 0 : i32
        %dma_start3A_217 = tpu.memref_slice %arg6[%dma_start3A_209, %dma_start3A_210, %dma_start3A_216] : memref<5x2x128xi32, #tpu.memory_space<vmem>> -> memref<1x1x128xi32, #tpu.memory_space<vmem>>
        %dma_start3A_218 = tpu.memref_squeeze %dma_start3A_217 : memref<1x1x128xi32, #tpu.memory_space<vmem>> -> memref<128xi32, #tpu.memory_space<vmem>>
        %dma_start3A_219 = arith.constant 0 : i32
        %dma_start3A_220 = arith.constant 0 : i32
        %dma_start3A_221 = tpu.memref_slice %arg3[%dma_start3A_219, %dma_start3A_220] : memref<100000x16xf32, #tpu.memory_space<hbm>> -> memref<100000x16xf32, #tpu.memory_space<hbm>>
        tpu.enqueue_indirect_dma source(%dma_start3A_221 : memref<100000x16xf32, #tpu.memory_space<hbm>>) target(%dma_start3A_215 : memref<128x16xf32, #tpu.memory_space<vmem>>) offsets(%dma_start3A_218 : memref<128xi32, #tpu.memory_space<vmem>>) semaphore(%arg11 : memref<!tpu.dma_semaphore, #tpu.memory_space<semaphore_mem>>)
        %dma_start3A_222 = arith.constant 2 : i32
        %dma_start3A_223 = arith.constant 0 : i32
        %dma_start3A_224 = arith.constant 2 : i32
        %dma_start3A_225 = arith.constant 0 : i32
        %dma_start3A_226 = arith.constant 0 : i32
        %dma_start3A_227 = tpu.memref_slice %arg8[%dma_start3A_224, %dma_start3A_225, %dma_start3A_226] : memref<5x128x16xf32, #tpu.memory_space<vmem>> -> memref<1x128x16xf32, #tpu.memory_space<vmem>>
        %dma_start3A_228 = tpu.memref_squeeze %dma_start3A_227 : memref<1x128x16xf32, #tpu.memory_space<vmem>> -> memref<128x16xf32, #tpu.memory_space<vmem>>
        %dma_start3A_229 = arith.constant 0 : i32
        %dma_start3A_230 = tpu.memref_slice %arg6[%dma_start3A_222, %dma_start3A_223, %dma_start3A_229] : memref<5x2x128xi32, #tpu.memory_space<vmem>> -> memref<1x1x128xi32, #tpu.memory_space<vmem>>
        %dma_start3A_231 = tpu.memref_squeeze %dma_start3A_230 : memref<1x1x128xi32, #tpu.memory_space<vmem>> -> memref<128xi32, #tpu.memory_space<vmem>>
        %dma_start3A_232 = arith.constant 0 : i32
        %dma_start3A_233 = arith.constant 0 : i32
        %dma_start3A_234 = tpu.memref_slice %arg3[%dma_start3A_232, %dma_start3A_233] : memref<100000x16xf32, #tpu.memory_space<hbm>> -> memref<100000x16xf32, #tpu.memory_space<hbm>>
        tpu.enqueue_indirect_dma source(%dma_start3A_234 : memref<100000x16xf32, #tpu.memory_space<hbm>>) target(%dma_start3A_228 : memref<128x16xf32, #tpu.memory_space<vmem>>) offsets(%dma_start3A_231 : memref<128xi32, #tpu.memory_space<vmem>>) semaphore(%arg11 : memref<!tpu.dma_semaphore, #tpu.memory_space<semaphore_mem>>)
        %dma_start3A_235 = arith.constant 3 : i32
        %dma_start3A_236 = arith.constant 0 : i32
        %dma_start3A_237 = arith.constant 3 : i32
        %dma_start3A_238 = arith.constant 0 : i32
        %dma_start3A_239 = arith.constant 0 : i32
        %dma_start3A_240 = tpu.memref_slice %arg8[%dma_start3A_237, %dma_start3A_238, %dma_start3A_239] : memref<5x128x16xf32, #tpu.memory_space<vmem>> -> memref<1x128x16xf32, #tpu.memory_space<vmem>>
        %dma_start3A_241 = tpu.memref_squeeze %dma_start3A_240 : memref<1x128x16xf32, #tpu.memory_space<vmem>> -> memref<128x16xf32, #tpu.memory_space<vmem>>
        %dma_start3A_242 = arith.constant 0 : i32
        %dma_start3A_243 = tpu.memref_slice %arg6[%dma_start3A_235, %dma_start3A_236, %dma_start3A_242] : memref<5x2x128xi32, #tpu.memory_space<vmem>> -> memref<1x1x128xi32, #tpu.memory_space<vmem>>
        %dma_start3A_244 = tpu.memref_squeeze %dma_start3A_243 : memref<1x1x128xi32, #tpu.memory_space<vmem>> -> memref<128xi32, #tpu.memory_space<vmem>>
        %dma_start3A_245 = arith.constant 0 : i32
        %dma_start3A_246 = arith.constant 0 : i32
        %dma_start3A_247 = tpu.memref_slice %arg3[%dma_start3A_245, %dma_start3A_246] : memref<100000x16xf32, #tpu.memory_space<hbm>> -> memref<100000x16xf32, #tpu.memory_space<hbm>>
        tpu.enqueue_indirect_dma source(%dma_start3A_247 : memref<100000x16xf32, #tpu.memory_space<hbm>>) target(%dma_start3A_241 : memref<128x16xf32, #tpu.memory_space<vmem>>) offsets(%dma_start3A_244 : memref<128xi32, #tpu.memory_space<vmem>>) semaphore(%arg11 : memref<!tpu.dma_semaphore, #tpu.memory_space<semaphore_mem>>)
        %dma_start3A_248 = arith.constant 4 : i32
        %dma_start3A_249 = arith.constant 0 : i32
        %dma_start3A_250 = arith.constant 4 : i32
        %dma_start3A_251 = arith.constant 0 : i32
        %dma_start3A_252 = arith.constant 0 : i32
        %dma_start3A_253 = tpu.memref_slice %arg8[%dma_start3A_250, %dma_start3A_251, %dma_start3A_252] : memref<5x128x16xf32, #tpu.memory_space<vmem>> -> memref<1x128x16xf32, #tpu.memory_space<vmem>>
        %dma_start3A_254 = tpu.memref_squeeze %dma_start3A_253 : memref<1x128x16xf32, #tpu.memory_space<vmem>> -> memref<128x16xf32, #tpu.memory_space<vmem>>
        %dma_start3A_255 = arith.constant 0 : i32
        %dma_start3A_256 = tpu.memref_slice %arg6[%dma_start3A_248, %dma_start3A_249, %dma_start3A_255] : memref<5x2x128xi32, #tpu.memory_space<vmem>> -> memref<1x1x128xi32, #tpu.memory_space<vmem>>
        %dma_start3A_257 = tpu.memref_squeeze %dma_start3A_256 : memref<1x1x128xi32, #tpu.memory_space<vmem>> -> memref<128xi32, #tpu.memory_space<vmem>>
        %dma_start3A_258 = arith.constant 0 : i32
        %dma_start3A_259 = arith.constant 0 : i32
        %dma_start3A_260 = tpu.memref_slice %arg3[%dma_start3A_258, %dma_start3A_259] : memref<100000x16xf32, #tpu.memory_space<hbm>> -> memref<100000x16xf32, #tpu.memory_space<hbm>>
        tpu.enqueue_indirect_dma source(%dma_start3A_260 : memref<100000x16xf32, #tpu.memory_space<hbm>>) target(%dma_start3A_254 : memref<128x16xf32, #tpu.memory_space<vmem>>) offsets(%dma_start3A_257 : memref<128xi32, #tpu.memory_space<vmem>>) semaphore(%arg11 : memref<!tpu.dma_semaphore, #tpu.memory_space<semaphore_mem>>)
      } else {
      }
      %mul3A_155 = arith.constant 2 : i32
      %mul3A_156 = arith.muli %mul3A_155, %scan3A_145 : i32
      %add3A_157 = arith.constant 1 : i32
      %add3A_158 = arith.addi %mul3A_156, %add3A_157 : i32
      %mul3A_159 = arith.constant 32 : i32
      %mul3A_160 = arith.muli %add3A_158, %mul3A_159 : i32
      %add3A_161 = arith.addi %add3A, %mul3A_160 : i32
      %lt3A_162 = arith.constant 2500 : i32
      %lt3A_163 = arith.cmpi slt, %add3A_161, %lt3A_162 : i32
      %convert_element_type3A_164 = arith.extui %lt3A_163 : i1 to i32
      %cond3A_165 = arith.constant 0 : i32
      %cond3A_166 = arith.cmpi ne, %convert_element_type3A_164, %cond3A_165 : i32
      scf.if %cond3A_166 {
        %gt3A = arith.constant 0 : i32
        %gt3A_191 = arith.cmpi sgt, %scan3A_145, %gt3A : i32
        %convert_element_type3A_192 = arith.extui %gt3A_191 : i1 to i32
        %cond3A_193 = arith.constant 0 : i32
        %cond3A_194 = arith.cmpi ne, %convert_element_type3A_192, %cond3A_193 : i32
        scf.if %cond3A_194 {
          %dma_wait3A_261 = arith.constant 0 : i32
          %dma_wait3A_262 = arith.constant 0 : i32
          %dma_wait3A_263 = arith.constant 1 : i32
          %dma_wait3A_264 = arith.constant 0 : i32
          %dma_wait3A_265 = arith.constant 0 : i32
          %dma_wait3A_266 = tpu.memref_slice %arg9[%dma_wait3A_261, %dma_wait3A_264, %dma_wait3A_265] : memref<5x128x16xf32, #tpu.memory_space<vmem>> -> memref<1x128x16xf32, #tpu.memory_space<vmem>>
          %dma_wait3A_267 = tpu.memref_squeeze %dma_wait3A_266 : memref<1x128x16xf32, #tpu.memory_space<vmem>> -> memref<128x16xf32, #tpu.memory_space<vmem>>
          %dma_wait3A_268 = arith.constant 0 : i32
          %dma_wait3A_269 = tpu.memref_slice %arg7[%dma_wait3A_262, %dma_wait3A_263, %dma_wait3A_268] : memref<5x2x128xi32, #tpu.memory_space<vmem>> -> memref<1x1x128xi32, #tpu.memory_space<vmem>>
          %dma_wait3A_270 = tpu.memref_squeeze %dma_wait3A_269 : memref<1x1x128xi32, #tpu.memory_space<vmem>> -> memref<128xi32, #tpu.memory_space<vmem>>
          %dma_wait3A_271 = arith.constant 0 : i32
          %dma_wait3A_272 = arith.constant 0 : i32
          %dma_wait3A_273 = tpu.memref_slice %arg10[%dma_wait3A_271, %dma_wait3A_272] : memref<100000x16xf32, #tpu.memory_space<vmem_shared>> -> memref<100000x16xf32, #tpu.memory_space<vmem_shared>>
          tpu.wait_indirect_dma semaphore(%arg14 : memref<!tpu.dma_semaphore, #tpu.memory_space<semaphore_mem>>) src(%dma_wait3A_267 : memref<128x16xf32, #tpu.memory_space<vmem>>) dst(%dma_wait3A_273 : memref<100000x16xf32, #tpu.memory_space<vmem_shared>>)
          %dma_wait3A_274 = arith.constant 1 : i32
          %dma_wait3A_275 = arith.constant 1 : i32
          %dma_wait3A_276 = arith.constant 1 : i32
          %dma_wait3A_277 = arith.constant 0 : i32
          %dma_wait3A_278 = arith.constant 0 : i32
          %dma_wait3A_279 = tpu.memref_slice %arg9[%dma_wait3A_274, %dma_wait3A_277, %dma_wait3A_278] : memref<5x128x16xf32, #tpu.memory_space<vmem>> -> memref<1x128x16xf32, #tpu.memory_space<vmem>>
          %dma_wait3A_280 = tpu.memref_squeeze %dma_wait3A_279 : memref<1x128x16xf32, #tpu.memory_space<vmem>> -> memref<128x16xf32, #tpu.memory_space<vmem>>
          %dma_wait3A_281 = arith.constant 0 : i32
          %dma_wait3A_282 = tpu.memref_slice %arg7[%dma_wait3A_275, %dma_wait3A_276, %dma_wait3A_281] : memref<5x2x128xi32, #tpu.memory_space<vmem>> -> memref<1x1x128xi32, #tpu.memory_space<vmem>>
          %dma_wait3A_283 = tpu.memref_squeeze %dma_wait3A_282 : memref<1x1x128xi32, #tpu.memory_space<vmem>> -> memref<128xi32, #tpu.memory_space<vmem>>
          %dma_wait3A_284 = arith.constant 0 : i32
          %dma_wait3A_285 = arith.constant 0 : i32
          %dma_wait3A_286 = tpu.memref_slice %arg10[%dma_wait3A_284, %dma_wait3A_285] : memref<100000x16xf32, #tpu.memory_space<vmem_shared>> -> memref<100000x16xf32, #tpu.memory_space<vmem_shared>>
          tpu.wait_indirect_dma semaphore(%arg14 : memref<!tpu.dma_semaphore, #tpu.memory_space<semaphore_mem>>) src(%dma_wait3A_280 : memref<128x16xf32, #tpu.memory_space<vmem>>) dst(%dma_wait3A_286 : memref<100000x16xf32, #tpu.memory_space<vmem_shared>>)
          %dma_wait3A_287 = arith.constant 2 : i32
          %dma_wait3A_288 = arith.constant 2 : i32
          %dma_wait3A_289 = arith.constant 1 : i32
          %dma_wait3A_290 = arith.constant 0 : i32
          %dma_wait3A_291 = arith.constant 0 : i32
          %dma_wait3A_292 = tpu.memref_slice %arg9[%dma_wait3A_287, %dma_wait3A_290, %dma_wait3A_291] : memref<5x128x16xf32, #tpu.memory_space<vmem>> -> memref<1x128x16xf32, #tpu.memory_space<vmem>>
          %dma_wait3A_293 = tpu.memref_squeeze %dma_wait3A_292 : memref<1x128x16xf32, #tpu.memory_space<vmem>> -> memref<128x16xf32, #tpu.memory_space<vmem>>
          %dma_wait3A_294 = arith.constant 0 : i32
          %dma_wait3A_295 = tpu.memref_slice %arg7[%dma_wait3A_288, %dma_wait3A_289, %dma_wait3A_294] : memref<5x2x128xi32, #tpu.memory_space<vmem>> -> memref<1x1x128xi32, #tpu.memory_space<vmem>>
          %dma_wait3A_296 = tpu.memref_squeeze %dma_wait3A_295 : memref<1x1x128xi32, #tpu.memory_space<vmem>> -> memref<128xi32, #tpu.memory_space<vmem>>
          %dma_wait3A_297 = arith.constant 0 : i32
          %dma_wait3A_298 = arith.constant 0 : i32
          %dma_wait3A_299 = tpu.memref_slice %arg10[%dma_wait3A_297, %dma_wait3A_298] : memref<100000x16xf32, #tpu.memory_space<vmem_shared>> -> memref<100000x16xf32, #tpu.memory_space<vmem_shared>>
          tpu.wait_indirect_dma semaphore(%arg14 : memref<!tpu.dma_semaphore, #tpu.memory_space<semaphore_mem>>) src(%dma_wait3A_293 : memref<128x16xf32, #tpu.memory_space<vmem>>) dst(%dma_wait3A_299 : memref<100000x16xf32, #tpu.memory_space<vmem_shared>>)
          %dma_wait3A_300 = arith.constant 3 : i32
          %dma_wait3A_301 = arith.constant 3 : i32
          %dma_wait3A_302 = arith.constant 1 : i32
          %dma_wait3A_303 = arith.constant 0 : i32
          %dma_wait3A_304 = arith.constant 0 : i32
          %dma_wait3A_305 = tpu.memref_slice %arg9[%dma_wait3A_300, %dma_wait3A_303, %dma_wait3A_304] : memref<5x128x16xf32, #tpu.memory_space<vmem>> -> memref<1x128x16xf32, #tpu.memory_space<vmem>>
          %dma_wait3A_306 = tpu.memref_squeeze %dma_wait3A_305 : memref<1x128x16xf32, #tpu.memory_space<vmem>> -> memref<128x16xf32, #tpu.memory_space<vmem>>
          %dma_wait3A_307 = arith.constant 0 : i32
          %dma_wait3A_308 = tpu.memref_slice %arg7[%dma_wait3A_301, %dma_wait3A_302, %dma_wait3A_307] : memref<5x2x128xi32, #tpu.memory_space<vmem>> -> memref<1x1x128xi32, #tpu.memory_space<vmem>>
          %dma_wait3A_309 = tpu.memref_squeeze %dma_wait3A_308 : memref<1x1x128xi32, #tpu.memory_space<vmem>> -> memref<128xi32, #tpu.memory_space<vmem>>
          %dma_wait3A_310 = arith.constant 0 : i32
          %dma_wait3A_311 = arith.constant 0 : i32
          %dma_wait3A_312 = tpu.memref_slice %arg10[%dma_wait3A_310, %dma_wait3A_311] : memref<100000x16xf32, #tpu.memory_space<vmem_shared>> -> memref<100000x16xf32, #tpu.memory_space<vmem_shared>>
          tpu.wait_indirect_dma semaphore(%arg14 : memref<!tpu.dma_semaphore, #tpu.memory_space<semaphore_mem>>) src(%dma_wait3A_306 : memref<128x16xf32, #tpu.memory_space<vmem>>) dst(%dma_wait3A_312 : memref<100000x16xf32, #tpu.memory_space<vmem_shared>>)
          %dma_wait3A_313 = arith.constant 4 : i32
          %dma_wait3A_314 = arith.constant 4 : i32
          %dma_wait3A_315 = arith.constant 1 : i32
          %dma_wait3A_316 = arith.constant 0 : i32
          %dma_wait3A_317 = arith.constant 0 : i32
          %dma_wait3A_318 = tpu.memref_slice %arg9[%dma_wait3A_313, %dma_wait3A_316, %dma_wait3A_317] : memref<5x128x16xf32, #tpu.memory_space<vmem>> -> memref<1x128x16xf32, #tpu.memory_space<vmem>>
          %dma_wait3A_319 = tpu.memref_squeeze %dma_wait3A_318 : memref<1x128x16xf32, #tpu.memory_space<vmem>> -> memref<128x16xf32, #tpu.memory_space<vmem>>
          %dma_wait3A_320 = arith.constant 0 : i32
          %dma_wait3A_321 = tpu.memref_slice %arg7[%dma_wait3A_314, %dma_wait3A_315, %dma_wait3A_320] : memref<5x2x128xi32, #tpu.memory_space<vmem>> -> memref<1x1x128xi32, #tpu.memory_space<vmem>>
          %dma_wait3A_322 = tpu.memref_squeeze %dma_wait3A_321 : memref<1x1x128xi32, #tpu.memory_space<vmem>> -> memref<128xi32, #tpu.memory_space<vmem>>
          %dma_wait3A_323 = arith.constant 0 : i32
          %dma_wait3A_324 = arith.constant 0 : i32
          %dma_wait3A_325 = tpu.memref_slice %arg10[%dma_wait3A_323, %dma_wait3A_324] : memref<100000x16xf32, #tpu.memory_space<vmem_shared>> -> memref<100000x16xf32, #tpu.memory_space<vmem_shared>>
          tpu.wait_indirect_dma semaphore(%arg14 : memref<!tpu.dma_semaphore, #tpu.memory_space<semaphore_mem>>) src(%dma_wait3A_319 : memref<128x16xf32, #tpu.memory_space<vmem>>) dst(%dma_wait3A_325 : memref<100000x16xf32, #tpu.memory_space<vmem_shared>>)
        } else {
        }
        %mul3A_195 = arith.constant 5 : i32
        %mul3A_196 = arith.muli %add3A_161, %mul3A_195 : i32
        "tpu.region"() ({
          %run_scoped3A = tpu.sem_alloc : memref<!tpu.dma_semaphore, #tpu.memory_space<semaphore_mem>>
          %dma_start3A_261 = arith.constant 0 : i32
          %dma_start3A_262 = arith.constant 0 : i32
          %dma_start3A_263 = tpu.memref_slice %arg2[%mul3A_196, %dma_start3A_261, %dma_start3A_262] : memref<12500x2x128xi32, #tpu.memory_space<hbm>> -> memref<5x2x128xi32, #tpu.memory_space<hbm>>
          %dma_start3A_264 = arith.constant 0 : i32
          %dma_start3A_265 = arith.constant 0 : i32
          %dma_start3A_266 = tpu.memref_slice %arg2[%mul3A_196, %dma_start3A_264, %dma_start3A_265] : memref<12500x2x128xi32, #tpu.memory_space<hbm>> -> memref<5x2x128xi32, #tpu.memory_space<hbm>>
          tpu.enqueue_dma source(%dma_start3A_266 : memref<5x2x128xi32, #tpu.memory_space<hbm>>) target(%arg7 : memref<5x2x128xi32, #tpu.memory_space<vmem>>) target_semaphore(%run_scoped3A : memref<!tpu.dma_semaphore, #tpu.memory_space<semaphore_mem>>)
          %dma_wait3A_267 = arith.constant 0 : i32
          %dma_wait3A_268 = arith.constant 0 : i32
          %dma_wait3A_269 = tpu.memref_slice %arg2[%mul3A_196, %dma_wait3A_267, %dma_wait3A_268] : memref<12500x2x128xi32, #tpu.memory_space<hbm>> -> memref<5x2x128xi32, #tpu.memory_space<hbm>>
          %dma_wait3A_270 = arith.constant 0 : i32
          %dma_wait3A_271 = arith.constant 0 : i32
          %dma_wait3A_272 = tpu.memref_slice %arg2[%mul3A_196, %dma_wait3A_270, %dma_wait3A_271] : memref<12500x2x128xi32, #tpu.memory_space<hbm>> -> memref<5x2x128xi32, #tpu.memory_space<hbm>>
          tpu.wait_dma2 semaphore(%run_scoped3A : memref<!tpu.dma_semaphore, #tpu.memory_space<semaphore_mem>>) src(%dma_wait3A_272 : memref<5x2x128xi32, #tpu.memory_space<hbm>>) dst(%arg7 : memref<5x2x128xi32, #tpu.memory_space<vmem>>)
          tpu.yield
        }) : () -> ()
        %dma_start3A = arith.constant 0 : i32
        %dma_start3A_197 = arith.constant 0 : i32
        %dma_start3A_198 = arith.constant 0 : i32
        %dma_start3A_199 = arith.constant 0 : i32
        %dma_start3A_200 = arith.constant 0 : i32
        %dma_start3A_201 = tpu.memref_slice %arg9[%dma_start3A_198, %dma_start3A_199, %dma_start3A_200] : memref<5x128x16xf32, #tpu.memory_space<vmem>> -> memref<1x128x16xf32, #tpu.memory_space<vmem>>
        %dma_start3A_202 = tpu.memref_squeeze %dma_start3A_201 : memref<1x128x16xf32, #tpu.memory_space<vmem>> -> memref<128x16xf32, #tpu.memory_space<vmem>>
        %dma_start3A_203 = arith.constant 0 : i32
        %dma_start3A_204 = tpu.memref_slice %arg7[%dma_start3A, %dma_start3A_197, %dma_start3A_203] : memref<5x2x128xi32, #tpu.memory_space<vmem>> -> memref<1x1x128xi32, #tpu.memory_space<vmem>>
        %dma_start3A_205 = tpu.memref_squeeze %dma_start3A_204 : memref<1x1x128xi32, #tpu.memory_space<vmem>> -> memref<128xi32, #tpu.memory_space<vmem>>
        %dma_start3A_206 = arith.constant 0 : i32
        %dma_start3A_207 = arith.constant 0 : i32
        %dma_start3A_208 = tpu.memref_slice %arg3[%dma_start3A_206, %dma_start3A_207] : memref<100000x16xf32, #tpu.memory_space<hbm>> -> memref<100000x16xf32, #tpu.memory_space<hbm>>
        tpu.enqueue_indirect_dma source(%dma_start3A_208 : memref<100000x16xf32, #tpu.memory_space<hbm>>) target(%dma_start3A_202 : memref<128x16xf32, #tpu.memory_space<vmem>>) offsets(%dma_start3A_205 : memref<128xi32, #tpu.memory_space<vmem>>) semaphore(%arg12 : memref<!tpu.dma_semaphore, #tpu.memory_space<semaphore_mem>>)
        %dma_start3A_209 = arith.constant 1 : i32
        %dma_start3A_210 = arith.constant 0 : i32
        %dma_start3A_211 = arith.constant 1 : i32
        %dma_start3A_212 = arith.constant 0 : i32
        %dma_start3A_213 = arith.constant 0 : i32
        %dma_start3A_214 = tpu.memref_slice %arg9[%dma_start3A_211, %dma_start3A_212, %dma_start3A_213] : memref<5x128x16xf32, #tpu.memory_space<vmem>> -> memref<1x128x16xf32, #tpu.memory_space<vmem>>
        %dma_start3A_215 = tpu.memref_squeeze %dma_start3A_214 : memref<1x128x16xf32, #tpu.memory_space<vmem>> -> memref<128x16xf32, #tpu.memory_space<vmem>>
        %dma_start3A_216 = arith.constant 0 : i32
        %dma_start3A_217 = tpu.memref_slice %arg7[%dma_start3A_209, %dma_start3A_210, %dma_start3A_216] : memref<5x2x128xi32, #tpu.memory_space<vmem>> -> memref<1x1x128xi32, #tpu.memory_space<vmem>>
        %dma_start3A_218 = tpu.memref_squeeze %dma_start3A_217 : memref<1x1x128xi32, #tpu.memory_space<vmem>> -> memref<128xi32, #tpu.memory_space<vmem>>
        %dma_start3A_219 = arith.constant 0 : i32
        %dma_start3A_220 = arith.constant 0 : i32
        %dma_start3A_221 = tpu.memref_slice %arg3[%dma_start3A_219, %dma_start3A_220] : memref<100000x16xf32, #tpu.memory_space<hbm>> -> memref<100000x16xf32, #tpu.memory_space<hbm>>
        tpu.enqueue_indirect_dma source(%dma_start3A_221 : memref<100000x16xf32, #tpu.memory_space<hbm>>) target(%dma_start3A_215 : memref<128x16xf32, #tpu.memory_space<vmem>>) offsets(%dma_start3A_218 : memref<128xi32, #tpu.memory_space<vmem>>) semaphore(%arg12 : memref<!tpu.dma_semaphore, #tpu.memory_space<semaphore_mem>>)
        %dma_start3A_222 = arith.constant 2 : i32
        %dma_start3A_223 = arith.constant 0 : i32
        %dma_start3A_224 = arith.constant 2 : i32
        %dma_start3A_225 = arith.constant 0 : i32
        %dma_start3A_226 = arith.constant 0 : i32
        %dma_start3A_227 = tpu.memref_slice %arg9[%dma_start3A_224, %dma_start3A_225, %dma_start3A_226] : memref<5x128x16xf32, #tpu.memory_space<vmem>> -> memref<1x128x16xf32, #tpu.memory_space<vmem>>
        %dma_start3A_228 = tpu.memref_squeeze %dma_start3A_227 : memref<1x128x16xf32, #tpu.memory_space<vmem>> -> memref<128x16xf32, #tpu.memory_space<vmem>>
        %dma_start3A_229 = arith.constant 0 : i32
        %dma_start3A_230 = tpu.memref_slice %arg7[%dma_start3A_222, %dma_start3A_223, %dma_start3A_229] : memref<5x2x128xi32, #tpu.memory_space<vmem>> -> memref<1x1x128xi32, #tpu.memory_space<vmem>>
        %dma_start3A_231 = tpu.memref_squeeze %dma_start3A_230 : memref<1x1x128xi32, #tpu.memory_space<vmem>> -> memref<128xi32, #tpu.memory_space<vmem>>
        %dma_start3A_232 = arith.constant 0 : i32
        %dma_start3A_233 = arith.constant 0 : i32
        %dma_start3A_234 = tpu.memref_slice %arg3[%dma_start3A_232, %dma_start3A_233] : memref<100000x16xf32, #tpu.memory_space<hbm>> -> memref<100000x16xf32, #tpu.memory_space<hbm>>
        tpu.enqueue_indirect_dma source(%dma_start3A_234 : memref<100000x16xf32, #tpu.memory_space<hbm>>) target(%dma_start3A_228 : memref<128x16xf32, #tpu.memory_space<vmem>>) offsets(%dma_start3A_231 : memref<128xi32, #tpu.memory_space<vmem>>) semaphore(%arg12 : memref<!tpu.dma_semaphore, #tpu.memory_space<semaphore_mem>>)
        %dma_start3A_235 = arith.constant 3 : i32
        %dma_start3A_236 = arith.constant 0 : i32
        %dma_start3A_237 = arith.constant 3 : i32
        %dma_start3A_238 = arith.constant 0 : i32
        %dma_start3A_239 = arith.constant 0 : i32
        %dma_start3A_240 = tpu.memref_slice %arg9[%dma_start3A_237, %dma_start3A_238, %dma_start3A_239] : memref<5x128x16xf32, #tpu.memory_space<vmem>> -> memref<1x128x16xf32, #tpu.memory_space<vmem>>
        %dma_start3A_241 = tpu.memref_squeeze %dma_start3A_240 : memref<1x128x16xf32, #tpu.memory_space<vmem>> -> memref<128x16xf32, #tpu.memory_space<vmem>>
        %dma_start3A_242 = arith.constant 0 : i32
        %dma_start3A_243 = tpu.memref_slice %arg7[%dma_start3A_235, %dma_start3A_236, %dma_start3A_242] : memref<5x2x128xi32, #tpu.memory_space<vmem>> -> memref<1x1x128xi32, #tpu.memory_space<vmem>>
        %dma_start3A_244 = tpu.memref_squeeze %dma_start3A_243 : memref<1x1x128xi32, #tpu.memory_space<vmem>> -> memref<128xi32, #tpu.memory_space<vmem>>
        %dma_start3A_245 = arith.constant 0 : i32
        %dma_start3A_246 = arith.constant 0 : i32
        %dma_start3A_247 = tpu.memref_slice %arg3[%dma_start3A_245, %dma_start3A_246] : memref<100000x16xf32, #tpu.memory_space<hbm>> -> memref<100000x16xf32, #tpu.memory_space<hbm>>
        tpu.enqueue_indirect_dma source(%dma_start3A_247 : memref<100000x16xf32, #tpu.memory_space<hbm>>) target(%dma_start3A_241 : memref<128x16xf32, #tpu.memory_space<vmem>>) offsets(%dma_start3A_244 : memref<128xi32, #tpu.memory_space<vmem>>) semaphore(%arg12 : memref<!tpu.dma_semaphore, #tpu.memory_space<semaphore_mem>>)
        %dma_start3A_248 = arith.constant 4 : i32
        %dma_start3A_249 = arith.constant 0 : i32
        %dma_start3A_250 = arith.constant 4 : i32
        %dma_start3A_251 = arith.constant 0 : i32
        %dma_start3A_252 = arith.constant 0 : i32
        %dma_start3A_253 = tpu.memref_slice %arg9[%dma_start3A_250, %dma_start3A_251, %dma_start3A_252] : memref<5x128x16xf32, #tpu.memory_space<vmem>> -> memref<1x128x16xf32, #tpu.memory_space<vmem>>
        %dma_start3A_254 = tpu.memref_squeeze %dma_start3A_253 : memref<1x128x16xf32, #tpu.memory_space<vmem>> -> memref<128x16xf32, #tpu.memory_space<vmem>>
        %dma_start3A_255 = arith.constant 0 : i32
        %dma_start3A_256 = tpu.memref_slice %arg7[%dma_start3A_248, %dma_start3A_249, %dma_start3A_255] : memref<5x2x128xi32, #tpu.memory_space<vmem>> -> memref<1x1x128xi32, #tpu.memory_space<vmem>>
        %dma_start3A_257 = tpu.memref_squeeze %dma_start3A_256 : memref<1x1x128xi32, #tpu.memory_space<vmem>> -> memref<128xi32, #tpu.memory_space<vmem>>
        %dma_start3A_258 = arith.constant 0 : i32
        %dma_start3A_259 = arith.constant 0 : i32
        %dma_start3A_260 = tpu.memref_slice %arg3[%dma_start3A_258, %dma_start3A_259] : memref<100000x16xf32, #tpu.memory_space<hbm>> -> memref<100000x16xf32, #tpu.memory_space<hbm>>
        tpu.enqueue_indirect_dma source(%dma_start3A_260 : memref<100000x16xf32, #tpu.memory_space<hbm>>) target(%dma_start3A_254 : memref<128x16xf32, #tpu.memory_space<vmem>>) offsets(%dma_start3A_257 : memref<128xi32, #tpu.memory_space<vmem>>) semaphore(%arg12 : memref<!tpu.dma_semaphore, #tpu.memory_space<semaphore_mem>>)
      } else {
      }
      %mul3A_167 = arith.constant 2 : i32
      %mul3A_168 = arith.muli %mul3A_167, %scan3A_145 : i32
      %add3A_169 = arith.constant 0 : i32
      %add3A_170 = arith.addi %mul3A_168, %add3A_169 : i32
      %mul3A_171 = arith.constant 32 : i32
      %mul3A_172 = arith.muli %add3A_170, %mul3A_171 : i32
      %add3A_173 = arith.addi %add3A, %mul3A_172 : i32
      %lt3A_174 = arith.constant 2500 : i32
      %lt3A_175 = arith.cmpi slt, %add3A_173, %lt3A_174 : i32
      %convert_element_type3A_176 = arith.extui %lt3A_175 : i1 to i32
      %cond3A_177 = arith.constant 0 : i32
      %cond3A_178 = arith.cmpi ne, %convert_element_type3A_176, %cond3A_177 : i32
      scf.if %cond3A_178 {
        %dma_wait3A_191 = arith.constant 0 : i32
        %dma_wait3A_192 = arith.constant 0 : i32
        %dma_wait3A_193 = arith.constant 0 : i32
        %dma_wait3A_194 = arith.constant 0 : i32
        %dma_wait3A_195 = arith.constant 0 : i32
        %dma_wait3A_196 = tpu.memref_slice %arg8[%dma_wait3A_193, %dma_wait3A_194, %dma_wait3A_195] : memref<5x128x16xf32, #tpu.memory_space<vmem>> -> memref<1x128x16xf32, #tpu.memory_space<vmem>>
        %dma_wait3A_197 = tpu.memref_squeeze %dma_wait3A_196 : memref<1x128x16xf32, #tpu.memory_space<vmem>> -> memref<128x16xf32, #tpu.memory_space<vmem>>
        %dma_wait3A_198 = arith.constant 0 : i32
        %dma_wait3A_199 = tpu.memref_slice %arg6[%dma_wait3A_191, %dma_wait3A_192, %dma_wait3A_198] : memref<5x2x128xi32, #tpu.memory_space<vmem>> -> memref<1x1x128xi32, #tpu.memory_space<vmem>>
        %dma_wait3A_200 = tpu.memref_squeeze %dma_wait3A_199 : memref<1x1x128xi32, #tpu.memory_space<vmem>> -> memref<128xi32, #tpu.memory_space<vmem>>
        %dma_wait3A_201 = arith.constant 0 : i32
        %dma_wait3A_202 = arith.constant 0 : i32
        %dma_wait3A_203 = tpu.memref_slice %arg3[%dma_wait3A_201, %dma_wait3A_202] : memref<100000x16xf32, #tpu.memory_space<hbm>> -> memref<100000x16xf32, #tpu.memory_space<hbm>>
        tpu.wait_indirect_dma semaphore(%arg11 : memref<!tpu.dma_semaphore, #tpu.memory_space<semaphore_mem>>) src(%dma_wait3A_203 : memref<100000x16xf32, #tpu.memory_space<hbm>>) dst(%dma_wait3A_197 : memref<128x16xf32, #tpu.memory_space<vmem>>)
        %dma_wait3A_204 = arith.constant 1 : i32
        %dma_wait3A_205 = arith.constant 0 : i32
        %dma_wait3A_206 = arith.constant 1 : i32
        %dma_wait3A_207 = arith.constant 0 : i32
        %dma_wait3A_208 = arith.constant 0 : i32
        %dma_wait3A_209 = tpu.memref_slice %arg8[%dma_wait3A_206, %dma_wait3A_207, %dma_wait3A_208] : memref<5x128x16xf32, #tpu.memory_space<vmem>> -> memref<1x128x16xf32, #tpu.memory_space<vmem>>
        %dma_wait3A_210 = tpu.memref_squeeze %dma_wait3A_209 : memref<1x128x16xf32, #tpu.memory_space<vmem>> -> memref<128x16xf32, #tpu.memory_space<vmem>>
        %dma_wait3A_211 = arith.constant 0 : i32
        %dma_wait3A_212 = tpu.memref_slice %arg6[%dma_wait3A_204, %dma_wait3A_205, %dma_wait3A_211] : memref<5x2x128xi32, #tpu.memory_space<vmem>> -> memref<1x1x128xi32, #tpu.memory_space<vmem>>
        %dma_wait3A_213 = tpu.memref_squeeze %dma_wait3A_212 : memref<1x1x128xi32, #tpu.memory_space<vmem>> -> memref<128xi32, #tpu.memory_space<vmem>>
        %dma_wait3A_214 = arith.constant 0 : i32
        %dma_wait3A_215 = arith.constant 0 : i32
        %dma_wait3A_216 = tpu.memref_slice %arg3[%dma_wait3A_214, %dma_wait3A_215] : memref<100000x16xf32, #tpu.memory_space<hbm>> -> memref<100000x16xf32, #tpu.memory_space<hbm>>
        tpu.wait_indirect_dma semaphore(%arg11 : memref<!tpu.dma_semaphore, #tpu.memory_space<semaphore_mem>>) src(%dma_wait3A_216 : memref<100000x16xf32, #tpu.memory_space<hbm>>) dst(%dma_wait3A_210 : memref<128x16xf32, #tpu.memory_space<vmem>>)
        %dma_wait3A_217 = arith.constant 2 : i32
        %dma_wait3A_218 = arith.constant 0 : i32
        %dma_wait3A_219 = arith.constant 2 : i32
        %dma_wait3A_220 = arith.constant 0 : i32
        %dma_wait3A_221 = arith.constant 0 : i32
        %dma_wait3A_222 = tpu.memref_slice %arg8[%dma_wait3A_219, %dma_wait3A_220, %dma_wait3A_221] : memref<5x128x16xf32, #tpu.memory_space<vmem>> -> memref<1x128x16xf32, #tpu.memory_space<vmem>>
        %dma_wait3A_223 = tpu.memref_squeeze %dma_wait3A_222 : memref<1x128x16xf32, #tpu.memory_space<vmem>> -> memref<128x16xf32, #tpu.memory_space<vmem>>
        %dma_wait3A_224 = arith.constant 0 : i32
        %dma_wait3A_225 = tpu.memref_slice %arg6[%dma_wait3A_217, %dma_wait3A_218, %dma_wait3A_224] : memref<5x2x128xi32, #tpu.memory_space<vmem>> -> memref<1x1x128xi32, #tpu.memory_space<vmem>>
        %dma_wait3A_226 = tpu.memref_squeeze %dma_wait3A_225 : memref<1x1x128xi32, #tpu.memory_space<vmem>> -> memref<128xi32, #tpu.memory_space<vmem>>
        %dma_wait3A_227 = arith.constant 0 : i32
        %dma_wait3A_228 = arith.constant 0 : i32
        %dma_wait3A_229 = tpu.memref_slice %arg3[%dma_wait3A_227, %dma_wait3A_228] : memref<100000x16xf32, #tpu.memory_space<hbm>> -> memref<100000x16xf32, #tpu.memory_space<hbm>>
        tpu.wait_indirect_dma semaphore(%arg11 : memref<!tpu.dma_semaphore, #tpu.memory_space<semaphore_mem>>) src(%dma_wait3A_229 : memref<100000x16xf32, #tpu.memory_space<hbm>>) dst(%dma_wait3A_223 : memref<128x16xf32, #tpu.memory_space<vmem>>)
        %dma_wait3A_230 = arith.constant 3 : i32
        %dma_wait3A_231 = arith.constant 0 : i32
        %dma_wait3A_232 = arith.constant 3 : i32
        %dma_wait3A_233 = arith.constant 0 : i32
        %dma_wait3A_234 = arith.constant 0 : i32
        %dma_wait3A_235 = tpu.memref_slice %arg8[%dma_wait3A_232, %dma_wait3A_233, %dma_wait3A_234] : memref<5x128x16xf32, #tpu.memory_space<vmem>> -> memref<1x128x16xf32, #tpu.memory_space<vmem>>
        %dma_wait3A_236 = tpu.memref_squeeze %dma_wait3A_235 : memref<1x128x16xf32, #tpu.memory_space<vmem>> -> memref<128x16xf32, #tpu.memory_space<vmem>>
        %dma_wait3A_237 = arith.constant 0 : i32
        %dma_wait3A_238 = tpu.memref_slice %arg6[%dma_wait3A_230, %dma_wait3A_231, %dma_wait3A_237] : memref<5x2x128xi32, #tpu.memory_space<vmem>> -> memref<1x1x128xi32, #tpu.memory_space<vmem>>
        %dma_wait3A_239 = tpu.memref_squeeze %dma_wait3A_238 : memref<1x1x128xi32, #tpu.memory_space<vmem>> -> memref<128xi32, #tpu.memory_space<vmem>>
        %dma_wait3A_240 = arith.constant 0 : i32
        %dma_wait3A_241 = arith.constant 0 : i32
        %dma_wait3A_242 = tpu.memref_slice %arg3[%dma_wait3A_240, %dma_wait3A_241] : memref<100000x16xf32, #tpu.memory_space<hbm>> -> memref<100000x16xf32, #tpu.memory_space<hbm>>
        tpu.wait_indirect_dma semaphore(%arg11 : memref<!tpu.dma_semaphore, #tpu.memory_space<semaphore_mem>>) src(%dma_wait3A_242 : memref<100000x16xf32, #tpu.memory_space<hbm>>) dst(%dma_wait3A_236 : memref<128x16xf32, #tpu.memory_space<vmem>>)
        %dma_wait3A_243 = arith.constant 4 : i32
        %dma_wait3A_244 = arith.constant 0 : i32
        %dma_wait3A_245 = arith.constant 4 : i32
        %dma_wait3A_246 = arith.constant 0 : i32
        %dma_wait3A_247 = arith.constant 0 : i32
        %dma_wait3A_248 = tpu.memref_slice %arg8[%dma_wait3A_245, %dma_wait3A_246, %dma_wait3A_247] : memref<5x128x16xf32, #tpu.memory_space<vmem>> -> memref<1x128x16xf32, #tpu.memory_space<vmem>>
        %dma_wait3A_249 = tpu.memref_squeeze %dma_wait3A_248 : memref<1x128x16xf32, #tpu.memory_space<vmem>> -> memref<128x16xf32, #tpu.memory_space<vmem>>
        %dma_wait3A_250 = arith.constant 0 : i32
        %dma_wait3A_251 = tpu.memref_slice %arg6[%dma_wait3A_243, %dma_wait3A_244, %dma_wait3A_250] : memref<5x2x128xi32, #tpu.memory_space<vmem>> -> memref<1x1x128xi32, #tpu.memory_space<vmem>>
        %dma_wait3A_252 = tpu.memref_squeeze %dma_wait3A_251 : memref<1x1x128xi32, #tpu.memory_space<vmem>> -> memref<128xi32, #tpu.memory_space<vmem>>
        %dma_wait3A_253 = arith.constant 0 : i32
        %dma_wait3A_254 = arith.constant 0 : i32
        %dma_wait3A_255 = tpu.memref_slice %arg3[%dma_wait3A_253, %dma_wait3A_254] : memref<100000x16xf32, #tpu.memory_space<hbm>> -> memref<100000x16xf32, #tpu.memory_space<hbm>>
        tpu.wait_indirect_dma semaphore(%arg11 : memref<!tpu.dma_semaphore, #tpu.memory_space<semaphore_mem>>) src(%dma_wait3A_255 : memref<100000x16xf32, #tpu.memory_space<hbm>>) dst(%dma_wait3A_249 : memref<128x16xf32, #tpu.memory_space<vmem>>)
        %dma_start3A = arith.constant 0 : i32
        %dma_start3A_256 = arith.constant 0 : i32
        %dma_start3A_257 = arith.constant 1 : i32
        %dma_start3A_258 = arith.constant 0 : i32
        %dma_start3A_259 = arith.constant 0 : i32
        %dma_start3A_260 = tpu.memref_slice %arg8[%dma_start3A, %dma_start3A_258, %dma_start3A_259] : memref<5x128x16xf32, #tpu.memory_space<vmem>> -> memref<1x128x16xf32, #tpu.memory_space<vmem>>
        %dma_start3A_261 = tpu.memref_squeeze %dma_start3A_260 : memref<1x128x16xf32, #tpu.memory_space<vmem>> -> memref<128x16xf32, #tpu.memory_space<vmem>>
        %dma_start3A_262 = arith.constant 0 : i32
        %dma_start3A_263 = tpu.memref_slice %arg6[%dma_start3A_256, %dma_start3A_257, %dma_start3A_262] : memref<5x2x128xi32, #tpu.memory_space<vmem>> -> memref<1x1x128xi32, #tpu.memory_space<vmem>>
        %dma_start3A_264 = tpu.memref_squeeze %dma_start3A_263 : memref<1x1x128xi32, #tpu.memory_space<vmem>> -> memref<128xi32, #tpu.memory_space<vmem>>
        %dma_start3A_265 = arith.constant 0 : i32
        %dma_start3A_266 = arith.constant 0 : i32
        %dma_start3A_267 = tpu.memref_slice %arg10[%dma_start3A_265, %dma_start3A_266] : memref<100000x16xf32, #tpu.memory_space<vmem_shared>> -> memref<100000x16xf32, #tpu.memory_space<vmem_shared>>
        tpu.enqueue_indirect_dma source(%dma_start3A_261 : memref<128x16xf32, #tpu.memory_space<vmem>>) target(%dma_start3A_267 : memref<100000x16xf32, #tpu.memory_space<vmem_shared>>) offsets(%dma_start3A_264 : memref<128xi32, #tpu.memory_space<vmem>>) semaphore(%arg13 : memref<!tpu.dma_semaphore, #tpu.memory_space<semaphore_mem>>) {add = true}
        %dma_start3A_268 = arith.constant 1 : i32
        %dma_start3A_269 = arith.constant 1 : i32
        %dma_start3A_270 = arith.constant 1 : i32
        %dma_start3A_271 = arith.constant 0 : i32
        %dma_start3A_272 = arith.constant 0 : i32
        %dma_start3A_273 = tpu.memref_slice %arg8[%dma_start3A_268, %dma_start3A_271, %dma_start3A_272] : memref<5x128x16xf32, #tpu.memory_space<vmem>> -> memref<1x128x16xf32, #tpu.memory_space<vmem>>
        %dma_start3A_274 = tpu.memref_squeeze %dma_start3A_273 : memref<1x128x16xf32, #tpu.memory_space<vmem>> -> memref<128x16xf32, #tpu.memory_space<vmem>>
        %dma_start3A_275 = arith.constant 0 : i32
        %dma_start3A_276 = tpu.memref_slice %arg6[%dma_start3A_269, %dma_start3A_270, %dma_start3A_275] : memref<5x2x128xi32, #tpu.memory_space<vmem>> -> memref<1x1x128xi32, #tpu.memory_space<vmem>>
        %dma_start3A_277 = tpu.memref_squeeze %dma_start3A_276 : memref<1x1x128xi32, #tpu.memory_space<vmem>> -> memref<128xi32, #tpu.memory_space<vmem>>
        %dma_start3A_278 = arith.constant 0 : i32
        %dma_start3A_279 = arith.constant 0 : i32
        %dma_start3A_280 = tpu.memref_slice %arg10[%dma_start3A_278, %dma_start3A_279] : memref<100000x16xf32, #tpu.memory_space<vmem_shared>> -> memref<100000x16xf32, #tpu.memory_space<vmem_shared>>
        tpu.enqueue_indirect_dma source(%dma_start3A_274 : memref<128x16xf32, #tpu.memory_space<vmem>>) target(%dma_start3A_280 : memref<100000x16xf32, #tpu.memory_space<vmem_shared>>) offsets(%dma_start3A_277 : memref<128xi32, #tpu.memory_space<vmem>>) semaphore(%arg13 : memref<!tpu.dma_semaphore, #tpu.memory_space<semaphore_mem>>) {add = true}
        %dma_start3A_281 = arith.constant 2 : i32
        %dma_start3A_282 = arith.constant 2 : i32
        %dma_start3A_283 = arith.constant 1 : i32
        %dma_start3A_284 = arith.constant 0 : i32
        %dma_start3A_285 = arith.constant 0 : i32
        %dma_start3A_286 = tpu.memref_slice %arg8[%dma_start3A_281, %dma_start3A_284, %dma_start3A_285] : memref<5x128x16xf32, #tpu.memory_space<vmem>> -> memref<1x128x16xf32, #tpu.memory_space<vmem>>
        %dma_start3A_287 = tpu.memref_squeeze %dma_start3A_286 : memref<1x128x16xf32, #tpu.memory_space<vmem>> -> memref<128x16xf32, #tpu.memory_space<vmem>>
        %dma_start3A_288 = arith.constant 0 : i32
        %dma_start3A_289 = tpu.memref_slice %arg6[%dma_start3A_282, %dma_start3A_283, %dma_start3A_288] : memref<5x2x128xi32, #tpu.memory_space<vmem>> -> memref<1x1x128xi32, #tpu.memory_space<vmem>>
        %dma_start3A_290 = tpu.memref_squeeze %dma_start3A_289 : memref<1x1x128xi32, #tpu.memory_space<vmem>> -> memref<128xi32, #tpu.memory_space<vmem>>
        %dma_start3A_291 = arith.constant 0 : i32
        %dma_start3A_292 = arith.constant 0 : i32
        %dma_start3A_293 = tpu.memref_slice %arg10[%dma_start3A_291, %dma_start3A_292] : memref<100000x16xf32, #tpu.memory_space<vmem_shared>> -> memref<100000x16xf32, #tpu.memory_space<vmem_shared>>
        tpu.enqueue_indirect_dma source(%dma_start3A_287 : memref<128x16xf32, #tpu.memory_space<vmem>>) target(%dma_start3A_293 : memref<100000x16xf32, #tpu.memory_space<vmem_shared>>) offsets(%dma_start3A_290 : memref<128xi32, #tpu.memory_space<vmem>>) semaphore(%arg13 : memref<!tpu.dma_semaphore, #tpu.memory_space<semaphore_mem>>) {add = true}
        %dma_start3A_294 = arith.constant 3 : i32
        %dma_start3A_295 = arith.constant 3 : i32
        %dma_start3A_296 = arith.constant 1 : i32
        %dma_start3A_297 = arith.constant 0 : i32
        %dma_start3A_298 = arith.constant 0 : i32
        %dma_start3A_299 = tpu.memref_slice %arg8[%dma_start3A_294, %dma_start3A_297, %dma_start3A_298] : memref<5x128x16xf32, #tpu.memory_space<vmem>> -> memref<1x128x16xf32, #tpu.memory_space<vmem>>
        %dma_start3A_300 = tpu.memref_squeeze %dma_start3A_299 : memref<1x128x16xf32, #tpu.memory_space<vmem>> -> memref<128x16xf32, #tpu.memory_space<vmem>>
        %dma_start3A_301 = arith.constant 0 : i32
        %dma_start3A_302 = tpu.memref_slice %arg6[%dma_start3A_295, %dma_start3A_296, %dma_start3A_301] : memref<5x2x128xi32, #tpu.memory_space<vmem>> -> memref<1x1x128xi32, #tpu.memory_space<vmem>>
        %dma_start3A_303 = tpu.memref_squeeze %dma_start3A_302 : memref<1x1x128xi32, #tpu.memory_space<vmem>> -> memref<128xi32, #tpu.memory_space<vmem>>
        %dma_start3A_304 = arith.constant 0 : i32
        %dma_start3A_305 = arith.constant 0 : i32
        %dma_start3A_306 = tpu.memref_slice %arg10[%dma_start3A_304, %dma_start3A_305] : memref<100000x16xf32, #tpu.memory_space<vmem_shared>> -> memref<100000x16xf32, #tpu.memory_space<vmem_shared>>
        tpu.enqueue_indirect_dma source(%dma_start3A_300 : memref<128x16xf32, #tpu.memory_space<vmem>>) target(%dma_start3A_306 : memref<100000x16xf32, #tpu.memory_space<vmem_shared>>) offsets(%dma_start3A_303 : memref<128xi32, #tpu.memory_space<vmem>>) semaphore(%arg13 : memref<!tpu.dma_semaphore, #tpu.memory_space<semaphore_mem>>) {add = true}
        %dma_start3A_307 = arith.constant 4 : i32
        %dma_start3A_308 = arith.constant 4 : i32
        %dma_start3A_309 = arith.constant 1 : i32
        %dma_start3A_310 = arith.constant 0 : i32
        %dma_start3A_311 = arith.constant 0 : i32
        %dma_start3A_312 = tpu.memref_slice %arg8[%dma_start3A_307, %dma_start3A_310, %dma_start3A_311] : memref<5x128x16xf32, #tpu.memory_space<vmem>> -> memref<1x128x16xf32, #tpu.memory_space<vmem>>
        %dma_start3A_313 = tpu.memref_squeeze %dma_start3A_312 : memref<1x128x16xf32, #tpu.memory_space<vmem>> -> memref<128x16xf32, #tpu.memory_space<vmem>>
        %dma_start3A_314 = arith.constant 0 : i32
        %dma_start3A_315 = tpu.memref_slice %arg6[%dma_start3A_308, %dma_start3A_309, %dma_start3A_314] : memref<5x2x128xi32, #tpu.memory_space<vmem>> -> memref<1x1x128xi32, #tpu.memory_space<vmem>>
        %dma_start3A_316 = tpu.memref_squeeze %dma_start3A_315 : memref<1x1x128xi32, #tpu.memory_space<vmem>> -> memref<128xi32, #tpu.memory_space<vmem>>
        %dma_start3A_317 = arith.constant 0 : i32
        %dma_start3A_318 = arith.constant 0 : i32
        %dma_start3A_319 = tpu.memref_slice %arg10[%dma_start3A_317, %dma_start3A_318] : memref<100000x16xf32, #tpu.memory_space<vmem_shared>> -> memref<100000x16xf32, #tpu.memory_space<vmem_shared>>
        tpu.enqueue_indirect_dma source(%dma_start3A_313 : memref<128x16xf32, #tpu.memory_space<vmem>>) target(%dma_start3A_319 : memref<100000x16xf32, #tpu.memory_space<vmem_shared>>) offsets(%dma_start3A_316 : memref<128xi32, #tpu.memory_space<vmem>>) semaphore(%arg13 : memref<!tpu.dma_semaphore, #tpu.memory_space<semaphore_mem>>) {add = true}
      } else {
      }
      %mul3A_179 = arith.constant 2 : i32
      %mul3A_180 = arith.muli %mul3A_179, %scan3A_145 : i32
      %add3A_181 = arith.constant 1 : i32
      %add3A_182 = arith.addi %mul3A_180, %add3A_181 : i32
      %mul3A_183 = arith.constant 32 : i32
      %mul3A_184 = arith.muli %add3A_182, %mul3A_183 : i32
      %add3A_185 = arith.addi %add3A, %mul3A_184 : i32
      %lt3A_186 = arith.constant 2500 : i32
      %lt3A_187 = arith.cmpi slt, %add3A_185, %lt3A_186 : i32
      %convert_element_type3A_188 = arith.extui %lt3A_187 : i1 to i32
      %cond3A_189 = arith.constant 0 : i32
      %cond3A_190 = arith.cmpi ne, %convert_element_type3A_188, %cond3A_189 : i32
      scf.if %cond3A_190 {
        %dma_wait3A_191 = arith.constant 0 : i32
        %dma_wait3A_192 = arith.constant 0 : i32
        %dma_wait3A_193 = arith.constant 0 : i32
        %dma_wait3A_194 = arith.constant 0 : i32
        %dma_wait3A_195 = arith.constant 0 : i32
        %dma_wait3A_196 = tpu.memref_slice %arg9[%dma_wait3A_193, %dma_wait3A_194, %dma_wait3A_195] : memref<5x128x16xf32, #tpu.memory_space<vmem>> -> memref<1x128x16xf32, #tpu.memory_space<vmem>>
        %dma_wait3A_197 = tpu.memref_squeeze %dma_wait3A_196 : memref<1x128x16xf32, #tpu.memory_space<vmem>> -> memref<128x16xf32, #tpu.memory_space<vmem>>
        %dma_wait3A_198 = arith.constant 0 : i32
        %dma_wait3A_199 = tpu.memref_slice %arg7[%dma_wait3A_191, %dma_wait3A_192, %dma_wait3A_198] : memref<5x2x128xi32, #tpu.memory_space<vmem>> -> memref<1x1x128xi32, #tpu.memory_space<vmem>>
        %dma_wait3A_200 = tpu.memref_squeeze %dma_wait3A_199 : memref<1x1x128xi32, #tpu.memory_space<vmem>> -> memref<128xi32, #tpu.memory_space<vmem>>
        %dma_wait3A_201 = arith.constant 0 : i32
        %dma_wait3A_202 = arith.constant 0 : i32
        %dma_wait3A_203 = tpu.memref_slice %arg3[%dma_wait3A_201, %dma_wait3A_202] : memref<100000x16xf32, #tpu.memory_space<hbm>> -> memref<100000x16xf32, #tpu.memory_space<hbm>>
        tpu.wait_indirect_dma semaphore(%arg12 : memref<!tpu.dma_semaphore, #tpu.memory_space<semaphore_mem>>) src(%dma_wait3A_203 : memref<100000x16xf32, #tpu.memory_space<hbm>>) dst(%dma_wait3A_197 : memref<128x16xf32, #tpu.memory_space<vmem>>)
        %dma_wait3A_204 = arith.constant 1 : i32
        %dma_wait3A_205 = arith.constant 0 : i32
        %dma_wait3A_206 = arith.constant 1 : i32
        %dma_wait3A_207 = arith.constant 0 : i32
        %dma_wait3A_208 = arith.constant 0 : i32
        %dma_wait3A_209 = tpu.memref_slice %arg9[%dma_wait3A_206, %dma_wait3A_207, %dma_wait3A_208] : memref<5x128x16xf32, #tpu.memory_space<vmem>> -> memref<1x128x16xf32, #tpu.memory_space<vmem>>
        %dma_wait3A_210 = tpu.memref_squeeze %dma_wait3A_209 : memref<1x128x16xf32, #tpu.memory_space<vmem>> -> memref<128x16xf32, #tpu.memory_space<vmem>>
        %dma_wait3A_211 = arith.constant 0 : i32
        %dma_wait3A_212 = tpu.memref_slice %arg7[%dma_wait3A_204, %dma_wait3A_205, %dma_wait3A_211] : memref<5x2x128xi32, #tpu.memory_space<vmem>> -> memref<1x1x128xi32, #tpu.memory_space<vmem>>
        %dma_wait3A_213 = tpu.memref_squeeze %dma_wait3A_212 : memref<1x1x128xi32, #tpu.memory_space<vmem>> -> memref<128xi32, #tpu.memory_space<vmem>>
        %dma_wait3A_214 = arith.constant 0 : i32
        %dma_wait3A_215 = arith.constant 0 : i32
        %dma_wait3A_216 = tpu.memref_slice %arg3[%dma_wait3A_214, %dma_wait3A_215] : memref<100000x16xf32, #tpu.memory_space<hbm>> -> memref<100000x16xf32, #tpu.memory_space<hbm>>
        tpu.wait_indirect_dma semaphore(%arg12 : memref<!tpu.dma_semaphore, #tpu.memory_space<semaphore_mem>>) src(%dma_wait3A_216 : memref<100000x16xf32, #tpu.memory_space<hbm>>) dst(%dma_wait3A_210 : memref<128x16xf32, #tpu.memory_space<vmem>>)
        %dma_wait3A_217 = arith.constant 2 : i32
        %dma_wait3A_218 = arith.constant 0 : i32
        %dma_wait3A_219 = arith.constant 2 : i32
        %dma_wait3A_220 = arith.constant 0 : i32
        %dma_wait3A_221 = arith.constant 0 : i32
        %dma_wait3A_222 = tpu.memref_slice %arg9[%dma_wait3A_219, %dma_wait3A_220, %dma_wait3A_221] : memref<5x128x16xf32, #tpu.memory_space<vmem>> -> memref<1x128x16xf32, #tpu.memory_space<vmem>>
        %dma_wait3A_223 = tpu.memref_squeeze %dma_wait3A_222 : memref<1x128x16xf32, #tpu.memory_space<vmem>> -> memref<128x16xf32, #tpu.memory_space<vmem>>
        %dma_wait3A_224 = arith.constant 0 : i32
        %dma_wait3A_225 = tpu.memref_slice %arg7[%dma_wait3A_217, %dma_wait3A_218, %dma_wait3A_224] : memref<5x2x128xi32, #tpu.memory_space<vmem>> -> memref<1x1x128xi32, #tpu.memory_space<vmem>>
        %dma_wait3A_226 = tpu.memref_squeeze %dma_wait3A_225 : memref<1x1x128xi32, #tpu.memory_space<vmem>> -> memref<128xi32, #tpu.memory_space<vmem>>
        %dma_wait3A_227 = arith.constant 0 : i32
        %dma_wait3A_228 = arith.constant 0 : i32
        %dma_wait3A_229 = tpu.memref_slice %arg3[%dma_wait3A_227, %dma_wait3A_228] : memref<100000x16xf32, #tpu.memory_space<hbm>> -> memref<100000x16xf32, #tpu.memory_space<hbm>>
        tpu.wait_indirect_dma semaphore(%arg12 : memref<!tpu.dma_semaphore, #tpu.memory_space<semaphore_mem>>) src(%dma_wait3A_229 : memref<100000x16xf32, #tpu.memory_space<hbm>>) dst(%dma_wait3A_223 : memref<128x16xf32, #tpu.memory_space<vmem>>)
        %dma_wait3A_230 = arith.constant 3 : i32
        %dma_wait3A_231 = arith.constant 0 : i32
        %dma_wait3A_232 = arith.constant 3 : i32
        %dma_wait3A_233 = arith.constant 0 : i32
        %dma_wait3A_234 = arith.constant 0 : i32
        %dma_wait3A_235 = tpu.memref_slice %arg9[%dma_wait3A_232, %dma_wait3A_233, %dma_wait3A_234] : memref<5x128x16xf32, #tpu.memory_space<vmem>> -> memref<1x128x16xf32, #tpu.memory_space<vmem>>
        %dma_wait3A_236 = tpu.memref_squeeze %dma_wait3A_235 : memref<1x128x16xf32, #tpu.memory_space<vmem>> -> memref<128x16xf32, #tpu.memory_space<vmem>>
        %dma_wait3A_237 = arith.constant 0 : i32
        %dma_wait3A_238 = tpu.memref_slice %arg7[%dma_wait3A_230, %dma_wait3A_231, %dma_wait3A_237] : memref<5x2x128xi32, #tpu.memory_space<vmem>> -> memref<1x1x128xi32, #tpu.memory_space<vmem>>
        %dma_wait3A_239 = tpu.memref_squeeze %dma_wait3A_238 : memref<1x1x128xi32, #tpu.memory_space<vmem>> -> memref<128xi32, #tpu.memory_space<vmem>>
        %dma_wait3A_240 = arith.constant 0 : i32
        %dma_wait3A_241 = arith.constant 0 : i32
        %dma_wait3A_242 = tpu.memref_slice %arg3[%dma_wait3A_240, %dma_wait3A_241] : memref<100000x16xf32, #tpu.memory_space<hbm>> -> memref<100000x16xf32, #tpu.memory_space<hbm>>
        tpu.wait_indirect_dma semaphore(%arg12 : memref<!tpu.dma_semaphore, #tpu.memory_space<semaphore_mem>>) src(%dma_wait3A_242 : memref<100000x16xf32, #tpu.memory_space<hbm>>) dst(%dma_wait3A_236 : memref<128x16xf32, #tpu.memory_space<vmem>>)
        %dma_wait3A_243 = arith.constant 4 : i32
        %dma_wait3A_244 = arith.constant 0 : i32
        %dma_wait3A_245 = arith.constant 4 : i32
        %dma_wait3A_246 = arith.constant 0 : i32
        %dma_wait3A_247 = arith.constant 0 : i32
        %dma_wait3A_248 = tpu.memref_slice %arg9[%dma_wait3A_245, %dma_wait3A_246, %dma_wait3A_247] : memref<5x128x16xf32, #tpu.memory_space<vmem>> -> memref<1x128x16xf32, #tpu.memory_space<vmem>>
        %dma_wait3A_249 = tpu.memref_squeeze %dma_wait3A_248 : memref<1x128x16xf32, #tpu.memory_space<vmem>> -> memref<128x16xf32, #tpu.memory_space<vmem>>
        %dma_wait3A_250 = arith.constant 0 : i32
        %dma_wait3A_251 = tpu.memref_slice %arg7[%dma_wait3A_243, %dma_wait3A_244, %dma_wait3A_250] : memref<5x2x128xi32, #tpu.memory_space<vmem>> -> memref<1x1x128xi32, #tpu.memory_space<vmem>>
        %dma_wait3A_252 = tpu.memref_squeeze %dma_wait3A_251 : memref<1x1x128xi32, #tpu.memory_space<vmem>> -> memref<128xi32, #tpu.memory_space<vmem>>
        %dma_wait3A_253 = arith.constant 0 : i32
        %dma_wait3A_254 = arith.constant 0 : i32
        %dma_wait3A_255 = tpu.memref_slice %arg3[%dma_wait3A_253, %dma_wait3A_254] : memref<100000x16xf32, #tpu.memory_space<hbm>> -> memref<100000x16xf32, #tpu.memory_space<hbm>>
        tpu.wait_indirect_dma semaphore(%arg12 : memref<!tpu.dma_semaphore, #tpu.memory_space<semaphore_mem>>) src(%dma_wait3A_255 : memref<100000x16xf32, #tpu.memory_space<hbm>>) dst(%dma_wait3A_249 : memref<128x16xf32, #tpu.memory_space<vmem>>)
        %dma_start3A = arith.constant 0 : i32
        %dma_start3A_256 = arith.constant 0 : i32
        %dma_start3A_257 = arith.constant 1 : i32
        %dma_start3A_258 = arith.constant 0 : i32
        %dma_start3A_259 = arith.constant 0 : i32
        %dma_start3A_260 = tpu.memref_slice %arg9[%dma_start3A, %dma_start3A_258, %dma_start3A_259] : memref<5x128x16xf32, #tpu.memory_space<vmem>> -> memref<1x128x16xf32, #tpu.memory_space<vmem>>
        %dma_start3A_261 = tpu.memref_squeeze %dma_start3A_260 : memref<1x128x16xf32, #tpu.memory_space<vmem>> -> memref<128x16xf32, #tpu.memory_space<vmem>>
        %dma_start3A_262 = arith.constant 0 : i32
        %dma_start3A_263 = tpu.memref_slice %arg7[%dma_start3A_256, %dma_start3A_257, %dma_start3A_262] : memref<5x2x128xi32, #tpu.memory_space<vmem>> -> memref<1x1x128xi32, #tpu.memory_space<vmem>>
        %dma_start3A_264 = tpu.memref_squeeze %dma_start3A_263 : memref<1x1x128xi32, #tpu.memory_space<vmem>> -> memref<128xi32, #tpu.memory_space<vmem>>
        %dma_start3A_265 = arith.constant 0 : i32
        %dma_start3A_266 = arith.constant 0 : i32
        %dma_start3A_267 = tpu.memref_slice %arg10[%dma_start3A_265, %dma_start3A_266] : memref<100000x16xf32, #tpu.memory_space<vmem_shared>> -> memref<100000x16xf32, #tpu.memory_space<vmem_shared>>
        tpu.enqueue_indirect_dma source(%dma_start3A_261 : memref<128x16xf32, #tpu.memory_space<vmem>>) target(%dma_start3A_267 : memref<100000x16xf32, #tpu.memory_space<vmem_shared>>) offsets(%dma_start3A_264 : memref<128xi32, #tpu.memory_space<vmem>>) semaphore(%arg14 : memref<!tpu.dma_semaphore, #tpu.memory_space<semaphore_mem>>) {add = true}
        %dma_start3A_268 = arith.constant 1 : i32
        %dma_start3A_269 = arith.constant 1 : i32
        %dma_start3A_270 = arith.constant 1 : i32
        %dma_start3A_271 = arith.constant 0 : i32
        %dma_start3A_272 = arith.constant 0 : i32
        %dma_start3A_273 = tpu.memref_slice %arg9[%dma_start3A_268, %dma_start3A_271, %dma_start3A_272] : memref<5x128x16xf32, #tpu.memory_space<vmem>> -> memref<1x128x16xf32, #tpu.memory_space<vmem>>
        %dma_start3A_274 = tpu.memref_squeeze %dma_start3A_273 : memref<1x128x16xf32, #tpu.memory_space<vmem>> -> memref<128x16xf32, #tpu.memory_space<vmem>>
        %dma_start3A_275 = arith.constant 0 : i32
        %dma_start3A_276 = tpu.memref_slice %arg7[%dma_start3A_269, %dma_start3A_270, %dma_start3A_275] : memref<5x2x128xi32, #tpu.memory_space<vmem>> -> memref<1x1x128xi32, #tpu.memory_space<vmem>>
        %dma_start3A_277 = tpu.memref_squeeze %dma_start3A_276 : memref<1x1x128xi32, #tpu.memory_space<vmem>> -> memref<128xi32, #tpu.memory_space<vmem>>
        %dma_start3A_278 = arith.constant 0 : i32
        %dma_start3A_279 = arith.constant 0 : i32
        %dma_start3A_280 = tpu.memref_slice %arg10[%dma_start3A_278, %dma_start3A_279] : memref<100000x16xf32, #tpu.memory_space<vmem_shared>> -> memref<100000x16xf32, #tpu.memory_space<vmem_shared>>
        tpu.enqueue_indirect_dma source(%dma_start3A_274 : memref<128x16xf32, #tpu.memory_space<vmem>>) target(%dma_start3A_280 : memref<100000x16xf32, #tpu.memory_space<vmem_shared>>) offsets(%dma_start3A_277 : memref<128xi32, #tpu.memory_space<vmem>>) semaphore(%arg14 : memref<!tpu.dma_semaphore, #tpu.memory_space<semaphore_mem>>) {add = true}
        %dma_start3A_281 = arith.constant 2 : i32
        %dma_start3A_282 = arith.constant 2 : i32
        %dma_start3A_283 = arith.constant 1 : i32
        %dma_start3A_284 = arith.constant 0 : i32
        %dma_start3A_285 = arith.constant 0 : i32
        %dma_start3A_286 = tpu.memref_slice %arg9[%dma_start3A_281, %dma_start3A_284, %dma_start3A_285] : memref<5x128x16xf32, #tpu.memory_space<vmem>> -> memref<1x128x16xf32, #tpu.memory_space<vmem>>
        %dma_start3A_287 = tpu.memref_squeeze %dma_start3A_286 : memref<1x128x16xf32, #tpu.memory_space<vmem>> -> memref<128x16xf32, #tpu.memory_space<vmem>>
        %dma_start3A_288 = arith.constant 0 : i32
        %dma_start3A_289 = tpu.memref_slice %arg7[%dma_start3A_282, %dma_start3A_283, %dma_start3A_288] : memref<5x2x128xi32, #tpu.memory_space<vmem>> -> memref<1x1x128xi32, #tpu.memory_space<vmem>>
        %dma_start3A_290 = tpu.memref_squeeze %dma_start3A_289 : memref<1x1x128xi32, #tpu.memory_space<vmem>> -> memref<128xi32, #tpu.memory_space<vmem>>
        %dma_start3A_291 = arith.constant 0 : i32
        %dma_start3A_292 = arith.constant 0 : i32
        %dma_start3A_293 = tpu.memref_slice %arg10[%dma_start3A_291, %dma_start3A_292] : memref<100000x16xf32, #tpu.memory_space<vmem_shared>> -> memref<100000x16xf32, #tpu.memory_space<vmem_shared>>
        tpu.enqueue_indirect_dma source(%dma_start3A_287 : memref<128x16xf32, #tpu.memory_space<vmem>>) target(%dma_start3A_293 : memref<100000x16xf32, #tpu.memory_space<vmem_shared>>) offsets(%dma_start3A_290 : memref<128xi32, #tpu.memory_space<vmem>>) semaphore(%arg14 : memref<!tpu.dma_semaphore, #tpu.memory_space<semaphore_mem>>) {add = true}
        %dma_start3A_294 = arith.constant 3 : i32
        %dma_start3A_295 = arith.constant 3 : i32
        %dma_start3A_296 = arith.constant 1 : i32
        %dma_start3A_297 = arith.constant 0 : i32
        %dma_start3A_298 = arith.constant 0 : i32
        %dma_start3A_299 = tpu.memref_slice %arg9[%dma_start3A_294, %dma_start3A_297, %dma_start3A_298] : memref<5x128x16xf32, #tpu.memory_space<vmem>> -> memref<1x128x16xf32, #tpu.memory_space<vmem>>
        %dma_start3A_300 = tpu.memref_squeeze %dma_start3A_299 : memref<1x128x16xf32, #tpu.memory_space<vmem>> -> memref<128x16xf32, #tpu.memory_space<vmem>>
        %dma_start3A_301 = arith.constant 0 : i32
        %dma_start3A_302 = tpu.memref_slice %arg7[%dma_start3A_295, %dma_start3A_296, %dma_start3A_301] : memref<5x2x128xi32, #tpu.memory_space<vmem>> -> memref<1x1x128xi32, #tpu.memory_space<vmem>>
        %dma_start3A_303 = tpu.memref_squeeze %dma_start3A_302 : memref<1x1x128xi32, #tpu.memory_space<vmem>> -> memref<128xi32, #tpu.memory_space<vmem>>
        %dma_start3A_304 = arith.constant 0 : i32
        %dma_start3A_305 = arith.constant 0 : i32
        %dma_start3A_306 = tpu.memref_slice %arg10[%dma_start3A_304, %dma_start3A_305] : memref<100000x16xf32, #tpu.memory_space<vmem_shared>> -> memref<100000x16xf32, #tpu.memory_space<vmem_shared>>
        tpu.enqueue_indirect_dma source(%dma_start3A_300 : memref<128x16xf32, #tpu.memory_space<vmem>>) target(%dma_start3A_306 : memref<100000x16xf32, #tpu.memory_space<vmem_shared>>) offsets(%dma_start3A_303 : memref<128xi32, #tpu.memory_space<vmem>>) semaphore(%arg14 : memref<!tpu.dma_semaphore, #tpu.memory_space<semaphore_mem>>) {add = true}
        %dma_start3A_307 = arith.constant 4 : i32
        %dma_start3A_308 = arith.constant 4 : i32
        %dma_start3A_309 = arith.constant 1 : i32
        %dma_start3A_310 = arith.constant 0 : i32
        %dma_start3A_311 = arith.constant 0 : i32
        %dma_start3A_312 = tpu.memref_slice %arg9[%dma_start3A_307, %dma_start3A_310, %dma_start3A_311] : memref<5x128x16xf32, #tpu.memory_space<vmem>> -> memref<1x128x16xf32, #tpu.memory_space<vmem>>
        %dma_start3A_313 = tpu.memref_squeeze %dma_start3A_312 : memref<1x128x16xf32, #tpu.memory_space<vmem>> -> memref<128x16xf32, #tpu.memory_space<vmem>>
        %dma_start3A_314 = arith.constant 0 : i32
        %dma_start3A_315 = tpu.memref_slice %arg7[%dma_start3A_308, %dma_start3A_309, %dma_start3A_314] : memref<5x2x128xi32, #tpu.memory_space<vmem>> -> memref<1x1x128xi32, #tpu.memory_space<vmem>>
        %dma_start3A_316 = tpu.memref_squeeze %dma_start3A_315 : memref<1x1x128xi32, #tpu.memory_space<vmem>> -> memref<128xi32, #tpu.memory_space<vmem>>
        %dma_start3A_317 = arith.constant 0 : i32
        %dma_start3A_318 = arith.constant 0 : i32
        %dma_start3A_319 = tpu.memref_slice %arg10[%dma_start3A_317, %dma_start3A_318] : memref<100000x16xf32, #tpu.memory_space<vmem_shared>> -> memref<100000x16xf32, #tpu.memory_space<vmem_shared>>
        tpu.enqueue_indirect_dma source(%dma_start3A_313 : memref<128x16xf32, #tpu.memory_space<vmem>>) target(%dma_start3A_319 : memref<100000x16xf32, #tpu.memory_space<vmem_shared>>) offsets(%dma_start3A_316 : memref<128xi32, #tpu.memory_space<vmem>>) semaphore(%arg14 : memref<!tpu.dma_semaphore, #tpu.memory_space<semaphore_mem>>) {add = true}
      } else {
      }
    }
    %scan3A_9 = arith.constant 40 : i32
    %dma_wait3A = arith.constant 0 : i32
    %dma_wait3A_10 = arith.constant 0 : i32
    %dma_wait3A_11 = arith.constant 1 : i32
    %dma_wait3A_12 = arith.constant 0 : i32
    %dma_wait3A_13 = arith.constant 0 : i32
    %dma_wait3A_14 = tpu.memref_slice %arg8[%dma_wait3A, %dma_wait3A_12, %dma_wait3A_13] : memref<5x128x16xf32, #tpu.memory_space<vmem>> -> memref<1x128x16xf32, #tpu.memory_space<vmem>>
    %dma_wait3A_15 = tpu.memref_squeeze %dma_wait3A_14 : memref<1x128x16xf32, #tpu.memory_space<vmem>> -> memref<128x16xf32, #tpu.memory_space<vmem>>
    %dma_wait3A_16 = arith.constant 0 : i32
    %dma_wait3A_17 = tpu.memref_slice %arg6[%dma_wait3A_10, %dma_wait3A_11, %dma_wait3A_16] : memref<5x2x128xi32, #tpu.memory_space<vmem>> -> memref<1x1x128xi32, #tpu.memory_space<vmem>>
    %dma_wait3A_18 = tpu.memref_squeeze %dma_wait3A_17 : memref<1x1x128xi32, #tpu.memory_space<vmem>> -> memref<128xi32, #tpu.memory_space<vmem>>
    %dma_wait3A_19 = arith.constant 0 : i32
    %dma_wait3A_20 = arith.constant 0 : i32
    %dma_wait3A_21 = tpu.memref_slice %arg10[%dma_wait3A_19, %dma_wait3A_20] : memref<100000x16xf32, #tpu.memory_space<vmem_shared>> -> memref<100000x16xf32, #tpu.memory_space<vmem_shared>>
    tpu.wait_indirect_dma semaphore(%arg13 : memref<!tpu.dma_semaphore, #tpu.memory_space<semaphore_mem>>) src(%dma_wait3A_15 : memref<128x16xf32, #tpu.memory_space<vmem>>) dst(%dma_wait3A_21 : memref<100000x16xf32, #tpu.memory_space<vmem_shared>>)
    %dma_wait3A_22 = arith.constant 1 : i32
    %dma_wait3A_23 = arith.constant 1 : i32
    %dma_wait3A_24 = arith.constant 1 : i32
    %dma_wait3A_25 = arith.constant 0 : i32
    %dma_wait3A_26 = arith.constant 0 : i32
    %dma_wait3A_27 = tpu.memref_slice %arg8[%dma_wait3A_22, %dma_wait3A_25, %dma_wait3A_26] : memref<5x128x16xf32, #tpu.memory_space<vmem>> -> memref<1x128x16xf32, #tpu.memory_space<vmem>>
    %dma_wait3A_28 = tpu.memref_squeeze %dma_wait3A_27 : memref<1x128x16xf32, #tpu.memory_space<vmem>> -> memref<128x16xf32, #tpu.memory_space<vmem>>
    %dma_wait3A_29 = arith.constant 0 : i32
    %dma_wait3A_30 = tpu.memref_slice %arg6[%dma_wait3A_23, %dma_wait3A_24, %dma_wait3A_29] : memref<5x2x128xi32, #tpu.memory_space<vmem>> -> memref<1x1x128xi32, #tpu.memory_space<vmem>>
    %dma_wait3A_31 = tpu.memref_squeeze %dma_wait3A_30 : memref<1x1x128xi32, #tpu.memory_space<vmem>> -> memref<128xi32, #tpu.memory_space<vmem>>
    %dma_wait3A_32 = arith.constant 0 : i32
    %dma_wait3A_33 = arith.constant 0 : i32
    %dma_wait3A_34 = tpu.memref_slice %arg10[%dma_wait3A_32, %dma_wait3A_33] : memref<100000x16xf32, #tpu.memory_space<vmem_shared>> -> memref<100000x16xf32, #tpu.memory_space<vmem_shared>>
    tpu.wait_indirect_dma semaphore(%arg13 : memref<!tpu.dma_semaphore, #tpu.memory_space<semaphore_mem>>) src(%dma_wait3A_28 : memref<128x16xf32, #tpu.memory_space<vmem>>) dst(%dma_wait3A_34 : memref<100000x16xf32, #tpu.memory_space<vmem_shared>>)
    %dma_wait3A_35 = arith.constant 2 : i32
    %dma_wait3A_36 = arith.constant 2 : i32
    %dma_wait3A_37 = arith.constant 1 : i32
    %dma_wait3A_38 = arith.constant 0 : i32
    %dma_wait3A_39 = arith.constant 0 : i32
    %dma_wait3A_40 = tpu.memref_slice %arg8[%dma_wait3A_35, %dma_wait3A_38, %dma_wait3A_39] : memref<5x128x16xf32, #tpu.memory_space<vmem>> -> memref<1x128x16xf32, #tpu.memory_space<vmem>>
    %dma_wait3A_41 = tpu.memref_squeeze %dma_wait3A_40 : memref<1x128x16xf32, #tpu.memory_space<vmem>> -> memref<128x16xf32, #tpu.memory_space<vmem>>
    %dma_wait3A_42 = arith.constant 0 : i32
    %dma_wait3A_43 = tpu.memref_slice %arg6[%dma_wait3A_36, %dma_wait3A_37, %dma_wait3A_42] : memref<5x2x128xi32, #tpu.memory_space<vmem>> -> memref<1x1x128xi32, #tpu.memory_space<vmem>>
    %dma_wait3A_44 = tpu.memref_squeeze %dma_wait3A_43 : memref<1x1x128xi32, #tpu.memory_space<vmem>> -> memref<128xi32, #tpu.memory_space<vmem>>
    %dma_wait3A_45 = arith.constant 0 : i32
    %dma_wait3A_46 = arith.constant 0 : i32
    %dma_wait3A_47 = tpu.memref_slice %arg10[%dma_wait3A_45, %dma_wait3A_46] : memref<100000x16xf32, #tpu.memory_space<vmem_shared>> -> memref<100000x16xf32, #tpu.memory_space<vmem_shared>>
    tpu.wait_indirect_dma semaphore(%arg13 : memref<!tpu.dma_semaphore, #tpu.memory_space<semaphore_mem>>) src(%dma_wait3A_41 : memref<128x16xf32, #tpu.memory_space<vmem>>) dst(%dma_wait3A_47 : memref<100000x16xf32, #tpu.memory_space<vmem_shared>>)
    %dma_wait3A_48 = arith.constant 3 : i32
    %dma_wait3A_49 = arith.constant 3 : i32
    %dma_wait3A_50 = arith.constant 1 : i32
    %dma_wait3A_51 = arith.constant 0 : i32
    %dma_wait3A_52 = arith.constant 0 : i32
    %dma_wait3A_53 = tpu.memref_slice %arg8[%dma_wait3A_48, %dma_wait3A_51, %dma_wait3A_52] : memref<5x128x16xf32, #tpu.memory_space<vmem>> -> memref<1x128x16xf32, #tpu.memory_space<vmem>>
    %dma_wait3A_54 = tpu.memref_squeeze %dma_wait3A_53 : memref<1x128x16xf32, #tpu.memory_space<vmem>> -> memref<128x16xf32, #tpu.memory_space<vmem>>
    %dma_wait3A_55 = arith.constant 0 : i32
    %dma_wait3A_56 = tpu.memref_slice %arg6[%dma_wait3A_49, %dma_wait3A_50, %dma_wait3A_55] : memref<5x2x128xi32, #tpu.memory_space<vmem>> -> memref<1x1x128xi32, #tpu.memory_space<vmem>>
    %dma_wait3A_57 = tpu.memref_squeeze %dma_wait3A_56 : memref<1x1x128xi32, #tpu.memory_space<vmem>> -> memref<128xi32, #tpu.memory_space<vmem>>
    %dma_wait3A_58 = arith.constant 0 : i32
    %dma_wait3A_59 = arith.constant 0 : i32
    %dma_wait3A_60 = tpu.memref_slice %arg10[%dma_wait3A_58, %dma_wait3A_59] : memref<100000x16xf32, #tpu.memory_space<vmem_shared>> -> memref<100000x16xf32, #tpu.memory_space<vmem_shared>>
    tpu.wait_indirect_dma semaphore(%arg13 : memref<!tpu.dma_semaphore, #tpu.memory_space<semaphore_mem>>) src(%dma_wait3A_54 : memref<128x16xf32, #tpu.memory_space<vmem>>) dst(%dma_wait3A_60 : memref<100000x16xf32, #tpu.memory_space<vmem_shared>>)
    %dma_wait3A_61 = arith.constant 4 : i32
    %dma_wait3A_62 = arith.constant 4 : i32
    %dma_wait3A_63 = arith.constant 1 : i32
    %dma_wait3A_64 = arith.constant 0 : i32
    %dma_wait3A_65 = arith.constant 0 : i32
    %dma_wait3A_66 = tpu.memref_slice %arg8[%dma_wait3A_61, %dma_wait3A_64, %dma_wait3A_65] : memref<5x128x16xf32, #tpu.memory_space<vmem>> -> memref<1x128x16xf32, #tpu.memory_space<vmem>>
    %dma_wait3A_67 = tpu.memref_squeeze %dma_wait3A_66 : memref<1x128x16xf32, #tpu.memory_space<vmem>> -> memref<128x16xf32, #tpu.memory_space<vmem>>
    %dma_wait3A_68 = arith.constant 0 : i32
    %dma_wait3A_69 = tpu.memref_slice %arg6[%dma_wait3A_62, %dma_wait3A_63, %dma_wait3A_68] : memref<5x2x128xi32, #tpu.memory_space<vmem>> -> memref<1x1x128xi32, #tpu.memory_space<vmem>>
    %dma_wait3A_70 = tpu.memref_squeeze %dma_wait3A_69 : memref<1x1x128xi32, #tpu.memory_space<vmem>> -> memref<128xi32, #tpu.memory_space<vmem>>
    %dma_wait3A_71 = arith.constant 0 : i32
    %dma_wait3A_72 = arith.constant 0 : i32
    %dma_wait3A_73 = tpu.memref_slice %arg10[%dma_wait3A_71, %dma_wait3A_72] : memref<100000x16xf32, #tpu.memory_space<vmem_shared>> -> memref<100000x16xf32, #tpu.memory_space<vmem_shared>>
    tpu.wait_indirect_dma semaphore(%arg13 : memref<!tpu.dma_semaphore, #tpu.memory_space<semaphore_mem>>) src(%dma_wait3A_67 : memref<128x16xf32, #tpu.memory_space<vmem>>) dst(%dma_wait3A_73 : memref<100000x16xf32, #tpu.memory_space<vmem_shared>>)
    %dma_wait3A_74 = arith.constant 0 : i32
    %dma_wait3A_75 = arith.constant 0 : i32
    %dma_wait3A_76 = arith.constant 1 : i32
    %dma_wait3A_77 = arith.constant 0 : i32
    %dma_wait3A_78 = arith.constant 0 : i32
    %dma_wait3A_79 = tpu.memref_slice %arg9[%dma_wait3A_74, %dma_wait3A_77, %dma_wait3A_78] : memref<5x128x16xf32, #tpu.memory_space<vmem>> -> memref<1x128x16xf32, #tpu.memory_space<vmem>>
    %dma_wait3A_80 = tpu.memref_squeeze %dma_wait3A_79 : memref<1x128x16xf32, #tpu.memory_space<vmem>> -> memref<128x16xf32, #tpu.memory_space<vmem>>
    %dma_wait3A_81 = arith.constant 0 : i32
    %dma_wait3A_82 = tpu.memref_slice %arg7[%dma_wait3A_75, %dma_wait3A_76, %dma_wait3A_81] : memref<5x2x128xi32, #tpu.memory_space<vmem>> -> memref<1x1x128xi32, #tpu.memory_space<vmem>>
    %dma_wait3A_83 = tpu.memref_squeeze %dma_wait3A_82 : memref<1x1x128xi32, #tpu.memory_space<vmem>> -> memref<128xi32, #tpu.memory_space<vmem>>
    %dma_wait3A_84 = arith.constant 0 : i32
    %dma_wait3A_85 = arith.constant 0 : i32
    %dma_wait3A_86 = tpu.memref_slice %arg10[%dma_wait3A_84, %dma_wait3A_85] : memref<100000x16xf32, #tpu.memory_space<vmem_shared>> -> memref<100000x16xf32, #tpu.memory_space<vmem_shared>>
    tpu.wait_indirect_dma semaphore(%arg14 : memref<!tpu.dma_semaphore, #tpu.memory_space<semaphore_mem>>) src(%dma_wait3A_80 : memref<128x16xf32, #tpu.memory_space<vmem>>) dst(%dma_wait3A_86 : memref<100000x16xf32, #tpu.memory_space<vmem_shared>>)
    %dma_wait3A_87 = arith.constant 1 : i32
    %dma_wait3A_88 = arith.constant 1 : i32
    %dma_wait3A_89 = arith.constant 1 : i32
    %dma_wait3A_90 = arith.constant 0 : i32
    %dma_wait3A_91 = arith.constant 0 : i32
    %dma_wait3A_92 = tpu.memref_slice %arg9[%dma_wait3A_87, %dma_wait3A_90, %dma_wait3A_91] : memref<5x128x16xf32, #tpu.memory_space<vmem>> -> memref<1x128x16xf32, #tpu.memory_space<vmem>>
    %dma_wait3A_93 = tpu.memref_squeeze %dma_wait3A_92 : memref<1x128x16xf32, #tpu.memory_space<vmem>> -> memref<128x16xf32, #tpu.memory_space<vmem>>
    %dma_wait3A_94 = arith.constant 0 : i32
    %dma_wait3A_95 = tpu.memref_slice %arg7[%dma_wait3A_88, %dma_wait3A_89, %dma_wait3A_94] : memref<5x2x128xi32, #tpu.memory_space<vmem>> -> memref<1x1x128xi32, #tpu.memory_space<vmem>>
    %dma_wait3A_96 = tpu.memref_squeeze %dma_wait3A_95 : memref<1x1x128xi32, #tpu.memory_space<vmem>> -> memref<128xi32, #tpu.memory_space<vmem>>
    %dma_wait3A_97 = arith.constant 0 : i32
    %dma_wait3A_98 = arith.constant 0 : i32
    %dma_wait3A_99 = tpu.memref_slice %arg10[%dma_wait3A_97, %dma_wait3A_98] : memref<100000x16xf32, #tpu.memory_space<vmem_shared>> -> memref<100000x16xf32, #tpu.memory_space<vmem_shared>>
    tpu.wait_indirect_dma semaphore(%arg14 : memref<!tpu.dma_semaphore, #tpu.memory_space<semaphore_mem>>) src(%dma_wait3A_93 : memref<128x16xf32, #tpu.memory_space<vmem>>) dst(%dma_wait3A_99 : memref<100000x16xf32, #tpu.memory_space<vmem_shared>>)
    %dma_wait3A_100 = arith.constant 2 : i32
    %dma_wait3A_101 = arith.constant 2 : i32
    %dma_wait3A_102 = arith.constant 1 : i32
    %dma_wait3A_103 = arith.constant 0 : i32
    %dma_wait3A_104 = arith.constant 0 : i32
    %dma_wait3A_105 = tpu.memref_slice %arg9[%dma_wait3A_100, %dma_wait3A_103, %dma_wait3A_104] : memref<5x128x16xf32, #tpu.memory_space<vmem>> -> memref<1x128x16xf32, #tpu.memory_space<vmem>>
    %dma_wait3A_106 = tpu.memref_squeeze %dma_wait3A_105 : memref<1x128x16xf32, #tpu.memory_space<vmem>> -> memref<128x16xf32, #tpu.memory_space<vmem>>
    %dma_wait3A_107 = arith.constant 0 : i32
    %dma_wait3A_108 = tpu.memref_slice %arg7[%dma_wait3A_101, %dma_wait3A_102, %dma_wait3A_107] : memref<5x2x128xi32, #tpu.memory_space<vmem>> -> memref<1x1x128xi32, #tpu.memory_space<vmem>>
    %dma_wait3A_109 = tpu.memref_squeeze %dma_wait3A_108 : memref<1x1x128xi32, #tpu.memory_space<vmem>> -> memref<128xi32, #tpu.memory_space<vmem>>
    %dma_wait3A_110 = arith.constant 0 : i32
    %dma_wait3A_111 = arith.constant 0 : i32
    %dma_wait3A_112 = tpu.memref_slice %arg10[%dma_wait3A_110, %dma_wait3A_111] : memref<100000x16xf32, #tpu.memory_space<vmem_shared>> -> memref<100000x16xf32, #tpu.memory_space<vmem_shared>>
    tpu.wait_indirect_dma semaphore(%arg14 : memref<!tpu.dma_semaphore, #tpu.memory_space<semaphore_mem>>) src(%dma_wait3A_106 : memref<128x16xf32, #tpu.memory_space<vmem>>) dst(%dma_wait3A_112 : memref<100000x16xf32, #tpu.memory_space<vmem_shared>>)
    %dma_wait3A_113 = arith.constant 3 : i32
    %dma_wait3A_114 = arith.constant 3 : i32
    %dma_wait3A_115 = arith.constant 1 : i32
    %dma_wait3A_116 = arith.constant 0 : i32
    %dma_wait3A_117 = arith.constant 0 : i32
    %dma_wait3A_118 = tpu.memref_slice %arg9[%dma_wait3A_113, %dma_wait3A_116, %dma_wait3A_117] : memref<5x128x16xf32, #tpu.memory_space<vmem>> -> memref<1x128x16xf32, #tpu.memory_space<vmem>>
    %dma_wait3A_119 = tpu.memref_squeeze %dma_wait3A_118 : memref<1x128x16xf32, #tpu.memory_space<vmem>> -> memref<128x16xf32, #tpu.memory_space<vmem>>
    %dma_wait3A_120 = arith.constant 0 : i32
    %dma_wait3A_121 = tpu.memref_slice %arg7[%dma_wait3A_114, %dma_wait3A_115, %dma_wait3A_120] : memref<5x2x128xi32, #tpu.memory_space<vmem>> -> memref<1x1x128xi32, #tpu.memory_space<vmem>>
    %dma_wait3A_122 = tpu.memref_squeeze %dma_wait3A_121 : memref<1x1x128xi32, #tpu.memory_space<vmem>> -> memref<128xi32, #tpu.memory_space<vmem>>
    %dma_wait3A_123 = arith.constant 0 : i32
    %dma_wait3A_124 = arith.constant 0 : i32
    %dma_wait3A_125 = tpu.memref_slice %arg10[%dma_wait3A_123, %dma_wait3A_124] : memref<100000x16xf32, #tpu.memory_space<vmem_shared>> -> memref<100000x16xf32, #tpu.memory_space<vmem_shared>>
    tpu.wait_indirect_dma semaphore(%arg14 : memref<!tpu.dma_semaphore, #tpu.memory_space<semaphore_mem>>) src(%dma_wait3A_119 : memref<128x16xf32, #tpu.memory_space<vmem>>) dst(%dma_wait3A_125 : memref<100000x16xf32, #tpu.memory_space<vmem_shared>>)
    %dma_wait3A_126 = arith.constant 4 : i32
    %dma_wait3A_127 = arith.constant 4 : i32
    %dma_wait3A_128 = arith.constant 1 : i32
    %dma_wait3A_129 = arith.constant 0 : i32
    %dma_wait3A_130 = arith.constant 0 : i32
    %dma_wait3A_131 = tpu.memref_slice %arg9[%dma_wait3A_126, %dma_wait3A_129, %dma_wait3A_130] : memref<5x128x16xf32, #tpu.memory_space<vmem>> -> memref<1x128x16xf32, #tpu.memory_space<vmem>>
    %dma_wait3A_132 = tpu.memref_squeeze %dma_wait3A_131 : memref<1x128x16xf32, #tpu.memory_space<vmem>> -> memref<128x16xf32, #tpu.memory_space<vmem>>
    %dma_wait3A_133 = arith.constant 0 : i32
    %dma_wait3A_134 = tpu.memref_slice %arg7[%dma_wait3A_127, %dma_wait3A_128, %dma_wait3A_133] : memref<5x2x128xi32, #tpu.memory_space<vmem>> -> memref<1x1x128xi32, #tpu.memory_space<vmem>>
    %dma_wait3A_135 = tpu.memref_squeeze %dma_wait3A_134 : memref<1x1x128xi32, #tpu.memory_space<vmem>> -> memref<128xi32, #tpu.memory_space<vmem>>
    %dma_wait3A_136 = arith.constant 0 : i32
    %dma_wait3A_137 = arith.constant 0 : i32
    %dma_wait3A_138 = tpu.memref_slice %arg10[%dma_wait3A_136, %dma_wait3A_137] : memref<100000x16xf32, #tpu.memory_space<vmem_shared>> -> memref<100000x16xf32, #tpu.memory_space<vmem_shared>>
    tpu.wait_indirect_dma semaphore(%arg14 : memref<!tpu.dma_semaphore, #tpu.memory_space<semaphore_mem>>) src(%dma_wait3A_132 : memref<128x16xf32, #tpu.memory_space<vmem>>) dst(%dma_wait3A_138 : memref<100000x16xf32, #tpu.memory_space<vmem_shared>>)
    %barrier3A_139 = arith.constant 0 : index
    tpu.barrier barrier_id(%barrier3A_139)
    %scan3A_140 = arith.constant 0 : i32
    %scan3A_141 = arith.constant 7 : i32
    %scan3A_142 = arith.addi %scan3A_140, %scan3A_141 : i32
    %scan3A_143 = arith.constant 1 : i32
    scf.for %scan3A_145 = %scan3A_140 to %scan3A_142 step %scan3A_143  : i32 {
      %mul3A_146 = arith.constant 16 : i32
      %mul3A_147 = arith.muli %scan3A_145, %mul3A_146 : i32
      %add3A_148 = arith.addi %arg1, %mul3A_147 : i32
      %lt3A = arith.constant 100 : i32
      %lt3A_149 = arith.cmpi slt, %add3A_148, %lt3A : i32
      %convert_element_type3A = arith.extui %lt3A_149 : i1 to i32
      %cond3A = arith.constant 0 : i32
      %cond3A_150 = arith.cmpi ne, %convert_element_type3A, %cond3A : i32
      scf.if %cond3A_150 {
        %mul3A_151 = arith.constant 1000 : i32
        %mul3A_152 = arith.muli %add3A_148, %mul3A_151 : i32
        %mul3A_153 = arith.constant 1000 : i32
        %mul3A_154 = arith.muli %add3A_148, %mul3A_153 : i32
        "tpu.region"() ({
          %run_scoped3A = tpu.sem_alloc : memref<!tpu.dma_semaphore, #tpu.memory_space<semaphore_mem>>
          %dma_start3A = arith.constant 0 : i32
          %dma_start3A_155 = tpu.memref_slice %arg5[%arg0, %mul3A_154, %dma_start3A] : memref<2x100000x16xf32, #tpu.memory_space<hbm>> -> memref<1x1000x16xf32, #tpu.memory_space<hbm>>
          %dma_start3A_156 = tpu.memref_squeeze %dma_start3A_155 : memref<1x1000x16xf32, #tpu.memory_space<hbm>> -> memref<1000x16xf32, #tpu.memory_space<hbm>>
          %dma_start3A_157 = arith.constant 0 : i32
          %dma_start3A_158 = tpu.memref_slice %arg10[%mul3A_152, %dma_start3A_157] : memref<100000x16xf32, #tpu.memory_space<vmem_shared>> -> memref<1000x16xf32, #tpu.memory_space<vmem_shared>>
          tpu.enqueue_dma source(%dma_start3A_158 : memref<1000x16xf32, #tpu.memory_space<vmem_shared>>) target(%dma_start3A_156 : memref<1000x16xf32, #tpu.memory_space<hbm>>) target_semaphore(%run_scoped3A : memref<!tpu.dma_semaphore, #tpu.memory_space<semaphore_mem>>)
          %dma_wait3A_159 = arith.constant 0 : i32
          %dma_wait3A_160 = tpu.memref_slice %arg5[%arg0, %mul3A_154, %dma_wait3A_159] : memref<2x100000x16xf32, #tpu.memory_space<hbm>> -> memref<1x1000x16xf32, #tpu.memory_space<hbm>>
          %dma_wait3A_161 = tpu.memref_squeeze %dma_wait3A_160 : memref<1x1000x16xf32, #tpu.memory_space<hbm>> -> memref<1000x16xf32, #tpu.memory_space<hbm>>
          %dma_wait3A_162 = arith.constant 0 : i32
          %dma_wait3A_163 = tpu.memref_slice %arg10[%mul3A_152, %dma_wait3A_162] : memref<100000x16xf32, #tpu.memory_space<vmem_shared>> -> memref<1000x16xf32, #tpu.memory_space<vmem_shared>>
          tpu.wait_dma2 semaphore(%run_scoped3A : memref<!tpu.dma_semaphore, #tpu.memory_space<semaphore_mem>>) src(%dma_wait3A_163 : memref<1000x16xf32, #tpu.memory_space<vmem_shared>>) dst(%dma_wait3A_161 : memref<1000x16xf32, #tpu.memory_space<hbm>>)
          tpu.yield
        }) : () -> ()
      } else {
      }
    }
    %scan3A_144 = arith.constant 7 : i32
    return
  }
}

module attributes {stable_mosaic.version = 14 : i64} {
  func.func @_mm_body(%arg0: i32, %arg1: memref<1433x2048xf32, #tpu.memory_space<vmem>>, %arg2: memref<1433x16xf32, #tpu.memory_space<vmem>>, %arg3: memref<2048xf32, #tpu.memory_space<vmem>>, %arg4: memref<2048x16xf32, #tpu.memory_space<vmem>>) attributes {dimension_semantics = [#tpu.dimension_semantics<arbitrary>], iteration_bounds = array<i64: 49>, scalar_prefetch = 0 : i64, scratch_operands = 0 : i64, tpu.core_type = #tpu.core_type<tc>, window_params = [{transform_indices = @transform_0, window_bounds = array<i64: 1433, 2048>}, {pipeline_mode = #tpu.pipeline_mode<synchronous>, transform_indices = @transform_1, window_bounds = array<i64: 1433, 16>}, {transform_indices = @transform_2, window_bounds = array<i64: 2048>}, {transform_indices = @transform_3, window_bounds = array<i64: 2048, 16>}]} {
    %get3A = arith.constant 0 : index
    %get3A_0 = arith.constant 0 : index
    %get3A_1 = vector.load %arg1[%get3A, %get3A_0] : memref<1433x2048xf32, #tpu.memory_space<vmem>>, vector<1433x2048xf32>
    %get3A_2 = arith.constant 0 : index
    %get3A_3 = arith.constant 0 : index
    %get3A_4 = vector.load %arg2[%get3A_2, %get3A_3] : memref<1433x16xf32, #tpu.memory_space<vmem>>, vector<1433x16xf32>
    %dot_general3A = arith.constant dense<0.000000e+00> : vector<2048x16xf32>
    %dot_general3A_5 = tpu.matmul %get3A_1, %get3A_4, %dot_general3A {dimension_numbers = #tpu.dot_dimension_numbers<[0], [0], [1], [1], [0, 1, 1, 1], [], []>, transpose_lhs_hint = false} : vector<1433x2048xf32>, vector<1433x16xf32>, vector<2048x16xf32> -> vector<2048x16xf32>
    %get3A_6 = arith.constant 0 : index
    %get3A_7 = vector.load %arg3[%get3A_6] : memref<2048xf32, #tpu.memory_space<vmem>>, vector<2048xf32>
    %max3A = arith.constant 1.000000e+00 : f32
    %max3A_8 = vector.broadcast %max3A : f32 to vector<2048xf32>
    %max3A_9 = arith.maximumf %get3A_7, %max3A_8 : vector<2048xf32>
    %rsqrt3A = math.rsqrt %max3A_9 : vector<2048xf32>
    %reshape3A = vector.shape_cast %rsqrt3A : vector<2048xf32> to vector<2048x1xf32>
    %mul3A = vector.broadcast %reshape3A : vector<2048x1xf32> to vector<2048x16xf32>
    %mul3A_10 = arith.mulf %dot_general3A_5, %mul3A : vector<2048x16xf32>
    %swap3A = arith.constant 0 : index
    %swap3A_11 = arith.constant 0 : index
    %swap3A_12 = vector.load %arg4[%swap3A, %swap3A_11] : memref<2048x16xf32, #tpu.memory_space<vmem>>, vector<2048x16xf32>
    tpu.vector_store %arg4[%swap3A, %swap3A_11], %mul3A_10 {strides = array<i32>} : memref<2048x16xf32, #tpu.memory_space<vmem>>, vector<2048x16xf32>,
    return
  }
  func.func @transform_0(%arg0: i32) -> (i32, i32) {
    %c0_i32 = arith.constant 0 : i32
    %c0_i32_0 = arith.constant 0 : i32
    return %c0_i32, %arg0 : i32, i32
  }
  func.func @transform_1(%arg0: i32) -> (i32, i32) {
    %c0_i32 = arith.constant 0 : i32
    %c0_i32_0 = arith.constant 0 : i32
    %c0_i32_1 = arith.constant 0 : i32
    return %c0_i32, %c0_i32_0 : i32, i32
  }
  func.func @transform_2(%arg0: i32) -> i32 {
    %c0_i32 = arith.constant 0 : i32
    return %arg0 : i32
  }
  func.func @transform_3(%arg0: i32) -> (i32, i32) {
    %c0_i32 = arith.constant 0 : i32
    %c0_i32_0 = arith.constant 0 : i32
    return %arg0, %c0_i32 : i32, i32
  }
}

module attributes {stable_mosaic.version = 14 : i64} {
  func.func @_mid_body(%arg0: i32, %arg1: memref<2x512x128xf32, #tpu.memory_space<vmem>>, %arg2: memref<512x8xf32, #tpu.memory_space<vmem>>, %arg3: memref<512x8xf32, #tpu.memory_space<vmem>>, %arg4: memref<8x128xf32, #tpu.memory_space<vmem>>, %arg5: memref<128xf32, #tpu.memory_space<vmem>>, %arg6: memref<128x128xf32, #tpu.memory_space<vmem>>, %arg7: memref<512x128xf32, #tpu.memory_space<vmem>>) attributes {dimension_semantics = [#tpu.dimension_semantics<arbitrary>], iteration_bounds = array<i64: 25>, scalar_prefetch = 0 : i64, scratch_operands = 0 : i64, tpu.core_type = #tpu.core_type<tc>, window_params = [{transform_indices = @transform_0, window_bounds = array<i64: 2, 512, 128>}, {transform_indices = @transform_1, window_bounds = array<i64: 512, 8>}, {transform_indices = @transform_2, window_bounds = array<i64: 512, 8>}, {pipeline_mode = #tpu.pipeline_mode<synchronous>, transform_indices = @transform_3, window_bounds = array<i64: 8, 128>}, {pipeline_mode = #tpu.pipeline_mode<synchronous>, transform_indices = @transform_4, window_bounds = array<i64: 128>}, {pipeline_mode = #tpu.pipeline_mode<synchronous>, transform_indices = @transform_5, window_bounds = array<i64: 128, 128>}, {transform_indices = @transform_6, window_bounds = array<i64: 512, 128>}]} {
    %get3A = arith.constant 0 : index
    %get3A_0 = arith.constant 0 : index
    %get3A_1 = vector.load %arg2[%get3A, %get3A_0] : memref<512x8xf32, #tpu.memory_space<vmem>>, vector<512x8xf32>
    %get3A_2 = arith.constant 0 : index
    %get3A_3 = arith.constant 0 : index
    %get3A_4 = vector.load %arg4[%get3A_2, %get3A_3] : memref<8x128xf32, #tpu.memory_space<vmem>>, vector<8x128xf32>
    %max3A = arith.constant 1.000000e+00 : f32
    %max3A_5 = vector.broadcast %max3A : f32 to vector<512x8xf32>
    %max3A_6 = arith.maximumf %get3A_1, %max3A_5 : vector<512x8xf32>
    %rsqrt3A = math.rsqrt %max3A_6 : vector<512x8xf32>
    %dot_general3A = arith.constant dense<0.000000e+00> : vector<512x128xf32>
    %dot_general3A_7 = tpu.matmul %rsqrt3A, %get3A_4, %dot_general3A {dimension_numbers = #tpu.dot_dimension_numbers<[1], [0], [0], [1], [0, 0, 1, 1], [], []>, transpose_lhs_hint = false} : vector<512x8xf32>, vector<8x128xf32>, vector<512x128xf32> -> vector<512x128xf32>
    %get3A_8 = arith.constant 0 : index
    %get3A_9 = arith.constant 0 : index
    %get3A_10 = arith.constant 0 : index
    %get3A_11 = vector.load %arg1[%get3A_8, %get3A_9, %get3A_10] : memref<2x512x128xf32, #tpu.memory_space<vmem>>, vector<1x512x128xf32>
    %get3A_12 = vector.shape_cast %get3A_11 : vector<1x512x128xf32> to vector<512x128xf32>
    %get3A_13 = arith.constant 1 : index
    %get3A_14 = arith.constant 0 : index
    %get3A_15 = arith.constant 0 : index
    %get3A_16 = vector.load %arg1[%get3A_13, %get3A_14, %get3A_15] : memref<2x512x128xf32, #tpu.memory_space<vmem>>, vector<1x512x128xf32>
    %get3A_17 = vector.shape_cast %get3A_16 : vector<1x512x128xf32> to vector<512x128xf32>
    %add3A = arith.addf %get3A_12, %get3A_17 : vector<512x128xf32>
    %mul3A = arith.mulf %add3A, %dot_general3A_7 : vector<512x128xf32>
    %get3A_18 = arith.constant 0 : index
    %get3A_19 = vector.load %arg5[%get3A_18] : memref<128xf32, #tpu.memory_space<vmem>>, vector<128xf32>
    %broadcast_in_dim3A = vector.shape_cast %get3A_19 : vector<128xf32> to vector<1x128xf32>
    %add3A_20 = vector.broadcast %broadcast_in_dim3A : vector<1x128xf32> to vector<512x128xf32>
    %add3A_21 = arith.addf %mul3A, %add3A_20 : vector<512x128xf32>
    %max3A_22 = arith.constant 0.000000e+00 : f32
    %max3A_23 = vector.broadcast %max3A_22 : f32 to vector<512x128xf32>
    %max3A_24 = arith.maximumf %add3A_21, %max3A_23 : vector<512x128xf32>
    %get3A_25 = arith.constant 0 : index
    %get3A_26 = arith.constant 0 : index
    %get3A_27 = vector.load %arg3[%get3A_25, %get3A_26] : memref<512x8xf32, #tpu.memory_space<vmem>>, vector<512x8xf32>
    %get3A_28 = arith.constant 0 : index
    %get3A_29 = arith.constant 0 : index
    %get3A_30 = vector.load %arg4[%get3A_28, %get3A_29] : memref<8x128xf32, #tpu.memory_space<vmem>>, vector<8x128xf32>
    %max3A_31 = arith.constant 1.000000e+00 : f32
    %max3A_32 = vector.broadcast %max3A_31 : f32 to vector<512x8xf32>
    %max3A_33 = arith.maximumf %get3A_27, %max3A_32 : vector<512x8xf32>
    %rsqrt3A_34 = math.rsqrt %max3A_33 : vector<512x8xf32>
    %dot_general3A_35 = arith.constant dense<0.000000e+00> : vector<512x128xf32>
    %dot_general3A_36 = tpu.matmul %rsqrt3A_34, %get3A_30, %dot_general3A_35 {dimension_numbers = #tpu.dot_dimension_numbers<[1], [0], [0], [1], [0, 0, 1, 1], [], []>, transpose_lhs_hint = false} : vector<512x8xf32>, vector<8x128xf32>, vector<512x128xf32> -> vector<512x128xf32>
    %get3A_37 = arith.constant 0 : index
    %get3A_38 = arith.constant 0 : index
    %get3A_39 = vector.load %arg6[%get3A_37, %get3A_38] : memref<128x128xf32, #tpu.memory_space<vmem>>, vector<128x128xf32>
    %dot_general3A_40 = arith.constant dense<0.000000e+00> : vector<512x128xf32>
    %dot_general3A_41 = tpu.matmul %max3A_24, %get3A_39, %dot_general3A_40 {dimension_numbers = #tpu.dot_dimension_numbers<[1], [0], [0], [1], [0, 0, 1, 1], [], []>, transpose_lhs_hint = false} : vector<512x128xf32>, vector<128x128xf32>, vector<512x128xf32> -> vector<512x128xf32>
    %mul3A_42 = arith.mulf %dot_general3A_41, %dot_general3A_36 : vector<512x128xf32>
    %swap3A = arith.constant 0 : index
    %swap3A_43 = arith.constant 0 : index
    %swap3A_44 = vector.load %arg7[%swap3A, %swap3A_43] : memref<512x128xf32, #tpu.memory_space<vmem>>, vector<512x128xf32>
    tpu.vector_store %arg7[%swap3A, %swap3A_43], %mul3A_42 {strides = array<i32>} : memref<512x128xf32, #tpu.memory_space<vmem>>, vector<512x128xf32>,
    return
  }
  func.func @transform_0(%arg0: i32) -> (i32, i32, i32) {
    %c0_i32 = arith.constant 0 : i32
    %c0_i32_0 = arith.constant 0 : i32
    %c0_i32_1 = arith.constant 0 : i32
    return %c0_i32, %arg0, %c0_i32_0 : i32, i32, i32
  }
  func.func @transform_1(%arg0: i32) -> (i32, i32) {
    %c0_i32 = arith.constant 0 : i32
    %c0_i32_0 = arith.constant 0 : i32
    return %arg0, %c0_i32 : i32, i32
  }
  func.func @transform_2(%arg0: i32) -> (i32, i32) {
    %c0_i32 = arith.constant 0 : i32
    %c0_i32_0 = arith.constant 0 : i32
    return %arg0, %c0_i32 : i32, i32
  }
  func.func @transform_3(%arg0: i32) -> (i32, i32) {
    %c0_i32 = arith.constant 0 : i32
    %c0_i32_0 = arith.constant 0 : i32
    %c0_i32_1 = arith.constant 0 : i32
    return %c0_i32, %c0_i32_0 : i32, i32
  }
  func.func @transform_4(%arg0: i32) -> i32 {
    %c0_i32 = arith.constant 0 : i32
    %c0_i32_0 = arith.constant 0 : i32
    return %c0_i32 : i32
  }
  func.func @transform_5(%arg0: i32) -> (i32, i32) {
    %c0_i32 = arith.constant 0 : i32
    %c0_i32_0 = arith.constant 0 : i32
    %c0_i32_1 = arith.constant 0 : i32
    return %c0_i32, %c0_i32_0 : i32, i32
  }
  func.func @transform_6(%arg0: i32) -> (i32, i32) {
    %c0_i32 = arith.constant 0 : i32
    %c0_i32_0 = arith.constant 0 : i32
    return %arg0, %c0_i32 : i32, i32
  }
}

module attributes {stable_mosaic.version = 14 : i64} {
  func.func @_out_body(%arg0: i32, %arg1: memref<2x512x128xf32, #tpu.memory_space<vmem>>, %arg2: memref<512x8xf32, #tpu.memory_space<vmem>>, %arg3: memref<8x128xf32, #tpu.memory_space<vmem>>, %arg4: memref<128xf32, #tpu.memory_space<vmem>>, %arg5: memref<512x128xf32, #tpu.memory_space<vmem>>) attributes {dimension_semantics = [#tpu.dimension_semantics<arbitrary>], iteration_bounds = array<i64: 25>, scalar_prefetch = 0 : i64, scratch_operands = 0 : i64, tpu.core_type = #tpu.core_type<tc>, window_params = [{transform_indices = @transform_0, window_bounds = array<i64: 2, 512, 128>}, {transform_indices = @transform_1, window_bounds = array<i64: 512, 8>}, {pipeline_mode = #tpu.pipeline_mode<synchronous>, transform_indices = @transform_2, window_bounds = array<i64: 8, 128>}, {pipeline_mode = #tpu.pipeline_mode<synchronous>, transform_indices = @transform_3, window_bounds = array<i64: 128>}, {transform_indices = @transform_4, window_bounds = array<i64: 512, 128>}]} {
    %get3A = arith.constant 0 : index
    %get3A_0 = arith.constant 0 : index
    %get3A_1 = vector.load %arg2[%get3A, %get3A_0] : memref<512x8xf32, #tpu.memory_space<vmem>>, vector<512x8xf32>
    %get3A_2 = arith.constant 0 : index
    %get3A_3 = arith.constant 0 : index
    %get3A_4 = vector.load %arg3[%get3A_2, %get3A_3] : memref<8x128xf32, #tpu.memory_space<vmem>>, vector<8x128xf32>
    %max3A = arith.constant 1.000000e+00 : f32
    %max3A_5 = vector.broadcast %max3A : f32 to vector<512x8xf32>
    %max3A_6 = arith.maximumf %get3A_1, %max3A_5 : vector<512x8xf32>
    %rsqrt3A = math.rsqrt %max3A_6 : vector<512x8xf32>
    %dot_general3A = arith.constant dense<0.000000e+00> : vector<512x128xf32>
    %dot_general3A_7 = tpu.matmul %rsqrt3A, %get3A_4, %dot_general3A {dimension_numbers = #tpu.dot_dimension_numbers<[1], [0], [0], [1], [0, 0, 1, 1], [], []>, transpose_lhs_hint = false} : vector<512x8xf32>, vector<8x128xf32>, vector<512x128xf32> -> vector<512x128xf32>
    %get3A_8 = arith.constant 0 : index
    %get3A_9 = arith.constant 0 : index
    %get3A_10 = arith.constant 0 : index
    %get3A_11 = vector.load %arg1[%get3A_8, %get3A_9, %get3A_10] : memref<2x512x128xf32, #tpu.memory_space<vmem>>, vector<1x512x128xf32>
    %get3A_12 = vector.shape_cast %get3A_11 : vector<1x512x128xf32> to vector<512x128xf32>
    %get3A_13 = arith.constant 1 : index
    %get3A_14 = arith.constant 0 : index
    %get3A_15 = arith.constant 0 : index
    %get3A_16 = vector.load %arg1[%get3A_13, %get3A_14, %get3A_15] : memref<2x512x128xf32, #tpu.memory_space<vmem>>, vector<1x512x128xf32>
    %get3A_17 = vector.shape_cast %get3A_16 : vector<1x512x128xf32> to vector<512x128xf32>
    %add3A = arith.addf %get3A_12, %get3A_17 : vector<512x128xf32>
    %mul3A = arith.mulf %add3A, %dot_general3A_7 : vector<512x128xf32>
    %get3A_18 = arith.constant 0 : index
    %get3A_19 = vector.load %arg4[%get3A_18] : memref<128xf32, #tpu.memory_space<vmem>>, vector<128xf32>
    %broadcast_in_dim3A = vector.shape_cast %get3A_19 : vector<128xf32> to vector<1x128xf32>
    %add3A_20 = vector.broadcast %broadcast_in_dim3A : vector<1x128xf32> to vector<512x128xf32>
    %add3A_21 = arith.addf %mul3A, %add3A_20 : vector<512x128xf32>
    %swap3A = arith.constant 0 : index
    %swap3A_22 = arith.constant 0 : index
    %swap3A_23 = vector.load %arg5[%swap3A, %swap3A_22] : memref<512x128xf32, #tpu.memory_space<vmem>>, vector<512x128xf32>
    tpu.vector_store %arg5[%swap3A, %swap3A_22], %add3A_21 {strides = array<i32>} : memref<512x128xf32, #tpu.memory_space<vmem>>, vector<512x128xf32>,
    return
  }
  func.func @transform_0(%arg0: i32) -> (i32, i32, i32) {
    %c0_i32 = arith.constant 0 : i32
    %c0_i32_0 = arith.constant 0 : i32
    %c0_i32_1 = arith.constant 0 : i32
    return %c0_i32, %arg0, %c0_i32_0 : i32, i32, i32
  }
  func.func @transform_1(%arg0: i32) -> (i32, i32) {
    %c0_i32 = arith.constant 0 : i32
    %c0_i32_0 = arith.constant 0 : i32
    return %arg0, %c0_i32 : i32, i32
  }
  func.func @transform_2(%arg0: i32) -> (i32, i32) {
    %c0_i32 = arith.constant 0 : i32
    %c0_i32_0 = arith.constant 0 : i32
    %c0_i32_1 = arith.constant 0 : i32
    return %c0_i32, %c0_i32_0 : i32, i32
  }
  func.func @transform_3(%arg0: i32) -> i32 {
    %c0_i32 = arith.constant 0 : i32
    %c0_i32_0 = arith.constant 0 : i32
    return %c0_i32 : i32
  }
  func.func @transform_4(%arg0: i32) -> (i32, i32) {
    %c0_i32 = arith.constant 0 : i32
    %c0_i32_0 = arith.constant 0 : i32
    return %arg0, %c0_i32 : i32, i32
  }
}

</mosaic_0001>

<sc_bundles>
// kernel: kernel.11.cloned.1.call-start
scs
__scs_entry_jumppad:
0x0: {  	(pc) =	sbr.rel $0x88, $3  }
0x1: {  	(tag) =	ssettag $0x0;
	lr =	simm.s32 $0x1  }
0x2: {  	[smem:$0x3F9B] =	sst lr;
	_ =	strace $0xD0000000  }
0x3: {  	_ = 	snop  }
0x4: {  	_ = 	snop  }
0x5: {  	_ = 	snop  }
0x6: {  	_ = 	snop  }
0x7: {  	_ = 	snop  }
__scs_overlays_trampoline_lowered:
0x8: {  	[smem:$0x3FAA] =	sst s0  }
0x9: {  	[smem:$0x3FAB] =	sst s1  }
0xa: {  	[smem:$0x3FAC] =	sst s2  }
0xb: {  	[smem:$0x3FAD] =	sst s3  }
0xc: {  	[smem:$0x3FAE] =	sst s4  }
0xd: {  	[smem:$0x3FAF] =	sst s5  }
0xe: {  	[smem:$0x3FB0] =	sst s6  }
0xf: {  	[smem:$0x3FB1] =	sst s7  }
0x10: {  	[smem:$0x3FB2] =	sst s8  }
0x11: {  	[smem:$0x3FB3] =	sst s9;
	s0 =	simm.s32 @!p0 $0x0  }
0x12: {  	s1 =	sld [smem:$0x3F99];
	s0 =	simm.s32 @p0 $0x1  }
0x13: {  	[smem:$0x3FB4] =	sst s0;
	s0 =	simm.s32 @!p1 $0x0  }
0x14: {  	s2 =	sld [smem:$0x3F98];
	s0 =	simm.s32 @p1 $0x1  }
0x15: {  	[smem:$0x3FB5] =	sst s0;
	s0 =	simm.s32 @!p2 $0x0  }
0x16: {  	s3 =	sld [smem:$0x3FDB];
	s0 =	simm.s32 @p2 $0x1  }
0x17: {  	s4 =	simm.s32 $0x1BF5;
	[smem:$0x3FB7] =	sst s0  }
0x18: {  	s0 =	sld [smem:$0x3F9A];
	_ =	swait.ge [sflag:s4], $0x0  }
0x19: {  	s7 =	sld [smem:$0x3F9B]  }
0x1a: {  	s8 =	sadd.s32 $0xFFFFE003, lr  }
0x1b: {  	s9 =	sadd.s32 $0xFFFFFEF7, lr;
	s5 =	simm.s32 $0xFFFFFFFF;
	p2 =	slt.u32 s8, $0xFFFFF086  }
0x1c: {  	p1 =	slt.u32 s9, $0xF7A;
	s5 =	simm.s32 @!p2 $0x0  }
0x1d: {  	s5 =	simm.s32 @p1 $0x1;
	p0 =	seq.s32 s7, s2  }
0x1e: {  	s7 =	smul.u32 @!p0 $0xF7A, s2;
	p2 =	seq.s32 @!p0 s5, $0x0  }
0x1f: {  	s9 =	smul.u32 $0xF7A, s1;
	s8 =	simm.s32 @!p0 $0x1BF5;
	p2 =	por !p2, p0  }
0x20: {  	[sflag:s8] =	ssyncset.s32 @!p0 $0xFFFFF086;
	s6 =	sadd.s32 @!p0 s3, s7;
	s7 =	simm.s32 @!p0 $0x108  }
0x21: {  	s3 =	sadd.s32 s3, s9;
	s6 =	sadd.s32 @!p0 $0x88, s6;
	s7 =	simm.s32 @p2 $0x1082  }
0x22: {  	[simem:s7], [sflag:s8] =	dma.local @!p0 [hbm:s6], $0xF7A  }
0x23: {  	s9 =	sor.u32 $0xD0000000, s2;
	s6 =	simm.s32 $0x108;
	_ =	swait.ge @!p0 [sflag:s8], $0x0  }
0x24: {  	s3 =	sadd.s32 $0x88, s3;
	s6 =	simm.s32 @!p1 $0x1082;
	[sflag:s4] =	ssyncset.s32 $0xFFFFF086  }
0x25: {  	[simem:s6], [sflag:s4] =	dma.local [hbm:s3], $0xF7A  }
0x26: {  	[smem:$0x3F9B] =	sst s1;
	(tag) =	ssettag s2;
	_ =	strace s9  }
0x27: {  	s1 =	sld [smem:$0x3FAB]  }
0x28: {  	s2 =	sld [smem:$0x3FAC]  }
0x29: {  	s4 =	sld [smem:$0x3FAE]  }
0x2a: {  	p0 =	seq.s32 s5, $0x0;
	s5 =	sld [smem:$0x3FAF]  }
0x2b: {  	s6 =	sld [smem:$0x3FB0]  }
0x2c: {  	s7 =	sld [smem:$0x3FB1]  }
0x2d: {  	s3 =	simm.s32 $0x108;
	s8 =	sld [smem:$0x3FB2]  }
0x2e: {  	s3 =	simm.s32 @!p0 $0x1082;
	s9 =	sld [smem:$0x3FB3]  }
0x2f: {  	lr =	sadd.s32 s0, s3;
	s0 =	sld [smem:$0x3FAA]  }
0x30: {  	s3 =	sld [smem:$0x3FAD]  }
0x31: {  	[smem:$0x3FB6] =	sst s10  }
0x32: {  	s10 =	sld [smem:$0x3FB4];
	_ =	sdelay $0x3  }
0x33: {  	p0 =	seq.s32 s10, $0x1;
	s10 =	sld [smem:$0x3FB6];
	_ =	sdelay $0x3  }
0x34: {  	[smem:$0x3FB6] =	sst s10  }
0x35: {  	s10 =	sld [smem:$0x3FB5];
	_ =	sdelay $0x3  }
0x36: {  	p1 =	seq.s32 s10, $0x1;
	s10 =	sld [smem:$0x3FB6];
	_ =	sdelay $0x3  }
0x37: {  	[smem:$0x3FB6] =	sst s10  }
0x38: {  	s10 =	sld [smem:$0x3FB7]  }
0x39: {  	_ = 	snop;
	(pc) =	sbr.ind lr, $3  }
0x3a: {  	_ = 	snop  }
0x3b: {  	_ = 	snop  }
0x3c: {  	p2 =	seq.s32 s10, $0x1;
	s10 =	sld [smem:$0x3FB6]  }
0x3d: {  	_ =	shalt  }
0x3e: {  	_ =	shalt  }
0x3f: {  	_ =	shalt  }
0x40: {  	_ =	shalt  }
0x41: {  	_ =	shalt  }
0x42: {  	_ =	shalt  }
0x43: {  	_ =	shalt  }
0x44: {  	_ =	shalt  }
0x45: {  	_ =	shalt  }
0x46: {  	_ =	shalt  }
0x47: {  	_ =	shalt  }
0x48: {  	_ =	shalt  }
0x49: {  	_ =	shalt  }
0x4a: {  	_ =	shalt  }
0x4b: {  	_ =	shalt  }
0x4c: {  	_ =	shalt  }
0x4d: {  	_ =	shalt  }
0x4e: {  	_ =	shalt  }
0x4f: {  	_ =	shalt  }
0x50: {  	_ =	shalt  }
0x51: {  	_ =	shalt  }
0x52: {  	_ =	shalt  }
0x53: {  	_ =	shalt  }
0x54: {  	_ =	shalt  }
0x55: {  	_ =	shalt  }
0x56: {  	_ =	shalt  }
0x57: {  	_ =	shalt  }
0x58: {  	_ =	shalt  }
0x59: {  	_ =	shalt  }
0x5a: {  	_ =	shalt  }
0x5b: {  	_ =	shalt  }
0x5c: {  	_ =	shalt  }
0x5d: {  	_ =	shalt  }
0x5e: {  	_ =	shalt  }
0x5f: {  	_ =	shalt  }
0x60: {  	_ =	shalt  }
0x61: {  	_ =	shalt  }
0x62: {  	_ =	shalt  }
0x63: {  	_ =	shalt  }
0x64: {  	_ =	shalt  }
0x65: {  	_ =	shalt  }
0x66: {  	_ =	shalt  }
0x67: {  	_ =	shalt  }
0x68: {  	_ =	shalt  }
0x69: {  	_ =	shalt  }
0x6a: {  	_ =	shalt  }
0x6b: {  	_ =	shalt  }
0x6c: {  	_ =	shalt  }
0x6d: {  	_ =	shalt  }
0x6e: {  	_ =	shalt  }
0x6f: {  	_ =	shalt  }
0x70: {  	_ =	shalt  }
0x71: {  	_ =	shalt  }
0x72: {  	_ =	shalt  }
0x73: {  	_ =	shalt  }
0x74: {  	_ =	shalt  }
0x75: {  	_ =	shalt  }
0x76: {  	_ =	shalt  }
0x77: {  	_ =	shalt  }
0x78: {  	_ =	shalt  }
0x79: {  	_ =	shalt  }
0x7a: {  	_ =	shalt  }
0x7b: {  	_ =	shalt  }
0x7c: {  	_ =	shalt  }
0x7d: {  	_ =	shalt  }
0x7e: {  	_ =	shalt  }
0x7f: {  	_ =	shalt  }
0x80: {  	_ =	shalt  }
0x81: {  	_ =	shalt  }
0x82: {  	_ =	shalt  }
0x83: {  	_ =	shalt  }
0x84: {  	_ =	shalt  }
0x85: {  	_ =	shalt  }
0x86: {  	_ =	shalt  }
0x87: {  	_ =	shalt  }
.Lfunc_end0:
.L_simem_size_0:
called_computation.1_lowered:
.L_overlay_start_0:
0x88: {  	s2 =	sld [smem:$0x3FD9]  }
0x89: {  	s3 =	sld [smem:$0x3FFE];
	_ =	sdelay $0x1  }
0x8a: {  	s1 =	srdreg.scid  }
0x8b: {  	s0 =	sand.u32 $0x1, s1  }
0x8c: {  	s17 =	sshll.u32 s0, $0xA;
	s2 =	sadd.s32 s3, s2  }
0x8d: {  	s2 =	sadd.s32 s2, s17  }
0x8e: {  	[smem:$0x3FC2] =	sst s2  }
0x8f: {  	_ = 	snop  }
0x90: {  	s2 =	sld [smem:$0x3FC8]  }
0x91: {  	s18 =	sld [smem:$0x3FD0];
	(tm) =	ssettm $0x1  }
0x92: {  	s4 =	sld [smem:$0x3FFB];
	_ =	sdelay $0x3  }
0x93: {  	_ =	strace s4  }
0x94: {  	s4 =	sld [smem:$0x3FFC];
	_ =	sdelay $0x3  }
0x95: {  	_ =	strace s4  }
0x96: {  	s4 =	sld [smem:$0x3FFD];
	_ =	sdelay $0x3  }
0x97: {  	_ =	strace s4  }
0x98: {  	_ =	strace $0x8FFFFFFF  }
0x99: {  	s19 =	sld [smem:$0x3FDB];
	_ =	sdelay $0x1  }
0x9a: {  	s5 =	simm.s32 $_scs_section_size  }
0x9b: {  	s6 =	simm.s32 $_size__tile_overlayer_lowered;
	s7 =	simm.s32 $_tile_overlayer_lowered  }
0x9c: {  	s22 =	simm.s32 $0x1BFF;
	s21 =	sshll.u32 s7, $0x1;
	s4 =	sadd.s32 s5, s19  }
0x9d: {  	s8 =	simm.s32 $0x0;
	s20 =	sshll.u32 s6, $0x1;
	s6 =	sadd.s32 s21, s4  }
0x9e: {  	[timem:s8], [sflag:s22] =	dma.local [hbm:s6], s20  }
0x9f: {  	_ =	swait.ge [sflag:s22], s20  }
0xa0: {  	s5 =	ssub.s32 $0x0, s20;
	[sflag:s22] =	ssyncset.done $0x0  }
0xa1: {  	[sflag:s22] =	ssyncadd.s32 s5;
	_ =	sdelay $0x1  }
0xa2: {  	s23 =	simm.s32 $0x1B8B  }
0xa3: {  	_ =	swait.ge [sflag:s23], $0x1  }
0xa4: {  	[sflag:s23] =	ssyncset.done $0x0  }
0xa5: {  	s25 =	simm.s32 $0x1B8E;
	s24 =	sld [smem:$0x3FFE];
	[sflag:s23] =	ssyncadd.s32 $0xFFFFFFFF  }
0xa6: {  	s26 =	simm.s32 $execute0_lowered;
	[smem:$0x3FD2] =	sst s25  }
0xa7: {  	s6 =	sshll.u32 s26, $0x1;
	_ =	strace $0x80000049;
	[dreg:$0x1] =	wrdreg $0xFFFFFFFF  }
0xa8: {  	s28 =	simm.s32 $_size_execute0_lowered;
	s4 =	sadd.s32 s4, s6;
	[dreg:$0x0] =	wrdreg $0x0  }
0xa9: {  	s6 =	sshll.u32 s28, $0x1;
	[dreg:$0x2] =	wrdreg s4  }
0xaa: {  	[dreg:$0x3] =	wrdreg s6  }
0xab: {  	[dreg:$0x4] =	wrdreg $0xC0  }
0xac: {  	_ =	task [dreg:s8], $0x5FFFF  }
0xad: {  	[dreg:$0x1] =	wrdreg $0xFFFFFFFF  }
0xae: {  	[dreg:$0x0] =	wrdreg $0x60  }
0xaf: {  	[dreg:$0x2] =	wrdreg s2  }
0xb0: {  	[dreg:$0x3] =	wrdreg s24  }
0xb1: {  	[dreg:$0x4] =	wrdreg s18  }
0xb2: {  	[dreg:$0x5] =	wrdreg $0x5A000  }
0xb3: {  	[dreg:$0x6] =	wrdreg $0x9  }
0xb4: {  	_ =	task.clear_ibuf [dreg:s8], $0x7FFFF;
	_ =	strace $0x90000049  }
0xb5: {  	s29 =	simm.s32 $0x9;
	_ =	strace $0x8000004B  }
0xb6: {  	_ =	swait.ge [sflag:s29], $0x1  }
0xb7: {  	[sflag:s29] =	ssyncadd.s32 $0xFFFFFFFF  }
0xb8: {  	_ =	strace $0x9000004B  }
0xb9: {  	_ =	sfence  }
0xba: {  	s30 =	sld [smem:$0x0];
	_ =	sdelay $0x2  }
0xbb: {  	s31 =	sshll.u32 s1, $0xD;
	s1 =	sshrl.u32 s1, $0x2  }
0xbc: {  	s3 =	sand.u32 $0x4000, s31;
	s1 =	sadd.s32 s1, s30  }
0xbd: {  	s0 =	sor.u32 s3, s0;
	s1 =	sshll.u32 s1, $0x11  }
0xbe: {  	s0 =	sor.u32 s1, s0  }
0xbf: {  	s0 =	sadd.s32 $0x8F2B, s0  }
0xc0: {  	[sflag:s0] =	ssyncadd.remote.s32 $0x1  }
0xc1: {  	_ =	sfence.sel $0xFFFF  }
0xc2: {  	[dreg:$0x0] =	wrdreg $0xFFFFFFFF;
	(pc) =	sbr.abs _section_cstart, $3  }
0xc3: {  	[dreg:$0x1] =	wrdreg $0xFFFFFFFF  }
0xc4: {  	_ =	task.clear_ibuf [dreg:s8], $0x2FFFF;
	_ =	strace $0x9FFFFFFF  }
0xc5: {  	(tm) =	ssettm $0x7FFFFFFF  }
tec
execute0_lowered:
.L_overlay_start_1:
0x0: {  	(tag) =	ssettag $0x1  }
0x1: {  	s1 =	srdreg.scid;
	s5 =	rddreg [dreg:$0x1];
	s0 =	simm.s32 $0x0  }
0x2: {  	s23 =	stileid.u32;
	s13 =	rddreg [dreg:$0x0];
	s6 =	sand.u32 $0x1, s1  }
0x3: {  	[smem:$0x7FF] =	sst s0;
	s17 =	sor.u32 $0x40, s23;
	s8 =	smul.u32 $0x186A00, s6  }
0x4: {  	s7 =	sadd.s32 $0x4E00, s5;
	s18 =	sor.u32 $0x50, s23;
	s20 =	smul.u32 $0x3E80, s17  }
0x5: {  	s19 =	sor.u32 $0x60, s23;
	s1 =	ssub.s32 $0x2, s6;
	s21 =	smul.u32 $0x3E80, s18  }
0x6: {  	s14 =	sor.u32 $0x10, s23;
	s22 =	smul.u32 $0x3E80, s19;
	s2 =	sshrl.u32 s1, $0x1  }
0x7: {  	s15 =	sor.u32 $0x20, s23;
	s10 =	ssub.s32 s1, s2;
	s1 =	smul.u32 $0x3E80, s23  }
0x8: {  	s16 =	sor.u32 $0x30, s23;
	s2 =	smul.u32 $0x3E80, s14;
	s26 =	sadd.s32 s8, s20  }
0x9: {  	p0 =	sgt.u32 s19, $0x63;
	s28 =	sadd.s32 s8, s21;
	s29 =	sshrl.u32 s26, $0x3  }
0xa: {  	s30 =	sshrl.u32 s28, $0x3;
	s3 =	sadd.s32 s8, s1;
	s9 =	sadd.s32 s8, s2  }
0xb: {  	s4 =	sshrl.u32 s3, $0x3;
	s3 =	smul.u32 $0x3E80, s15;
	s9 =	sshrl.u32 s9, $0x3  }
0xc: {  	s28 =	smul.u32 $0xFA00, s23;
	s4 =	sadd.s32 s7, s4;
	s9 =	sadd.s32 s7, s9  }
0xd: {  	[dreg:$0x6] =	wrdreg s4;
	s4 =	smul.u32 $0x3E80, s16;
	s11 =	sadd.s32 s8, s3  }
0xe: {  	[dreg:$0x7] =	wrdreg s9;
	s16 =	smul.u32 $0xFA00, s16;
	s11 =	sshrl.u32 s11, $0x3  }
0xf: {  	s12 =	sadd.s32 s8, s4;
	s24 =	sadd.s32 s7, s11;
	s11 =	rddreg [dreg:$0x3]  }
0x10: {  	s8 =	sadd.s32 s8, s22;
	[dreg:$0x8] =	wrdreg s24;
	s25 =	sshrl.u32 s12, $0x3  }
0x11: {  	s12 =	sadd.s32 s7, s30;
	s8 =	sshrl.u32 s8, $0x3;
	s24 =	smul.u32 $0x140, s23  }
0x12: {  	s30 =	smax.u32 s10, $0x1;
	s10 =	smul.u32 $0xFA00, s15;
	s1 =	sadd.s32 s1, s11  }
0x13: {  	s2 =	sadd.s32 s2, s11;
	s3 =	sadd.s32 s3, s11;
	s4 =	sadd.s32 s4, s11  }
0x14: {  	s9 =	sadd.s32 s7, s25;
	[dreg:$0xb] =	wrdreg s12;
	s25 =	smul.u32 $0xA0, s6  }
0x15: {  	s12 =	sshll.u32 s23, $0x1;
	s23 =	sshll.u32 s23, $0x6;
	s1 =	sshrl.u32 s1, $0x3  }
0x16: {  	[dreg:$0x9] =	wrdreg s9;
	s9 =	sadd.s32 s7, s29;
	s7 =	sadd.s32 s7, s8  }
0x17: {  	s26 =	sadd.s32 s24, s13;
	s6 =	sor.u32 s6, s12;
	s13 =	sadd.s32 $0x18B800, s5  }
0x18: {  	s29 =	smul.u32 $0xFA00, s14;
	s8 =	sshrl.u32 s28, $0x2;
	[dreg:$0xa] =	wrdreg s9  }
0x19: {  	s15 =	sor.u32 $0x1C05, s23;
	s24 =	smul.u32 $0xFA00, s17;
	[dreg:$0xc] =	wrdreg s7  }
0x1a: {  	s9 =	rddreg [dreg:$0x2];
	s7 =	sadd.s32 s25, s26;
	s6 =	sor.u32 $0x20, s6  }
0x1b: {  	s25 =	smul.u32 $0xFA00, s18;
	_ =	strace $0x8000004A;
	[dreg:$0x5] =	wrdreg s6  }
0x1c: {  	s26 =	smul.u32 $0xFA00, s19;
	[dreg:$0xd] =	wrdreg s30;
	s6 =	sadd.s32 s8, s11  }
0x1d: {  	s5 =	sshrl.u32 s29, $0x2;
	s8 =	sshrl.u32 s10, $0x2;
	s10 =	sshrl.u32 s16, $0x2  }
0x1e: {  	s14 =	sshrl.u32 s24, $0x2;
	s29 =	sadd.s32 s20, s11;
	s30 =	sadd.s32 s21, s11  }
0x1f: {  	s21 =	sadd.s32 s22, s11;
	[dreg:$0x15] =	wrdreg s1;
	s6 =	sshrl.u32 s6, $0x3  }
0x20: {  	s16 =	sshrl.u32 s25, $0x2;
	s25 =	sshrl.u32 s2, $0x3;
	[dreg:$0xe] =	wrdreg s6  }
0x21: {  	s17 =	sshrl.u32 s26, $0x2;
	s26 =	sshrl.u32 s3, $0x3;
	[dreg:$0x16] =	wrdreg s25  }
0x22: {  	s1 =	simm.s32 $0x3;
	s29 =	sshrl.u32 s29, $0x3;
	[dreg:$0x17] =	wrdreg s26  }
0x23: {  	s5 =	sadd.s32 s5, s11;
	s30 =	sshrl.u32 s30, $0x3;
	[dreg:$0x19] =	wrdreg s29  }
0x24: {  	s8 =	sadd.s32 s8, s11;
	s5 =	sshrl.u32 s5, $0x3;
	[dreg:$0x1a] =	wrdreg s30  }
0x25: {  	s10 =	sadd.s32 s10, s11;
	s8 =	sshrl.u32 s8, $0x3;
	[dreg:$0xf] =	wrdreg s5  }
0x26: {  	s14 =	sadd.s32 s14, s11;
	s22 =	sshrl.u32 s10, $0x3;
	[dreg:$0x10] =	wrdreg s8  }
0x27: {  	s28 =	sadd.s32 s16, s11;
	s23 =	sshrl.u32 s14, $0x3;
	[dreg:$0x11] =	wrdreg s22  }
0x28: {  	s17 =	sadd.s32 s17, s11;
	[dreg:$0x12] =	wrdreg s23;
	s24 =	sshrl.u32 s28, $0x3  }
0x29: {  	s31 =	sshrl.u32 @!p0 s21, $0x3;
	s5 =	sshrl.u32 @!p0 s17, $0x3;
	[dreg:$0x13] =	wrdreg s24  }
0x2a: {  	s2 =	simm.s32 $0x4;
	s28 =	sshrl.u32 s4, $0x3;
	[dreg:$0x14] =	wrdreg s5  }
0x2b: {  	s16 =	sadd.s32 $0x1400, s7;
	s10 =	simm.s32 $0x5;
	[dreg:$0x18] =	wrdreg s28  }
.LBB2_1:
0x2c: {  	s3 =	rddreg [dreg:$0xe]  }
0x2d: {  	[spmem:s3], [sflag:s15] =	dma.local [hbm:s9], $0x7D0  }
0x2e: {  	_ =	swait.ge [sflag:s10], $0x7D0  }
0x2f: {  	[sflag:s10] =	ssyncset.done $0x0  }
0x30: {  	s25 =	rddreg [dreg:$0xf];
	[sflag:s10] =	ssyncadd.s32 $0xFFFFF830  }
0x31: {  	[spmem:s25], [sflag:s15] =	dma.local [hbm:s9], $0x7D0  }
0x32: {  	_ =	swait.ge [sflag:s10], $0x7D0  }
0x33: {  	[sflag:s10] =	ssyncset.done $0x0  }
0x34: {  	s26 =	rddreg [dreg:$0x10];
	[sflag:s10] =	ssyncadd.s32 $0xFFFFF830  }
0x35: {  	[spmem:s26], [sflag:s15] =	dma.local [hbm:s9], $0x7D0  }
0x36: {  	_ =	swait.ge [sflag:s10], $0x7D0  }
0x37: {  	[sflag:s10] =	ssyncset.done $0x0  }
0x38: {  	s28 =	rddreg [dreg:$0x11];
	[sflag:s10] =	ssyncadd.s32 $0xFFFFF830  }
0x39: {  	[spmem:s28], [sflag:s15] =	dma.local [hbm:s9], $0x7D0  }
0x3a: {  	_ =	swait.ge [sflag:s10], $0x7D0  }
0x3b: {  	[sflag:s10] =	ssyncset.done $0x0  }
0x3c: {  	s29 =	rddreg [dreg:$0x12];
	[sflag:s10] =	ssyncadd.s32 $0xFFFFF830  }
0x3d: {  	[spmem:s29], [sflag:s15] =	dma.local [hbm:s9], $0x7D0  }
0x3e: {  	_ =	swait.ge [sflag:s10], $0x7D0  }
0x3f: {  	[sflag:s10] =	ssyncset.done $0x0  }
0x40: {  	s30 =	rddreg [dreg:$0x13];
	[sflag:s10] =	ssyncadd.s32 $0xFFFFF830  }
0x41: {  	[spmem:s30], [sflag:s15] =	dma.local [hbm:s9], $0x7D0  }
0x42: {  	_ =	swait.ge [sflag:s10], $0x7D0  }
0x43: {  	[sflag:s10] =	ssyncset.done $0x0  }
0x44: {  	s3 =	rddreg [dreg:$0x14];
	[sflag:s10] =	ssyncadd.s32 $0xFFFFF830  }
0x45: {  	[spmem:s3], [sflag:s15] =	dma.local @!p0 [hbm:s9], $0x7D0  }
0x46: {  	s4 =	sadd.s32 $0x0, s12;
	s3 =	simm.s32 @!p0 $0x5  }
0x47: {  	p2 =	sgt.u32 s4, $0x9C3;
	_ =	swait.ge @!p0 [sflag:s3], $0x7D0  }
0x48: {  	p1 =	por @!p2 $0x1, $0x1;
	[sflag:s3] =	ssyncset.done @!p0 $0x0  }
0x49: {  	p1 =	por p1, p2;
	[sflag:s3] =	ssyncadd.s32 @!p0 $0xFFFFF830  }
0x4a: {  	s3 =	simm.s32 @!p1 $0x3;
	[bflag:$0x0] =	sbarrier.arrive $0xFFFF  }
0x4b: {  	_ =	swait.ge @!p1 [sflag:s3], $0x800  }
0x4c: {  	[sflag:s3] =	ssyncset.done @!p1 $0x0  }
0x4d: {  	[sflag:s3] =	ssyncadd.s32 @!p1 $0xFFFFF800  }
0x4e: {  	_ =	swait.ge @!p1 [sflag:s3], $0x800  }
0x4f: {  	[sflag:s3] =	ssyncset.done @!p1 $0x0  }
0x50: {  	[sflag:s3] =	ssyncadd.s32 @!p1 $0xFFFFF800  }
0x51: {  	_ =	swait.ge @!p1 [sflag:s3], $0x800  }
0x52: {  	[sflag:s3] =	ssyncset.done @!p1 $0x0  }
0x53: {  	[sflag:s3] =	ssyncadd.s32 @!p1 $0xFFFFF800  }
0x54: {  	_ =	swait.ge @!p1 [sflag:s3], $0x800  }
0x55: {  	[sflag:s3] =	ssyncset.done @!p1 $0x0  }
0x56: {  	[sflag:s3] =	ssyncadd.s32 @!p1 $0xFFFFF800  }
0x57: {  	_ =	swait.ge @!p1 [sflag:s3], $0x800  }
0x58: {  	s4 =	simm.s32 @!p2 $0x5;
	[sflag:s3] =	ssyncset.done @!p1 $0x0  }
0x59: {  	s5 =	simm.s32 @!p2 $0x0;
	[sflag:s3] =	ssyncadd.s32 @!p1 $0xFFFFF800;
	s3 =	sadd.s32 @!p2 $0xFFFFEC00, s16  }
0x5a: {  	[tilespmem:s5], [sflag:$0x5] =	stream.linear.gather @!p2 [hbm4b:s3+s5], $0x500, $0x38;
	[tilespmem:$0x1E0A0] =	vst v63  }
0x5b: {  	_ =	swait.ge @!p2 [sflag:s4], $0x500  }
0x5c: {  	s3 =	simm.s32 @!p2 $0x80;
	[sflag:s4] =	ssyncset.done @!p2 $0x0  }
0x5d: {  	s6 =	rddreg [dreg:$0x5];
	[sflag:s4] =	ssyncadd.s32 @!p2 $0xFFFFFB00;
	s4 =	simm.s32 @!p2 $0xA00  }
0x5e: {  	[tilespmem:s4], [sflag:$0x1] =	stream.indirect.gather @!p2 [hbm4b:s13+s3], $0x10, s5, s3, $0xb8;
	[tilespmem:$0x1E0A0] =	vst v63  }
0x5f: {  	s7 =	simm.s32 @!p2 $0x100;
	s8 =	sadd.s32 $0x0, s6;
	s5 =	simm.s32 @!p2 $0x1200  }
0x60: {  	[tilespmem:s5], [sflag:$0x1] =	stream.indirect.gather @!p2 [hbm4b:s13+s3], $0x10, s7, s3, $0xb8;
	[tilespmem:$0x1E0A0] =	vst v63  }
0x61: {  	s6 =	simm.s32 @!p2 $0x1A00;
	p1 =	sgt.u32 s8, $0x9C3;
	s7 =	simm.s32 @!p2 $0x200  }
0x62: {  	[tilespmem:s6], [sflag:$0x1] =	stream.indirect.gather @!p2 [hbm4b:s13+s3], $0x10, s7, s3, $0xb8;
	[tilespmem:$0x1E0A0] =	vst v63  }
0x63: {  	s8 =	simm.s32 @!p2 $0x300;
	p3 =	por @!p1 $0x1, $0x1;
	s7 =	simm.s32 @!p2 $0x2200  }
0x64: {  	[tilespmem:s7], [sflag:$0x1] =	stream.indirect.gather @!p2 [hbm4b:s13+s3], $0x10, s8, s3, $0xb8;
	[tilespmem:$0x1E0A0] =	vst v63  }
0x65: {  	s14 =	simm.s32 @!p2 $0x2A00;
	p3 =	por p3, p1;
	s8 =	simm.s32 @!p2 $0x400  }
0x66: {  	[tilespmem:s14], [sflag:$0x1] =	stream.indirect.gather @!p2 [hbm4b:s13+s3], $0x10, s8, s3, $0xb8;
	[tilespmem:$0x1E0A0] =	vst v63  }
0x67: {  	s8 =	simm.s32 @!p3 $0x4  }
0x68: {  	_ =	swait.ge @!p3 [sflag:s8], $0x800  }
0x69: {  	[sflag:s8] =	ssyncset.done @!p3 $0x0  }
0x6a: {  	[sflag:s8] =	ssyncadd.s32 @!p3 $0xFFFFF800  }
0x6b: {  	_ =	swait.ge @!p3 [sflag:s8], $0x800  }
0x6c: {  	[sflag:s8] =	ssyncset.done @!p3 $0x0  }
0x6d: {  	[sflag:s8] =	ssyncadd.s32 @!p3 $0xFFFFF800  }
0x6e: {  	_ =	swait.ge @!p3 [sflag:s8], $0x800  }
0x6f: {  	[sflag:s8] =	ssyncset.done @!p3 $0x0  }
0x70: {  	[sflag:s8] =	ssyncadd.s32 @!p3 $0xFFFFF800  }
0x71: {  	_ =	swait.ge @!p3 [sflag:s8], $0x800  }
0x72: {  	[sflag:s8] =	ssyncset.done @!p3 $0x0  }
0x73: {  	[sflag:s8] =	ssyncadd.s32 @!p3 $0xFFFFF800  }
0x74: {  	_ =	swait.ge @!p3 [sflag:s8], $0x800  }
0x75: {  	s17 =	simm.s32 @!p1 $0x0;
	[sflag:s8] =	ssyncset.done @!p3 $0x0  }
0x76: {  	s18 =	simm.s32 @!p1 $0x500;
	s19 =	simm.s32 @!p1 $0x5;
	[sflag:s8] =	ssyncadd.s32 @!p3 $0xFFFFF800  }
0x77: {  	[tilespmem:s18], [sflag:$0x5] =	stream.linear.gather @!p1 [hbm4b:s16+s17], $0x500, $0x38;
	[tilespmem:$0x1E0A0] =	vst v63  }
0x78: {  	_ =	swait.ge @!p1 [sflag:s19], $0x500  }
0x79: {  	[sflag:s19] =	ssyncset.done @!p1 $0x0  }
0x7a: {  	s21 =	simm.s32 @!p1 $0x3200;
	s8 =	simm.s32 @!p1 $0x80;
	[sflag:s19] =	ssyncadd.s32 @!p1 $0xFFFFFB00  }
0x7b: {  	[tilespmem:s21], [sflag:$0x2] =	stream.indirect.gather @!p1 [hbm4b:s13+s8], $0x10, s18, s8, $0xb8;
	[tilespmem:$0x1E0A0] =	vst v63  }
0x7c: {  	s17 =	simm.s32 @!p1 $0x600;
	s19 =	simm.s32 @!p1 $0x3A00  }
0x7d: {  	[tilespmem:s19], [sflag:$0x2] =	stream.indirect.gather @!p1 [hbm4b:s13+s8], $0x10, s17, s8, $0xb8;
	[tilespmem:$0x1E0A0] =	vst v63  }
0x7e: {  	s20 =	simm.s32 @!p1 $0x4200;
	s17 =	simm.s32 @!p1 $0x700  }
0x7f: {  	[tilespmem:s20], [sflag:$0x2] =	stream.indirect.gather @!p1 [hbm4b:s13+s8], $0x10, s17, s8, $0xb8;
	[tilespmem:$0x1E0A0] =	vst v63  }
0x80: {  	s18 =	simm.s32 @!p1 $0x800;
	s17 =	simm.s32 @!p1 $0x4A00  }
0x81: {  	[tilespmem:s17], [sflag:$0x2] =	stream.indirect.gather @!p1 [hbm4b:s13+s8], $0x10, s18, s8, $0xb8;
	[tilespmem:$0x1E0A0] =	vst v63  }
0x82: {  	s22 =	simm.s32 @!p1 $0x900;
	s18 =	simm.s32 @!p1 $0x5200  }
0x83: {  	[tilespmem:s18], [sflag:$0x2] =	stream.indirect.gather @!p1 [hbm4b:s13+s8], $0x10, s22, s8, $0xb8;
	[tilespmem:$0x1E0A0] =	vst v63  }
0x84: {  	s22 =	simm.s32 @!p2 $0x1  }
0x85: {  	_ =	swait.ge @!p2 [sflag:s22], $0x800  }
0x86: {  	[sflag:s22] =	ssyncset.done @!p2 $0x0  }
0x87: {  	[sflag:s22] =	ssyncadd.s32 @!p2 $0xFFFFF800  }
0x88: {  	_ =	swait.ge @!p2 [sflag:s22], $0x800  }
0x89: {  	[sflag:s22] =	ssyncset.done @!p2 $0x0  }
0x8a: {  	[sflag:s22] =	ssyncadd.s32 @!p2 $0xFFFFF800  }
0x8b: {  	_ =	swait.ge @!p2 [sflag:s22], $0x800  }
0x8c: {  	[sflag:s22] =	ssyncset.done @!p2 $0x0  }
0x8d: {  	[sflag:s22] =	ssyncadd.s32 @!p2 $0xFFFFF800  }
0x8e: {  	_ =	swait.ge @!p2 [sflag:s22], $0x800  }
0x8f: {  	[sflag:s22] =	ssyncset.done @!p2 $0x0  }
0x90: {  	[sflag:s22] =	ssyncadd.s32 @!p2 $0xFFFFF800  }
0x91: {  	_ =	swait.ge @!p2 [sflag:s22], $0x800  }
0x92: {  	[sflag:s22] =	ssyncset.done @!p2 $0x0  }
0x93: {  	[sflag:s22] =	ssyncadd.s32 @!p2 $0xFFFFF800  }
0x94: {  	[spmem:s11] =	stream.indirect.scatter.add.f32 @!p2 [tilespmem:s4], [sflag:$0x3], $0x10, s3, s3, $0xb8;
	[tilespmem:$0x1E0A0] =	vst v63  }
0x95: {  	s4 =	simm.s32 @!p2 $0x180  }
0x96: {  	[spmem:s11] =	stream.indirect.scatter.add.f32 @!p2 [tilespmem:s5], [sflag:$0x3], $0x10, s4, s3, $0xb8;
	[tilespmem:$0x1E0A0] =	vst v63  }
0x97: {  	s4 =	simm.s32 @!p2 $0x280  }
0x98: {  	[spmem:s11] =	stream.indirect.scatter.add.f32 @!p2 [tilespmem:s6], [sflag:$0x3], $0x10, s4, s3, $0xb8;
	[tilespmem:$0x1E0A0] =	vst v63  }
0x99: {  	s4 =	simm.s32 @!p2 $0x380  }
0x9a: {  	[spmem:s11] =	stream.indirect.scatter.add.f32 @!p2 [tilespmem:s7], [sflag:$0x3], $0x10, s4, s3, $0xb8;
	[tilespmem:$0x1E0A0] =	vst v63  }
0x9b: {  	s5 =	simm.s32 @!p1 $0x2;
	s4 =	simm.s32 @!p2 $0x480  }
0x9c: {  	[spmem:s11] =	stream.indirect.scatter.add.f32 @!p2 [tilespmem:s14], [sflag:$0x3], $0x10, s4, s3, $0xb8;
	[tilespmem:$0x1E0A0] =	vst v63  }
0x9d: {  	_ =	swait.ge @!p1 [sflag:s5], $0x800  }
0x9e: {  	[sflag:s5] =	ssyncset.done @!p1 $0x0  }
0x9f: {  	[sflag:s5] =	ssyncadd.s32 @!p1 $0xFFFFF800  }
0xa0: {  	_ =	swait.ge @!p1 [sflag:s5], $0x800  }
0xa1: {  	[sflag:s5] =	ssyncset.done @!p1 $0x0  }
0xa2: {  	[sflag:s5] =	ssyncadd.s32 @!p1 $0xFFFFF800  }
0xa3: {  	_ =	swait.ge @!p1 [sflag:s5], $0x800  }
0xa4: {  	[sflag:s5] =	ssyncset.done @!p1 $0x0  }
0xa5: {  	[sflag:s5] =	ssyncadd.s32 @!p1 $0xFFFFF800  }
0xa6: {  	_ =	swait.ge @!p1 [sflag:s5], $0x800  }
0xa7: {  	[sflag:s5] =	ssyncset.done @!p1 $0x0  }
0xa8: {  	[sflag:s5] =	ssyncadd.s32 @!p1 $0xFFFFF800  }
0xa9: {  	s6 =	simm.s32 $0x40;
	_ =	swait.ge @!p1 [sflag:s5], $0x800  }
0xaa: {  	s7 =	simm.s32 $0xC0;
	s3 =	simm.s32 @!p1 $0x580;
	[sflag:s5] =	ssyncset.done @!p1 $0x0  }
0xab: {  	s4 =	simm.s32 $0x80;
	[sflag:s5] =	ssyncadd.s32 @!p1 $0xFFFFF800;
	s5 =	sadd.s32 $0x2800, s16  }
0xac: {  	[spmem:s11] =	stream.indirect.scatter.add.f32 @!p1 [tilespmem:s21], [sflag:$0x4], $0x10, s3, s8, $0xb8;
	[tilespmem:$0x1E0A0] =	vst v63  }
0xad: {  	s14 =	simm.s32 @!p1 $0x780;
	s21 =	simm.s32 @!p1 $0x680;
	s3 =	sadd.s32 $0x2800, s5  }
.LBB2_2:
0xae: {  	[spmem:s11] =	stream.indirect.scatter.add.f32 @!p1 [tilespmem:s19], [sflag:$0x4], $0x10, s21, s8, $0xb8;
	[tilespmem:$0x1E0A0] =	vst v63  }
0xaf: {  	s28 =	sadd.s32 s6, s12  }
0xb0: {  	p3 =	sgt.u32 s28, $0x9C3  }
0xb1: {  	[spmem:s11] =	stream.indirect.scatter.add.f32 @!p1 [tilespmem:s20], [sflag:$0x4], $0x10, s14, s8, $0xb8;
	[tilespmem:$0x1E0A0] =	vst v63  }
0xb2: {  	p4 =	seq.s32 @!p3 s6, $0x0  }
0xb3: {  	s20 =	simm.s32 @!p1 $0x880;
	p4 =	por p4, p3  }
0xb4: {  	[spmem:s11] =	stream.indirect.scatter.add.f32 @!p1 [tilespmem:s17], [sflag:$0x4], $0x10, s20, s8, $0xb8;
	[tilespmem:$0x1E0A0] =	vst v63  }
0xb5: {  	s14 =	simm.s32 @!p1 $0x980;
	s17 =	simm.s32 @!p4 $0x3  }
0xb6: {  	[spmem:s11] =	stream.indirect.scatter.add.f32 @!p1 [tilespmem:s18], [sflag:$0x4], $0x10, s14, s8, $0xb8;
	[tilespmem:$0x1E0A0] =	vst v63  }
0xb7: {  	_ =	swait.ge @!p4 [sflag:s17], $0x800  }
0xb8: {  	[sflag:s17] =	ssyncset.done @!p4 $0x0  }
0xb9: {  	[sflag:s17] =	ssyncadd.s32 @!p4 $0xFFFFF800  }
0xba: {  	_ =	swait.ge @!p4 [sflag:s17], $0x800  }
0xbb: {  	[sflag:s17] =	ssyncset.done @!p4 $0x0  }
0xbc: {  	[sflag:s17] =	ssyncadd.s32 @!p4 $0xFFFFF800  }
0xbd: {  	_ =	swait.ge @!p4 [sflag:s17], $0x800  }
0xbe: {  	[sflag:s17] =	ssyncset.done @!p4 $0x0  }
0xbf: {  	[sflag:s17] =	ssyncadd.s32 @!p4 $0xFFFFF800  }
0xc0: {  	_ =	swait.ge @!p4 [sflag:s17], $0x800  }
0xc1: {  	[sflag:s17] =	ssyncset.done @!p4 $0x0  }
0xc2: {  	[sflag:s17] =	ssyncadd.s32 @!p4 $0xFFFFF800  }
0xc3: {  	_ =	swait.ge @!p4 [sflag:s17], $0x800  }
0xc4: {  	s8 =	simm.s32 @!p3 $0x5;
	[sflag:s17] =	ssyncset.done @!p4 $0x0  }
0xc5: {  	s14 =	sadd.s32 @!p3 $0xFFFFEC00, s5;
	[sflag:s17] =	ssyncadd.s32 @!p4 $0xFFFFF800;
	s17 =	simm.s32 @!p3 $0x0  }
0xc6: {  	[tilespmem:s17], [sflag:$0x5] =	stream.linear.gather @!p3 [hbm4b:s14+s17], $0x500, $0x38;
	[tilespmem:$0x1E0A0] =	vst v63  }
0xc7: {  	_ =	swait.ge @!p3 [sflag:s8], $0x500  }
0xc8: {  	s21 =	simm.s32 @!p3 $0x80;
	[sflag:s8] =	ssyncset.done @!p3 $0x0;
	s30 =	rddreg [dreg:$0x5]  }
0xc9: {  	s22 =	simm.s32 @!p3 $0xA00;
	[sflag:s8] =	ssyncadd.s32 @!p3 $0xFFFFFB00;
	s14 =	sadd.s32 s6, s30  }
0xca: {  	[tilespmem:s22], [sflag:$0x1] =	stream.indirect.gather @!p3 [hbm4b:s13+s21], $0x10, s17, s21, $0xb8;
	[tilespmem:$0x1E0A0] =	vst v63  }
0xcb: {  	s23 =	simm.s32 @!p3 $0x1200;
	s8 =	simm.s32 @!p3 $0x100;
	p1 =	sgt.u32 s14, $0x9C3  }
0xcc: {  	[tilespmem:s23], [sflag:$0x1] =	stream.indirect.gather @!p3 [hbm4b:s13+s21], $0x10, s8, s21, $0xb8;
	[tilespmem:$0x1E0A0] =	vst v63  }
0xcd: {  	s24 =	simm.s32 @!p3 $0x1A00;
	p4 =	seq.s32 @!p1 s6, $0x0;
	s8 =	simm.s32 @!p3 $0x200  }
0xce: {  	[tilespmem:s24], [sflag:$0x1] =	stream.indirect.gather @!p3 [hbm4b:s13+s21], $0x10, s8, s21, $0xb8;
	[tilespmem:$0x1E0A0] =	vst v63  }
0xcf: {  	s25 =	simm.s32 @!p3 $0x2200;
	s18 =	simm.s32 @!p3 $0x300;
	p4 =	por p4, p1  }
0xd0: {  	[tilespmem:s25], [sflag:$0x1] =	stream.indirect.gather @!p3 [hbm4b:s13+s21], $0x10, s18, s21, $0xb8;
	[tilespmem:$0x1E0A0] =	vst v63  }
0xd1: {  	s26 =	simm.s32 @!p3 $0x2A00;
	s6 =	simm.s32 @!p3 $0x400;
	s8 =	simm.s32 @!p4 $0x4  }
0xd2: {  	[tilespmem:s26], [sflag:$0x1] =	stream.indirect.gather @!p3 [hbm4b:s13+s21], $0x10, s6, s21, $0xb8;
	[tilespmem:$0x1E0A0] =	vst v63  }
0xd3: {  	_ =	swait.ge @!p4 [sflag:s8], $0x800  }
0xd4: {  	[sflag:s8] =	ssyncset.done @!p4 $0x0  }
0xd5: {  	[sflag:s8] =	ssyncadd.s32 @!p4 $0xFFFFF800  }
0xd6: {  	_ =	swait.ge @!p4 [sflag:s8], $0x800  }
0xd7: {  	[sflag:s8] =	ssyncset.done @!p4 $0x0  }
0xd8: {  	[sflag:s8] =	ssyncadd.s32 @!p4 $0xFFFFF800  }
0xd9: {  	_ =	swait.ge @!p4 [sflag:s8], $0x800  }
0xda: {  	[sflag:s8] =	ssyncset.done @!p4 $0x0  }
0xdb: {  	[sflag:s8] =	ssyncadd.s32 @!p4 $0xFFFFF800  }
0xdc: {  	_ =	swait.ge @!p4 [sflag:s8], $0x800  }
0xdd: {  	[sflag:s8] =	ssyncset.done @!p4 $0x0  }
0xde: {  	[sflag:s8] =	ssyncadd.s32 @!p4 $0xFFFFF800  }
0xdf: {  	_ =	swait.ge @!p4 [sflag:s8], $0x800  }
0xe0: {  	s17 =	simm.s32 @!p1 $0x0;
	[sflag:s8] =	ssyncset.done @!p4 $0x0  }
0xe1: {  	s19 =	simm.s32 @!p1 $0x5;
	s18 =	simm.s32 @!p1 $0x500;
	[sflag:s8] =	ssyncadd.s32 @!p4 $0xFFFFF800  }
0xe2: {  	[tilespmem:s18], [sflag:$0x5] =	stream.linear.gather @!p1 [hbm4b:s5+s17], $0x500, $0x38;
	[tilespmem:$0x1E0A0] =	vst v63  }
0xe3: {  	_ =	swait.ge @!p1 [sflag:s19], $0x500  }
0xe4: {  	[sflag:s19] =	ssyncset.done @!p1 $0x0  }
0xe5: {  	s28 =	simm.s32 @!p1 $0x3200;
	s8 =	simm.s32 @!p1 $0x80;
	[sflag:s19] =	ssyncadd.s32 @!p1 $0xFFFFFB00  }
0xe6: {  	[tilespmem:s28], [sflag:$0x2] =	stream.indirect.gather @!p1 [hbm4b:s13+s8], $0x10, s18, s8, $0xb8;
	[tilespmem:$0x1E0A0] =	vst v63  }
0xe7: {  	s29 =	smov.u32 s7;
	s17 =	simm.s32 @!p1 $0x600;
	s19 =	simm.s32 @!p1 $0x3A00  }
0xe8: {  	[tilespmem:s19], [sflag:$0x2] =	stream.indirect.gather @!p1 [hbm4b:s13+s8], $0x10, s17, s8, $0xb8;
	[tilespmem:$0x1E0A0] =	vst v63  }
0xe9: {  	s20 =	simm.s32 @!p1 $0x4200;
	s6 =	smov.u32 s4;
	s18 =	simm.s32 @!p1 $0x700  }
0xea: {  	[tilespmem:s20], [sflag:$0x2] =	stream.indirect.gather @!p1 [hbm4b:s13+s8], $0x10, s18, s8, $0xb8;
	[tilespmem:$0x1E0A0] =	vst v63  }
0xeb: {  	s4 =	smov.u32 s29;
	s29 =	simm.s32 @!p1 $0x800;
	s17 =	simm.s32 @!p1 $0x4A00  }
0xec: {  	[tilespmem:s17], [sflag:$0x2] =	stream.indirect.gather @!p1 [hbm4b:s13+s8], $0x10, s29, s8, $0xb8;
	[tilespmem:$0x1E0A0] =	vst v63  }
0xed: {  	s30 =	simm.s32 @!p1 $0x900;
	s18 =	simm.s32 @!p1 $0x5200;
	s29 =	simm.s32 @!p3 $0x1  }
0xee: {  	[tilespmem:s18], [sflag:$0x2] =	stream.indirect.gather @!p1 [hbm4b:s13+s8], $0x10, s30, s8, $0xb8;
	[tilespmem:$0x1E0A0] =	vst v63  }
0xef: {  	_ =	swait.ge @!p3 [sflag:s29], $0x800  }
0xf0: {  	[sflag:s29] =	ssyncset.done @!p3 $0x0  }
0xf1: {  	[sflag:s29] =	ssyncadd.s32 @!p3 $0xFFFFF800  }
0xf2: {  	_ =	swait.ge @!p3 [sflag:s29], $0x800  }
0xf3: {  	[sflag:s29] =	ssyncset.done @!p3 $0x0  }
0xf4: {  	[sflag:s29] =	ssyncadd.s32 @!p3 $0xFFFFF800  }
0xf5: {  	_ =	swait.ge @!p3 [sflag:s29], $0x800  }
0xf6: {  	[sflag:s29] =	ssyncset.done @!p3 $0x0  }
0xf7: {  	[sflag:s29] =	ssyncadd.s32 @!p3 $0xFFFFF800  }
0xf8: {  	_ =	swait.ge @!p3 [sflag:s29], $0x800  }
0xf9: {  	[sflag:s29] =	ssyncset.done @!p3 $0x0  }
0xfa: {  	[sflag:s29] =	ssyncadd.s32 @!p3 $0xFFFFF800  }
0xfb: {  	_ =	swait.ge @!p3 [sflag:s29], $0x800  }
0xfc: {  	[sflag:s29] =	ssyncset.done @!p3 $0x0  }
0xfd: {  	[sflag:s29] =	ssyncadd.s32 @!p3 $0xFFFFF800  }
0xfe: {  	[spmem:s11] =	stream.indirect.scatter.add.f32 @!p3 [tilespmem:s22], [sflag:$0x3], $0x10, s21, s21, $0xb8;
	[tilespmem:$0x1E0A0] =	vst v63  }
0xff: {  	s29 =	simm.s32 @!p3 $0x180  }
0x100: {  	[spmem:s11] =	stream.indirect.scatter.add.f32 @!p3 [tilespmem:s23], [sflag:$0x3], $0x10, s29, s21, $0xb8;
	[tilespmem:$0x1E0A0] =	vst v63  }
0x101: {  	s22 =	simm.s32 @!p3 $0x280  }
0x102: {  	[spmem:s11] =	stream.indirect.scatter.add.f32 @!p3 [tilespmem:s24], [sflag:$0x3], $0x10, s22, s21, $0xb8;
	[tilespmem:$0x1E0A0] =	vst v63  }
0x103: {  	s23 =	simm.s32 @!p3 $0x380  }
0x104: {  	[spmem:s11] =	stream.indirect.scatter.add.f32 @!p3 [tilespmem:s25], [sflag:$0x3], $0x10, s23, s21, $0xb8;
	[tilespmem:$0x1E0A0] =	vst v63  }
0x105: {  	s22 =	simm.s32 @!p3 $0x480;
	s23 =	simm.s32 @!p1 $0x2  }
0x106: {  	[spmem:s11] =	stream.indirect.scatter.add.f32 @!p3 [tilespmem:s26], [sflag:$0x3], $0x10, s22, s21, $0xb8;
	[tilespmem:$0x1E0A0] =	vst v63  }
0x107: {  	_ =	swait.ge @!p1 [sflag:s23], $0x800  }
0x108: {  	[sflag:s23] =	ssyncset.done @!p1 $0x0  }
0x109: {  	[sflag:s23] =	ssyncadd.s32 @!p1 $0xFFFFF800  }
0x10a: {  	_ =	swait.ge @!p1 [sflag:s23], $0x800  }
0x10b: {  	[sflag:s23] =	ssyncset.done @!p1 $0x0  }
0x10c: {  	[sflag:s23] =	ssyncadd.s32 @!p1 $0xFFFFF800  }
0x10d: {  	_ =	swait.ge @!p1 [sflag:s23], $0x800  }
0x10e: {  	[sflag:s23] =	ssyncset.done @!p1 $0x0  }
0x10f: {  	[sflag:s23] =	ssyncadd.s32 @!p1 $0xFFFFF800  }
0x110: {  	s7 =	sadd.s32 $0x40, s7;
	_ =	swait.ge @!p1 [sflag:s23], $0x800  }
0x111: {  	p2 =	sne.s32 s7, $0xA00;
	[sflag:s23] =	ssyncset.done @!p1 $0x0  }
.Ltmp0:
0x112: {  	[sflag:s23] =	ssyncadd.s32 @!p1 $0xFFFFF800;
	(pc) =	sbr.rel @p2 .LBB2_2-.Ltmp0, $4  }
0x113: {  	s14 =	simm.s32 @!p1 $0x780;
	_ =	swait.ge @!p1 [sflag:s23], $0x800  }
0x114: {  	s5 =	smov.u32 s3;
	s3 =	sadd.s32 $0x2800, s3;
	[sflag:s23] =	ssyncset.done @!p1 $0x0  }
0x115: {  	s22 =	simm.s32 @!p1 $0x580;
	s21 =	simm.s32 @!p1 $0x680;
	[sflag:s23] =	ssyncadd.s32 @!p1 $0xFFFFF800  }
0x116: {  	[spmem:s11] =	stream.indirect.scatter.add.f32 @!p1 [tilespmem:s28], [sflag:$0x4], $0x10, s22, s8, $0xb8;
	[tilespmem:$0x1E0A0] =	vst v63  }
0x117: {  	[spmem:s11] =	stream.indirect.scatter.add.f32 @!p1 [tilespmem:s19], [sflag:$0x4], $0x10, s21, s8, $0xb8;
	[tilespmem:$0x1E0A0] =	vst v63  }
0x118: {  	s7 =	sadd.s32 s6, s12  }
0x119: {  	p2 =	sgt.u32 s7, $0x9C3  }
0x11a: {  	[spmem:s11] =	stream.indirect.scatter.add.f32 @!p1 [tilespmem:s20], [sflag:$0x4], $0x10, s14, s8, $0xb8;
	[tilespmem:$0x1E0A0] =	vst v63  }
0x11b: {  	p3 =	seq.s32 @!p2 s6, $0x0  }
0x11c: {  	s7 =	simm.s32 @!p1 $0x880;
	p3 =	por p3, p2  }
0x11d: {  	[spmem:s11] =	stream.indirect.scatter.add.f32 @!p1 [tilespmem:s17], [sflag:$0x4], $0x10, s7, s8, $0xb8;
	[tilespmem:$0x1E0A0] =	vst v63  }
0x11e: {  	s7 =	simm.s32 @!p1 $0x980;
	s14 =	simm.s32 @!p3 $0x3  }
0x11f: {  	[spmem:s11] =	stream.indirect.scatter.add.f32 @!p1 [tilespmem:s18], [sflag:$0x4], $0x10, s7, s8, $0xb8;
	[tilespmem:$0x1E0A0] =	vst v63  }
0x120: {  	_ =	swait.ge @!p3 [sflag:s14], $0x800  }
0x121: {  	[sflag:s14] =	ssyncset.done @!p3 $0x0  }
0x122: {  	[sflag:s14] =	ssyncadd.s32 @!p3 $0xFFFFF800  }
0x123: {  	_ =	swait.ge @!p3 [sflag:s14], $0x800  }
0x124: {  	[sflag:s14] =	ssyncset.done @!p3 $0x0  }
0x125: {  	[sflag:s14] =	ssyncadd.s32 @!p3 $0xFFFFF800  }
0x126: {  	_ =	swait.ge @!p3 [sflag:s14], $0x800  }
0x127: {  	[sflag:s14] =	ssyncset.done @!p3 $0x0  }
0x128: {  	[sflag:s14] =	ssyncadd.s32 @!p3 $0xFFFFF800  }
0x129: {  	_ =	swait.ge @!p3 [sflag:s14], $0x800  }
0x12a: {  	[sflag:s14] =	ssyncset.done @!p3 $0x0  }
0x12b: {  	[sflag:s14] =	ssyncadd.s32 @!p3 $0xFFFFF800  }
0x12c: {  	_ =	swait.ge @!p3 [sflag:s14], $0x800  }
0x12d: {  	s7 =	simm.s32 @!p2 $0x5;
	[sflag:s14] =	ssyncset.done @!p3 $0x0  }
0x12e: {  	s8 =	sadd.s32 @!p2 $0xFFFFEC00, s5;
	[sflag:s14] =	ssyncadd.s32 @!p3 $0xFFFFF800;
	s14 =	simm.s32 @!p2 $0x0  }
0x12f: {  	[tilespmem:s14], [sflag:$0x5] =	stream.linear.gather @!p2 [hbm4b:s8+s14], $0x500, $0x38;
	[tilespmem:$0x1E0A0] =	vst v63  }
0x130: {  	_ =	swait.ge @!p2 [sflag:s7], $0x500  }
0x131: {  	s8 =	simm.s32 @!p2 $0xA00;
	[sflag:s7] =	ssyncset.done @!p2 $0x0  }
0x132: {  	s25 =	rddreg [dreg:$0x5];
	[sflag:s7] =	ssyncadd.s32 @!p2 $0xFFFFFB00;
	s7 =	simm.s32 @!p2 $0x80  }
0x133: {  	[tilespmem:s8], [sflag:$0x1] =	stream.indirect.gather @!p2 [hbm4b:s13+s7], $0x10, s14, s7, $0xb8;
	[tilespmem:$0x1E0A0] =	vst v63  }
0x134: {  	s18 =	simm.s32 @!p2 $0x100;
	s26 =	sadd.s32 s6, s25;
	s14 =	simm.s32 @!p2 $0x1200  }
0x135: {  	[tilespmem:s14], [sflag:$0x1] =	stream.indirect.gather @!p2 [hbm4b:s13+s7], $0x10, s18, s7, $0xb8;
	[tilespmem:$0x1E0A0] =	vst v63  }
0x136: {  	s17 =	simm.s32 @!p2 $0x1A00;
	p3 =	sgt.u32 s26, $0x9C3;
	s18 =	simm.s32 @!p2 $0x200  }
0x137: {  	[tilespmem:s17], [sflag:$0x1] =	stream.indirect.gather @!p2 [hbm4b:s13+s7], $0x10, s18, s7, $0xb8;
	[tilespmem:$0x1E0A0] =	vst v63  }
0x138: {  	s19 =	simm.s32 @!p2 $0x300;
	p1 =	seq.s32 @!p3 s6, $0x0;
	s18 =	simm.s32 @!p2 $0x2200  }
0x139: {  	[tilespmem:s18], [sflag:$0x1] =	stream.indirect.gather @!p2 [hbm4b:s13+s7], $0x10, s19, s7, $0xb8;
	[tilespmem:$0x1E0A0] =	vst v63  }
0x13a: {  	s6 =	simm.s32 @!p2 $0x2A00;
	p1 =	por p1, p3;
	s19 =	simm.s32 @!p2 $0x400  }
0x13b: {  	[tilespmem:s6], [sflag:$0x1] =	stream.indirect.gather @!p2 [hbm4b:s13+s7], $0x10, s19, s7, $0xb8;
	[tilespmem:$0x1E0A0] =	vst v63  }
0x13c: {  	s19 =	simm.s32 @!p1 $0x4  }
0x13d: {  	_ =	swait.ge @!p1 [sflag:s19], $0x800  }
0x13e: {  	[sflag:s19] =	ssyncset.done @!p1 $0x0  }
0x13f: {  	[sflag:s19] =	ssyncadd.s32 @!p1 $0xFFFFF800  }
0x140: {  	_ =	swait.ge @!p1 [sflag:s19], $0x800  }
0x141: {  	[sflag:s19] =	ssyncset.done @!p1 $0x0  }
0x142: {  	[sflag:s19] =	ssyncadd.s32 @!p1 $0xFFFFF800  }
0x143: {  	_ =	swait.ge @!p1 [sflag:s19], $0x800  }
0x144: {  	[sflag:s19] =	ssyncset.done @!p1 $0x0  }
0x145: {  	[sflag:s19] =	ssyncadd.s32 @!p1 $0xFFFFF800  }
0x146: {  	_ =	swait.ge @!p1 [sflag:s19], $0x800  }
0x147: {  	[sflag:s19] =	ssyncset.done @!p1 $0x0  }
0x148: {  	[sflag:s19] =	ssyncadd.s32 @!p1 $0xFFFFF800  }
0x149: {  	_ =	swait.ge @!p1 [sflag:s19], $0x800  }
0x14a: {  	s20 =	simm.s32 @!p3 $0x0;
	[sflag:s19] =	ssyncset.done @!p1 $0x0  }
0x14b: {  	s21 =	simm.s32 @!p3 $0x500;
	[sflag:s19] =	ssyncadd.s32 @!p1 $0xFFFFF800;
	s19 =	simm.s32 @!p3 $0x5  }
0x14c: {  	[tilespmem:s21], [sflag:$0x5] =	stream.linear.gather @!p3 [hbm4b:s5+s20], $0x500, $0x38;
	[tilespmem:$0x1E0A0] =	vst v63  }
0x14d: {  	_ =	swait.ge @!p3 [sflag:s19], $0x500  }
0x14e: {  	[sflag:s19] =	ssyncset.done @!p3 $0x0  }
0x14f: {  	s5 =	simm.s32 @!p3 $0x80;
	s20 =	simm.s32 @!p3 $0x3200;
	[sflag:s19] =	ssyncadd.s32 @!p3 $0xFFFFFB00  }
0x150: {  	[tilespmem:s20], [sflag:$0x2] =	stream.indirect.gather @!p3 [hbm4b:s13+s5], $0x10, s21, s5, $0xb8;
	[tilespmem:$0x1E0A0] =	vst v63  }
0x151: {  	s19 =	simm.s32 @!p3 $0x600;
	s21 =	simm.s32 @!p3 $0x3A00  }
0x152: {  	[tilespmem:s21], [sflag:$0x2] =	stream.indirect.gather @!p3 [hbm4b:s13+s5], $0x10, s19, s5, $0xb8;
	[tilespmem:$0x1E0A0] =	vst v63  }
0x153: {  	s22 =	simm.s32 @!p3 $0x4200;
	s19 =	simm.s32 @!p3 $0x700  }
0x154: {  	[tilespmem:s22], [sflag:$0x2] =	stream.indirect.gather @!p3 [hbm4b:s13+s5], $0x10, s19, s5, $0xb8;
	[tilespmem:$0x1E0A0] =	vst v63  }
0x155: {  	s23 =	simm.s32 @!p3 $0x4A00;
	s19 =	simm.s32 @!p3 $0x800  }
0x156: {  	[tilespmem:s23], [sflag:$0x2] =	stream.indirect.gather @!p3 [hbm4b:s13+s5], $0x10, s19, s5, $0xb8;
	[tilespmem:$0x1E0A0] =	vst v63  }
0x157: {  	s24 =	simm.s32 @!p3 $0x5200;
	s19 =	simm.s32 @!p3 $0x900  }
0x158: {  	[tilespmem:s24], [sflag:$0x2] =	stream.indirect.gather @!p3 [hbm4b:s13+s5], $0x10, s19, s5, $0xb8;
	[tilespmem:$0x1E0A0] =	vst v63  }
0x159: {  	s19 =	simm.s32 @!p2 $0x1  }
0x15a: {  	_ =	swait.ge @!p2 [sflag:s19], $0x800  }
0x15b: {  	[sflag:s19] =	ssyncset.done @!p2 $0x0  }
0x15c: {  	[sflag:s19] =	ssyncadd.s32 @!p2 $0xFFFFF800  }
0x15d: {  	_ =	swait.ge @!p2 [sflag:s19], $0x800  }
0x15e: {  	[sflag:s19] =	ssyncset.done @!p2 $0x0  }
0x15f: {  	[sflag:s19] =	ssyncadd.s32 @!p2 $0xFFFFF800  }
0x160: {  	_ =	swait.ge @!p2 [sflag:s19], $0x800  }
0x161: {  	[sflag:s19] =	ssyncset.done @!p2 $0x0  }
0x162: {  	[sflag:s19] =	ssyncadd.s32 @!p2 $0xFFFFF800  }
0x163: {  	_ =	swait.ge @!p2 [sflag:s19], $0x800  }
0x164: {  	[sflag:s19] =	ssyncset.done @!p2 $0x0  }
0x165: {  	[sflag:s19] =	ssyncadd.s32 @!p2 $0xFFFFF800  }
0x166: {  	_ =	swait.ge @!p2 [sflag:s19], $0x800  }
0x167: {  	[sflag:s19] =	ssyncset.done @!p2 $0x0  }
0x168: {  	[sflag:s19] =	ssyncadd.s32 @!p2 $0xFFFFF800  }
0x169: {  	[spmem:s11] =	stream.indirect.scatter.add.f32 @!p2 [tilespmem:s8], [sflag:$0x3], $0x10, s7, s7, $0xb8;
	[tilespmem:$0x1E0A0] =	vst v63  }
0x16a: {  	s8 =	simm.s32 @!p2 $0x180  }
0x16b: {  	[spmem:s11] =	stream.indirect.scatter.add.f32 @!p2 [tilespmem:s14], [sflag:$0x3], $0x10, s8, s7, $0xb8;
	[tilespmem:$0x1E0A0] =	vst v63  }
0x16c: {  	s8 =	simm.s32 @!p2 $0x280  }
0x16d: {  	[spmem:s11] =	stream.indirect.scatter.add.f32 @!p2 [tilespmem:s17], [sflag:$0x3], $0x10, s8, s7, $0xb8;
	[tilespmem:$0x1E0A0] =	vst v63  }
0x16e: {  	s8 =	simm.s32 @!p2 $0x380  }
0x16f: {  	[spmem:s11] =	stream.indirect.scatter.add.f32 @!p2 [tilespmem:s18], [sflag:$0x3], $0x10, s8, s7, $0xb8;
	[tilespmem:$0x1E0A0] =	vst v63  }
0x170: {  	s14 =	simm.s32 @!p3 $0x2;
	s8 =	simm.s32 @!p2 $0x480  }
0x171: {  	[spmem:s11] =	stream.indirect.scatter.add.f32 @!p2 [tilespmem:s6], [sflag:$0x3], $0x10, s8, s7, $0xb8;
	[tilespmem:$0x1E0A0] =	vst v63  }
0x172: {  	_ =	swait.ge @!p3 [sflag:s14], $0x800  }
0x173: {  	[sflag:s14] =	ssyncset.done @!p3 $0x0  }
0x174: {  	[sflag:s14] =	ssyncadd.s32 @!p3 $0xFFFFF800  }
0x175: {  	_ =	swait.ge @!p3 [sflag:s14], $0x800  }
0x176: {  	[sflag:s14] =	ssyncset.done @!p3 $0x0  }
0x177: {  	[sflag:s14] =	ssyncadd.s32 @!p3 $0xFFFFF800  }
0x178: {  	_ =	swait.ge @!p3 [sflag:s14], $0x800  }
0x179: {  	[sflag:s14] =	ssyncset.done @!p3 $0x0  }
0x17a: {  	[sflag:s14] =	ssyncadd.s32 @!p3 $0xFFFFF800  }
0x17b: {  	_ =	swait.ge @!p3 [sflag:s14], $0x800  }
0x17c: {  	[sflag:s14] =	ssyncset.done @!p3 $0x0  }
0x17d: {  	[sflag:s14] =	ssyncadd.s32 @!p3 $0xFFFFF800  }
0x17e: {  	_ =	swait.ge @!p3 [sflag:s14], $0x800  }
0x17f: {  	[sflag:s14] =	ssyncset.done @!p3 $0x0  }
0x180: {  	s28 =	sadd.s32 s4, s12;
	s6 =	simm.s32 @!p3 $0x580;
	[sflag:s14] =	ssyncadd.s32 @!p3 $0xFFFFF800  }
0x181: {  	[spmem:s11] =	stream.indirect.scatter.add.f32 @!p3 [tilespmem:s20], [sflag:$0x4], $0x10, s6, s5, $0xb8;
	[tilespmem:$0x1E0A0] =	vst v63  }
0x182: {  	p1 =	sgt.u32 s28, $0x9C3;
	s6 =	simm.s32 @!p3 $0x680  }
0x183: {  	[spmem:s11] =	stream.indirect.scatter.add.f32 @!p3 [tilespmem:s21], [sflag:$0x4], $0x10, s6, s5, $0xb8;
	[tilespmem:$0x1E0A0] =	vst v63  }
0x184: {  	p2 =	seq.s32 @!p1 s4, $0x0;
	s6 =	simm.s32 @!p3 $0x780  }
0x185: {  	[spmem:s11] =	stream.indirect.scatter.add.f32 @!p3 [tilespmem:s22], [sflag:$0x4], $0x10, s6, s5, $0xb8;
	[tilespmem:$0x1E0A0] =	vst v63  }
0x186: {  	p2 =	por p2, p1;
	s6 =	simm.s32 @!p3 $0x880  }
0x187: {  	[spmem:s11] =	stream.indirect.scatter.add.f32 @!p3 [tilespmem:s23], [sflag:$0x4], $0x10, s6, s5, $0xb8;
	[tilespmem:$0x1E0A0] =	vst v63  }
0x188: {  	s7 =	simm.s32 @!p2 $0x3;
	s6 =	simm.s32 @!p3 $0x980  }
0x189: {  	[spmem:s11] =	stream.indirect.scatter.add.f32 @!p3 [tilespmem:s24], [sflag:$0x4], $0x10, s6, s5, $0xb8;
	[tilespmem:$0x1E0A0] =	vst v63  }
0x18a: {  	_ =	swait.ge @!p2 [sflag:s7], $0x800  }
0x18b: {  	[sflag:s7] =	ssyncset.done @!p2 $0x0  }
0x18c: {  	[sflag:s7] =	ssyncadd.s32 @!p2 $0xFFFFF800  }
0x18d: {  	_ =	swait.ge @!p2 [sflag:s7], $0x800  }
0x18e: {  	[sflag:s7] =	ssyncset.done @!p2 $0x0  }
0x18f: {  	[sflag:s7] =	ssyncadd.s32 @!p2 $0xFFFFF800  }
0x190: {  	_ =	swait.ge @!p2 [sflag:s7], $0x800  }
0x191: {  	[sflag:s7] =	ssyncset.done @!p2 $0x0  }
0x192: {  	[sflag:s7] =	ssyncadd.s32 @!p2 $0xFFFFF800  }
0x193: {  	_ =	swait.ge @!p2 [sflag:s7], $0x800  }
0x194: {  	[sflag:s7] =	ssyncset.done @!p2 $0x0  }
0x195: {  	[sflag:s7] =	ssyncadd.s32 @!p2 $0xFFFFF800  }
0x196: {  	_ =	swait.ge @!p2 [sflag:s7], $0x800  }
0x197: {  	s5 =	simm.s32 @!p1 $0x5;
	[sflag:s7] =	ssyncset.done @!p2 $0x0  }
0x198: {  	s6 =	sadd.s32 @!p1 $0xFFFFEC00, s3;
	[sflag:s7] =	ssyncadd.s32 @!p2 $0xFFFFF800;
	s7 =	simm.s32 @!p1 $0x0  }
0x199: {  	[tilespmem:s7], [sflag:$0x5] =	stream.linear.gather @!p1 [hbm4b:s6+s7], $0x500, $0x38;
	[tilespmem:$0x1E0A0] =	vst v63  }
0x19a: {  	_ =	swait.ge @!p1 [sflag:s5], $0x500  }
0x19b: {  	s6 =	simm.s32 @!p1 $0xA00;
	[sflag:s5] =	ssyncset.done @!p1 $0x0  }
0x19c: {  	s29 =	rddreg [dreg:$0x5];
	[sflag:s5] =	ssyncadd.s32 @!p1 $0xFFFFFB00;
	s5 =	simm.s32 @!p1 $0x80  }
0x19d: {  	[tilespmem:s6], [sflag:$0x1] =	stream.indirect.gather @!p1 [hbm4b:s13+s5], $0x10, s7, s5, $0xb8;
	[tilespmem:$0x1E0A0] =	vst v63  }
0x19e: {  	s14 =	simm.s32 @!p1 $0x100;
	s30 =	sadd.s32 s4, s29;
	s7 =	simm.s32 @!p1 $0x1200  }
0x19f: {  	[tilespmem:s7], [sflag:$0x1] =	stream.indirect.gather @!p1 [hbm4b:s13+s5], $0x10, s14, s5, $0xb8;
	[tilespmem:$0x1E0A0] =	vst v63  }
0x1a0: {  	s8 =	simm.s32 @!p1 $0x1A00;
	p2 =	sgt.u32 s30, $0x9C3;
	s14 =	simm.s32 @!p1 $0x200  }
0x1a1: {  	[tilespmem:s8], [sflag:$0x1] =	stream.indirect.gather @!p1 [hbm4b:s13+s5], $0x10, s14, s5, $0xb8;
	[tilespmem:$0x1E0A0] =	vst v63  }
0x1a2: {  	s17 =	simm.s32 @!p1 $0x300;
	p3 =	seq.s32 @!p2 s4, $0x0;
	s14 =	simm.s32 @!p1 $0x2200  }
0x1a3: {  	[tilespmem:s14], [sflag:$0x1] =	stream.indirect.gather @!p1 [hbm4b:s13+s5], $0x10, s17, s5, $0xb8;
	[tilespmem:$0x1E0A0] =	vst v63  }
0x1a4: {  	s4 =	simm.s32 @!p1 $0x2A00;
	p3 =	por p3, p2;
	s17 =	simm.s32 @!p1 $0x400  }
0x1a5: {  	[tilespmem:s4], [sflag:$0x1] =	stream.indirect.gather @!p1 [hbm4b:s13+s5], $0x10, s17, s5, $0xb8;
	[tilespmem:$0x1E0A0] =	vst v63  }
0x1a6: {  	s17 =	simm.s32 @!p3 $0x4  }
0x1a7: {  	_ =	swait.ge @!p3 [sflag:s17], $0x800  }
0x1a8: {  	[sflag:s17] =	ssyncset.done @!p3 $0x0  }
0x1a9: {  	[sflag:s17] =	ssyncadd.s32 @!p3 $0xFFFFF800  }
0x1aa: {  	_ =	swait.ge @!p3 [sflag:s17], $0x800  }
0x1ab: {  	[sflag:s17] =	ssyncset.done @!p3 $0x0  }
0x1ac: {  	[sflag:s17] =	ssyncadd.s32 @!p3 $0xFFFFF800  }
0x1ad: {  	_ =	swait.ge @!p3 [sflag:s17], $0x800  }
0x1ae: {  	[sflag:s17] =	ssyncset.done @!p3 $0x0  }
0x1af: {  	[sflag:s17] =	ssyncadd.s32 @!p3 $0xFFFFF800  }
0x1b0: {  	_ =	swait.ge @!p3 [sflag:s17], $0x800  }
0x1b1: {  	[sflag:s17] =	ssyncset.done @!p3 $0x0  }
0x1b2: {  	[sflag:s17] =	ssyncadd.s32 @!p3 $0xFFFFF800  }
0x1b3: {  	_ =	swait.ge @!p3 [sflag:s17], $0x800  }
0x1b4: {  	s18 =	simm.s32 @!p2 $0x0;
	[sflag:s17] =	ssyncset.done @!p3 $0x0  }
0x1b5: {  	s19 =	simm.s32 @!p2 $0x500;
	[sflag:s17] =	ssyncadd.s32 @!p3 $0xFFFFF800;
	s17 =	simm.s32 @!p2 $0x5  }
0x1b6: {  	[tilespmem:s19], [sflag:$0x5] =	stream.linear.gather @!p2 [hbm4b:s3+s18], $0x500, $0x38;
	[tilespmem:$0x1E0A0] =	vst v63  }
0x1b7: {  	_ =	swait.ge @!p2 [sflag:s17], $0x500  }
0x1b8: {  	[sflag:s17] =	ssyncset.done @!p2 $0x0  }
0x1b9: {  	s3 =	simm.s32 @!p2 $0x80;
	s18 =	simm.s32 @!p2 $0x3200;
	[sflag:s17] =	ssyncadd.s32 @!p2 $0xFFFFFB00  }
0x1ba: {  	[tilespmem:s18], [sflag:$0x2] =	stream.indirect.gather @!p2 [hbm4b:s13+s3], $0x10, s19, s3, $0xb8;
	[tilespmem:$0x1E0A0] =	vst v63  }
0x1bb: {  	s17 =	simm.s32 @!p2 $0x600;
	s19 =	simm.s32 @!p2 $0x3A00  }
0x1bc: {  	[tilespmem:s19], [sflag:$0x2] =	stream.indirect.gather @!p2 [hbm4b:s13+s3], $0x10, s17, s3, $0xb8;
	[tilespmem:$0x1E0A0] =	vst v63  }
0x1bd: {  	s20 =	simm.s32 @!p2 $0x4200;
	s17 =	simm.s32 @!p2 $0x700  }
0x1be: {  	[tilespmem:s20], [sflag:$0x2] =	stream.indirect.gather @!p2 [hbm4b:s13+s3], $0x10, s17, s3, $0xb8;
	[tilespmem:$0x1E0A0] =	vst v63  }
0x1bf: {  	s21 =	simm.s32 @!p2 $0x4A00;
	s17 =	simm.s32 @!p2 $0x800  }
0x1c0: {  	[tilespmem:s21], [sflag:$0x2] =	stream.indirect.gather @!p2 [hbm4b:s13+s3], $0x10, s17, s3, $0xb8;
	[tilespmem:$0x1E0A0] =	vst v63  }
0x1c1: {  	s22 =	simm.s32 @!p2 $0x5200;
	s17 =	simm.s32 @!p2 $0x900  }
0x1c2: {  	[tilespmem:s22], [sflag:$0x2] =	stream.indirect.gather @!p2 [hbm4b:s13+s3], $0x10, s17, s3, $0xb8;
	[tilespmem:$0x1E0A0] =	vst v63  }
0x1c3: {  	s17 =	simm.s32 @!p1 $0x1  }
0x1c4: {  	_ =	swait.ge @!p1 [sflag:s17], $0x800  }
0x1c5: {  	[sflag:s17] =	ssyncset.done @!p1 $0x0  }
0x1c6: {  	[sflag:s17] =	ssyncadd.s32 @!p1 $0xFFFFF800  }
0x1c7: {  	_ =	swait.ge @!p1 [sflag:s17], $0x800  }
0x1c8: {  	[sflag:s17] =	ssyncset.done @!p1 $0x0  }
0x1c9: {  	[sflag:s17] =	ssyncadd.s32 @!p1 $0xFFFFF800  }
0x1ca: {  	_ =	swait.ge @!p1 [sflag:s17], $0x800  }
0x1cb: {  	[sflag:s17] =	ssyncset.done @!p1 $0x0  }
0x1cc: {  	[sflag:s17] =	ssyncadd.s32 @!p1 $0xFFFFF800  }
0x1cd: {  	_ =	swait.ge @!p1 [sflag:s17], $0x800  }
0x1ce: {  	[sflag:s17] =	ssyncset.done @!p1 $0x0  }
0x1cf: {  	[sflag:s17] =	ssyncadd.s32 @!p1 $0xFFFFF800  }
0x1d0: {  	_ =	swait.ge @!p1 [sflag:s17], $0x800  }
0x1d1: {  	[sflag:s17] =	ssyncset.done @!p1 $0x0  }
0x1d2: {  	[sflag:s17] =	ssyncadd.s32 @!p1 $0xFFFFF800  }
0x1d3: {  	[spmem:s11] =	stream.indirect.scatter.add.f32 @!p1 [tilespmem:s6], [sflag:$0x3], $0x10, s5, s5, $0xb8;
	[tilespmem:$0x1E0A0] =	vst v63  }
0x1d4: {  	s6 =	simm.s32 @!p1 $0x180  }
0x1d5: {  	[spmem:s11] =	stream.indirect.scatter.add.f32 @!p1 [tilespmem:s7], [sflag:$0x3], $0x10, s6, s5, $0xb8;
	[tilespmem:$0x1E0A0] =	vst v63  }
0x1d6: {  	s6 =	simm.s32 @!p1 $0x280  }
0x1d7: {  	[spmem:s11] =	stream.indirect.scatter.add.f32 @!p1 [tilespmem:s8], [sflag:$0x3], $0x10, s6, s5, $0xb8;
	[tilespmem:$0x1E0A0] =	vst v63  }
0x1d8: {  	s6 =	simm.s32 @!p1 $0x380  }
0x1d9: {  	[spmem:s11] =	stream.indirect.scatter.add.f32 @!p1 [tilespmem:s14], [sflag:$0x3], $0x10, s6, s5, $0xb8;
	[tilespmem:$0x1E0A0] =	vst v63  }
0x1da: {  	s6 =	simm.s32 @!p1 $0x480  }
0x1db: {  	[spmem:s11] =	stream.indirect.scatter.add.f32 @!p1 [tilespmem:s4], [sflag:$0x3], $0x10, s6, s5, $0xb8;
	[tilespmem:$0x1E0A0] =	vst v63  }
0x1dc: {  	s4 =	simm.s32 @!p2 $0x2  }
0x1dd: {  	_ =	swait.ge @!p2 [sflag:s4], $0x800  }
0x1de: {  	[sflag:s4] =	ssyncset.done @!p2 $0x0  }
0x1df: {  	[sflag:s4] =	ssyncadd.s32 @!p2 $0xFFFFF800  }
0x1e0: {  	_ =	swait.ge @!p2 [sflag:s4], $0x800  }
0x1e1: {  	[sflag:s4] =	ssyncset.done @!p2 $0x0  }
0x1e2: {  	[sflag:s4] =	ssyncadd.s32 @!p2 $0xFFFFF800  }
0x1e3: {  	_ =	swait.ge @!p2 [sflag:s4], $0x800  }
0x1e4: {  	[sflag:s4] =	ssyncset.done @!p2 $0x0  }
0x1e5: {  	[sflag:s4] =	ssyncadd.s32 @!p2 $0xFFFFF800  }
0x1e6: {  	_ =	swait.ge @!p2 [sflag:s4], $0x800  }
0x1e7: {  	[sflag:s4] =	ssyncset.done @!p2 $0x0  }
0x1e8: {  	[sflag:s4] =	ssyncadd.s32 @!p2 $0xFFFFF800  }
0x1e9: {  	_ =	swait.ge @!p2 [sflag:s4], $0x800  }
0x1ea: {  	[sflag:s4] =	ssyncset.done @!p2 $0x0  }
0x1eb: {  	[sflag:s4] =	ssyncadd.s32 @!p2 $0xFFFFF800;
	s4 =	simm.s32 @!p2 $0x580  }
0x1ec: {  	[spmem:s11] =	stream.indirect.scatter.add.f32 @!p2 [tilespmem:s18], [sflag:$0x4], $0x10, s4, s3, $0xb8;
	[tilespmem:$0x1E0A0] =	vst v63  }
0x1ed: {  	s4 =	simm.s32 @!p2 $0x680  }
0x1ee: {  	[spmem:s11] =	stream.indirect.scatter.add.f32 @!p2 [tilespmem:s19], [sflag:$0x4], $0x10, s4, s3, $0xb8;
	[tilespmem:$0x1E0A0] =	vst v63  }
0x1ef: {  	s4 =	simm.s32 @!p2 $0x780  }
0x1f0: {  	[spmem:s11] =	stream.indirect.scatter.add.f32 @!p2 [tilespmem:s20], [sflag:$0x4], $0x10, s4, s3, $0xb8;
	[tilespmem:$0x1E0A0] =	vst v63  }
0x1f1: {  	s4 =	simm.s32 @!p2 $0x880  }
0x1f2: {  	[spmem:s11] =	stream.indirect.scatter.add.f32 @!p2 [tilespmem:s21], [sflag:$0x4], $0x10, s4, s3, $0xb8;
	[tilespmem:$0x1E0A0] =	vst v63  }
0x1f3: {  	s4 =	simm.s32 @!p2 $0x980  }
0x1f4: {  	[spmem:s11] =	stream.indirect.scatter.add.f32 @!p2 [tilespmem:s22], [sflag:$0x4], $0x10, s4, s3, $0xb8;
	[tilespmem:$0x1E0A0] =	vst v63  }
0x1f5: {  	_ =	swait.ge [sflag:s1], $0x800  }
0x1f6: {  	[sflag:s1] =	ssyncset.done $0x0  }
0x1f7: {  	[sflag:s1] =	ssyncadd.s32 $0xFFFFF800  }
0x1f8: {  	_ =	swait.ge [sflag:s1], $0x800  }
0x1f9: {  	[sflag:s1] =	ssyncset.done $0x0  }
0x1fa: {  	[sflag:s1] =	ssyncadd.s32 $0xFFFFF800  }
0x1fb: {  	_ =	swait.ge [sflag:s1], $0x800  }
0x1fc: {  	[sflag:s1] =	ssyncset.done $0x0  }
0x1fd: {  	[sflag:s1] =	ssyncadd.s32 $0xFFFFF800  }
0x1fe: {  	_ =	swait.ge [sflag:s1], $0x800  }
0x1ff: {  	[sflag:s1] =	ssyncset.done $0x0  }
0x200: {  	[sflag:s1] =	ssyncadd.s32 $0xFFFFF800  }
0x201: {  	_ =	swait.ge [sflag:s1], $0x800  }
0x202: {  	[sflag:s1] =	ssyncset.done $0x0  }
0x203: {  	[sflag:s1] =	ssyncadd.s32 $0xFFFFF800  }
0x204: {  	_ =	swait.ge [sflag:s2], $0x800  }
0x205: {  	[sflag:s2] =	ssyncset.done $0x0  }
0x206: {  	[sflag:s2] =	ssyncadd.s32 $0xFFFFF800  }
0x207: {  	_ =	swait.ge [sflag:s2], $0x800  }
0x208: {  	[sflag:s2] =	ssyncset.done $0x0  }
0x209: {  	[sflag:s2] =	ssyncadd.s32 $0xFFFFF800  }
0x20a: {  	_ =	swait.ge [sflag:s2], $0x800  }
0x20b: {  	[sflag:s2] =	ssyncset.done $0x0  }
0x20c: {  	[sflag:s2] =	ssyncadd.s32 $0xFFFFF800  }
0x20d: {  	_ =	swait.ge [sflag:s2], $0x800  }
0x20e: {  	[sflag:s2] =	ssyncset.done $0x0  }
0x20f: {  	[sflag:s2] =	ssyncadd.s32 $0xFFFFF800  }
0x210: {  	_ =	swait.ge [sflag:s2], $0x800  }
0x211: {  	[sflag:s2] =	ssyncset.done $0x0  }
0x212: {  	[sflag:s2] =	ssyncadd.s32 $0xFFFFF800  }
0x213: {  	[bflag:$0x0] =	sbarrier.arrive $0xFFFF  }
0x214: {  	s17 =	rddreg [dreg:$0x6]  }
0x215: {  	s18 =	rddreg [dreg:$0x15]  }
0x216: {  	[hbm:s17], [sflag:s15] =	dma.local [spmem:s18], $0x7D0  }
0x217: {  	_ =	swait.ge [sflag:s10], $0x7D0  }
0x218: {  	[sflag:s10] =	ssyncset.done $0x0;
	s19 =	rddreg [dreg:$0x7]  }
0x219: {  	s20 =	rddreg [dreg:$0x16];
	[sflag:s10] =	ssyncadd.s32 $0xFFFFF830  }
0x21a: {  	[hbm:s19], [sflag:s15] =	dma.local [spmem:s20], $0x7D0  }
0x21b: {  	_ =	swait.ge [sflag:s10], $0x7D0  }
0x21c: {  	[sflag:s10] =	ssyncset.done $0x0;
	s21 =	rddreg [dreg:$0x8]  }
0x21d: {  	s22 =	rddreg [dreg:$0x17];
	[sflag:s10] =	ssyncadd.s32 $0xFFFFF830  }
0x21e: {  	[hbm:s21], [sflag:s15] =	dma.local [spmem:s22], $0x7D0  }
0x21f: {  	_ =	swait.ge [sflag:s10], $0x7D0  }
0x220: {  	[sflag:s10] =	ssyncset.done $0x0;
	s23 =	rddreg [dreg:$0x9]  }
0x221: {  	s24 =	rddreg [dreg:$0x18];
	[sflag:s10] =	ssyncadd.s32 $0xFFFFF830  }
0x222: {  	[hbm:s23], [sflag:s15] =	dma.local [spmem:s24], $0x7D0  }
0x223: {  	_ =	swait.ge [sflag:s10], $0x7D0  }
0x224: {  	[sflag:s10] =	ssyncset.done $0x0;
	s25 =	rddreg [dreg:$0xa]  }
0x225: {  	s26 =	rddreg [dreg:$0x19];
	[sflag:s10] =	ssyncadd.s32 $0xFFFFF830  }
0x226: {  	[hbm:s25], [sflag:s15] =	dma.local [spmem:s26], $0x7D0  }
0x227: {  	_ =	swait.ge [sflag:s10], $0x7D0  }
0x228: {  	[sflag:s10] =	ssyncset.done $0x0;
	s28 =	rddreg [dreg:$0xb]  }
0x229: {  	s29 =	rddreg [dreg:$0x1a];
	[sflag:s10] =	ssyncadd.s32 $0xFFFFF830  }
0x22a: {  	[hbm:s28], [sflag:s15] =	dma.local [spmem:s29], $0x7D0  }
0x22b: {  	_ =	swait.ge [sflag:s10], $0x7D0  }
0x22c: {  	[sflag:s10] =	ssyncset.done $0x0  }
0x22d: {  	s3 =	rddreg [dreg:$0xc];
	[sflag:s10] =	ssyncadd.s32 $0xFFFFF830  }
0x22e: {  	[hbm:s3], [sflag:s15] =	dma.local @!p0 [spmem:s31], $0x7D0  }
0x22f: {  	s3 =	simm.s32 @!p0 $0x5  }
0x230: {  	_ =	swait.ge @!p0 [sflag:s3], $0x7D0  }
0x231: {  	s0 =	sadd.s32 $0x1, s0;
	s30 =	rddreg [dreg:$0xd]  }
0x232: {  	p1 =	sne.s32 s0, s30  }
.Ltmp1:
0x233: {  	_ = 	snop;
	(pc) =	sbr.rel @p1 .LBB2_1-.Ltmp1, $3  }
0x234: {  	_ =	sdelay $0x1  }
0x235: {  	[sflag:s3] =	ssyncset.done @!p0 $0x0  }
0x236: {  	[sflag:s3] =	ssyncadd.s32 @!p0 $0xFFFFF830  }
0x237: {  	_ =	sfence.sel $0x180000  }
0x238: {  	[bflag:$0x0] =	sbarrier.arrive $0xFFFF  }
0x239: {  	_ =	strace $0x9000004A  }
0x23a: {  	s0 =	stileid.u32;
	[bflag:$0x2] =	sbarrier.arrive $0xFFFF  }
0x23b: {  	p0 =	sne.s32 s0, $0x0;
	s0 =	rddreg [dreg:$0x4]  }
0x23c: {  	s0 =	sadd.s32 @!p0 $0x100000, s0  }
0x23d: {  	[sflag:s0] =	ssyncadd.tile.s32 @!p0 $0x1;
	_ =	shalt  }
.Lfunc_end2:
_tile_overlayer_lowered:
.L_overlay_start_2:
0x23e: {  	(tag) =	ssettag $0x2  }
0x23f: {  	s0 =	rddreg [dreg:$0x0];
	s2 =	stileid.u32  }
0x240: {  	s1 =	rddreg [dreg:$0x1];
	p0 =	sne.s32 s2, $0x0  }
0x241: {  	s3 =	rddreg [dreg:$0x2];
	[bflag:$0x3] =	sbarrier.arrive $0xFFFF;
	s2 =	simm.s32 @!p0 $0x1C05  }
0x242: {  	[timem:s3], [sflag:s2] =	dma.local @!p0 [hbm:s0], s1  }
0x243: {  	s0 =	simm.s32 @!p0 $0x5  }
0x244: {  	_ =	swait.ge @!p0 [sflag:s0], s1  }
0x245: {  	s1 =	ssub.s32 @!p0 $0x0, s1;
	[sflag:s0] =	ssyncset.done @!p0 $0x0  }
0x246: {  	[sflag:s0] =	ssyncadd.s32 @!p0 s1  }
0x247: {  	[bflag:$0x3] =	sbarrier.arrive $0xFFFF  }
0x248: {  	_ =	shalt  }

// kernel: kernel.14.cloned.1.call-start
scs
__scs_entry_jumppad:
0x0: {  	(pc) =	sbr.rel $0x88, $3  }
0x1: {  	(tag) =	ssettag $0x0;
	lr =	simm.s32 $0x1  }
0x2: {  	[smem:$0x3F9B] =	sst lr;
	_ =	strace $0xD0000000  }
0x3: {  	_ = 	snop  }
0x4: {  	_ = 	snop  }
0x5: {  	_ = 	snop  }
0x6: {  	_ = 	snop  }
0x7: {  	_ = 	snop  }
__scs_overlays_trampoline_lowered:
0x8: {  	[smem:$0x3FAA] =	sst s0  }
0x9: {  	[smem:$0x3FAB] =	sst s1  }
0xa: {  	[smem:$0x3FAC] =	sst s2  }
0xb: {  	[smem:$0x3FAD] =	sst s3  }
0xc: {  	[smem:$0x3FAE] =	sst s4  }
0xd: {  	[smem:$0x3FAF] =	sst s5  }
0xe: {  	[smem:$0x3FB0] =	sst s6  }
0xf: {  	[smem:$0x3FB1] =	sst s7  }
0x10: {  	[smem:$0x3FB2] =	sst s8  }
0x11: {  	[smem:$0x3FB3] =	sst s9;
	s0 =	simm.s32 @!p0 $0x0  }
0x12: {  	s1 =	sld [smem:$0x3F99];
	s0 =	simm.s32 @p0 $0x1  }
0x13: {  	[smem:$0x3FB4] =	sst s0;
	s0 =	simm.s32 @!p1 $0x0  }
0x14: {  	s2 =	sld [smem:$0x3F98];
	s0 =	simm.s32 @p1 $0x1  }
0x15: {  	[smem:$0x3FB5] =	sst s0;
	s0 =	simm.s32 @!p2 $0x0  }
0x16: {  	s3 =	sld [smem:$0x3FDB];
	s0 =	simm.s32 @p2 $0x1  }
0x17: {  	s4 =	simm.s32 $0x1BF5;
	[smem:$0x3FB7] =	sst s0  }
0x18: {  	s0 =	sld [smem:$0x3F9A];
	_ =	swait.ge [sflag:s4], $0x0  }
0x19: {  	s7 =	sld [smem:$0x3F9B]  }
0x1a: {  	s8 =	sadd.s32 $0xFFFFE003, lr  }
0x1b: {  	s9 =	sadd.s32 $0xFFFFFEF7, lr;
	s5 =	simm.s32 $0xFFFFFFFF;
	p2 =	slt.u32 s8, $0xFFFFF086  }
0x1c: {  	p1 =	slt.u32 s9, $0xF7A;
	s5 =	simm.s32 @!p2 $0x0  }
0x1d: {  	s5 =	simm.s32 @p1 $0x1;
	p0 =	seq.s32 s7, s2  }
0x1e: {  	s7 =	smul.u32 @!p0 $0xF7A, s2;
	p2 =	seq.s32 @!p0 s5, $0x0  }
0x1f: {  	s9 =	smul.u32 $0xF7A, s1;
	s8 =	simm.s32 @!p0 $0x1BF5;
	p2 =	por !p2, p0  }
0x20: {  	[sflag:s8] =	ssyncset.s32 @!p0 $0xFFFFF086;
	s6 =	sadd.s32 @!p0 s3, s7;
	s7 =	simm.s32 @!p0 $0x108  }
0x21: {  	s3 =	sadd.s32 s3, s9;
	s6 =	sadd.s32 @!p0 $0x88, s6;
	s7 =	simm.s32 @p2 $0x1082  }
0x22: {  	[simem:s7], [sflag:s8] =	dma.local @!p0 [hbm:s6], $0xF7A  }
0x23: {  	s9 =	sor.u32 $0xD0000000, s2;
	s6 =	simm.s32 $0x108;
	_ =	swait.ge @!p0 [sflag:s8], $0x0  }
0x24: {  	s3 =	sadd.s32 $0x88, s3;
	s6 =	simm.s32 @!p1 $0x1082;
	[sflag:s4] =	ssyncset.s32 $0xFFFFF086  }
0x25: {  	[simem:s6], [sflag:s4] =	dma.local [hbm:s3], $0xF7A  }
0x26: {  	[smem:$0x3F9B] =	sst s1;
	(tag) =	ssettag s2;
	_ =	strace s9  }
0x27: {  	s1 =	sld [smem:$0x3FAB]  }
0x28: {  	s2 =	sld [smem:$0x3FAC]  }
0x29: {  	s4 =	sld [smem:$0x3FAE]  }
0x2a: {  	p0 =	seq.s32 s5, $0x0;
	s5 =	sld [smem:$0x3FAF]  }
0x2b: {  	s6 =	sld [smem:$0x3FB0]  }
0x2c: {  	s7 =	sld [smem:$0x3FB1]  }
0x2d: {  	s3 =	simm.s32 $0x108;
	s8 =	sld [smem:$0x3FB2]  }
0x2e: {  	s3 =	simm.s32 @!p0 $0x1082;
	s9 =	sld [smem:$0x3FB3]  }
0x2f: {  	lr =	sadd.s32 s0, s3;
	s0 =	sld [smem:$0x3FAA]  }
0x30: {  	s3 =	sld [smem:$0x3FAD]  }
0x31: {  	[smem:$0x3FB6] =	sst s10  }
0x32: {  	s10 =	sld [smem:$0x3FB4];
	_ =	sdelay $0x3  }
0x33: {  	p0 =	seq.s32 s10, $0x1;
	s10 =	sld [smem:$0x3FB6];
	_ =	sdelay $0x3  }
0x34: {  	[smem:$0x3FB6] =	sst s10  }
0x35: {  	s10 =	sld [smem:$0x3FB5];
	_ =	sdelay $0x3  }
0x36: {  	p1 =	seq.s32 s10, $0x1;
	s10 =	sld [smem:$0x3FB6];
	_ =	sdelay $0x3  }
0x37: {  	[smem:$0x3FB6] =	sst s10  }
0x38: {  	s10 =	sld [smem:$0x3FB7]  }
0x39: {  	_ = 	snop;
	(pc) =	sbr.ind lr, $3  }
0x3a: {  	_ = 	snop  }
0x3b: {  	_ = 	snop  }
0x3c: {  	p2 =	seq.s32 s10, $0x1;
	s10 =	sld [smem:$0x3FB6]  }
0x3d: {  	_ =	shalt  }
0x3e: {  	_ =	shalt  }
0x3f: {  	_ =	shalt  }
0x40: {  	_ =	shalt  }
0x41: {  	_ =	shalt  }
0x42: {  	_ =	shalt  }
0x43: {  	_ =	shalt  }
0x44: {  	_ =	shalt  }
0x45: {  	_ =	shalt  }
0x46: {  	_ =	shalt  }
0x47: {  	_ =	shalt  }
0x48: {  	_ =	shalt  }
0x49: {  	_ =	shalt  }
0x4a: {  	_ =	shalt  }
0x4b: {  	_ =	shalt  }
0x4c: {  	_ =	shalt  }
0x4d: {  	_ =	shalt  }
0x4e: {  	_ =	shalt  }
0x4f: {  	_ =	shalt  }
0x50: {  	_ =	shalt  }
0x51: {  	_ =	shalt  }
0x52: {  	_ =	shalt  }
0x53: {  	_ =	shalt  }
0x54: {  	_ =	shalt  }
0x55: {  	_ =	shalt  }
0x56: {  	_ =	shalt  }
0x57: {  	_ =	shalt  }
0x58: {  	_ =	shalt  }
0x59: {  	_ =	shalt  }
0x5a: {  	_ =	shalt  }
0x5b: {  	_ =	shalt  }
0x5c: {  	_ =	shalt  }
0x5d: {  	_ =	shalt  }
0x5e: {  	_ =	shalt  }
0x5f: {  	_ =	shalt  }
0x60: {  	_ =	shalt  }
0x61: {  	_ =	shalt  }
0x62: {  	_ =	shalt  }
0x63: {  	_ =	shalt  }
0x64: {  	_ =	shalt  }
0x65: {  	_ =	shalt  }
0x66: {  	_ =	shalt  }
0x67: {  	_ =	shalt  }
0x68: {  	_ =	shalt  }
0x69: {  	_ =	shalt  }
0x6a: {  	_ =	shalt  }
0x6b: {  	_ =	shalt  }
0x6c: {  	_ =	shalt  }
0x6d: {  	_ =	shalt  }
0x6e: {  	_ =	shalt  }
0x6f: {  	_ =	shalt  }
0x70: {  	_ =	shalt  }
0x71: {  	_ =	shalt  }
0x72: {  	_ =	shalt  }
0x73: {  	_ =	shalt  }
0x74: {  	_ =	shalt  }
0x75: {  	_ =	shalt  }
0x76: {  	_ =	shalt  }
0x77: {  	_ =	shalt  }
0x78: {  	_ =	shalt  }
0x79: {  	_ =	shalt  }
0x7a: {  	_ =	shalt  }
0x7b: {  	_ =	shalt  }
0x7c: {  	_ =	shalt  }
0x7d: {  	_ =	shalt  }
0x7e: {  	_ =	shalt  }
0x7f: {  	_ =	shalt  }
0x80: {  	_ =	shalt  }
0x81: {  	_ =	shalt  }
0x82: {  	_ =	shalt  }
0x83: {  	_ =	shalt  }
0x84: {  	_ =	shalt  }
0x85: {  	_ =	shalt  }
0x86: {  	_ =	shalt  }
0x87: {  	_ =	shalt  }
.Lfunc_end0:
.L_simem_size_0:
called_computation.2_lowered:
.L_overlay_start_0:
0x88: {  	s2 =	sld [smem:$0x3FD9]  }
0x89: {  	s3 =	sld [smem:$0x3FFE];
	_ =	sdelay $0x1  }
0x8a: {  	s1 =	srdreg.scid  }
0x8b: {  	s0 =	sand.u32 $0x1, s1  }
0x8c: {  	s17 =	sshll.u32 s0, $0xA;
	s2 =	sadd.s32 s3, s2  }
0x8d: {  	s2 =	sadd.s32 s2, s17  }
0x8e: {  	[smem:$0x3FC2] =	sst s2  }
0x8f: {  	_ = 	snop  }
0x90: {  	s2 =	sld [smem:$0x3FC8]  }
0x91: {  	s18 =	sld [smem:$0x3FD0];
	(tm) =	ssettm $0x1  }
0x92: {  	s4 =	sld [smem:$0x3FFB];
	_ =	sdelay $0x3  }
0x93: {  	_ =	strace s4  }
0x94: {  	s4 =	sld [smem:$0x3FFC];
	_ =	sdelay $0x3  }
0x95: {  	_ =	strace s4  }
0x96: {  	s4 =	sld [smem:$0x3FFD];
	_ =	sdelay $0x3  }
0x97: {  	_ =	strace s4  }
0x98: {  	_ =	strace $0x8FFFFFFF  }
0x99: {  	s19 =	sld [smem:$0x3FDB];
	_ =	sdelay $0x1  }
0x9a: {  	s5 =	simm.s32 $_scs_section_size  }
0x9b: {  	s6 =	simm.s32 $_size__tile_overlayer_lowered;
	s7 =	simm.s32 $_tile_overlayer_lowered  }
0x9c: {  	s22 =	simm.s32 $0x1BFF;
	s21 =	sshll.u32 s7, $0x1;
	s4 =	sadd.s32 s5, s19  }
0x9d: {  	s8 =	simm.s32 $0x0;
	s20 =	sshll.u32 s6, $0x1;
	s6 =	sadd.s32 s21, s4  }
0x9e: {  	[timem:s8], [sflag:s22] =	dma.local [hbm:s6], s20  }
0x9f: {  	_ =	swait.ge [sflag:s22], s20  }
0xa0: {  	s5 =	ssub.s32 $0x0, s20;
	[sflag:s22] =	ssyncset.done $0x0  }
0xa1: {  	[sflag:s22] =	ssyncadd.s32 s5;
	_ =	sdelay $0x1  }
0xa2: {  	s23 =	simm.s32 $0x1B8B  }
0xa3: {  	_ =	swait.ge [sflag:s23], $0x1  }
0xa4: {  	[sflag:s23] =	ssyncset.done $0x0  }
0xa5: {  	s25 =	simm.s32 $0x1B8E;
	s24 =	sld [smem:$0x3FFE];
	[sflag:s23] =	ssyncadd.s32 $0xFFFFFFFF  }
0xa6: {  	s26 =	simm.s32 $execute0_lowered;
	[smem:$0x3FD2] =	sst s25  }
0xa7: {  	s6 =	sshll.u32 s26, $0x1;
	_ =	strace $0x8000004C;
	[dreg:$0x1] =	wrdreg $0xFFFFFFFF  }
0xa8: {  	s28 =	simm.s32 $_size_execute0_lowered;
	s4 =	sadd.s32 s4, s6;
	[dreg:$0x0] =	wrdreg $0x0  }
0xa9: {  	s6 =	sshll.u32 s28, $0x1;
	[dreg:$0x2] =	wrdreg s4  }
0xaa: {  	[dreg:$0x3] =	wrdreg s6  }
0xab: {  	[dreg:$0x4] =	wrdreg $0xC0  }
0xac: {  	_ =	task [dreg:s8], $0x5FFFF  }
0xad: {  	[dreg:$0x1] =	wrdreg $0xFFFFFFFF  }
0xae: {  	[dreg:$0x0] =	wrdreg $0x60  }
0xaf: {  	[dreg:$0x2] =	wrdreg s2  }
0xb0: {  	[dreg:$0x3] =	wrdreg s24  }
0xb1: {  	[dreg:$0x4] =	wrdreg s18  }
0xb2: {  	[dreg:$0x5] =	wrdreg $0x5A000  }
0xb3: {  	[dreg:$0x6] =	wrdreg $0x9  }
0xb4: {  	_ =	task.clear_ibuf [dreg:s8], $0x7FFFF;
	_ =	strace $0x9000004C  }
0xb5: {  	s29 =	simm.s32 $0x9;
	_ =	strace $0x8000004E  }
0xb6: {  	_ =	swait.ge [sflag:s29], $0x1  }
0xb7: {  	[sflag:s29] =	ssyncadd.s32 $0xFFFFFFFF  }
0xb8: {  	_ =	strace $0x9000004E  }
0xb9: {  	_ =	sfence  }
0xba: {  	s30 =	sld [smem:$0x0];
	_ =	sdelay $0x2  }
0xbb: {  	s31 =	sshll.u32 s1, $0xD;
	s1 =	sshrl.u32 s1, $0x2  }
0xbc: {  	s3 =	sand.u32 $0x4000, s31;
	s1 =	sadd.s32 s1, s30  }
0xbd: {  	s0 =	sor.u32 s3, s0;
	s1 =	sshll.u32 s1, $0x11  }
0xbe: {  	s0 =	sor.u32 s1, s0  }
0xbf: {  	s0 =	sadd.s32 $0x8F2B, s0  }
0xc0: {  	[sflag:s0] =	ssyncadd.remote.s32 $0x1  }
0xc1: {  	_ =	sfence.sel $0xFFFF  }
0xc2: {  	[dreg:$0x0] =	wrdreg $0xFFFFFFFF;
	(pc) =	sbr.abs _section_cstart, $3  }
0xc3: {  	[dreg:$0x1] =	wrdreg $0xFFFFFFFF  }
0xc4: {  	_ =	task.clear_ibuf [dreg:s8], $0x2FFFF;
	_ =	strace $0x9FFFFFFF  }
0xc5: {  	(tm) =	ssettm $0x7FFFFFFF  }
tec
execute0_lowered:
.L_overlay_start_1:
0x0: {  	(tag) =	ssettag $0x1  }
0x1: {  	s1 =	srdreg.scid;
	s5 =	rddreg [dreg:$0x1];
	s0 =	simm.s32 $0x0  }
0x2: {  	s23 =	stileid.u32;
	s13 =	rddreg [dreg:$0x0];
	s6 =	sand.u32 $0x1, s1  }
0x3: {  	[smem:$0x7FF] =	sst s0;
	s17 =	sor.u32 $0x40, s23;
	s8 =	smul.u32 $0x186A00, s6  }
0x4: {  	s7 =	sadd.s32 $0x32800, s5;
	s18 =	sor.u32 $0x50, s23;
	s20 =	smul.u32 $0x3E80, s17  }
0x5: {  	s19 =	sor.u32 $0x60, s23;
	s1 =	ssub.s32 $0x2, s6;
	s21 =	smul.u32 $0x3E80, s18  }
0x6: {  	s14 =	sor.u32 $0x10, s23;
	s22 =	smul.u32 $0x3E80, s19;
	s2 =	sshrl.u32 s1, $0x1  }
0x7: {  	s15 =	sor.u32 $0x20, s23;
	s10 =	ssub.s32 s1, s2;
	s1 =	smul.u32 $0x3E80, s23  }
0x8: {  	s16 =	sor.u32 $0x30, s23;
	s2 =	smul.u32 $0x3E80, s14;
	s26 =	sadd.s32 s8, s20  }
0x9: {  	p0 =	sgt.u32 s19, $0x63;
	s28 =	sadd.s32 s8, s21;
	s29 =	sshrl.u32 s26, $0x3  }
0xa: {  	s30 =	sshrl.u32 s28, $0x3;
	s3 =	sadd.s32 s8, s1;
	s9 =	sadd.s32 s8, s2  }
0xb: {  	s4 =	sshrl.u32 s3, $0x3;
	s3 =	smul.u32 $0x3E80, s15;
	s9 =	sshrl.u32 s9, $0x3  }
0xc: {  	s28 =	smul.u32 $0xFA00, s23;
	s4 =	sadd.s32 s7, s4;
	s9 =	sadd.s32 s7, s9  }
0xd: {  	[dreg:$0x6] =	wrdreg s4;
	s4 =	smul.u32 $0x3E80, s16;
	s11 =	sadd.s32 s8, s3  }
0xe: {  	[dreg:$0x7] =	wrdreg s9;
	s16 =	smul.u32 $0xFA00, s16;
	s11 =	sshrl.u32 s11, $0x3  }
0xf: {  	s12 =	sadd.s32 s8, s4;
	s24 =	sadd.s32 s7, s11;
	s11 =	rddreg [dreg:$0x3]  }
0x10: {  	s8 =	sadd.s32 s8, s22;
	[dreg:$0x8] =	wrdreg s24;
	s25 =	sshrl.u32 s12, $0x3  }
0x11: {  	s12 =	sadd.s32 s7, s30;
	s8 =	sshrl.u32 s8, $0x3;
	s24 =	smul.u32 $0x140, s23  }
0x12: {  	s30 =	smax.u32 s10, $0x1;
	s10 =	smul.u32 $0xFA00, s15;
	s1 =	sadd.s32 s1, s11  }
0x13: {  	s2 =	sadd.s32 s2, s11;
	s3 =	sadd.s32 s3, s11;
	s4 =	sadd.s32 s4, s11  }
0x14: {  	s9 =	sadd.s32 s7, s25;
	[dreg:$0xb] =	wrdreg s12;
	s25 =	smul.u32 $0xA0, s6  }
0x15: {  	s12 =	sshll.u32 s23, $0x1;
	s23 =	sshll.u32 s23, $0x6;
	s1 =	sshrl.u32 s1, $0x3  }
0x16: {  	[dreg:$0x9] =	wrdreg s9;
	s9 =	sadd.s32 s7, s29;
	s7 =	sadd.s32 s7, s8  }
0x17: {  	s26 =	sadd.s32 s24, s13;
	s6 =	sor.u32 s6, s12;
	s13 =	sadd.s32 $0x1A00, s5  }
0x18: {  	s29 =	smul.u32 $0xFA00, s14;
	s8 =	sshrl.u32 s28, $0x2;
	[dreg:$0xa] =	wrdreg s9  }
0x19: {  	s15 =	sor.u32 $0x1C05, s23;
	s24 =	smul.u32 $0xFA00, s17;
	[dreg:$0xc] =	wrdreg s7  }
0x1a: {  	s9 =	rddreg [dreg:$0x2];
	s7 =	sadd.s32 s25, s26;
	s6 =	sor.u32 $0x20, s6  }
0x1b: {  	s25 =	smul.u32 $0xFA00, s18;
	_ =	strace $0x8000004D;
	[dreg:$0x5] =	wrdreg s6  }
0x1c: {  	s26 =	smul.u32 $0xFA00, s19;
	[dreg:$0xd] =	wrdreg s30;
	s6 =	sadd.s32 s8, s11  }
0x1d: {  	s5 =	sshrl.u32 s29, $0x2;
	s8 =	sshrl.u32 s10, $0x2;
	s10 =	sshrl.u32 s16, $0x2  }
0x1e: {  	s14 =	sshrl.u32 s24, $0x2;
	s29 =	sadd.s32 s20, s11;
	s30 =	sadd.s32 s21, s11  }
0x1f: {  	s21 =	sadd.s32 s22, s11;
	[dreg:$0x15] =	wrdreg s1;
	s6 =	sshrl.u32 s6, $0x3  }
0x20: {  	s16 =	sshrl.u32 s25, $0x2;
	s25 =	sshrl.u32 s2, $0x3;
	[dreg:$0xe] =	wrdreg s6  }
0x21: {  	s17 =	sshrl.u32 s26, $0x2;
	s26 =	sshrl.u32 s3, $0x3;
	[dreg:$0x16] =	wrdreg s25  }
0x22: {  	s1 =	simm.s32 $0x3;
	s29 =	sshrl.u32 s29, $0x3;
	[dreg:$0x17] =	wrdreg s26  }
0x23: {  	s5 =	sadd.s32 s5, s11;
	s30 =	sshrl.u32 s30, $0x3;
	[dreg:$0x19] =	wrdreg s29  }
0x24: {  	s8 =	sadd.s32 s8, s11;
	s5 =	sshrl.u32 s5, $0x3;
	[dreg:$0x1a] =	wrdreg s30  }
0x25: {  	s10 =	sadd.s32 s10, s11;
	s8 =	sshrl.u32 s8, $0x3;
	[dreg:$0xf] =	wrdreg s5  }
0x26: {  	s14 =	sadd.s32 s14, s11;
	s22 =	sshrl.u32 s10, $0x3;
	[dreg:$0x10] =	wrdreg s8  }
0x27: {  	s28 =	sadd.s32 s16, s11;
	s23 =	sshrl.u32 s14, $0x3;
	[dreg:$0x11] =	wrdreg s22  }
0x28: {  	s17 =	sadd.s32 s17, s11;
	[dreg:$0x12] =	wrdreg s23;
	s24 =	sshrl.u32 s28, $0x3  }
0x29: {  	s31 =	sshrl.u32 @!p0 s21, $0x3;
	s5 =	sshrl.u32 @!p0 s17, $0x3;
	[dreg:$0x13] =	wrdreg s24  }
0x2a: {  	s2 =	simm.s32 $0x4;
	s28 =	sshrl.u32 s4, $0x3;
	[dreg:$0x14] =	wrdreg s5  }
0x2b: {  	s16 =	sadd.s32 $0x1400, s7;
	s10 =	simm.s32 $0x5;
	[dreg:$0x18] =	wrdreg s28  }
.LBB2_1:
0x2c: {  	s3 =	rddreg [dreg:$0xe]  }
0x2d: {  	[spmem:s3], [sflag:s15] =	dma.local [hbm:s9], $0x7D0  }
0x2e: {  	_ =	swait.ge [sflag:s10], $0x7D0  }
0x2f: {  	[sflag:s10] =	ssyncset.done $0x0  }
0x30: {  	s25 =	rddreg [dreg:$0xf];
	[sflag:s10] =	ssyncadd.s32 $0xFFFFF830  }
0x31: {  	[spmem:s25], [sflag:s15] =	dma.local [hbm:s9], $0x7D0  }
0x32: {  	_ =	swait.ge [sflag:s10], $0x7D0  }
0x33: {  	[sflag:s10] =	ssyncset.done $0x0  }
0x34: {  	s26 =	rddreg [dreg:$0x10];
	[sflag:s10] =	ssyncadd.s32 $0xFFFFF830  }
0x35: {  	[spmem:s26], [sflag:s15] =	dma.local [hbm:s9], $0x7D0  }
0x36: {  	_ =	swait.ge [sflag:s10], $0x7D0  }
0x37: {  	[sflag:s10] =	ssyncset.done $0x0  }
0x38: {  	s28 =	rddreg [dreg:$0x11];
	[sflag:s10] =	ssyncadd.s32 $0xFFFFF830  }
0x39: {  	[spmem:s28], [sflag:s15] =	dma.local [hbm:s9], $0x7D0  }
0x3a: {  	_ =	swait.ge [sflag:s10], $0x7D0  }
0x3b: {  	[sflag:s10] =	ssyncset.done $0x0  }
0x3c: {  	s29 =	rddreg [dreg:$0x12];
	[sflag:s10] =	ssyncadd.s32 $0xFFFFF830  }
0x3d: {  	[spmem:s29], [sflag:s15] =	dma.local [hbm:s9], $0x7D0  }
0x3e: {  	_ =	swait.ge [sflag:s10], $0x7D0  }
0x3f: {  	[sflag:s10] =	ssyncset.done $0x0  }
0x40: {  	s30 =	rddreg [dreg:$0x13];
	[sflag:s10] =	ssyncadd.s32 $0xFFFFF830  }
0x41: {  	[spmem:s30], [sflag:s15] =	dma.local [hbm:s9], $0x7D0  }
0x42: {  	_ =	swait.ge [sflag:s10], $0x7D0  }
0x43: {  	[sflag:s10] =	ssyncset.done $0x0  }
0x44: {  	s3 =	rddreg [dreg:$0x14];
	[sflag:s10] =	ssyncadd.s32 $0xFFFFF830  }
0x45: {  	[spmem:s3], [sflag:s15] =	dma.local @!p0 [hbm:s9], $0x7D0  }
0x46: {  	s4 =	sadd.s32 $0x0, s12;
	s3 =	simm.s32 @!p0 $0x5  }
0x47: {  	p2 =	sgt.u32 s4, $0x9C3;
	_ =	swait.ge @!p0 [sflag:s3], $0x7D0  }
0x48: {  	p1 =	por @!p2 $0x1, $0x1;
	[sflag:s3] =	ssyncset.done @!p0 $0x0  }
0x49: {  	p1 =	por p1, p2;
	[sflag:s3] =	ssyncadd.s32 @!p0 $0xFFFFF830  }
0x4a: {  	s3 =	simm.s32 @!p1 $0x3;
	[bflag:$0x0] =	sbarrier.arrive $0xFFFF  }
0x4b: {  	_ =	swait.ge @!p1 [sflag:s3], $0x800  }
0x4c: {  	[sflag:s3] =	ssyncset.done @!p1 $0x0  }
0x4d: {  	[sflag:s3] =	ssyncadd.s32 @!p1 $0xFFFFF800  }
0x4e: {  	_ =	swait.ge @!p1 [sflag:s3], $0x800  }
0x4f: {  	[sflag:s3] =	ssyncset.done @!p1 $0x0  }
0x50: {  	[sflag:s3] =	ssyncadd.s32 @!p1 $0xFFFFF800  }
0x51: {  	_ =	swait.ge @!p1 [sflag:s3], $0x800  }
0x52: {  	[sflag:s3] =	ssyncset.done @!p1 $0x0  }
0x53: {  	[sflag:s3] =	ssyncadd.s32 @!p1 $0xFFFFF800  }
0x54: {  	_ =	swait.ge @!p1 [sflag:s3], $0x800  }
0x55: {  	[sflag:s3] =	ssyncset.done @!p1 $0x0  }
0x56: {  	[sflag:s3] =	ssyncadd.s32 @!p1 $0xFFFFF800  }
0x57: {  	_ =	swait.ge @!p1 [sflag:s3], $0x800  }
0x58: {  	s4 =	simm.s32 @!p2 $0x5;
	[sflag:s3] =	ssyncset.done @!p1 $0x0  }
0x59: {  	s5 =	simm.s32 @!p2 $0x0;
	[sflag:s3] =	ssyncadd.s32 @!p1 $0xFFFFF800;
	s3 =	sadd.s32 @!p2 $0xFFFFEC00, s16  }
0x5a: {  	[tilespmem:s5], [sflag:$0x5] =	stream.linear.gather @!p2 [hbm4b:s3+s5], $0x500, $0x38;
	[tilespmem:$0x1E0A0] =	vst v63  }
0x5b: {  	_ =	swait.ge @!p2 [sflag:s4], $0x500  }
0x5c: {  	s3 =	simm.s32 @!p2 $0x80;
	[sflag:s4] =	ssyncset.done @!p2 $0x0  }
0x5d: {  	s6 =	rddreg [dreg:$0x5];
	[sflag:s4] =	ssyncadd.s32 @!p2 $0xFFFFFB00;
	s4 =	simm.s32 @!p2 $0xA00  }
0x5e: {  	[tilespmem:s4], [sflag:$0x1] =	stream.indirect.gather @!p2 [hbm4b:s13+s3], $0x10, s5, s3, $0xb8;
	[tilespmem:$0x1E0A0] =	vst v63  }
0x5f: {  	s7 =	simm.s32 @!p2 $0x100;
	s8 =	sadd.s32 $0x0, s6;
	s5 =	simm.s32 @!p2 $0x1200  }
0x60: {  	[tilespmem:s5], [sflag:$0x1] =	stream.indirect.gather @!p2 [hbm4b:s13+s3], $0x10, s7, s3, $0xb8;
	[tilespmem:$0x1E0A0] =	vst v63  }
0x61: {  	s6 =	simm.s32 @!p2 $0x1A00;
	p1 =	sgt.u32 s8, $0x9C3;
	s7 =	simm.s32 @!p2 $0x200  }
0x62: {  	[tilespmem:s6], [sflag:$0x1] =	stream.indirect.gather @!p2 [hbm4b:s13+s3], $0x10, s7, s3, $0xb8;
	[tilespmem:$0x1E0A0] =	vst v63  }
0x63: {  	s8 =	simm.s32 @!p2 $0x300;
	p3 =	por @!p1 $0x1, $0x1;
	s7 =	simm.s32 @!p2 $0x2200  }
0x64: {  	[tilespmem:s7], [sflag:$0x1] =	stream.indirect.gather @!p2 [hbm4b:s13+s3], $0x10, s8, s3, $0xb8;
	[tilespmem:$0x1E0A0] =	vst v63  }
0x65: {  	s14 =	simm.s32 @!p2 $0x2A00;
	p3 =	por p3, p1;
	s8 =	simm.s32 @!p2 $0x400  }
0x66: {  	[tilespmem:s14], [sflag:$0x1] =	stream.indirect.gather @!p2 [hbm4b:s13+s3], $0x10, s8, s3, $0xb8;
	[tilespmem:$0x1E0A0] =	vst v63  }
0x67: {  	s8 =	simm.s32 @!p3 $0x4  }
0x68: {  	_ =	swait.ge @!p3 [sflag:s8], $0x800  }
0x69: {  	[sflag:s8] =	ssyncset.done @!p3 $0x0  }
0x6a: {  	[sflag:s8] =	ssyncadd.s32 @!p3 $0xFFFFF800  }
0x6b: {  	_ =	swait.ge @!p3 [sflag:s8], $0x800  }
0x6c: {  	[sflag:s8] =	ssyncset.done @!p3 $0x0  }
0x6d: {  	[sflag:s8] =	ssyncadd.s32 @!p3 $0xFFFFF800  }
0x6e: {  	_ =	swait.ge @!p3 [sflag:s8], $0x800  }
0x6f: {  	[sflag:s8] =	ssyncset.done @!p3 $0x0  }
0x70: {  	[sflag:s8] =	ssyncadd.s32 @!p3 $0xFFFFF800  }
0x71: {  	_ =	swait.ge @!p3 [sflag:s8], $0x800  }
0x72: {  	[sflag:s8] =	ssyncset.done @!p3 $0x0  }
0x73: {  	[sflag:s8] =	ssyncadd.s32 @!p3 $0xFFFFF800  }
0x74: {  	_ =	swait.ge @!p3 [sflag:s8], $0x800  }
0x75: {  	s17 =	simm.s32 @!p1 $0x0;
	[sflag:s8] =	ssyncset.done @!p3 $0x0  }
0x76: {  	s18 =	simm.s32 @!p1 $0x500;
	s19 =	simm.s32 @!p1 $0x5;
	[sflag:s8] =	ssyncadd.s32 @!p3 $0xFFFFF800  }
0x77: {  	[tilespmem:s18], [sflag:$0x5] =	stream.linear.gather @!p1 [hbm4b:s16+s17], $0x500, $0x38;
	[tilespmem:$0x1E0A0] =	vst v63  }
0x78: {  	_ =	swait.ge @!p1 [sflag:s19], $0x500  }
0x79: {  	[sflag:s19] =	ssyncset.done @!p1 $0x0  }
0x7a: {  	s21 =	simm.s32 @!p1 $0x3200;
	s8 =	simm.s32 @!p1 $0x80;
	[sflag:s19] =	ssyncadd.s32 @!p1 $0xFFFFFB00  }
0x7b: {  	[tilespmem:s21], [sflag:$0x2] =	stream.indirect.gather @!p1 [hbm4b:s13+s8], $0x10, s18, s8, $0xb8;
	[tilespmem:$0x1E0A0] =	vst v63  }
0x7c: {  	s17 =	simm.s32 @!p1 $0x600;
	s19 =	simm.s32 @!p1 $0x3A00  }
0x7d: {  	[tilespmem:s19], [sflag:$0x2] =	stream.indirect.gather @!p1 [hbm4b:s13+s8], $0x10, s17, s8, $0xb8;
	[tilespmem:$0x1E0A0] =	vst v63  }
0x7e: {  	s20 =	simm.s32 @!p1 $0x4200;
	s17 =	simm.s32 @!p1 $0x700  }
0x7f: {  	[tilespmem:s20], [sflag:$0x2] =	stream.indirect.gather @!p1 [hbm4b:s13+s8], $0x10, s17, s8, $0xb8;
	[tilespmem:$0x1E0A0] =	vst v63  }
0x80: {  	s18 =	simm.s32 @!p1 $0x800;
	s17 =	simm.s32 @!p1 $0x4A00  }
0x81: {  	[tilespmem:s17], [sflag:$0x2] =	stream.indirect.gather @!p1 [hbm4b:s13+s8], $0x10, s18, s8, $0xb8;
	[tilespmem:$0x1E0A0] =	vst v63  }
0x82: {  	s22 =	simm.s32 @!p1 $0x900;
	s18 =	simm.s32 @!p1 $0x5200  }
0x83: {  	[tilespmem:s18], [sflag:$0x2] =	stream.indirect.gather @!p1 [hbm4b:s13+s8], $0x10, s22, s8, $0xb8;
	[tilespmem:$0x1E0A0] =	vst v63  }
0x84: {  	s22 =	simm.s32 @!p2 $0x1  }
0x85: {  	_ =	swait.ge @!p2 [sflag:s22], $0x800  }
0x86: {  	[sflag:s22] =	ssyncset.done @!p2 $0x0  }
0x87: {  	[sflag:s22] =	ssyncadd.s32 @!p2 $0xFFFFF800  }
0x88: {  	_ =	swait.ge @!p2 [sflag:s22], $0x800  }
0x89: {  	[sflag:s22] =	ssyncset.done @!p2 $0x0  }
0x8a: {  	[sflag:s22] =	ssyncadd.s32 @!p2 $0xFFFFF800  }
0x8b: {  	_ =	swait.ge @!p2 [sflag:s22], $0x800  }
0x8c: {  	[sflag:s22] =	ssyncset.done @!p2 $0x0  }
0x8d: {  	[sflag:s22] =	ssyncadd.s32 @!p2 $0xFFFFF800  }
0x8e: {  	_ =	swait.ge @!p2 [sflag:s22], $0x800  }
0x8f: {  	[sflag:s22] =	ssyncset.done @!p2 $0x0  }
0x90: {  	[sflag:s22] =	ssyncadd.s32 @!p2 $0xFFFFF800  }
0x91: {  	_ =	swait.ge @!p2 [sflag:s22], $0x800  }
0x92: {  	[sflag:s22] =	ssyncset.done @!p2 $0x0  }
0x93: {  	[sflag:s22] =	ssyncadd.s32 @!p2 $0xFFFFF800  }
0x94: {  	[spmem:s11] =	stream.indirect.scatter.add.f32 @!p2 [tilespmem:s4], [sflag:$0x3], $0x10, s3, s3, $0xb8;
	[tilespmem:$0x1E0A0] =	vst v63  }
0x95: {  	s4 =	simm.s32 @!p2 $0x180  }
0x96: {  	[spmem:s11] =	stream.indirect.scatter.add.f32 @!p2 [tilespmem:s5], [sflag:$0x3], $0x10, s4, s3, $0xb8;
	[tilespmem:$0x1E0A0] =	vst v63  }
0x97: {  	s4 =	simm.s32 @!p2 $0x280  }
0x98: {  	[spmem:s11] =	stream.indirect.scatter.add.f32 @!p2 [tilespmem:s6], [sflag:$0x3], $0x10, s4, s3, $0xb8;
	[tilespmem:$0x1E0A0] =	vst v63  }
0x99: {  	s4 =	simm.s32 @!p2 $0x380  }
0x9a: {  	[spmem:s11] =	stream.indirect.scatter.add.f32 @!p2 [tilespmem:s7], [sflag:$0x3], $0x10, s4, s3, $0xb8;
	[tilespmem:$0x1E0A0] =	vst v63  }
0x9b: {  	s5 =	simm.s32 @!p1 $0x2;
	s4 =	simm.s32 @!p2 $0x480  }
0x9c: {  	[spmem:s11] =	stream.indirect.scatter.add.f32 @!p2 [tilespmem:s14], [sflag:$0x3], $0x10, s4, s3, $0xb8;
	[tilespmem:$0x1E0A0] =	vst v63  }
0x9d: {  	_ =	swait.ge @!p1 [sflag:s5], $0x800  }
0x9e: {  	[sflag:s5] =	ssyncset.done @!p1 $0x0  }
0x9f: {  	[sflag:s5] =	ssyncadd.s32 @!p1 $0xFFFFF800  }
0xa0: {  	_ =	swait.ge @!p1 [sflag:s5], $0x800  }
0xa1: {  	[sflag:s5] =	ssyncset.done @!p1 $0x0  }
0xa2: {  	[sflag:s5] =	ssyncadd.s32 @!p1 $0xFFFFF800  }
0xa3: {  	_ =	swait.ge @!p1 [sflag:s5], $0x800  }
0xa4: {  	[sflag:s5] =	ssyncset.done @!p1 $0x0  }
0xa5: {  	[sflag:s5] =	ssyncadd.s32 @!p1 $0xFFFFF800  }
0xa6: {  	_ =	swait.ge @!p1 [sflag:s5], $0x800  }
0xa7: {  	[sflag:s5] =	ssyncset.done @!p1 $0x0  }
0xa8: {  	[sflag:s5] =	ssyncadd.s32 @!p1 $0xFFFFF800  }
0xa9: {  	s6 =	simm.s32 $0x40;
	_ =	swait.ge @!p1 [sflag:s5], $0x800  }
0xaa: {  	s7 =	simm.s32 $0xC0;
	s3 =	simm.s32 @!p1 $0x580;
	[sflag:s5] =	ssyncset.done @!p1 $0x0  }
0xab: {  	s4 =	simm.s32 $0x80;
	[sflag:s5] =	ssyncadd.s32 @!p1 $0xFFFFF800;
	s5 =	sadd.s32 $0x2800, s16  }
0xac: {  	[spmem:s11] =	stream.indirect.scatter.add.f32 @!p1 [tilespmem:s21], [sflag:$0x4], $0x10, s3, s8, $0xb8;
	[tilespmem:$0x1E0A0] =	vst v63  }
0xad: {  	s14 =	simm.s32 @!p1 $0x780;
	s21 =	simm.s32 @!p1 $0x680;
	s3 =	sadd.s32 $0x2800, s5  }
.LBB2_2:
0xae: {  	[spmem:s11] =	stream.indirect.scatter.add.f32 @!p1 [tilespmem:s19], [sflag:$0x4], $0x10, s21, s8, $0xb8;
	[tilespmem:$0x1E0A0] =	vst v63  }
0xaf: {  	s28 =	sadd.s32 s6, s12  }
0xb0: {  	p3 =	sgt.u32 s28, $0x9C3  }
0xb1: {  	[spmem:s11] =	stream.indirect.scatter.add.f32 @!p1 [tilespmem:s20], [sflag:$0x4], $0x10, s14, s8, $0xb8;
	[tilespmem:$0x1E0A0] =	vst v63  }
0xb2: {  	p4 =	seq.s32 @!p3 s6, $0x0  }
0xb3: {  	s20 =	simm.s32 @!p1 $0x880;
	p4 =	por p4, p3  }
0xb4: {  	[spmem:s11] =	stream.indirect.scatter.add.f32 @!p1 [tilespmem:s17], [sflag:$0x4], $0x10, s20, s8, $0xb8;
	[tilespmem:$0x1E0A0] =	vst v63  }
0xb5: {  	s14 =	simm.s32 @!p1 $0x980;
	s17 =	simm.s32 @!p4 $0x3  }
0xb6: {  	[spmem:s11] =	stream.indirect.scatter.add.f32 @!p1 [tilespmem:s18], [sflag:$0x4], $0x10, s14, s8, $0xb8;
	[tilespmem:$0x1E0A0] =	vst v63  }
0xb7: {  	_ =	swait.ge @!p4 [sflag:s17], $0x800  }
0xb8: {  	[sflag:s17] =	ssyncset.done @!p4 $0x0  }
0xb9: {  	[sflag:s17] =	ssyncadd.s32 @!p4 $0xFFFFF800  }
0xba: {  	_ =	swait.ge @!p4 [sflag:s17], $0x800  }
0xbb: {  	[sflag:s17] =	ssyncset.done @!p4 $0x0  }
0xbc: {  	[sflag:s17] =	ssyncadd.s32 @!p4 $0xFFFFF800  }
0xbd: {  	_ =	swait.ge @!p4 [sflag:s17], $0x800  }
0xbe: {  	[sflag:s17] =	ssyncset.done @!p4 $0x0  }
0xbf: {  	[sflag:s17] =	ssyncadd.s32 @!p4 $0xFFFFF800  }
0xc0: {  	_ =	swait.ge @!p4 [sflag:s17], $0x800  }
0xc1: {  	[sflag:s17] =	ssyncset.done @!p4 $0x0  }
0xc2: {  	[sflag:s17] =	ssyncadd.s32 @!p4 $0xFFFFF800  }
0xc3: {  	_ =	swait.ge @!p4 [sflag:s17], $0x800  }
0xc4: {  	s8 =	simm.s32 @!p3 $0x5;
	[sflag:s17] =	ssyncset.done @!p4 $0x0  }
0xc5: {  	s14 =	sadd.s32 @!p3 $0xFFFFEC00, s5;
	[sflag:s17] =	ssyncadd.s32 @!p4 $0xFFFFF800;
	s17 =	simm.s32 @!p3 $0x0  }
0xc6: {  	[tilespmem:s17], [sflag:$0x5] =	stream.linear.gather @!p3 [hbm4b:s14+s17], $0x500, $0x38;
	[tilespmem:$0x1E0A0] =	vst v63  }
0xc7: {  	_ =	swait.ge @!p3 [sflag:s8], $0x500  }
0xc8: {  	s21 =	simm.s32 @!p3 $0x80;
	[sflag:s8] =	ssyncset.done @!p3 $0x0;
	s30 =	rddreg [dreg:$0x5]  }
0xc9: {  	s22 =	simm.s32 @!p3 $0xA00;
	[sflag:s8] =	ssyncadd.s32 @!p3 $0xFFFFFB00;
	s14 =	sadd.s32 s6, s30  }
0xca: {  	[tilespmem:s22], [sflag:$0x1] =	stream.indirect.gather @!p3 [hbm4b:s13+s21], $0x10, s17, s21, $0xb8;
	[tilespmem:$0x1E0A0] =	vst v63  }
0xcb: {  	s23 =	simm.s32 @!p3 $0x1200;
	s8 =	simm.s32 @!p3 $0x100;
	p1 =	sgt.u32 s14, $0x9C3  }
0xcc: {  	[tilespmem:s23], [sflag:$0x1] =	stream.indirect.gather @!p3 [hbm4b:s13+s21], $0x10, s8, s21, $0xb8;
	[tilespmem:$0x1E0A0] =	vst v63  }
0xcd: {  	s24 =	simm.s32 @!p3 $0x1A00;
	p4 =	seq.s32 @!p1 s6, $0x0;
	s8 =	simm.s32 @!p3 $0x200  }
0xce: {  	[tilespmem:s24], [sflag:$0x1] =	stream.indirect.gather @!p3 [hbm4b:s13+s21], $0x10, s8, s21, $0xb8;
	[tilespmem:$0x1E0A0] =	vst v63  }
0xcf: {  	s25 =	simm.s32 @!p3 $0x2200;
	s18 =	simm.s32 @!p3 $0x300;
	p4 =	por p4, p1  }
0xd0: {  	[tilespmem:s25], [sflag:$0x1] =	stream.indirect.gather @!p3 [hbm4b:s13+s21], $0x10, s18, s21, $0xb8;
	[tilespmem:$0x1E0A0] =	vst v63  }
0xd1: {  	s26 =	simm.s32 @!p3 $0x2A00;
	s6 =	simm.s32 @!p3 $0x400;
	s8 =	simm.s32 @!p4 $0x4  }
0xd2: {  	[tilespmem:s26], [sflag:$0x1] =	stream.indirect.gather @!p3 [hbm4b:s13+s21], $0x10, s6, s21, $0xb8;
	[tilespmem:$0x1E0A0] =	vst v63  }
0xd3: {  	_ =	swait.ge @!p4 [sflag:s8], $0x800  }
0xd4: {  	[sflag:s8] =	ssyncset.done @!p4 $0x0  }
0xd5: {  	[sflag:s8] =	ssyncadd.s32 @!p4 $0xFFFFF800  }
0xd6: {  	_ =	swait.ge @!p4 [sflag:s8], $0x800  }
0xd7: {  	[sflag:s8] =	ssyncset.done @!p4 $0x0  }
0xd8: {  	[sflag:s8] =	ssyncadd.s32 @!p4 $0xFFFFF800  }
0xd9: {  	_ =	swait.ge @!p4 [sflag:s8], $0x800  }
0xda: {  	[sflag:s8] =	ssyncset.done @!p4 $0x0  }
0xdb: {  	[sflag:s8] =	ssyncadd.s32 @!p4 $0xFFFFF800  }
0xdc: {  	_ =	swait.ge @!p4 [sflag:s8], $0x800  }
0xdd: {  	[sflag:s8] =	ssyncset.done @!p4 $0x0  }
0xde: {  	[sflag:s8] =	ssyncadd.s32 @!p4 $0xFFFFF800  }
0xdf: {  	_ =	swait.ge @!p4 [sflag:s8], $0x800  }
0xe0: {  	s17 =	simm.s32 @!p1 $0x0;
	[sflag:s8] =	ssyncset.done @!p4 $0x0  }
0xe1: {  	s19 =	simm.s32 @!p1 $0x5;
	s18 =	simm.s32 @!p1 $0x500;
	[sflag:s8] =	ssyncadd.s32 @!p4 $0xFFFFF800  }
0xe2: {  	[tilespmem:s18], [sflag:$0x5] =	stream.linear.gather @!p1 [hbm4b:s5+s17], $0x500, $0x38;
	[tilespmem:$0x1E0A0] =	vst v63  }
0xe3: {  	_ =	swait.ge @!p1 [sflag:s19], $0x500  }
0xe4: {  	[sflag:s19] =	ssyncset.done @!p1 $0x0  }
0xe5: {  	s28 =	simm.s32 @!p1 $0x3200;
	s8 =	simm.s32 @!p1 $0x80;
	[sflag:s19] =	ssyncadd.s32 @!p1 $0xFFFFFB00  }
0xe6: {  	[tilespmem:s28], [sflag:$0x2] =	stream.indirect.gather @!p1 [hbm4b:s13+s8], $0x10, s18, s8, $0xb8;
	[tilespmem:$0x1E0A0] =	vst v63  }
0xe7: {  	s29 =	smov.u32 s7;
	s17 =	simm.s32 @!p1 $0x600;
	s19 =	simm.s32 @!p1 $0x3A00  }
0xe8: {  	[tilespmem:s19], [sflag:$0x2] =	stream.indirect.gather @!p1 [hbm4b:s13+s8], $0x10, s17, s8, $0xb8;
	[tilespmem:$0x1E0A0] =	vst v63  }
0xe9: {  	s20 =	simm.s32 @!p1 $0x4200;
	s6 =	smov.u32 s4;
	s18 =	simm.s32 @!p1 $0x700  }
0xea: {  	[tilespmem:s20], [sflag:$0x2] =	stream.indirect.gather @!p1 [hbm4b:s13+s8], $0x10, s18, s8, $0xb8;
	[tilespmem:$0x1E0A0] =	vst v63  }
0xeb: {  	s4 =	smov.u32 s29;
	s29 =	simm.s32 @!p1 $0x800;
	s17 =	simm.s32 @!p1 $0x4A00  }
0xec: {  	[tilespmem:s17], [sflag:$0x2] =	stream.indirect.gather @!p1 [hbm4b:s13+s8], $0x10, s29, s8, $0xb8;
	[tilespmem:$0x1E0A0] =	vst v63  }
0xed: {  	s30 =	simm.s32 @!p1 $0x900;
	s18 =	simm.s32 @!p1 $0x5200;
	s29 =	simm.s32 @!p3 $0x1  }
0xee: {  	[tilespmem:s18], [sflag:$0x2] =	stream.indirect.gather @!p1 [hbm4b:s13+s8], $0x10, s30, s8, $0xb8;
	[tilespmem:$0x1E0A0] =	vst v63  }
0xef: {  	_ =	swait.ge @!p3 [sflag:s29], $0x800  }
0xf0: {  	[sflag:s29] =	ssyncset.done @!p3 $0x0  }
0xf1: {  	[sflag:s29] =	ssyncadd.s32 @!p3 $0xFFFFF800  }
0xf2: {  	_ =	swait.ge @!p3 [sflag:s29], $0x800  }
0xf3: {  	[sflag:s29] =	ssyncset.done @!p3 $0x0  }
0xf4: {  	[sflag:s29] =	ssyncadd.s32 @!p3 $0xFFFFF800  }
0xf5: {  	_ =	swait.ge @!p3 [sflag:s29], $0x800  }
0xf6: {  	[sflag:s29] =	ssyncset.done @!p3 $0x0  }
0xf7: {  	[sflag:s29] =	ssyncadd.s32 @!p3 $0xFFFFF800  }
0xf8: {  	_ =	swait.ge @!p3 [sflag:s29], $0x800  }
0xf9: {  	[sflag:s29] =	ssyncset.done @!p3 $0x0  }
0xfa: {  	[sflag:s29] =	ssyncadd.s32 @!p3 $0xFFFFF800  }
0xfb: {  	_ =	swait.ge @!p3 [sflag:s29], $0x800  }
0xfc: {  	[sflag:s29] =	ssyncset.done @!p3 $0x0  }
0xfd: {  	[sflag:s29] =	ssyncadd.s32 @!p3 $0xFFFFF800  }
0xfe: {  	[spmem:s11] =	stream.indirect.scatter.add.f32 @!p3 [tilespmem:s22], [sflag:$0x3], $0x10, s21, s21, $0xb8;
	[tilespmem:$0x1E0A0] =	vst v63  }
0xff: {  	s29 =	simm.s32 @!p3 $0x180  }
0x100: {  	[spmem:s11] =	stream.indirect.scatter.add.f32 @!p3 [tilespmem:s23], [sflag:$0x3], $0x10, s29, s21, $0xb8;
	[tilespmem:$0x1E0A0] =	vst v63  }
0x101: {  	s22 =	simm.s32 @!p3 $0x280  }
0x102: {  	[spmem:s11] =	stream.indirect.scatter.add.f32 @!p3 [tilespmem:s24], [sflag:$0x3], $0x10, s22, s21, $0xb8;
	[tilespmem:$0x1E0A0] =	vst v63  }
0x103: {  	s23 =	simm.s32 @!p3 $0x380  }
0x104: {  	[spmem:s11] =	stream.indirect.scatter.add.f32 @!p3 [tilespmem:s25], [sflag:$0x3], $0x10, s23, s21, $0xb8;
	[tilespmem:$0x1E0A0] =	vst v63  }
0x105: {  	s22 =	simm.s32 @!p3 $0x480;
	s23 =	simm.s32 @!p1 $0x2  }
0x106: {  	[spmem:s11] =	stream.indirect.scatter.add.f32 @!p3 [tilespmem:s26], [sflag:$0x3], $0x10, s22, s21, $0xb8;
	[tilespmem:$0x1E0A0] =	vst v63  }
0x107: {  	_ =	swait.ge @!p1 [sflag:s23], $0x800  }
0x108: {  	[sflag:s23] =	ssyncset.done @!p1 $0x0  }
0x109: {  	[sflag:s23] =	ssyncadd.s32 @!p1 $0xFFFFF800  }
0x10a: {  	_ =	swait.ge @!p1 [sflag:s23], $0x800  }
0x10b: {  	[sflag:s23] =	ssyncset.done @!p1 $0x0  }
0x10c: {  	[sflag:s23] =	ssyncadd.s32 @!p1 $0xFFFFF800  }
0x10d: {  	_ =	swait.ge @!p1 [sflag:s23], $0x800  }
0x10e: {  	[sflag:s23] =	ssyncset.done @!p1 $0x0  }
0x10f: {  	[sflag:s23] =	ssyncadd.s32 @!p1 $0xFFFFF800  }
0x110: {  	s7 =	sadd.s32 $0x40, s7;
	_ =	swait.ge @!p1 [sflag:s23], $0x800  }
0x111: {  	p2 =	sne.s32 s7, $0xA00;
	[sflag:s23] =	ssyncset.done @!p1 $0x0  }
.Ltmp0:
0x112: {  	[sflag:s23] =	ssyncadd.s32 @!p1 $0xFFFFF800;
	(pc) =	sbr.rel @p2 .LBB2_2-.Ltmp0, $4  }
0x113: {  	s14 =	simm.s32 @!p1 $0x780;
	_ =	swait.ge @!p1 [sflag:s23], $0x800  }
0x114: {  	s5 =	smov.u32 s3;
	s3 =	sadd.s32 $0x2800, s3;
	[sflag:s23] =	ssyncset.done @!p1 $0x0  }
0x115: {  	s22 =	simm.s32 @!p1 $0x580;
	s21 =	simm.s32 @!p1 $0x680;
	[sflag:s23] =	ssyncadd.s32 @!p1 $0xFFFFF800  }
0x116: {  	[spmem:s11] =	stream.indirect.scatter.add.f32 @!p1 [tilespmem:s28], [sflag:$0x4], $0x10, s22, s8, $0xb8;
	[tilespmem:$0x1E0A0] =	vst v63  }
0x117: {  	[spmem:s11] =	stream.indirect.scatter.add.f32 @!p1 [tilespmem:s19], [sflag:$0x4], $0x10, s21, s8, $0xb8;
	[tilespmem:$0x1E0A0] =	vst v63  }
0x118: {  	s7 =	sadd.s32 s6, s12  }
0x119: {  	p2 =	sgt.u32 s7, $0x9C3  }
0x11a: {  	[spmem:s11] =	stream.indirect.scatter.add.f32 @!p1 [tilespmem:s20], [sflag:$0x4], $0x10, s14, s8, $0xb8;
	[tilespmem:$0x1E0A0] =	vst v63  }
0x11b: {  	p3 =	seq.s32 @!p2 s6, $0x0  }
0x11c: {  	s7 =	simm.s32 @!p1 $0x880;
	p3 =	por p3, p2  }
0x11d: {  	[spmem:s11] =	stream.indirect.scatter.add.f32 @!p1 [tilespmem:s17], [sflag:$0x4], $0x10, s7, s8, $0xb8;
	[tilespmem:$0x1E0A0] =	vst v63  }
0x11e: {  	s7 =	simm.s32 @!p1 $0x980;
	s14 =	simm.s32 @!p3 $0x3  }
0x11f: {  	[spmem:s11] =	stream.indirect.scatter.add.f32 @!p1 [tilespmem:s18], [sflag:$0x4], $0x10, s7, s8, $0xb8;
	[tilespmem:$0x1E0A0] =	vst v63  }
0x120: {  	_ =	swait.ge @!p3 [sflag:s14], $0x800  }
0x121: {  	[sflag:s14] =	ssyncset.done @!p3 $0x0  }
0x122: {  	[sflag:s14] =	ssyncadd.s32 @!p3 $0xFFFFF800  }
0x123: {  	_ =	swait.ge @!p3 [sflag:s14], $0x800  }
0x124: {  	[sflag:s14] =	ssyncset.done @!p3 $0x0  }
0x125: {  	[sflag:s14] =	ssyncadd.s32 @!p3 $0xFFFFF800  }
0x126: {  	_ =	swait.ge @!p3 [sflag:s14], $0x800  }
0x127: {  	[sflag:s14] =	ssyncset.done @!p3 $0x0  }
0x128: {  	[sflag:s14] =	ssyncadd.s32 @!p3 $0xFFFFF800  }
0x129: {  	_ =	swait.ge @!p3 [sflag:s14], $0x800  }
0x12a: {  	[sflag:s14] =	ssyncset.done @!p3 $0x0  }
0x12b: {  	[sflag:s14] =	ssyncadd.s32 @!p3 $0xFFFFF800  }
0x12c: {  	_ =	swait.ge @!p3 [sflag:s14], $0x800  }
0x12d: {  	s7 =	simm.s32 @!p2 $0x5;
	[sflag:s14] =	ssyncset.done @!p3 $0x0  }
0x12e: {  	s8 =	sadd.s32 @!p2 $0xFFFFEC00, s5;
	[sflag:s14] =	ssyncadd.s32 @!p3 $0xFFFFF800;
	s14 =	simm.s32 @!p2 $0x0  }
0x12f: {  	[tilespmem:s14], [sflag:$0x5] =	stream.linear.gather @!p2 [hbm4b:s8+s14], $0x500, $0x38;
	[tilespmem:$0x1E0A0] =	vst v63  }
0x130: {  	_ =	swait.ge @!p2 [sflag:s7], $0x500  }
0x131: {  	s8 =	simm.s32 @!p2 $0xA00;
	[sflag:s7] =	ssyncset.done @!p2 $0x0  }
0x132: {  	s25 =	rddreg [dreg:$0x5];
	[sflag:s7] =	ssyncadd.s32 @!p2 $0xFFFFFB00;
	s7 =	simm.s32 @!p2 $0x80  }
0x133: {  	[tilespmem:s8], [sflag:$0x1] =	stream.indirect.gather @!p2 [hbm4b:s13+s7], $0x10, s14, s7, $0xb8;
	[tilespmem:$0x1E0A0] =	vst v63  }
0x134: {  	s18 =	simm.s32 @!p2 $0x100;
	s26 =	sadd.s32 s6, s25;
	s14 =	simm.s32 @!p2 $0x1200  }
0x135: {  	[tilespmem:s14], [sflag:$0x1] =	stream.indirect.gather @!p2 [hbm4b:s13+s7], $0x10, s18, s7, $0xb8;
	[tilespmem:$0x1E0A0] =	vst v63  }
0x136: {  	s17 =	simm.s32 @!p2 $0x1A00;
	p3 =	sgt.u32 s26, $0x9C3;
	s18 =	simm.s32 @!p2 $0x200  }
0x137: {  	[tilespmem:s17], [sflag:$0x1] =	stream.indirect.gather @!p2 [hbm4b:s13+s7], $0x10, s18, s7, $0xb8;
	[tilespmem:$0x1E0A0] =	vst v63  }
0x138: {  	s19 =	simm.s32 @!p2 $0x300;
	p1 =	seq.s32 @!p3 s6, $0x0;
	s18 =	simm.s32 @!p2 $0x2200  }
0x139: {  	[tilespmem:s18], [sflag:$0x1] =	stream.indirect.gather @!p2 [hbm4b:s13+s7], $0x10, s19, s7, $0xb8;
	[tilespmem:$0x1E0A0] =	vst v63  }
0x13a: {  	s6 =	simm.s32 @!p2 $0x2A00;
	p1 =	por p1, p3;
	s19 =	simm.s32 @!p2 $0x400  }
0x13b: {  	[tilespmem:s6], [sflag:$0x1] =	stream.indirect.gather @!p2 [hbm4b:s13+s7], $0x10, s19, s7, $0xb8;
	[tilespmem:$0x1E0A0] =	vst v63  }
0x13c: {  	s19 =	simm.s32 @!p1 $0x4  }
0x13d: {  	_ =	swait.ge @!p1 [sflag:s19], $0x800  }
0x13e: {  	[sflag:s19] =	ssyncset.done @!p1 $0x0  }
0x13f: {  	[sflag:s19] =	ssyncadd.s32 @!p1 $0xFFFFF800  }
0x140: {  	_ =	swait.ge @!p1 [sflag:s19], $0x800  }
0x141: {  	[sflag:s19] =	ssyncset.done @!p1 $0x0  }
0x142: {  	[sflag:s19] =	ssyncadd.s32 @!p1 $0xFFFFF800  }
0x143: {  	_ =	swait.ge @!p1 [sflag:s19], $0x800  }
0x144: {  	[sflag:s19] =	ssyncset.done @!p1 $0x0  }
0x145: {  	[sflag:s19] =	ssyncadd.s32 @!p1 $0xFFFFF800  }
0x146: {  	_ =	swait.ge @!p1 [sflag:s19], $0x800  }
0x147: {  	[sflag:s19] =	ssyncset.done @!p1 $0x0  }
0x148: {  	[sflag:s19] =	ssyncadd.s32 @!p1 $0xFFFFF800  }
0x149: {  	_ =	swait.ge @!p1 [sflag:s19], $0x800  }
0x14a: {  	s20 =	simm.s32 @!p3 $0x0;
	[sflag:s19] =	ssyncset.done @!p1 $0x0  }
0x14b: {  	s21 =	simm.s32 @!p3 $0x500;
	[sflag:s19] =	ssyncadd.s32 @!p1 $0xFFFFF800;
	s19 =	simm.s32 @!p3 $0x5  }
0x14c: {  	[tilespmem:s21], [sflag:$0x5] =	stream.linear.gather @!p3 [hbm4b:s5+s20], $0x500, $0x38;
	[tilespmem:$0x1E0A0] =	vst v63  }
0x14d: {  	_ =	swait.ge @!p3 [sflag:s19], $0x500  }
0x14e: {  	[sflag:s19] =	ssyncset.done @!p3 $0x0  }
0x14f: {  	s5 =	simm.s32 @!p3 $0x80;
	s20 =	simm.s32 @!p3 $0x3200;
	[sflag:s19] =	ssyncadd.s32 @!p3 $0xFFFFFB00  }
0x150: {  	[tilespmem:s20], [sflag:$0x2] =	stream.indirect.gather @!p3 [hbm4b:s13+s5], $0x10, s21, s5, $0xb8;
	[tilespmem:$0x1E0A0] =	vst v63  }
0x151: {  	s19 =	simm.s32 @!p3 $0x600;
	s21 =	simm.s32 @!p3 $0x3A00  }
0x152: {  	[tilespmem:s21], [sflag:$0x2] =	stream.indirect.gather @!p3 [hbm4b:s13+s5], $0x10, s19, s5, $0xb8;
	[tilespmem:$0x1E0A0] =	vst v63  }
0x153: {  	s22 =	simm.s32 @!p3 $0x4200;
	s19 =	simm.s32 @!p3 $0x700  }
0x154: {  	[tilespmem:s22], [sflag:$0x2] =	stream.indirect.gather @!p3 [hbm4b:s13+s5], $0x10, s19, s5, $0xb8;
	[tilespmem:$0x1E0A0] =	vst v63  }
0x155: {  	s23 =	simm.s32 @!p3 $0x4A00;
	s19 =	simm.s32 @!p3 $0x800  }
0x156: {  	[tilespmem:s23], [sflag:$0x2] =	stream.indirect.gather @!p3 [hbm4b:s13+s5], $0x10, s19, s5, $0xb8;
	[tilespmem:$0x1E0A0] =	vst v63  }
0x157: {  	s24 =	simm.s32 @!p3 $0x5200;
	s19 =	simm.s32 @!p3 $0x900  }
0x158: {  	[tilespmem:s24], [sflag:$0x2] =	stream.indirect.gather @!p3 [hbm4b:s13+s5], $0x10, s19, s5, $0xb8;
	[tilespmem:$0x1E0A0] =	vst v63  }
0x159: {  	s19 =	simm.s32 @!p2 $0x1  }
0x15a: {  	_ =	swait.ge @!p2 [sflag:s19], $0x800  }
0x15b: {  	[sflag:s19] =	ssyncset.done @!p2 $0x0  }
0x15c: {  	[sflag:s19] =	ssyncadd.s32 @!p2 $0xFFFFF800  }
0x15d: {  	_ =	swait.ge @!p2 [sflag:s19], $0x800  }
0x15e: {  	[sflag:s19] =	ssyncset.done @!p2 $0x0  }
0x15f: {  	[sflag:s19] =	ssyncadd.s32 @!p2 $0xFFFFF800  }
0x160: {  	_ =	swait.ge @!p2 [sflag:s19], $0x800  }
0x161: {  	[sflag:s19] =	ssyncset.done @!p2 $0x0  }
0x162: {  	[sflag:s19] =	ssyncadd.s32 @!p2 $0xFFFFF800  }
0x163: {  	_ =	swait.ge @!p2 [sflag:s19], $0x800  }
0x164: {  	[sflag:s19] =	ssyncset.done @!p2 $0x0  }
0x165: {  	[sflag:s19] =	ssyncadd.s32 @!p2 $0xFFFFF800  }
0x166: {  	_ =	swait.ge @!p2 [sflag:s19], $0x800  }
0x167: {  	[sflag:s19] =	ssyncset.done @!p2 $0x0  }
0x168: {  	[sflag:s19] =	ssyncadd.s32 @!p2 $0xFFFFF800  }
0x169: {  	[spmem:s11] =	stream.indirect.scatter.add.f32 @!p2 [tilespmem:s8], [sflag:$0x3], $0x10, s7, s7, $0xb8;
	[tilespmem:$0x1E0A0] =	vst v63  }
0x16a: {  	s8 =	simm.s32 @!p2 $0x180  }
0x16b: {  	[spmem:s11] =	stream.indirect.scatter.add.f32 @!p2 [tilespmem:s14], [sflag:$0x3], $0x10, s8, s7, $0xb8;
	[tilespmem:$0x1E0A0] =	vst v63  }
0x16c: {  	s8 =	simm.s32 @!p2 $0x280  }
0x16d: {  	[spmem:s11] =	stream.indirect.scatter.add.f32 @!p2 [tilespmem:s17], [sflag:$0x3], $0x10, s8, s7, $0xb8;
	[tilespmem:$0x1E0A0] =	vst v63  }
0x16e: {  	s8 =	simm.s32 @!p2 $0x380  }
0x16f: {  	[spmem:s11] =	stream.indirect.scatter.add.f32 @!p2 [tilespmem:s18], [sflag:$0x3], $0x10, s8, s7, $0xb8;
	[tilespmem:$0x1E0A0] =	vst v63  }
0x170: {  	s14 =	simm.s32 @!p3 $0x2;
	s8 =	simm.s32 @!p2 $0x480  }
0x171: {  	[spmem:s11] =	stream.indirect.scatter.add.f32 @!p2 [tilespmem:s6], [sflag:$0x3], $0x10, s8, s7, $0xb8;
	[tilespmem:$0x1E0A0] =	vst v63  }
0x172: {  	_ =	swait.ge @!p3 [sflag:s14], $0x800  }
0x173: {  	[sflag:s14] =	ssyncset.done @!p3 $0x0  }
0x174: {  	[sflag:s14] =	ssyncadd.s32 @!p3 $0xFFFFF800  }
0x175: {  	_ =	swait.ge @!p3 [sflag:s14], $0x800  }
0x176: {  	[sflag:s14] =	ssyncset.done @!p3 $0x0  }
0x177: {  	[sflag:s14] =	ssyncadd.s32 @!p3 $0xFFFFF800  }
0x178: {  	_ =	swait.ge @!p3 [sflag:s14], $0x800  }
0x179: {  	[sflag:s14] =	ssyncset.done @!p3 $0x0  }
0x17a: {  	[sflag:s14] =	ssyncadd.s32 @!p3 $0xFFFFF800  }
0x17b: {  	_ =	swait.ge @!p3 [sflag:s14], $0x800  }
0x17c: {  	[sflag:s14] =	ssyncset.done @!p3 $0x0  }
0x17d: {  	[sflag:s14] =	ssyncadd.s32 @!p3 $0xFFFFF800  }
0x17e: {  	_ =	swait.ge @!p3 [sflag:s14], $0x800  }
0x17f: {  	[sflag:s14] =	ssyncset.done @!p3 $0x0  }
0x180: {  	s28 =	sadd.s32 s4, s12;
	s6 =	simm.s32 @!p3 $0x580;
	[sflag:s14] =	ssyncadd.s32 @!p3 $0xFFFFF800  }
0x181: {  	[spmem:s11] =	stream.indirect.scatter.add.f32 @!p3 [tilespmem:s20], [sflag:$0x4], $0x10, s6, s5, $0xb8;
	[tilespmem:$0x1E0A0] =	vst v63  }
0x182: {  	p1 =	sgt.u32 s28, $0x9C3;
	s6 =	simm.s32 @!p3 $0x680  }
0x183: {  	[spmem:s11] =	stream.indirect.scatter.add.f32 @!p3 [tilespmem:s21], [sflag:$0x4], $0x10, s6, s5, $0xb8;
	[tilespmem:$0x1E0A0] =	vst v63  }
0x184: {  	p2 =	seq.s32 @!p1 s4, $0x0;
	s6 =	simm.s32 @!p3 $0x780  }
0x185: {  	[spmem:s11] =	stream.indirect.scatter.add.f32 @!p3 [tilespmem:s22], [sflag:$0x4], $0x10, s6, s5, $0xb8;
	[tilespmem:$0x1E0A0] =	vst v63  }
0x186: {  	p2 =	por p2, p1;
	s6 =	simm.s32 @!p3 $0x880  }
0x187: {  	[spmem:s11] =	stream.indirect.scatter.add.f32 @!p3 [tilespmem:s23], [sflag:$0x4], $0x10, s6, s5, $0xb8;
	[tilespmem:$0x1E0A0] =	vst v63  }
0x188: {  	s7 =	simm.s32 @!p2 $0x3;
	s6 =	simm.s32 @!p3 $0x980  }
0x189: {  	[spmem:s11] =	stream.indirect.scatter.add.f32 @!p3 [tilespmem:s24], [sflag:$0x4], $0x10, s6, s5, $0xb8;
	[tilespmem:$0x1E0A0] =	vst v63  }
0x18a: {  	_ =	swait.ge @!p2 [sflag:s7], $0x800  }
0x18b: {  	[sflag:s7] =	ssyncset.done @!p2 $0x0  }
0x18c: {  	[sflag:s7] =	ssyncadd.s32 @!p2 $0xFFFFF800  }
0x18d: {  	_ =	swait.ge @!p2 [sflag:s7], $0x800  }
0x18e: {  	[sflag:s7] =	ssyncset.done @!p2 $0x0  }
0x18f: {  	[sflag:s7] =	ssyncadd.s32 @!p2 $0xFFFFF800  }
0x190: {  	_ =	swait.ge @!p2 [sflag:s7], $0x800  }
0x191: {  	[sflag:s7] =	ssyncset.done @!p2 $0x0  }
0x192: {  	[sflag:s7] =	ssyncadd.s32 @!p2 $0xFFFFF800  }
0x193: {  	_ =	swait.ge @!p2 [sflag:s7], $0x800  }
0x194: {  	[sflag:s7] =	ssyncset.done @!p2 $0x0  }
0x195: {  	[sflag:s7] =	ssyncadd.s32 @!p2 $0xFFFFF800  }
0x196: {  	_ =	swait.ge @!p2 [sflag:s7], $0x800  }
0x197: {  	s5 =	simm.s32 @!p1 $0x5;
	[sflag:s7] =	ssyncset.done @!p2 $0x0  }
0x198: {  	s6 =	sadd.s32 @!p1 $0xFFFFEC00, s3;
	[sflag:s7] =	ssyncadd.s32 @!p2 $0xFFFFF800;
	s7 =	simm.s32 @!p1 $0x0  }
0x199: {  	[tilespmem:s7], [sflag:$0x5] =	stream.linear.gather @!p1 [hbm4b:s6+s7], $0x500, $0x38;
	[tilespmem:$0x1E0A0] =	vst v63  }
0x19a: {  	_ =	swait.ge @!p1 [sflag:s5], $0x500  }
0x19b: {  	s6 =	simm.s32 @!p1 $0xA00;
	[sflag:s5] =	ssyncset.done @!p1 $0x0  }
0x19c: {  	s29 =	rddreg [dreg:$0x5];
	[sflag:s5] =	ssyncadd.s32 @!p1 $0xFFFFFB00;
	s5 =	simm.s32 @!p1 $0x80  }
0x19d: {  	[tilespmem:s6], [sflag:$0x1] =	stream.indirect.gather @!p1 [hbm4b:s13+s5], $0x10, s7, s5, $0xb8;
	[tilespmem:$0x1E0A0] =	vst v63  }
0x19e: {  	s14 =	simm.s32 @!p1 $0x100;
	s30 =	sadd.s32 s4, s29;
	s7 =	simm.s32 @!p1 $0x1200  }
0x19f: {  	[tilespmem:s7], [sflag:$0x1] =	stream.indirect.gather @!p1 [hbm4b:s13+s5], $0x10, s14, s5, $0xb8;
	[tilespmem:$0x1E0A0] =	vst v63  }
0x1a0: {  	s8 =	simm.s32 @!p1 $0x1A00;
	p2 =	sgt.u32 s30, $0x9C3;
	s14 =	simm.s32 @!p1 $0x200  }
0x1a1: {  	[tilespmem:s8], [sflag:$0x1] =	stream.indirect.gather @!p1 [hbm4b:s13+s5], $0x10, s14, s5, $0xb8;
	[tilespmem:$0x1E0A0] =	vst v63  }
0x1a2: {  	s17 =	simm.s32 @!p1 $0x300;
	p3 =	seq.s32 @!p2 s4, $0x0;
	s14 =	simm.s32 @!p1 $0x2200  }
0x1a3: {  	[tilespmem:s14], [sflag:$0x1] =	stream.indirect.gather @!p1 [hbm4b:s13+s5], $0x10, s17, s5, $0xb8;
	[tilespmem:$0x1E0A0] =	vst v63  }
0x1a4: {  	s4 =	simm.s32 @!p1 $0x2A00;
	p3 =	por p3, p2;
	s17 =	simm.s32 @!p1 $0x400  }
0x1a5: {  	[tilespmem:s4], [sflag:$0x1] =	stream.indirect.gather @!p1 [hbm4b:s13+s5], $0x10, s17, s5, $0xb8;
	[tilespmem:$0x1E0A0] =	vst v63  }
0x1a6: {  	s17 =	simm.s32 @!p3 $0x4  }
0x1a7: {  	_ =	swait.ge @!p3 [sflag:s17], $0x800  }
0x1a8: {  	[sflag:s17] =	ssyncset.done @!p3 $0x0  }
0x1a9: {  	[sflag:s17] =	ssyncadd.s32 @!p3 $0xFFFFF800  }
0x1aa: {  	_ =	swait.ge @!p3 [sflag:s17], $0x800  }
0x1ab: {  	[sflag:s17] =	ssyncset.done @!p3 $0x0  }
0x1ac: {  	[sflag:s17] =	ssyncadd.s32 @!p3 $0xFFFFF800  }
0x1ad: {  	_ =	swait.ge @!p3 [sflag:s17], $0x800  }
0x1ae: {  	[sflag:s17] =	ssyncset.done @!p3 $0x0  }
0x1af: {  	[sflag:s17] =	ssyncadd.s32 @!p3 $0xFFFFF800  }
0x1b0: {  	_ =	swait.ge @!p3 [sflag:s17], $0x800  }
0x1b1: {  	[sflag:s17] =	ssyncset.done @!p3 $0x0  }
0x1b2: {  	[sflag:s17] =	ssyncadd.s32 @!p3 $0xFFFFF800  }
0x1b3: {  	_ =	swait.ge @!p3 [sflag:s17], $0x800  }
0x1b4: {  	s18 =	simm.s32 @!p2 $0x0;
	[sflag:s17] =	ssyncset.done @!p3 $0x0  }
0x1b5: {  	s19 =	simm.s32 @!p2 $0x500;
	[sflag:s17] =	ssyncadd.s32 @!p3 $0xFFFFF800;
	s17 =	simm.s32 @!p2 $0x5  }
0x1b6: {  	[tilespmem:s19], [sflag:$0x5] =	stream.linear.gather @!p2 [hbm4b:s3+s18], $0x500, $0x38;
	[tilespmem:$0x1E0A0] =	vst v63  }
0x1b7: {  	_ =	swait.ge @!p2 [sflag:s17], $0x500  }
0x1b8: {  	[sflag:s17] =	ssyncset.done @!p2 $0x0  }
0x1b9: {  	s3 =	simm.s32 @!p2 $0x80;
	s18 =	simm.s32 @!p2 $0x3200;
	[sflag:s17] =	ssyncadd.s32 @!p2 $0xFFFFFB00  }
0x1ba: {  	[tilespmem:s18], [sflag:$0x2] =	stream.indirect.gather @!p2 [hbm4b:s13+s3], $0x10, s19, s3, $0xb8;
	[tilespmem:$0x1E0A0] =	vst v63  }
0x1bb: {  	s17 =	simm.s32 @!p2 $0x600;
	s19 =	simm.s32 @!p2 $0x3A00  }
0x1bc: {  	[tilespmem:s19], [sflag:$0x2] =	stream.indirect.gather @!p2 [hbm4b:s13+s3], $0x10, s17, s3, $0xb8;
	[tilespmem:$0x1E0A0] =	vst v63  }
0x1bd: {  	s20 =	simm.s32 @!p2 $0x4200;
	s17 =	simm.s32 @!p2 $0x700  }
0x1be: {  	[tilespmem:s20], [sflag:$0x2] =	stream.indirect.gather @!p2 [hbm4b:s13+s3], $0x10, s17, s3, $0xb8;
	[tilespmem:$0x1E0A0] =	vst v63  }
0x1bf: {  	s21 =	simm.s32 @!p2 $0x4A00;
	s17 =	simm.s32 @!p2 $0x800  }
0x1c0: {  	[tilespmem:s21], [sflag:$0x2] =	stream.indirect.gather @!p2 [hbm4b:s13+s3], $0x10, s17, s3, $0xb8;
	[tilespmem:$0x1E0A0] =	vst v63  }
0x1c1: {  	s22 =	simm.s32 @!p2 $0x5200;
	s17 =	simm.s32 @!p2 $0x900  }
0x1c2: {  	[tilespmem:s22], [sflag:$0x2] =	stream.indirect.gather @!p2 [hbm4b:s13+s3], $0x10, s17, s3, $0xb8;
	[tilespmem:$0x1E0A0] =	vst v63  }
0x1c3: {  	s17 =	simm.s32 @!p1 $0x1  }
0x1c4: {  	_ =	swait.ge @!p1 [sflag:s17], $0x800  }
0x1c5: {  	[sflag:s17] =	ssyncset.done @!p1 $0x0  }
0x1c6: {  	[sflag:s17] =	ssyncadd.s32 @!p1 $0xFFFFF800  }
0x1c7: {  	_ =	swait.ge @!p1 [sflag:s17], $0x800  }
0x1c8: {  	[sflag:s17] =	ssyncset.done @!p1 $0x0  }
0x1c9: {  	[sflag:s17] =	ssyncadd.s32 @!p1 $0xFFFFF800  }
0x1ca: {  	_ =	swait.ge @!p1 [sflag:s17], $0x800  }
0x1cb: {  	[sflag:s17] =	ssyncset.done @!p1 $0x0  }
0x1cc: {  	[sflag:s17] =	ssyncadd.s32 @!p1 $0xFFFFF800  }
0x1cd: {  	_ =	swait.ge @!p1 [sflag:s17], $0x800  }
0x1ce: {  	[sflag:s17] =	ssyncset.done @!p1 $0x0  }
0x1cf: {  	[sflag:s17] =	ssyncadd.s32 @!p1 $0xFFFFF800  }
0x1d0: {  	_ =	swait.ge @!p1 [sflag:s17], $0x800  }
0x1d1: {  	[sflag:s17] =	ssyncset.done @!p1 $0x0  }
0x1d2: {  	[sflag:s17] =	ssyncadd.s32 @!p1 $0xFFFFF800  }
0x1d3: {  	[spmem:s11] =	stream.indirect.scatter.add.f32 @!p1 [tilespmem:s6], [sflag:$0x3], $0x10, s5, s5, $0xb8;
	[tilespmem:$0x1E0A0] =	vst v63  }
0x1d4: {  	s6 =	simm.s32 @!p1 $0x180  }
0x1d5: {  	[spmem:s11] =	stream.indirect.scatter.add.f32 @!p1 [tilespmem:s7], [sflag:$0x3], $0x10, s6, s5, $0xb8;
	[tilespmem:$0x1E0A0] =	vst v63  }
0x1d6: {  	s6 =	simm.s32 @!p1 $0x280  }
0x1d7: {  	[spmem:s11] =	stream.indirect.scatter.add.f32 @!p1 [tilespmem:s8], [sflag:$0x3], $0x10, s6, s5, $0xb8;
	[tilespmem:$0x1E0A0] =	vst v63  }
0x1d8: {  	s6 =	simm.s32 @!p1 $0x380  }
0x1d9: {  	[spmem:s11] =	stream.indirect.scatter.add.f32 @!p1 [tilespmem:s14], [sflag:$0x3], $0x10, s6, s5, $0xb8;
	[tilespmem:$0x1E0A0] =	vst v63  }
0x1da: {  	s6 =	simm.s32 @!p1 $0x480  }
0x1db: {  	[spmem:s11] =	stream.indirect.scatter.add.f32 @!p1 [tilespmem:s4], [sflag:$0x3], $0x10, s6, s5, $0xb8;
	[tilespmem:$0x1E0A0] =	vst v63  }
0x1dc: {  	s4 =	simm.s32 @!p2 $0x2  }
0x1dd: {  	_ =	swait.ge @!p2 [sflag:s4], $0x800  }
0x1de: {  	[sflag:s4] =	ssyncset.done @!p2 $0x0  }
0x1df: {  	[sflag:s4] =	ssyncadd.s32 @!p2 $0xFFFFF800  }
0x1e0: {  	_ =	swait.ge @!p2 [sflag:s4], $0x800  }
0x1e1: {  	[sflag:s4] =	ssyncset.done @!p2 $0x0  }
0x1e2: {  	[sflag:s4] =	ssyncadd.s32 @!p2 $0xFFFFF800  }
0x1e3: {  	_ =	swait.ge @!p2 [sflag:s4], $0x800  }
0x1e4: {  	[sflag:s4] =	ssyncset.done @!p2 $0x0  }
0x1e5: {  	[sflag:s4] =	ssyncadd.s32 @!p2 $0xFFFFF800  }
0x1e6: {  	_ =	swait.ge @!p2 [sflag:s4], $0x800  }
0x1e7: {  	[sflag:s4] =	ssyncset.done @!p2 $0x0  }
0x1e8: {  	[sflag:s4] =	ssyncadd.s32 @!p2 $0xFFFFF800  }
0x1e9: {  	_ =	swait.ge @!p2 [sflag:s4], $0x800  }
0x1ea: {  	[sflag:s4] =	ssyncset.done @!p2 $0x0  }
0x1eb: {  	[sflag:s4] =	ssyncadd.s32 @!p2 $0xFFFFF800;
	s4 =	simm.s32 @!p2 $0x580  }
0x1ec: {  	[spmem:s11] =	stream.indirect.scatter.add.f32 @!p2 [tilespmem:s18], [sflag:$0x4], $0x10, s4, s3, $0xb8;
	[tilespmem:$0x1E0A0] =	vst v63  }
0x1ed: {  	s4 =	simm.s32 @!p2 $0x680  }
0x1ee: {  	[spmem:s11] =	stream.indirect.scatter.add.f32 @!p2 [tilespmem:s19], [sflag:$0x4], $0x10, s4, s3, $0xb8;
	[tilespmem:$0x1E0A0] =	vst v63  }
0x1ef: {  	s4 =	simm.s32 @!p2 $0x780  }
0x1f0: {  	[spmem:s11] =	stream.indirect.scatter.add.f32 @!p2 [tilespmem:s20], [sflag:$0x4], $0x10, s4, s3, $0xb8;
	[tilespmem:$0x1E0A0] =	vst v63  }
0x1f1: {  	s4 =	simm.s32 @!p2 $0x880  }
0x1f2: {  	[spmem:s11] =	stream.indirect.scatter.add.f32 @!p2 [tilespmem:s21], [sflag:$0x4], $0x10, s4, s3, $0xb8;
	[tilespmem:$0x1E0A0] =	vst v63  }
0x1f3: {  	s4 =	simm.s32 @!p2 $0x980  }
0x1f4: {  	[spmem:s11] =	stream.indirect.scatter.add.f32 @!p2 [tilespmem:s22], [sflag:$0x4], $0x10, s4, s3, $0xb8;
	[tilespmem:$0x1E0A0] =	vst v63  }
0x1f5: {  	_ =	swait.ge [sflag:s1], $0x800  }
0x1f6: {  	[sflag:s1] =	ssyncset.done $0x0  }
0x1f7: {  	[sflag:s1] =	ssyncadd.s32 $0xFFFFF800  }
0x1f8: {  	_ =	swait.ge [sflag:s1], $0x800  }
0x1f9: {  	[sflag:s1] =	ssyncset.done $0x0  }
0x1fa: {  	[sflag:s1] =	ssyncadd.s32 $0xFFFFF800  }
0x1fb: {  	_ =	swait.ge [sflag:s1], $0x800  }
0x1fc: {  	[sflag:s1] =	ssyncset.done $0x0  }
0x1fd: {  	[sflag:s1] =	ssyncadd.s32 $0xFFFFF800  }
0x1fe: {  	_ =	swait.ge [sflag:s1], $0x800  }
0x1ff: {  	[sflag:s1] =	ssyncset.done $0x0  }
0x200: {  	[sflag:s1] =	ssyncadd.s32 $0xFFFFF800  }
0x201: {  	_ =	swait.ge [sflag:s1], $0x800  }
0x202: {  	[sflag:s1] =	ssyncset.done $0x0  }
0x203: {  	[sflag:s1] =	ssyncadd.s32 $0xFFFFF800  }
0x204: {  	_ =	swait.ge [sflag:s2], $0x800  }
0x205: {  	[sflag:s2] =	ssyncset.done $0x0  }
0x206: {  	[sflag:s2] =	ssyncadd.s32 $0xFFFFF800  }
0x207: {  	_ =	swait.ge [sflag:s2], $0x800  }
0x208: {  	[sflag:s2] =	ssyncset.done $0x0  }
0x209: {  	[sflag:s2] =	ssyncadd.s32 $0xFFFFF800  }
0x20a: {  	_ =	swait.ge [sflag:s2], $0x800  }
0x20b: {  	[sflag:s2] =	ssyncset.done $0x0  }
0x20c: {  	[sflag:s2] =	ssyncadd.s32 $0xFFFFF800  }
0x20d: {  	_ =	swait.ge [sflag:s2], $0x800  }
0x20e: {  	[sflag:s2] =	ssyncset.done $0x0  }
0x20f: {  	[sflag:s2] =	ssyncadd.s32 $0xFFFFF800  }
0x210: {  	_ =	swait.ge [sflag:s2], $0x800  }
0x211: {  	[sflag:s2] =	ssyncset.done $0x0  }
0x212: {  	[sflag:s2] =	ssyncadd.s32 $0xFFFFF800  }
0x213: {  	[bflag:$0x0] =	sbarrier.arrive $0xFFFF  }
0x214: {  	s17 =	rddreg [dreg:$0x6]  }
0x215: {  	s18 =	rddreg [dreg:$0x15]  }
0x216: {  	[hbm:s17], [sflag:s15] =	dma.local [spmem:s18], $0x7D0  }
0x217: {  	_ =	swait.ge [sflag:s10], $0x7D0  }
0x218: {  	[sflag:s10] =	ssyncset.done $0x0;
	s19 =	rddreg [dreg:$0x7]  }
0x219: {  	s20 =	rddreg [dreg:$0x16];
	[sflag:s10] =	ssyncadd.s32 $0xFFFFF830  }
0x21a: {  	[hbm:s19], [sflag:s15] =	dma.local [spmem:s20], $0x7D0  }
0x21b: {  	_ =	swait.ge [sflag:s10], $0x7D0  }
0x21c: {  	[sflag:s10] =	ssyncset.done $0x0;
	s21 =	rddreg [dreg:$0x8]  }
0x21d: {  	s22 =	rddreg [dreg:$0x17];
	[sflag:s10] =	ssyncadd.s32 $0xFFFFF830  }
0x21e: {  	[hbm:s21], [sflag:s15] =	dma.local [spmem:s22], $0x7D0  }
0x21f: {  	_ =	swait.ge [sflag:s10], $0x7D0  }
0x220: {  	[sflag:s10] =	ssyncset.done $0x0;
	s23 =	rddreg [dreg:$0x9]  }
0x221: {  	s24 =	rddreg [dreg:$0x18];
	[sflag:s10] =	ssyncadd.s32 $0xFFFFF830  }
0x222: {  	[hbm:s23], [sflag:s15] =	dma.local [spmem:s24], $0x7D0  }
0x223: {  	_ =	swait.ge [sflag:s10], $0x7D0  }
0x224: {  	[sflag:s10] =	ssyncset.done $0x0;
	s25 =	rddreg [dreg:$0xa]  }
0x225: {  	s26 =	rddreg [dreg:$0x19];
	[sflag:s10] =	ssyncadd.s32 $0xFFFFF830  }
0x226: {  	[hbm:s25], [sflag:s15] =	dma.local [spmem:s26], $0x7D0  }
0x227: {  	_ =	swait.ge [sflag:s10], $0x7D0  }
0x228: {  	[sflag:s10] =	ssyncset.done $0x0;
	s28 =	rddreg [dreg:$0xb]  }
0x229: {  	s29 =	rddreg [dreg:$0x1a];
	[sflag:s10] =	ssyncadd.s32 $0xFFFFF830  }
0x22a: {  	[hbm:s28], [sflag:s15] =	dma.local [spmem:s29], $0x7D0  }
0x22b: {  	_ =	swait.ge [sflag:s10], $0x7D0  }
0x22c: {  	[sflag:s10] =	ssyncset.done $0x0  }
0x22d: {  	s3 =	rddreg [dreg:$0xc];
	[sflag:s10] =	ssyncadd.s32 $0xFFFFF830  }
0x22e: {  	[hbm:s3], [sflag:s15] =	dma.local @!p0 [spmem:s31], $0x7D0  }
0x22f: {  	s3 =	simm.s32 @!p0 $0x5  }
0x230: {  	_ =	swait.ge @!p0 [sflag:s3], $0x7D0  }
0x231: {  	s0 =	sadd.s32 $0x1, s0;
	s30 =	rddreg [dreg:$0xd]  }
0x232: {  	p1 =	sne.s32 s0, s30  }
.Ltmp1:
0x233: {  	_ = 	snop;
	(pc) =	sbr.rel @p1 .LBB2_1-.Ltmp1, $3  }
0x234: {  	_ =	sdelay $0x1  }
0x235: {  	[sflag:s3] =	ssyncset.done @!p0 $0x0  }
0x236: {  	[sflag:s3] =	ssyncadd.s32 @!p0 $0xFFFFF830  }
0x237: {  	_ =	sfence.sel $0x180000  }
0x238: {  	[bflag:$0x0] =	sbarrier.arrive $0xFFFF  }
0x239: {  	_ =	strace $0x9000004D  }
0x23a: {  	s0 =	stileid.u32;
	[bflag:$0x2] =	sbarrier.arrive $0xFFFF  }
0x23b: {  	p0 =	sne.s32 s0, $0x0;
	s0 =	rddreg [dreg:$0x4]  }
0x23c: {  	s0 =	sadd.s32 @!p0 $0x100000, s0  }
0x23d: {  	[sflag:s0] =	ssyncadd.tile.s32 @!p0 $0x1;
	_ =	shalt  }
.Lfunc_end2:
_tile_overlayer_lowered:
.L_overlay_start_2:
0x23e: {  	(tag) =	ssettag $0x2  }
0x23f: {  	s0 =	rddreg [dreg:$0x0];
	s2 =	stileid.u32  }
0x240: {  	s1 =	rddreg [dreg:$0x1];
	p0 =	sne.s32 s2, $0x0  }
0x241: {  	s3 =	rddreg [dreg:$0x2];
	[bflag:$0x3] =	sbarrier.arrive $0xFFFF;
	s2 =	simm.s32 @!p0 $0x1C05  }
0x242: {  	[timem:s3], [sflag:s2] =	dma.local @!p0 [hbm:s0], s1  }
0x243: {  	s0 =	simm.s32 @!p0 $0x5  }
0x244: {  	_ =	swait.ge @!p0 [sflag:s0], s1  }
0x245: {  	s1 =	ssub.s32 @!p0 $0x0, s1;
	[sflag:s0] =	ssyncset.done @!p0 $0x0  }
0x246: {  	[sflag:s0] =	ssyncadd.s32 @!p0 s1  }
0x247: {  	[bflag:$0x3] =	sbarrier.arrive $0xFFFF  }
0x248: {  	_ =	shalt  }

// kernel: kernel.8.cloned.1.call-start
scs
__scs_entry_jumppad:
0x0: {  	(pc) =	sbr.rel $0x88, $3  }
0x1: {  	(tag) =	ssettag $0x0;
	lr =	simm.s32 $0x1  }
0x2: {  	[smem:$0x3F9B] =	sst lr;
	_ =	strace $0xD0000000  }
0x3: {  	_ = 	snop  }
0x4: {  	_ = 	snop  }
0x5: {  	_ = 	snop  }
0x6: {  	_ = 	snop  }
0x7: {  	_ = 	snop  }
__scs_overlays_trampoline_lowered:
0x8: {  	[smem:$0x3FAA] =	sst s0  }
0x9: {  	[smem:$0x3FAB] =	sst s1  }
0xa: {  	[smem:$0x3FAC] =	sst s2  }
0xb: {  	[smem:$0x3FAD] =	sst s3  }
0xc: {  	[smem:$0x3FAE] =	sst s4  }
0xd: {  	[smem:$0x3FAF] =	sst s5  }
0xe: {  	[smem:$0x3FB0] =	sst s6  }
0xf: {  	[smem:$0x3FB1] =	sst s7  }
0x10: {  	[smem:$0x3FB2] =	sst s8  }
0x11: {  	[smem:$0x3FB3] =	sst s9;
	s0 =	simm.s32 @!p0 $0x0  }
0x12: {  	s1 =	sld [smem:$0x3F99];
	s0 =	simm.s32 @p0 $0x1  }
0x13: {  	[smem:$0x3FB4] =	sst s0;
	s0 =	simm.s32 @!p1 $0x0  }
0x14: {  	s2 =	sld [smem:$0x3F98];
	s0 =	simm.s32 @p1 $0x1  }
0x15: {  	[smem:$0x3FB5] =	sst s0;
	s0 =	simm.s32 @!p2 $0x0  }
0x16: {  	s3 =	sld [smem:$0x3FDB];
	s0 =	simm.s32 @p2 $0x1  }
0x17: {  	s4 =	simm.s32 $0x1BF5;
	[smem:$0x3FB7] =	sst s0  }
0x18: {  	s0 =	sld [smem:$0x3F9A];
	_ =	swait.ge [sflag:s4], $0x0  }
0x19: {  	s7 =	sld [smem:$0x3F9B]  }
0x1a: {  	s8 =	sadd.s32 $0xFFFFE003, lr  }
0x1b: {  	s9 =	sadd.s32 $0xFFFFFEF7, lr;
	s5 =	simm.s32 $0xFFFFFFFF;
	p2 =	slt.u32 s8, $0xFFFFF086  }
0x1c: {  	p1 =	slt.u32 s9, $0xF7A;
	s5 =	simm.s32 @!p2 $0x0  }
0x1d: {  	s5 =	simm.s32 @p1 $0x1;
	p0 =	seq.s32 s7, s2  }
0x1e: {  	s7 =	smul.u32 @!p0 $0xF7A, s2;
	p2 =	seq.s32 @!p0 s5, $0x0  }
0x1f: {  	s9 =	smul.u32 $0xF7A, s1;
	s8 =	simm.s32 @!p0 $0x1BF5;
	p2 =	por !p2, p0  }
0x20: {  	[sflag:s8] =	ssyncset.s32 @!p0 $0xFFFFF086;
	s6 =	sadd.s32 @!p0 s3, s7;
	s7 =	simm.s32 @!p0 $0x108  }
0x21: {  	s3 =	sadd.s32 s3, s9;
	s6 =	sadd.s32 @!p0 $0x88, s6;
	s7 =	simm.s32 @p2 $0x1082  }
0x22: {  	[simem:s7], [sflag:s8] =	dma.local @!p0 [hbm:s6], $0xF7A  }
0x23: {  	s9 =	sor.u32 $0xD0000000, s2;
	s6 =	simm.s32 $0x108;
	_ =	swait.ge @!p0 [sflag:s8], $0x0  }
0x24: {  	s3 =	sadd.s32 $0x88, s3;
	s6 =	simm.s32 @!p1 $0x1082;
	[sflag:s4] =	ssyncset.s32 $0xFFFFF086  }
0x25: {  	[simem:s6], [sflag:s4] =	dma.local [hbm:s3], $0xF7A  }
0x26: {  	[smem:$0x3F9B] =	sst s1;
	(tag) =	ssettag s2;
	_ =	strace s9  }
0x27: {  	s1 =	sld [smem:$0x3FAB]  }
0x28: {  	s2 =	sld [smem:$0x3FAC]  }
0x29: {  	s4 =	sld [smem:$0x3FAE]  }
0x2a: {  	p0 =	seq.s32 s5, $0x0;
	s5 =	sld [smem:$0x3FAF]  }
0x2b: {  	s6 =	sld [smem:$0x3FB0]  }
0x2c: {  	s7 =	sld [smem:$0x3FB1]  }
0x2d: {  	s3 =	simm.s32 $0x108;
	s8 =	sld [smem:$0x3FB2]  }
0x2e: {  	s3 =	simm.s32 @!p0 $0x1082;
	s9 =	sld [smem:$0x3FB3]  }
0x2f: {  	lr =	sadd.s32 s0, s3;
	s0 =	sld [smem:$0x3FAA]  }
0x30: {  	s3 =	sld [smem:$0x3FAD]  }
0x31: {  	[smem:$0x3FB6] =	sst s10  }
0x32: {  	s10 =	sld [smem:$0x3FB4];
	_ =	sdelay $0x3  }
0x33: {  	p0 =	seq.s32 s10, $0x1;
	s10 =	sld [smem:$0x3FB6];
	_ =	sdelay $0x3  }
0x34: {  	[smem:$0x3FB6] =	sst s10  }
0x35: {  	s10 =	sld [smem:$0x3FB5];
	_ =	sdelay $0x3  }
0x36: {  	p1 =	seq.s32 s10, $0x1;
	s10 =	sld [smem:$0x3FB6];
	_ =	sdelay $0x3  }
0x37: {  	[smem:$0x3FB6] =	sst s10  }
0x38: {  	s10 =	sld [smem:$0x3FB7]  }
0x39: {  	_ = 	snop;
	(pc) =	sbr.ind lr, $3  }
0x3a: {  	_ = 	snop  }
0x3b: {  	_ = 	snop  }
0x3c: {  	p2 =	seq.s32 s10, $0x1;
	s10 =	sld [smem:$0x3FB6]  }
0x3d: {  	_ =	shalt  }
0x3e: {  	_ =	shalt  }
0x3f: {  	_ =	shalt  }
0x40: {  	_ =	shalt  }
0x41: {  	_ =	shalt  }
0x42: {  	_ =	shalt  }
0x43: {  	_ =	shalt  }
0x44: {  	_ =	shalt  }
0x45: {  	_ =	shalt  }
0x46: {  	_ =	shalt  }
0x47: {  	_ =	shalt  }
0x48: {  	_ =	shalt  }
0x49: {  	_ =	shalt  }
0x4a: {  	_ =	shalt  }
0x4b: {  	_ =	shalt  }
0x4c: {  	_ =	shalt  }
0x4d: {  	_ =	shalt  }
0x4e: {  	_ =	shalt  }
0x4f: {  	_ =	shalt  }
0x50: {  	_ =	shalt  }
0x51: {  	_ =	shalt  }
0x52: {  	_ =	shalt  }
0x53: {  	_ =	shalt  }
0x54: {  	_ =	shalt  }
0x55: {  	_ =	shalt  }
0x56: {  	_ =	shalt  }
0x57: {  	_ =	shalt  }
0x58: {  	_ =	shalt  }
0x59: {  	_ =	shalt  }
0x5a: {  	_ =	shalt  }
0x5b: {  	_ =	shalt  }
0x5c: {  	_ =	shalt  }
0x5d: {  	_ =	shalt  }
0x5e: {  	_ =	shalt  }
0x5f: {  	_ =	shalt  }
0x60: {  	_ =	shalt  }
0x61: {  	_ =	shalt  }
0x62: {  	_ =	shalt  }
0x63: {  	_ =	shalt  }
0x64: {  	_ =	shalt  }
0x65: {  	_ =	shalt  }
0x66: {  	_ =	shalt  }
0x67: {  	_ =	shalt  }
0x68: {  	_ =	shalt  }
0x69: {  	_ =	shalt  }
0x6a: {  	_ =	shalt  }
0x6b: {  	_ =	shalt  }
0x6c: {  	_ =	shalt  }
0x6d: {  	_ =	shalt  }
0x6e: {  	_ =	shalt  }
0x6f: {  	_ =	shalt  }
0x70: {  	_ =	shalt  }
0x71: {  	_ =	shalt  }
0x72: {  	_ =	shalt  }
0x73: {  	_ =	shalt  }
0x74: {  	_ =	shalt  }
0x75: {  	_ =	shalt  }
0x76: {  	_ =	shalt  }
0x77: {  	_ =	shalt  }
0x78: {  	_ =	shalt  }
0x79: {  	_ =	shalt  }
0x7a: {  	_ =	shalt  }
0x7b: {  	_ =	shalt  }
0x7c: {  	_ =	shalt  }
0x7d: {  	_ =	shalt  }
0x7e: {  	_ =	shalt  }
0x7f: {  	_ =	shalt  }
0x80: {  	_ =	shalt  }
0x81: {  	_ =	shalt  }
0x82: {  	_ =	shalt  }
0x83: {  	_ =	shalt  }
0x84: {  	_ =	shalt  }
0x85: {  	_ =	shalt  }
0x86: {  	_ =	shalt  }
0x87: {  	_ =	shalt  }
.Lfunc_end0:
.L_simem_size_0:
called_computation_lowered:
.L_overlay_start_0:
0x88: {  	s2 =	sld [smem:$0x3FD9]  }
0x89: {  	s3 =	sld [smem:$0x3FFE];
	_ =	sdelay $0x1  }
0x8a: {  	s1 =	srdreg.scid  }
0x8b: {  	s0 =	sand.u32 $0x1, s1  }
0x8c: {  	s17 =	sshll.u32 s0, $0xA;
	s2 =	sadd.s32 s3, s2  }
0x8d: {  	s2 =	sadd.s32 s2, s17  }
0x8e: {  	[smem:$0x3FC2] =	sst s2  }
0x8f: {  	_ = 	snop  }
0x90: {  	s2 =	sld [smem:$0x3FC8]  }
0x91: {  	s18 =	sld [smem:$0x3FD0];
	(tm) =	ssettm $0x1  }
0x92: {  	s4 =	sld [smem:$0x3FFB];
	_ =	sdelay $0x3  }
0x93: {  	_ =	strace s4  }
0x94: {  	s4 =	sld [smem:$0x3FFC];
	_ =	sdelay $0x3  }
0x95: {  	_ =	strace s4  }
0x96: {  	s4 =	sld [smem:$0x3FFD];
	_ =	sdelay $0x3  }
0x97: {  	_ =	strace s4  }
0x98: {  	_ =	strace $0x8FFFFFFF  }
0x99: {  	s19 =	sld [smem:$0x3FDB];
	_ =	sdelay $0x1  }
0x9a: {  	s5 =	simm.s32 $_scs_section_size  }
0x9b: {  	s6 =	simm.s32 $_size__tile_overlayer_lowered;
	s7 =	simm.s32 $_tile_overlayer_lowered  }
0x9c: {  	s22 =	simm.s32 $0x1BFF;
	s21 =	sshll.u32 s7, $0x1;
	s4 =	sadd.s32 s5, s19  }
0x9d: {  	s8 =	simm.s32 $0x0;
	s20 =	sshll.u32 s6, $0x1;
	s6 =	sadd.s32 s21, s4  }
0x9e: {  	[timem:s8], [sflag:s22] =	dma.local [hbm:s6], s20  }
0x9f: {  	_ =	swait.ge [sflag:s22], s20  }
0xa0: {  	s5 =	ssub.s32 $0x0, s20;
	[sflag:s22] =	ssyncset.done $0x0  }
0xa1: {  	[sflag:s22] =	ssyncadd.s32 s5;
	_ =	sdelay $0x1  }
0xa2: {  	s23 =	simm.s32 $0x1B8B  }
0xa3: {  	_ =	swait.ge [sflag:s23], $0x1  }
0xa4: {  	[sflag:s23] =	ssyncset.done $0x0  }
0xa5: {  	s25 =	simm.s32 $0x1B8E;
	s24 =	sld [smem:$0x3FFE];
	[sflag:s23] =	ssyncadd.s32 $0xFFFFFFFF  }
0xa6: {  	s26 =	simm.s32 $execute0_lowered;
	[smem:$0x3FD2] =	sst s25  }
0xa7: {  	s6 =	sshll.u32 s26, $0x1;
	_ =	strace $0x80000046;
	[dreg:$0x1] =	wrdreg $0xFFFFFFFF  }
0xa8: {  	s28 =	simm.s32 $_size_execute0_lowered;
	s4 =	sadd.s32 s4, s6;
	[dreg:$0x0] =	wrdreg $0x0  }
0xa9: {  	s6 =	sshll.u32 s28, $0x1;
	[dreg:$0x2] =	wrdreg s4  }
0xaa: {  	[dreg:$0x3] =	wrdreg s6  }
0xab: {  	[dreg:$0x4] =	wrdreg $0xC0  }
0xac: {  	_ =	task [dreg:s8], $0x5FFFF  }
0xad: {  	[dreg:$0x1] =	wrdreg $0xFFFFFFFF  }
0xae: {  	[dreg:$0x0] =	wrdreg $0x60  }
0xaf: {  	[dreg:$0x2] =	wrdreg s2  }
0xb0: {  	[dreg:$0x3] =	wrdreg s24  }
0xb1: {  	[dreg:$0x4] =	wrdreg s18  }
0xb2: {  	[dreg:$0x5] =	wrdreg $0xA800  }
0xb3: {  	[dreg:$0x6] =	wrdreg $0x9  }
0xb4: {  	_ =	task.clear_ibuf [dreg:s8], $0x7FFFF;
	_ =	strace $0x90000046  }
0xb5: {  	s29 =	simm.s32 $0x9;
	_ =	strace $0x80000048  }
0xb6: {  	_ =	swait.ge [sflag:s29], $0x1  }
0xb7: {  	[sflag:s29] =	ssyncadd.s32 $0xFFFFFFFF  }
0xb8: {  	_ =	strace $0x90000048  }
0xb9: {  	_ =	sfence  }
0xba: {  	s30 =	sld [smem:$0x0];
	_ =	sdelay $0x2  }
0xbb: {  	s31 =	sshll.u32 s1, $0xD;
	s1 =	sshrl.u32 s1, $0x2  }
0xbc: {  	s3 =	sand.u32 $0x4000, s31;
	s1 =	sadd.s32 s1, s30  }
0xbd: {  	s0 =	sor.u32 s3, s0;
	s1 =	sshll.u32 s1, $0x11  }
0xbe: {  	s0 =	sor.u32 s1, s0  }
0xbf: {  	s0 =	sadd.s32 $0x8F2B, s0  }
0xc0: {  	[sflag:s0] =	ssyncadd.remote.s32 $0x1  }
0xc1: {  	_ =	sfence.sel $0xFFFF  }
0xc2: {  	[dreg:$0x0] =	wrdreg $0xFFFFFFFF;
	(pc) =	sbr.abs _section_cstart, $3  }
0xc3: {  	[dreg:$0x1] =	wrdreg $0xFFFFFFFF  }
0xc4: {  	_ =	task.clear_ibuf [dreg:s8], $0x2FFFF;
	_ =	strace $0x9FFFFFFF  }
0xc5: {  	(tm) =	ssettm $0x7FFFFFFF  }
tec
execute0_lowered:
.L_overlay_start_1:
0x0: {  	(tag) =	ssettag $0x1  }
0x1: {  	s0 =	rddreg [dreg:$0x0]  }
0x2: {  	s1 =	rddreg [dreg:$0x1]  }
0x3: {  	s8 =	rddreg [dreg:$0x2]  }
0x4: {  	s2 =	rddreg [dreg:$0x3]  }
0x5: {  	s4 =	srdreg.scid;
	s3 =	simm.s32 $0x0;
	s14 =	stileid.u32  }
0x6: {  	s28 =	simm.s32 $0x1;
	s29 =	simm.s32 $0x2;
	s4 =	sand.u32 $0x1, s4  }
0x7: {  	[smem:$0x7FF] =	sst s3;
	s5 =	sadd.s32 $0x1A00, s1;
	s15 =	sadd.s32 $0x1C00, s1  }
0x8: {  	s16 =	sor.u32 $0x10, s14;
	s20 =	sor.u32 $0x20, s14;
	s9 =	sor.u32 $0x40, s14  }
0x9: {  	s25 =	sor.u32 $0x50, s14;
	s11 =	sor.u32 $0x60, s14;
	s12 =	smul.u32 $0xA0, s14  }
0xa: {  	s6 =	ssub.s32 $0x2, s4;
	_ =	strace $0x80000047;
	p0 =	seq.s32 s4, $0x1  }
0xb: {  	s18 =	sshll.u32 s16, $0xA;
	s21 =	sshll.u32 s20, $0xA;
	s10 =	sshll.u32 s9, $0xA  }
0xc: {  	s26 =	sshll.u32 s25, $0xA;
	s30 =	sshll.u32 s11, $0xA;
	[dreg:$0x6] =	wrdreg s16  }
0xd: {  	[dreg:$0x5] =	wrdreg s15;
	s7 =	sshrl.u32 s6, $0x1;
	s19 =	sadd.s32 s18, s2  }
0xe: {  	s24 =	sadd.s32 s10, s2;
	s10 =	sadd.s32 s26, s2;
	[dreg:$0x9] =	wrdreg s19  }
0xf: {  	s18 =	sadd.s32 s12, s0;
	s12 =	sshll.u32 s16, $0x7;
	[dreg:$0xc] =	wrdreg s24  }
0x10: {  	s16 =	sshll.u32 s11, $0x7;
	s13 =	ssub.s32 s6, s7;
	[dreg:$0xd] =	wrdreg s10  }
0x11: {  	s7 =	sshll.u32 s4, $0x7;
	s4 =	sadd.s32 s21, s2;
	[dreg:$0x10] =	wrdreg s16  }
0x12: {  	s17 =	sshll.u32 s14, $0xA;
	s10 =	sadd.s32 s30, s2;
	[dreg:$0xa] =	wrdreg s4  }
0x13: {  	s22 =	sor.u32 $0x30, s14;
	s19 =	sadd.s32 s8, s12;
	[dreg:$0xe] =	wrdreg s10  }
0x14: {  	s9 =	sshll.u32 s9, $0x7;
	s0 =	sadd.s32 s15, s12;
	[dreg:$0x12] =	wrdreg s19  }
0x15: {  	s23 =	sshll.u32 s22, $0xA;
	s24 =	sadd.s32 s8, s9;
	[dreg:$0x13] =	wrdreg s0  }
0x16: {  	p1 =	sgt.u32 s11, $0x61;
	s1 =	smax.u32 s13, $0x1;
	[dreg:$0x18] =	wrdreg s24  }
0x17: {  	s6 =	sshll.u32 s22, $0x7;
	s4 =	sadd.s32 s23, s2;
	[dreg:$0x7] =	wrdreg s1  }
0x18: {  	p2 =	slt.u32 s11, $0x62;
	s22 =	sadd.s32 s8, s6;
	[dreg:$0xb] =	wrdreg s4  }
0x19: {  	s13 =	sshll.u32 s14, $0x7;
	s23 =	sadd.s32 s15, s6;
	[dreg:$0x16] =	wrdreg s22  }
0x1a: {  	s0 =	sor.u32 $0x100, s7;
	s1 =	sadd.s32 s17, s2;
	[dreg:$0x17] =	wrdreg s23  }
0x1b: {  	s19 =	sor.u32 $0x500, s7;
	s31 =	sadd.s32 s8, s13;
	[dreg:$0x8] =	wrdreg s1  }
0x1c: {  	s24 =	sor.u32 $0x900, s7;
	s17 =	sadd.s32 s15, s13;
	[dreg:$0xf] =	wrdreg s31  }
0x1d: {  	s4 =	sshll.u32 s25, $0x7;
	s25 =	sadd.s32 s15, s9;
	[dreg:$0x11] =	wrdreg s17  }
0x1e: {  	s23 =	sor.u32 $0x800, s7;
	s1 =	sshll.u32 s20, $0x7;
	[dreg:$0x19] =	wrdreg s25  }
0x1f: {  	s26 =	sadd.s32 s8, s4;
	s30 =	sadd.s32 s15, s4;
	s4 =	sor.u32 $0x200, s7  }
.Ltmp0:
0x20: {  	s17 =	sor.u32 $0x400, s7;
	[dreg:$0x1a] =	wrdreg s26;
	(pc) =	sbr.rel .LBB2_1-.Ltmp0, $4  }
0x21: {  	s31 =	sshll.u32 s14, $0x6;
	s20 =	sadd.s32 s8, s1;
	[dreg:$0x1b] =	wrdreg s30  }
0x22: {  	s21 =	sadd.s32 s15, s1;
	s1 =	sor.u32 $0x300, s7;
	[dreg:$0x1c] =	wrdreg s31  }
0x23: {  	s25 =	sor.u32 $0x1C03, s31;
	s26 =	simm.s32 $0x3;
	[dreg:$0x14] =	wrdreg s20  }
0x24: {  	v0 =	vimm.f32 $1.000000000e+00;
	[dreg:$0x15] =	wrdreg s21;
	s20 =	sor.u32 $0x600, s7;
	s21 =	sor.u32 $0x700, s7  }
.LBB2_6:
0x25: {  	s8 =	rddreg [dreg:$0x1c]  }
0x26: {  	s9 =	rddreg [dreg:$0x10]  }
0x27: {  	s31 =	rddreg [dreg:$0xe];
	s8 =	sadd.s32 s11, s8  }
0x28: {  	s6 =	sadd.s32 s6, s9;
	s9 =	sshrl.u32 s31, $0x3;
	s8 =	sadd.s32 $0x1C00, s8  }
0x29: {  	[hbm:s6], [sflag:s8] =	dma.local [spmem:s9], $0x80  }
0x2a: {  	_ =	swait.ge [sflag:s11], $0x80  }
0x2b: {  	[sflag:s11] =	ssyncset.done $0x0  }
0x2c: {  	[sflag:s11] =	ssyncadd.s32 $0xFFFFFF80  }
.LBB2_7:
0x2d: {  	s3 =	sadd.s32 $0x1, s3;
	s6 =	rddreg [dreg:$0x7]  }
0x2e: {  	p3 =	sne.s32 s3, s6  }
.Ltmp1:
0x2f: {  	_ = 	snop;
	(pc) =	sbr.rel @!p3 .LBB2_8-.Ltmp1, $1  }
0x30: {  	_ =	sdelay $0x3  }
.LBB2_1:
0x31: {  	s6 =	rddreg [dreg:$0x8]  }
0x32: {  	s11 =	sshrl.u32 s6, $0x3  }
0x33: {  	[spmem:s11], [sflag:s25] =	dma.local [hbm:s5], $0x80  }
0x34: {  	_ =	swait.ge [sflag:s26], $0x80  }
0x35: {  	[sflag:s26] =	ssyncset.done $0x0;
	s13 =	rddreg [dreg:$0x9]  }
0x36: {  	[sflag:s26] =	ssyncadd.s32 $0xFFFFFF80;
	s10 =	sshrl.u32 s13, $0x3  }
0x37: {  	[spmem:s10], [sflag:s25] =	dma.local [hbm:s5], $0x80  }
0x38: {  	_ =	swait.ge [sflag:s26], $0x80  }
0x39: {  	[sflag:s26] =	ssyncset.done $0x0;
	s14 =	rddreg [dreg:$0xa]  }
0x3a: {  	[sflag:s26] =	ssyncadd.s32 $0xFFFFFF80;
	s9 =	sshrl.u32 s14, $0x3  }
0x3b: {  	[spmem:s9], [sflag:s25] =	dma.local [hbm:s5], $0x80  }
0x3c: {  	_ =	swait.ge [sflag:s26], $0x80  }
0x3d: {  	[sflag:s26] =	ssyncset.done $0x0;
	s15 =	rddreg [dreg:$0xb]  }
0x3e: {  	[sflag:s26] =	ssyncadd.s32 $0xFFFFFF80;
	s6 =	sshrl.u32 s15, $0x3  }
0x3f: {  	[spmem:s6], [sflag:s25] =	dma.local [hbm:s5], $0x80  }
0x40: {  	_ =	swait.ge [sflag:s26], $0x80  }
0x41: {  	[sflag:s26] =	ssyncset.done $0x0;
	s8 =	rddreg [dreg:$0xc]  }
0x42: {  	[sflag:s26] =	ssyncadd.s32 $0xFFFFFF80;
	s31 =	sshrl.u32 s8, $0x3  }
0x43: {  	[spmem:s31], [sflag:s25] =	dma.local [hbm:s5], $0x80  }
0x44: {  	_ =	swait.ge [sflag:s26], $0x80  }
0x45: {  	s16 =	rddreg [dreg:$0xd]  }
0x46: {  	[sflag:s26] =	ssyncset.done $0x0;
	s8 =	sshrl.u32 s16, $0x3  }
0x47: {  	[sflag:s26] =	ssyncadd.s32 $0xFFFFFF80;
	[dreg:$0x1d] =	wrdreg s8  }
0x48: {  	[spmem:s8], [sflag:s25] =	dma.local [hbm:s5], $0x80  }
0x49: {  	_ =	swait.ge [sflag:s26], $0x80  }
0x4a: {  	[sflag:s26] =	ssyncset.done $0x0;
	s8 =	rddreg [dreg:$0xe]  }
0x4b: {  	[sflag:s26] =	ssyncadd.s32 $0xFFFFFF80;
	s12 =	sshrl.u32 @!p1 s8, $0x3  }
0x4c: {  	[spmem:s12], [sflag:s25] =	dma.local @!p1 [hbm:s5], $0x80  }
0x4d: {  	s12 =	simm.s32 @!p1 $0x3  }
0x4e: {  	_ =	swait.ge @!p1 [sflag:s12], $0x80  }
0x4f: {  	[sflag:s12] =	ssyncset.done @!p1 $0x0  }
0x50: {  	[sflag:s12] =	ssyncadd.s32 @!p1 $0xFFFFFF80  }
0x51: {  	[tilespmem:$0xA00] =	vst v0  }
0x52: {  	[tilespmem:$0xA10] =	vst v0  }
0x53: {  	[tilespmem:$0xA20] =	vst v0  }
0x54: {  	s22 =	rddreg [dreg:$0x6];
	[tilespmem:$0xA30] =	vst v0  }
0x55: {  	s30 =	sadd.s32 $0xFFFFFFF0, s22;
	[tilespmem:$0xA40] =	vst v0  }
0x56: {  	[tilespmem:$0xA50] =	vst v0;
	p4 =	sgt.u32 s30, $0x9C3  }
0x57: {  	[tilespmem:$0xA60] =	vst v0;
	p3 =	por @!p4 $0x1, $0x1  }
0x58: {  	[tilespmem:$0xA70] =	vst v0;
	p3 =	por p3, p4  }
0x59: {  	[bflag:$0x0] =	sbarrier.arrive $0xFFFF;
	s12 =	simm.s32 @!p3 $0x1  }
0x5a: {  	_ =	swait.ge @!p3 [sflag:s12], $0x80  }
0x5b: {  	[sflag:s12] =	ssyncset.done @!p3 $0x0  }
0x5c: {  	[sflag:s12] =	ssyncadd.s32 @!p3 $0xFFFFFF80  }
0x5d: {  	_ =	swait.ge @!p3 [sflag:s12], $0x80  }
0x5e: {  	[sflag:s12] =	ssyncset.done @!p3 $0x0  }
0x5f: {  	[sflag:s12] =	ssyncadd.s32 @!p3 $0xFFFFFF80  }
0x60: {  	_ =	swait.ge @!p3 [sflag:s12], $0x80  }
0x61: {  	[sflag:s12] =	ssyncset.done @!p3 $0x0  }
0x62: {  	[sflag:s12] =	ssyncadd.s32 @!p3 $0xFFFFFF80  }
0x63: {  	_ =	swait.ge @!p3 [sflag:s12], $0x80  }
0x64: {  	[sflag:s12] =	ssyncset.done @!p3 $0x0  }
0x65: {  	[sflag:s12] =	ssyncadd.s32 @!p3 $0xFFFFFF80  }
0x66: {  	_ =	swait.ge @!p3 [sflag:s12], $0x80  }
0x67: {  	s13 =	simm.s32 @!p4 $0x3;
	[sflag:s12] =	ssyncset.done @!p3 $0x0  }
0x68: {  	s14 =	sadd.s32 @!p4 $0x0, s18;
	s15 =	simm.s32 @!p4 $0x0;
	[sflag:s12] =	ssyncadd.s32 @!p3 $0xFFFFFF80  }
0x69: {  	[tilespmem:s15], [sflag:$0x3] =	stream.linear.gather @!p4 [hbm4b:s14+s15], $0x500, $0x38;
	[tilespmem:$0x2300] =	vst v63  }
0x6a: {  	_ =	swait.ge @!p4 [sflag:s13], $0x500  }
0x6b: {  	[sflag:s13] =	ssyncset.done @!p4 $0x0  }
0x6c: {  	s12 =	simm.s32 @!p4 $0x80;
	[sflag:s13] =	ssyncadd.s32 @!p4 $0xFFFFFB00;
	s13 =	simm.s32 @!p4 $0xA00  }
0x6d: {  	[spmem:s2] =	stream.indirect.scatter.add.f32 @!p4 [tilespmem:s13], [sflag:$0x1], $0x1, s7, s12, $0xb8;
	[tilespmem:$0x2300] =	vst v63  }
0x6e: {  	p3 =	sgt.u32 s22, $0x9C3  }
0x6f: {  	[spmem:s2] =	stream.indirect.scatter.add.f32 @!p4 [tilespmem:s13], [sflag:$0x1], $0x1, s0, s12, $0xb8;
	[tilespmem:$0x2300] =	vst v63  }
0x70: {  	p5 =	por @!p3 $0x1, $0x1  }
0x71: {  	[spmem:s2] =	stream.indirect.scatter.add.f32 @!p4 [tilespmem:s13], [sflag:$0x1], $0x1, s4, s12, $0xb8;
	[tilespmem:$0x2300] =	vst v63  }
0x72: {  	p5 =	por p5, p3  }
0x73: {  	[spmem:s2] =	stream.indirect.scatter.add.f32 @!p4 [tilespmem:s13], [sflag:$0x1], $0x1, s1, s12, $0xb8;
	[tilespmem:$0x2300] =	vst v63  }
0x74: {  	s14 =	simm.s32 @!p5 $0x2  }
0x75: {  	[spmem:s2] =	stream.indirect.scatter.add.f32 @!p4 [tilespmem:s13], [sflag:$0x1], $0x1, s17, s12, $0xb8;
	[tilespmem:$0x2300] =	vst v63  }
0x76: {  	_ =	swait.ge @!p5 [sflag:s14], $0x80  }
0x77: {  	[sflag:s14] =	ssyncset.done @!p5 $0x0  }
0x78: {  	[sflag:s14] =	ssyncadd.s32 @!p5 $0xFFFFFF80  }
0x79: {  	_ =	swait.ge @!p5 [sflag:s14], $0x80  }
0x7a: {  	[sflag:s14] =	ssyncset.done @!p5 $0x0  }
0x7b: {  	[sflag:s14] =	ssyncadd.s32 @!p5 $0xFFFFFF80  }
0x7c: {  	_ =	swait.ge @!p5 [sflag:s14], $0x80  }
0x7d: {  	[sflag:s14] =	ssyncset.done @!p5 $0x0  }
0x7e: {  	[sflag:s14] =	ssyncadd.s32 @!p5 $0xFFFFFF80  }
0x7f: {  	_ =	swait.ge @!p5 [sflag:s14], $0x80  }
0x80: {  	[sflag:s14] =	ssyncset.done @!p5 $0x0  }
0x81: {  	[sflag:s14] =	ssyncadd.s32 @!p5 $0xFFFFFF80  }
0x82: {  	s15 =	simm.s32 @!p3 $0x500;
	_ =	swait.ge @!p5 [sflag:s14], $0x80  }
0x83: {  	s16 =	simm.s32 @!p3 $0x3;
	s12 =	sadd.s32 @!p3 $0x0, s18;
	[sflag:s14] =	ssyncset.done @!p5 $0x0  }
0x84: {  	s13 =	simm.s32 @!p3 $0x0;
	s12 =	sadd.s32 @!p3 $0xA00, s12;
	[sflag:s14] =	ssyncadd.s32 @!p5 $0xFFFFFF80  }
0x85: {  	[tilespmem:s15], [sflag:$0x3] =	stream.linear.gather @!p3 [hbm4b:s12+s13], $0x500, $0x38;
	[tilespmem:$0x2300] =	vst v63  }
0x86: {  	s14 =	simm.s32 $0x2800;
	_ =	swait.ge @!p3 [sflag:s16], $0x500  }
0x87: {  	s12 =	simm.s32 $0x1400;
	s13 =	sadd.s32 $0x20, s22;
	[sflag:s16] =	ssyncset.done @!p3 $0x0  }
0x88: {  	s22 =	simm.s32 @!p3 $0x80;
	[sflag:s16] =	ssyncadd.s32 @!p3 $0xFFFFFB00;
	s16 =	simm.s32 @!p3 $0xA00  }
.LBB2_2:
0x89: {  	[spmem:s2] =	stream.indirect.scatter.add.f32 @!p3 [tilespmem:s16], [sflag:$0x2], $0x1, s19, s22, $0xb8;
	[tilespmem:$0x2300] =	vst v63  }
0x8a: {  	s8 =	sadd.s32 $0xFFFFFFF0, s13;
	s15 =	smov.u32 s14;
	s14 =	sadd.s32 $0x1400, s14  }
0x8b: {  	[spmem:s2] =	stream.indirect.scatter.add.f32 @!p3 [tilespmem:s16], [sflag:$0x2], $0x1, s20, s22, $0xb8;
	[tilespmem:$0x2300] =	vst v63  }
0x8c: {  	p4 =	sne.s32 s14, $0x62C00;
	p5 =	sgt.u32 s8, $0x9C3  }
0x8d: {  	[spmem:s2] =	stream.indirect.scatter.add.f32 @!p3 [tilespmem:s16], [sflag:$0x2], $0x1, s21, s22, $0xb8;
	[tilespmem:$0x2300] =	vst v63  }
0x8e: {  	p6 =	seq.s32 @!p5 s12, $0x0  }
0x8f: {  	[spmem:s2] =	stream.indirect.scatter.add.f32 @!p3 [tilespmem:s16], [sflag:$0x2], $0x1, s23, s22, $0xb8;
	[tilespmem:$0x2300] =	vst v63  }
0x90: {  	p6 =	por p6, p5  }
0x91: {  	s8 =	simm.s32 @!p6 $0x1  }
0x92: {  	[spmem:s2] =	stream.indirect.scatter.add.f32 @!p3 [tilespmem:s16], [sflag:$0x2], $0x1, s24, s22, $0xb8;
	[tilespmem:$0x2300] =	vst v63  }
0x93: {  	_ =	swait.ge @!p6 [sflag:s8], $0x80  }
0x94: {  	[sflag:s8] =	ssyncset.done @!p6 $0x0  }
0x95: {  	[sflag:s8] =	ssyncadd.s32 @!p6 $0xFFFFFF80  }
0x96: {  	_ =	swait.ge @!p6 [sflag:s8], $0x80  }
0x97: {  	[sflag:s8] =	ssyncset.done @!p6 $0x0  }
0x98: {  	[sflag:s8] =	ssyncadd.s32 @!p6 $0xFFFFFF80  }
0x99: {  	_ =	swait.ge @!p6 [sflag:s8], $0x80  }
0x9a: {  	[sflag:s8] =	ssyncset.done @!p6 $0x0  }
0x9b: {  	s16 =	simm.s32 @!p5 $0x3;
	[sflag:s8] =	ssyncadd.s32 @!p6 $0xFFFFFF80  }
0x9c: {  	s30 =	simm.s32 @!p5 $0x0;
	s22 =	sadd.s32 @!p5 s12, s18;
	_ =	swait.ge @!p6 [sflag:s8], $0x80  }
0x9d: {  	[sflag:s8] =	ssyncset.done @!p6 $0x0  }
0x9e: {  	[sflag:s8] =	ssyncadd.s32 @!p6 $0xFFFFFF80  }
0x9f: {  	_ =	swait.ge @!p6 [sflag:s8], $0x80  }
0xa0: {  	[sflag:s8] =	ssyncset.done @!p6 $0x0  }
0xa1: {  	[sflag:s8] =	ssyncadd.s32 @!p6 $0xFFFFFF80  }
0xa2: {  	[tilespmem:s30], [sflag:$0x3] =	stream.linear.gather @!p5 [hbm4b:s22+s30], $0x500, $0x38;
	[tilespmem:$0x2300] =	vst v63  }
0xa3: {  	_ =	swait.ge @!p5 [sflag:s16], $0x500  }
0xa4: {  	[sflag:s16] =	ssyncset.done @!p5 $0x0  }
0xa5: {  	s8 =	simm.s32 @!p5 $0x80;
	[sflag:s16] =	ssyncadd.s32 @!p5 $0xFFFFFB00;
	s16 =	simm.s32 @!p5 $0xA00  }
0xa6: {  	[spmem:s2] =	stream.indirect.scatter.add.f32 @!p5 [tilespmem:s16], [sflag:$0x1], $0x1, s7, s8, $0xb8;
	[tilespmem:$0x2300] =	vst v63  }
0xa7: {  	p3 =	sgt.u32 s13, $0x9C3  }
0xa8: {  	[spmem:s2] =	stream.indirect.scatter.add.f32 @!p5 [tilespmem:s16], [sflag:$0x1], $0x1, s0, s8, $0xb8;
	[tilespmem:$0x2300] =	vst v63  }
0xa9: {  	p6 =	seq.s32 @!p3 s12, $0x0;
	s22 =	sadd.s32 @!p3 s12, s18;
	s12 =	smov.u32 s15  }
0xaa: {  	[spmem:s2] =	stream.indirect.scatter.add.f32 @!p5 [tilespmem:s16], [sflag:$0x1], $0x1, s4, s8, $0xb8;
	[tilespmem:$0x2300] =	vst v63  }
0xab: {  	p6 =	por p6, p3;
	s15 =	sadd.s32 @!p3 $0xA00, s22  }
0xac: {  	[spmem:s2] =	stream.indirect.scatter.add.f32 @!p5 [tilespmem:s16], [sflag:$0x1], $0x1, s1, s8, $0xb8;
	[tilespmem:$0x2300] =	vst v63  }
0xad: {  	s22 =	simm.s32 @!p6 $0x2  }
0xae: {  	[spmem:s2] =	stream.indirect.scatter.add.f32 @!p5 [tilespmem:s16], [sflag:$0x1], $0x1, s17, s8, $0xb8;
	[tilespmem:$0x2300] =	vst v63  }
0xaf: {  	_ =	swait.ge @!p6 [sflag:s22], $0x80  }
0xb0: {  	[sflag:s22] =	ssyncset.done @!p6 $0x0  }
0xb1: {  	[sflag:s22] =	ssyncadd.s32 @!p6 $0xFFFFFF80  }
0xb2: {  	_ =	swait.ge @!p6 [sflag:s22], $0x80  }
0xb3: {  	[sflag:s22] =	ssyncset.done @!p6 $0x0  }
0xb4: {  	[sflag:s22] =	ssyncadd.s32 @!p6 $0xFFFFFF80  }
0xb5: {  	_ =	swait.ge @!p6 [sflag:s22], $0x80  }
0xb6: {  	[sflag:s22] =	ssyncset.done @!p6 $0x0  }
0xb7: {  	[sflag:s22] =	ssyncadd.s32 @!p6 $0xFFFFFF80  }
0xb8: {  	_ =	swait.ge @!p6 [sflag:s22], $0x80  }
0xb9: {  	[sflag:s22] =	ssyncset.done @!p6 $0x0  }
0xba: {  	s8 =	simm.s32 @!p3 $0x0;
	s16 =	simm.s32 @!p3 $0x500;
	[sflag:s22] =	ssyncadd.s32 @!p6 $0xFFFFFF80  }
0xbb: {  	s30 =	simm.s32 @!p3 $0x3;
	_ =	swait.ge @!p6 [sflag:s22], $0x80  }
0xbc: {  	[sflag:s22] =	ssyncset.done @!p6 $0x0  }
.Ltmp2:
0xbd: {  	s13 =	sadd.s32 $0x20, s13;
	[sflag:s22] =	ssyncadd.s32 @!p6 $0xFFFFFF80;
	(pc) =	sbr.rel @p4 .LBB2_2-.Ltmp2, $4  }
0xbe: {  	[tilespmem:s16], [sflag:$0x3] =	stream.linear.gather @!p3 [hbm4b:s15+s8], $0x500, $0x38;
	[tilespmem:$0x2300] =	vst v63  }
0xbf: {  	_ =	swait.ge @!p3 [sflag:s30], $0x500  }
0xc0: {  	[sflag:s30] =	ssyncset.done @!p3 $0x0  }
0xc1: {  	s22 =	simm.s32 @!p3 $0x80;
	s16 =	simm.s32 @!p3 $0xA00;
	[sflag:s30] =	ssyncadd.s32 @!p3 $0xFFFFFB00  }
0xc2: {  	[spmem:s2] =	stream.indirect.scatter.add.f32 @!p3 [tilespmem:s16], [sflag:$0x2], $0x1, s19, s22, $0xb8;
	[tilespmem:$0x2300] =	vst v63  }
0xc3: {  	s8 =	sadd.s32 $0xFFFFFFF0, s13  }
0xc4: {  	p4 =	sgt.u32 s8, $0x9C3  }
0xc5: {  	[spmem:s2] =	stream.indirect.scatter.add.f32 @!p3 [tilespmem:s16], [sflag:$0x2], $0x1, s20, s22, $0xb8;
	[tilespmem:$0x2300] =	vst v63  }
0xc6: {  	p5 =	seq.s32 @!p4 s12, $0x0  }
0xc7: {  	[spmem:s2] =	stream.indirect.scatter.add.f32 @!p3 [tilespmem:s16], [sflag:$0x2], $0x1, s21, s22, $0xb8;
	[tilespmem:$0x2300] =	vst v63  }
0xc8: {  	p5 =	por p5, p4  }
0xc9: {  	[spmem:s2] =	stream.indirect.scatter.add.f32 @!p3 [tilespmem:s16], [sflag:$0x2], $0x1, s23, s22, $0xb8;
	[tilespmem:$0x2300] =	vst v63  }
0xca: {  	s8 =	simm.s32 @!p5 $0x1  }
0xcb: {  	[spmem:s2] =	stream.indirect.scatter.add.f32 @!p3 [tilespmem:s16], [sflag:$0x2], $0x1, s24, s22, $0xb8;
	[tilespmem:$0x2300] =	vst v63  }
0xcc: {  	_ =	swait.ge @!p5 [sflag:s8], $0x80  }
0xcd: {  	[sflag:s8] =	ssyncset.done @!p5 $0x0  }
0xce: {  	[sflag:s8] =	ssyncadd.s32 @!p5 $0xFFFFFF80  }
0xcf: {  	_ =	swait.ge @!p5 [sflag:s8], $0x80  }
0xd0: {  	[sflag:s8] =	ssyncset.done @!p5 $0x0  }
0xd1: {  	[sflag:s8] =	ssyncadd.s32 @!p5 $0xFFFFFF80  }
0xd2: {  	_ =	swait.ge @!p5 [sflag:s8], $0x80  }
0xd3: {  	[sflag:s8] =	ssyncset.done @!p5 $0x0  }
0xd4: {  	[sflag:s8] =	ssyncadd.s32 @!p5 $0xFFFFFF80  }
0xd5: {  	_ =	swait.ge @!p5 [sflag:s8], $0x80  }
0xd6: {  	[sflag:s8] =	ssyncset.done @!p5 $0x0  }
0xd7: {  	[sflag:s8] =	ssyncadd.s32 @!p5 $0xFFFFFF80  }
0xd8: {  	_ =	swait.ge @!p5 [sflag:s8], $0x80  }
0xd9: {  	s14 =	simm.s32 @!p4 $0x3;
	[sflag:s8] =	ssyncset.done @!p5 $0x0  }
0xda: {  	s15 =	sadd.s32 @!p4 s12, s18;
	s16 =	simm.s32 @!p4 $0x0;
	[sflag:s8] =	ssyncadd.s32 @!p5 $0xFFFFFF80  }
0xdb: {  	[tilespmem:s16], [sflag:$0x3] =	stream.linear.gather @!p4 [hbm4b:s15+s16], $0x500, $0x38;
	[tilespmem:$0x2300] =	vst v63  }
0xdc: {  	_ =	swait.ge @!p4 [sflag:s14], $0x500  }
0xdd: {  	[sflag:s14] =	ssyncset.done @!p4 $0x0  }
0xde: {  	s8 =	simm.s32 @!p4 $0x80;
	[sflag:s14] =	ssyncadd.s32 @!p4 $0xFFFFFB00;
	s14 =	simm.s32 @!p4 $0xA00  }
0xdf: {  	[spmem:s2] =	stream.indirect.scatter.add.f32 @!p4 [tilespmem:s14], [sflag:$0x1], $0x1, s7, s8, $0xb8;
	[tilespmem:$0x2300] =	vst v63  }
0xe0: {  	p3 =	sgt.u32 s13, $0x9C3  }
0xe1: {  	[spmem:s2] =	stream.indirect.scatter.add.f32 @!p4 [tilespmem:s14], [sflag:$0x1], $0x1, s0, s8, $0xb8;
	[tilespmem:$0x2300] =	vst v63  }
0xe2: {  	p5 =	seq.s32 @!p3 s12, $0x0  }
0xe3: {  	[spmem:s2] =	stream.indirect.scatter.add.f32 @!p4 [tilespmem:s14], [sflag:$0x1], $0x1, s4, s8, $0xb8;
	[tilespmem:$0x2300] =	vst v63  }
0xe4: {  	p5 =	por p5, p3  }
0xe5: {  	[spmem:s2] =	stream.indirect.scatter.add.f32 @!p4 [tilespmem:s14], [sflag:$0x1], $0x1, s1, s8, $0xb8;
	[tilespmem:$0x2300] =	vst v63  }
0xe6: {  	s13 =	simm.s32 @!p5 $0x2  }
0xe7: {  	[spmem:s2] =	stream.indirect.scatter.add.f32 @!p4 [tilespmem:s14], [sflag:$0x1], $0x1, s17, s8, $0xb8;
	[tilespmem:$0x2300] =	vst v63  }
0xe8: {  	_ =	swait.ge @!p5 [sflag:s13], $0x80  }
0xe9: {  	[sflag:s13] =	ssyncset.done @!p5 $0x0  }
0xea: {  	[sflag:s13] =	ssyncadd.s32 @!p5 $0xFFFFFF80  }
0xeb: {  	_ =	swait.ge @!p5 [sflag:s13], $0x80  }
0xec: {  	[sflag:s13] =	ssyncset.done @!p5 $0x0  }
0xed: {  	[sflag:s13] =	ssyncadd.s32 @!p5 $0xFFFFFF80  }
0xee: {  	_ =	swait.ge @!p5 [sflag:s13], $0x80  }
0xef: {  	[sflag:s13] =	ssyncset.done @!p5 $0x0  }
0xf0: {  	[sflag:s13] =	ssyncadd.s32 @!p5 $0xFFFFFF80  }
0xf1: {  	_ =	swait.ge @!p5 [sflag:s13], $0x80  }
0xf2: {  	[sflag:s13] =	ssyncset.done @!p5 $0x0  }
0xf3: {  	[sflag:s13] =	ssyncadd.s32 @!p5 $0xFFFFFF80  }
0xf4: {  	s15 =	simm.s32 @!p3 $0x3;
	_ =	swait.ge @!p5 [sflag:s13], $0x80  }
0xf5: {  	s8 =	sadd.s32 @!p3 s12, s18;
	s12 =	simm.s32 @!p3 $0x0;
	[sflag:s13] =	ssyncset.done @!p5 $0x0  }
0xf6: {  	s14 =	simm.s32 @!p3 $0x500;
	s8 =	sadd.s32 @!p3 $0xA00, s8;
	[sflag:s13] =	ssyncadd.s32 @!p5 $0xFFFFFF80  }
0xf7: {  	[tilespmem:s14], [sflag:$0x3] =	stream.linear.gather @!p3 [hbm4b:s8+s12], $0x500, $0x38;
	[tilespmem:$0x2300] =	vst v63  }
0xf8: {  	_ =	swait.ge @!p3 [sflag:s15], $0x500  }
0xf9: {  	[sflag:s15] =	ssyncset.done @!p3 $0x0  }
0xfa: {  	s8 =	simm.s32 @!p3 $0x80;
	s12 =	simm.s32 @!p3 $0xA00;
	[sflag:s15] =	ssyncadd.s32 @!p3 $0xFFFFFB00  }
0xfb: {  	[spmem:s2] =	stream.indirect.scatter.add.f32 @!p3 [tilespmem:s12], [sflag:$0x2], $0x1, s19, s8, $0xb8;
	[tilespmem:$0x2300] =	vst v63  }
0xfc: {  	_ = 	snop  }
0xfd: {  	[spmem:s2] =	stream.indirect.scatter.add.f32 @!p3 [tilespmem:s12], [sflag:$0x2], $0x1, s20, s8, $0xb8;
	[tilespmem:$0x2300] =	vst v63  }
0xfe: {  	_ = 	snop  }
0xff: {  	[spmem:s2] =	stream.indirect.scatter.add.f32 @!p3 [tilespmem:s12], [sflag:$0x2], $0x1, s21, s8, $0xb8;
	[tilespmem:$0x2300] =	vst v63  }
0x100: {  	_ = 	snop  }
0x101: {  	[spmem:s2] =	stream.indirect.scatter.add.f32 @!p3 [tilespmem:s12], [sflag:$0x2], $0x1, s23, s8, $0xb8;
	[tilespmem:$0x2300] =	vst v63  }
0x102: {  	_ = 	snop  }
0x103: {  	[spmem:s2] =	stream.indirect.scatter.add.f32 @!p3 [tilespmem:s12], [sflag:$0x2], $0x1, s24, s8, $0xb8;
	[tilespmem:$0x2300] =	vst v63  }
0x104: {  	_ =	swait.ge [sflag:s28], $0x80  }
0x105: {  	[sflag:s28] =	ssyncset.done $0x0  }
0x106: {  	[sflag:s28] =	ssyncadd.s32 $0xFFFFFF80  }
0x107: {  	_ =	swait.ge [sflag:s28], $0x80  }
0x108: {  	[sflag:s28] =	ssyncset.done $0x0  }
0x109: {  	[sflag:s28] =	ssyncadd.s32 $0xFFFFFF80  }
0x10a: {  	_ =	swait.ge [sflag:s28], $0x80  }
0x10b: {  	[sflag:s28] =	ssyncset.done $0x0  }
0x10c: {  	[sflag:s28] =	ssyncadd.s32 $0xFFFFFF80  }
0x10d: {  	_ =	swait.ge [sflag:s28], $0x80  }
0x10e: {  	[sflag:s28] =	ssyncset.done $0x0  }
0x10f: {  	[sflag:s28] =	ssyncadd.s32 $0xFFFFFF80  }
0x110: {  	_ =	swait.ge [sflag:s28], $0x80  }
0x111: {  	[sflag:s28] =	ssyncset.done $0x0  }
0x112: {  	[sflag:s28] =	ssyncadd.s32 $0xFFFFFF80  }
0x113: {  	_ =	swait.ge [sflag:s29], $0x80  }
0x114: {  	[sflag:s29] =	ssyncset.done $0x0  }
0x115: {  	[sflag:s29] =	ssyncadd.s32 $0xFFFFFF80  }
0x116: {  	_ =	swait.ge [sflag:s29], $0x80  }
0x117: {  	[sflag:s29] =	ssyncset.done $0x0  }
0x118: {  	[sflag:s29] =	ssyncadd.s32 $0xFFFFFF80  }
0x119: {  	_ =	swait.ge [sflag:s29], $0x80  }
0x11a: {  	[sflag:s29] =	ssyncset.done $0x0  }
0x11b: {  	[sflag:s29] =	ssyncadd.s32 $0xFFFFFF80  }
0x11c: {  	_ =	swait.ge [sflag:s29], $0x80  }
0x11d: {  	[sflag:s29] =	ssyncset.done $0x0  }
0x11e: {  	[sflag:s29] =	ssyncadd.s32 $0xFFFFFF80  }
.Ltmp3:
0x11f: {  	_ =	swait.ge [sflag:s29], $0x80;
	(pc) =	sbr.rel @!p0 .LBB2_5-.Ltmp3, $3  }
0x120: {  	[sflag:s29] =	ssyncset.done $0x0  }
0x121: {  	[sflag:s29] =	ssyncadd.s32 $0xFFFFFF80  }
0x122: {  	[bflag:$0x0] =	sbarrier.arrive $0xFFFF;
	_ =	sdelay $0x1  }
0x123: {  	s8 =	rddreg [dreg:$0x11]  }
0x124: {  	[hbm:s8], [sflag:s25] =	dma.local [spmem:s11], $0x80  }
0x125: {  	s11 =	simm.s32 $0x3  }
0x126: {  	_ =	swait.ge [sflag:s11], $0x80  }
0x127: {  	[sflag:s11] =	ssyncset.done $0x0  }
0x128: {  	s14 =	rddreg [dreg:$0x13];
	[sflag:s11] =	ssyncadd.s32 $0xFFFFFF80  }
0x129: {  	[hbm:s14], [sflag:s25] =	dma.local [spmem:s10], $0x80  }
0x12a: {  	_ =	swait.ge [sflag:s11], $0x80  }
0x12b: {  	[sflag:s11] =	ssyncset.done $0x0  }
0x12c: {  	s15 =	rddreg [dreg:$0x15];
	[sflag:s11] =	ssyncadd.s32 $0xFFFFFF80  }
0x12d: {  	[hbm:s15], [sflag:s25] =	dma.local [spmem:s9], $0x80  }
0x12e: {  	_ =	swait.ge [sflag:s11], $0x80  }
0x12f: {  	[sflag:s11] =	ssyncset.done $0x0  }
0x130: {  	s16 =	rddreg [dreg:$0x17];
	[sflag:s11] =	ssyncadd.s32 $0xFFFFFF80  }
0x131: {  	[hbm:s16], [sflag:s25] =	dma.local [spmem:s6], $0x80  }
0x132: {  	_ =	swait.ge [sflag:s11], $0x80  }
0x133: {  	[sflag:s11] =	ssyncset.done $0x0  }
0x134: {  	s22 =	rddreg [dreg:$0x19];
	[sflag:s11] =	ssyncadd.s32 $0xFFFFFF80  }
0x135: {  	[hbm:s22], [sflag:s25] =	dma.local [spmem:s31], $0x80  }
0x136: {  	_ =	swait.ge [sflag:s11], $0x80  }
0x137: {  	[sflag:s11] =	ssyncset.done $0x0;
	s30 =	rddreg [dreg:$0x1b]  }
0x138: {  	s31 =	rddreg [dreg:$0x1d];
	[sflag:s11] =	ssyncadd.s32 $0xFFFFFF80  }
0x139: {  	[hbm:s30], [sflag:s25] =	dma.local [spmem:s31], $0x80  }
.Ltmp4:
0x13a: {  	_ = 	snop;
	(pc) =	sbr.rel @p2 .LBB2_6-.Ltmp4, $4  }
.Ltmp5:
0x13b: {  	_ = 	snop;
	(pc) =	sbr.rel @!p2 .LBB2_7-.Ltmp5, $4  }
0x13c: {  	_ =	swait.ge [sflag:s11], $0x80  }
0x13d: {  	[sflag:s11] =	ssyncset.done $0x0  }
0x13e: {  	s6 =	rddreg [dreg:$0x5];
	[sflag:s11] =	ssyncadd.s32 $0xFFFFFF80  }
0x13f: {  	_ = 	snop  }
.LBB2_5:
0x140: {  	s8 =	rddreg [dreg:$0x1c]  }
0x141: {  	s12 =	rddreg [dreg:$0xf];
	s8 =	sor.u32 $0x1C04, s8  }
0x142: {  	[hbm:s12], [sflag:s8] =	dma.local [spmem:s11], $0x80  }
0x143: {  	s11 =	simm.s32 $0x4  }
0x144: {  	_ =	swait.ge [sflag:s11], $0x80  }
0x145: {  	[sflag:s11] =	ssyncset.done $0x0  }
0x146: {  	s14 =	rddreg [dreg:$0x12];
	[sflag:s11] =	ssyncadd.s32 $0xFFFFFF80  }
0x147: {  	[hbm:s14], [sflag:s8] =	dma.local [spmem:s10], $0x80  }
0x148: {  	_ =	swait.ge [sflag:s11], $0x80  }
0x149: {  	[sflag:s11] =	ssyncset.done $0x0  }
0x14a: {  	s15 =	rddreg [dreg:$0x14];
	[sflag:s11] =	ssyncadd.s32 $0xFFFFFF80  }
0x14b: {  	[hbm:s15], [sflag:s8] =	dma.local [spmem:s9], $0x80  }
0x14c: {  	_ =	swait.ge [sflag:s11], $0x80  }
0x14d: {  	[sflag:s11] =	ssyncset.done $0x0  }
0x14e: {  	s16 =	rddreg [dreg:$0x16];
	[sflag:s11] =	ssyncadd.s32 $0xFFFFFF80  }
0x14f: {  	[hbm:s16], [sflag:s8] =	dma.local [spmem:s6], $0x80  }
0x150: {  	_ =	swait.ge [sflag:s11], $0x80  }
0x151: {  	[sflag:s11] =	ssyncset.done $0x0  }
0x152: {  	s22 =	rddreg [dreg:$0x18];
	[sflag:s11] =	ssyncadd.s32 $0xFFFFFF80  }
0x153: {  	[hbm:s22], [sflag:s8] =	dma.local [spmem:s31], $0x80  }
0x154: {  	_ =	swait.ge [sflag:s11], $0x80  }
0x155: {  	[sflag:s11] =	ssyncset.done $0x0;
	s30 =	rddreg [dreg:$0x1a]  }
0x156: {  	s31 =	rddreg [dreg:$0x1d];
	[sflag:s11] =	ssyncadd.s32 $0xFFFFFF80  }
0x157: {  	[hbm:s30], [sflag:s8] =	dma.local [spmem:s31], $0x80  }
.Ltmp6:
0x158: {  	_ = 	snop;
	(pc) =	sbr.rel @p1 .LBB2_7-.Ltmp6, $4  }
.Ltmp7:
0x159: {  	_ =	swait.ge [sflag:s11], $0x80;
	(pc) =	sbr.rel @!p1 .LBB2_6-.Ltmp7, $4  }
0x15a: {  	[sflag:s11] =	ssyncset.done $0x0  }
0x15b: {  	[sflag:s11] =	ssyncadd.s32 $0xFFFFFF80  }
0x15c: {  	s6 =	rddreg [dreg:$0x2]  }
0x15d: {  	_ = 	snop  }
.LBB2_8:
0x15e: {  	_ =	sfence.sel $0x180000  }
0x15f: {  	[bflag:$0x0] =	sbarrier.arrive $0xFFFF  }
0x160: {  	_ =	strace $0x90000047  }
0x161: {  	s0 =	stileid.u32;
	[bflag:$0x2] =	sbarrier.arrive $0xFFFF  }
0x162: {  	p0 =	sne.s32 s0, $0x0;
	s0 =	rddreg [dreg:$0x4]  }
0x163: {  	s0 =	sadd.s32 @!p0 $0x100000, s0  }
0x164: {  	[sflag:s0] =	ssyncadd.tile.s32 @!p0 $0x1;
	_ =	shalt  }
.Lfunc_end2:
_tile_overlayer_lowered:
.L_overlay_start_2:
0x165: {  	(tag) =	ssettag $0x2  }
0x166: {  	s0 =	rddreg [dreg:$0x0];
	s2 =	stileid.u32  }
0x167: {  	s1 =	rddreg [dreg:$0x1];
	p0 =	sne.s32 s2, $0x0  }
0x168: {  	s3 =	rddreg [dreg:$0x2];
	[bflag:$0x3] =	sbarrier.arrive $0xFFFF;
	s2 =	simm.s32 @!p0 $0x1C03  }
0x169: {  	[timem:s3], [sflag:s2] =	dma.local @!p0 [hbm:s0], s1  }
0x16a: {  	s0 =	simm.s32 @!p0 $0x3  }
0x16b: {  	_ =	swait.ge @!p0 [sflag:s0], s1  }
0x16c: {  	s1 =	ssub.s32 @!p0 $0x0, s1;
	[sflag:s0] =	ssyncset.done @!p0 $0x0  }
0x16d: {  	[sflag:s0] =	ssyncadd.s32 @!p0 s1  }
0x16e: {  	[bflag:$0x3] =	sbarrier.arrive $0xFFFF  }
0x16f: {  	_ =	shalt  }

</sc_bundles>
